<compile_context>
chip_gen: v7x
topology: tpu7x:2x2x1
jax: 0.10.2.dev20260603
libtpu: 0.0.44.dev20260713+nightly
codegen_flags: <defaults>
</compile_context>

<pallas_src>
import functools

import jax
import jax.numpy as jnp
from jax import lax
from jax.experimental import pallas as pl
from jax.experimental.pallas import tpu as pltpu
from jax.experimental.pallas import tpu_sc as plsc

N_NODES = 10000
N_INC = 320000
D = 128

NC = 2
NS = 16
NW = NC * NS
EDGES_PER_TILE = N_INC // NW
CH = 80
NCH = EDGES_PER_TILE // CH
ACC_ROWS = 10240
ROWS_PER_TILE = ACC_ROWS // NS
ZROWS = 128
CROWS = ACC_ROWS // D



def _unpack_lo(dst, pk, chunk):
    for k in range(CH // 16):
        v = pk[pl.ds(chunk * CH + k * 16, 16)]
        dst[pl.ds(k * 16, 16)] = v & 0xFFFF


def _unpack_hi(dst, pk, chunk):
    for k in range(CH // 16):
        v = pk[pl.ds(chunk * CH + k * 16, 16)]
        dst[pl.ds(k * 16, 16)] = lax.shift_right_logical(v, 16)


def _seg_body(src_hbm, pk_hbm, out_hbm,
              pk_v, gb0, gb1, sb, buf0, buf1, acc, sem0, sem1):
    c = lax.axis_index("c")
    s = lax.axis_index("s")
    gid = c * NS + s

    def _zrow(i, _):
        def _zcol(k, _):
            buf0[i, pl.ds(k * 16, 16)] = jnp.zeros((16,), jnp.float32)
            return ()
        return lax.fori_loop(0, D // 16, _zcol, ())
    lax.fori_loop(0, CH, _zrow, ())
    for t in range(ROWS_PER_TILE // CH):
        pltpu.sync_copy(buf0, acc.at[pl.ds(s * ROWS_PER_TILE + t * CH, CH)])

    pltpu.sync_copy(pk_hbm.at[gid], pk_v)

    plsc.subcore_barrier()

    _unpack_lo(gb0, pk_v, 0)
    pltpu.async_copy(src_hbm.at[gb0], buf0, sem0)

    def _pair(i, _):
        j = 2 * i
        _unpack_lo(gb1, pk_v, j + 1)
        pltpu.async_copy(src_hbm.at[gb1], buf1, sem1)
        pltpu.make_async_copy(src_hbm.at[gb0], buf0, sem0).wait()
        _unpack_hi(sb, pk_v, j)
        pltpu.sync_copy(buf0, acc.at[sb], add=True)
        _unpack_lo(gb0, pk_v, j + 2)
        pltpu.async_copy(src_hbm.at[gb0], buf0, sem0)
        pltpu.make_async_copy(src_hbm.at[gb1], buf1, sem1).wait()
        _unpack_hi(sb, pk_v, j + 1)
        pltpu.sync_copy(buf1, acc.at[sb], add=True)
        return ()

    lax.fori_loop(0, (NCH - 1) // 2, _pair, ())
    pltpu.make_async_copy(src_hbm.at[gb0], buf0, sem0).wait()
    _unpack_hi(sb, pk_v, NCH - 1)
    pltpu.sync_copy(buf0, acc.at[sb], add=True)

    plsc.subcore_barrier()

    pltpu.sync_copy(acc.at[pl.ds(s * ROWS_PER_TILE, ROWS_PER_TILE)],
                    out_hbm.at[c, pl.ds(s * ROWS_PER_TILE, ROWS_PER_TILE)])


@functools.lru_cache(maxsize=None)
def _make_seg():
    mesh = plsc.VectorSubcoreMesh(core_axis_name="c", subcore_axis_name="s")
    return pl.kernel(
        _seg_body,
        mesh=mesh,
        out_type=jax.ShapeDtypeStruct((NC, ACC_ROWS, D), jnp.float32),
        scratch_types=[
            pltpu.VMEM((EDGES_PER_TILE,), jnp.int32),
            pltpu.VMEM((CH,), jnp.int32),
            pltpu.VMEM((CH,), jnp.int32),
            pltpu.VMEM((CH,), jnp.int32),
            pltpu.VMEM((CH, D), jnp.float32),
            pltpu.VMEM((CH, D), jnp.float32),
            pltpu.VMEM_SHARED((ACC_ROWS, D), jnp.float32),
            pltpu.SemaphoreType.DMA,
            pltpu.SemaphoreType.DMA,
        ],
        compiler_params=pltpu.CompilerParams(needs_layout_passes=False),
    )



def _cnt_body(nidx_hbm, hidx_hbm, out_hbm, nidx_v, hidx_v, hist_n, hist_h):
    c = lax.axis_index("c")
    s = lax.axis_index("s")
    gid = c * NS + s

    def _zrow(i, _):
        z = jnp.zeros((16,), jnp.float32)
        hist_n[pl.ds(i * 16, 16)] = z
        hist_h[pl.ds(i * 16, 16)] = z
        return ()
    lax.fori_loop(0, ACC_ROWS // 16, _zrow, ())

    pltpu.sync_copy(nidx_hbm.at[gid], nidx_v)
    pltpu.sync_copy(hidx_hbm.at[gid], hidx_v)

    ones = jnp.ones((16,), jnp.float32)
    lane = lax.iota(jnp.int32, 16)

    def _body(j, _):
        ni = nidx_v[pl.ds(j * 16, 16)]
        hi = hidx_v[pl.ds(j * 16, 16)]
        for t in range(16):
            m = lane == t
            plsc.addupdate_scatter(hist_n, [ni], ones, mask=m)
            plsc.addupdate_scatter(hist_h, [hi], ones, mask=m)
        return ()
    lax.fori_loop(0, EDGES_PER_TILE // 16, _body, ())

    pltpu.sync_copy(hist_n, out_hbm.at[gid, 0])
    pltpu.sync_copy(hist_h, out_hbm.at[gid, 1])


@functools.lru_cache(maxsize=None)
def _make_cnt():
    mesh = plsc.VectorSubcoreMesh(core_axis_name="c", subcore_axis_name="s")
    return pl.kernel(
        _cnt_body,
        mesh=mesh,
        out_type=jax.ShapeDtypeStruct((NW, 2, ACC_ROWS), jnp.float32),
        scratch_types=[
            pltpu.VMEM((EDGES_PER_TILE,), jnp.int32),
            pltpu.VMEM((EDGES_PER_TILE,), jnp.int32),
            pltpu.VMEM((ACC_ROWS,), jnp.float32),
            pltpu.VMEM((ACC_ROWS,), jnp.float32),
        ],
        compiler_params=pltpu.CompilerParams(needs_layout_passes=False),
    )



def _mm_body(x_ref, w_ref, o_ref):
    o_ref[...] = jnp.dot(x_ref[...], w_ref[...],
                         preferred_element_type=jnp.float32)


_mm = pl.pallas_call(
    _mm_body,
    out_shape=jax.ShapeDtypeStruct((N_NODES, D), jnp.float32),
)


def _norms_body(p_ref, dinv_ref, binv_ref):
    ssum = jnp.sum(p_ref[...], axis=0)
    deg = ssum[0]
    bdeg = ssum[1]
    dinv_ref[...] = jnp.where(deg > 0, 1.0 / deg, 0.0)
    binv_ref[...] = jnp.where(bdeg > 0, 1.0 / bdeg, 0.0)


_norms = pl.pallas_call(
    _norms_body,
    out_shape=(jax.ShapeDtypeStruct((ACC_ROWS,), jnp.float32),
               jax.ShapeDtypeStruct((ACC_ROWS,), jnp.float32)),
)


def _scale_body(p_ref, binv_ref, o_ref):
    o_ref[...] = (p_ref[0] + p_ref[1]) * binv_ref[...]


_scale = pl.pallas_call(
    _scale_body,
    out_shape=jax.ShapeDtypeStruct((N_NODES, D), jnp.float32),
)


def _decode1_body(p_ref, dinv_ref, b1_ref, w2_ref, hw2_ref):
    h = jnp.maximum((p_ref[0] + p_ref[1]) * dinv_ref[...] + b1_ref[...], 0.0)
    hw2_ref[...] = jnp.dot(h, w2_ref[...], preferred_element_type=jnp.float32)


_decode1 = pl.pallas_call(
    _decode1_body,
    out_shape=jax.ShapeDtypeStruct((N_NODES, D), jnp.float32),
)


def _final_body(p_ref, dinv_ref, b2_ref, o_ref):
    o_ref[...] = (p_ref[0] + p_ref[1]) * dinv_ref[...] + b2_ref[...]


_final = pl.pallas_call(
    _final_body,
    out_shape=jax.ShapeDtypeStruct((N_NODES, D), jnp.float32),
)


def kernel(x, edge_index, W1, b1, W2, b2):
    node_idx = edge_index[0].astype(jnp.int32).reshape(NW, EDGES_PER_TILE)
    he_idx = edge_index[1].astype(jnp.int32).reshape(NW, EDGES_PER_TILE)

    pk_nh = node_idx | (he_idx << 16)
    pk_hn = he_idx | (node_idx << 16)

    _seg = _make_seg()
    _cnt = _make_cnt()

    cnt_part = _cnt(node_idx, he_idx)
    dinv_b, binv_b = _norms(cnt_part)
    dinv = dinv_b[:N_NODES].reshape(N_NODES, 1)
    binv = binv_b[:N_NODES].reshape(N_NODES, 1)

    xw1 = _mm(x, W1)
    m_part = _seg(xw1, pk_nh)[:, :N_NODES]
    m_s = _scale(m_part, binv)
    n_part = _seg(m_s, pk_hn)[:, :N_NODES]
    hw2 = _decode1(n_part, dinv, b1, W2)
    m2_part = _seg(hw2, pk_nh)[:, :N_NODES]
    m2s = _scale(m2_part, binv)
    n2_part = _seg(m2s, pk_hn)[:, :N_NODES]
    return _final(n2_part, dinv, b2)

# --- scband reference (transcript-rebuilt; emitter-appended) ---
"""Pipeline reference for scband-trifusion-83562883711810 (READ-ONLY COPY).

The authoritative reference and input builder live on the scoring server;
editing this copy changes nothing except your own understanding.
"""

import jax, jax.numpy as jnp
import numpy as np

N_NODES = 10000
N_HYPEREDGES = 10000
N_INCIDENCE = 320000
D_IN = 128
D_HID = 128
D_OUT = 128


def setup_inputs(seed: int = 0) -> dict:
    key = jax.random.key(seed)
    k1, k2, k3, k4, k5 = jax.random.split(key, 5)
    x = jax.random.normal(k1, (N_NODES, D_IN), dtype=jnp.float32)
    # edge_index: row 0 = node indices, row 1 = hyperedge indices (incidence list)
    edge_index = jax.random.randint(k2, (2, N_INCIDENCE), 0, N_NODES, dtype=jnp.int64)
    # HypergraphConv linear weights (Xavier-like init) + biases, two layers
    s1 = float(np.sqrt(6.0 / (D_IN + D_HID)))
    W1 = jax.random.uniform(k3, (D_IN, D_HID), dtype=jnp.float32, minval=-s1, maxval=s1)
    b1 = jnp.zeros((D_HID,), dtype=jnp.float32)
    s2 = float(np.sqrt(6.0 / (D_HID + D_OUT)))
    W2 = jax.random.uniform(k4, (D_HID, D_OUT), dtype=jnp.float32, minval=-s2, maxval=s2)
    b2 = jnp.zeros((D_OUT,), dtype=jnp.float32)
    return {"x": x, "edge_index": edge_index, "W1": W1, "b1": b1, "W2": W2, "b2": b2}


def _hypergraph_conv(x, node_idx, he_idx, B_inv, D_inv, W, b, num_nodes, num_he):
    # PyG HypergraphConv (use_attention=False), dropout is identity in eval:
    # out = D^{-1} H B^{-1} H^T (x W) + b
    xw = x @ W
    # node -> hyperedge aggregation (H^T x), then normalize by hyperedge degree
    m = jax.ops.segment_sum(jnp.take(xw, node_idx, axis=0), he_idx, num_segments=num_he)
    m = m * B_inv[:, None]
    # hyperedge -> node aggregation (H m), then normalize by node degree
    out = jax.ops.segment_sum(jnp.take(m, he_idx, axis=0), node_idx, num_segments=num_nodes)
    out = out * D_inv[:, None] + b
    return out


def reference(x, edge_index, W1, b1, W2, b2):
    node_idx = edge_index[0]
    he_idx = edge_index[1]
    num_nodes = x.shape[0]
    num_he = N_HYPEREDGES
    ones = jnp.ones((node_idx.shape[0],), dtype=x.dtype)
    deg = jax.ops.segment_sum(ones, node_idx, num_segments=num_nodes)
    D_inv = jnp.where(deg > 0, 1.0 / deg, 0.0)
    bdeg = jax.ops.segment_sum(ones, he_idx, num_segments=num_he)
    B_inv = jnp.where(bdeg > 0, 1.0 / bdeg, 0.0)
    h = _hypergraph_conv(x, node_idx, he_idx, B_inv, D_inv, W1, b1, num_nodes, num_he)
    h = jax.nn.relu(h)
    out = _hypergraph_conv(h, node_idx, he_idx, B_inv, D_inv, W2, b2, num_nodes, num_he)
    return out

if __name__ == "__main__":
    import jax
    _d = setup_inputs()
    print(jax.jit(kernel)(*tuple(_d.values())))

</pallas_src>

<mosaic_0001>
#map = affine_map<(d0, d1) -> (0, 0)>
#map1 = affine_map<(d0, d1) -> (0, 0, 0)>
module attributes {stable_mosaic.version = 14 : i64} {
  func.func @_seg_body(%arg0: i32, %arg1: i32, %arg2: memref<10000x128xf32, #tpu.memory_space<hbm>>, %arg3: memref<32x10000xi32, #tpu.memory_space<hbm>>, %arg4: memref<2x10240x128xf32, #tpu.memory_space<hbm>>, %arg5: memref<10000xi32, #tpu.memory_space<vmem>>, %arg6: memref<80xi32, #tpu.memory_space<vmem>>, %arg7: memref<80xi32, #tpu.memory_space<vmem>>, %arg8: memref<80xi32, #tpu.memory_space<vmem>>, %arg9: memref<80x128xf32, #tpu.memory_space<vmem>>, %arg10: memref<80x128xf32, #tpu.memory_space<vmem>>, %arg11: memref<10240x128xf32, #tpu.memory_space<vmem_shared>>, %arg12: memref<!tpu.dma_semaphore, #tpu.memory_space<semaphore_mem>>, %arg13: memref<!tpu.dma_semaphore, #tpu.memory_space<semaphore_mem>>) attributes {dimension_semantics = [#tpu.dimension_semantics<core_parallel>, #tpu.dimension_semantics<subcore_parallel>], iteration_bounds = array<i64: 2, 16>, scalar_prefetch = 0 : i64, scratch_operands = 9 : i64, tpu.core_type = #tpu.core_type<sc_vector_subcore>, window_params = [{transform_indices = #map}, {transform_indices = #map}, {transform_indices = #map1}]} {
    %mul3A = arith.constant 16 : i32
    %mul3A_0 = arith.muli %arg0, %mul3A : i32
    %add3A = arith.addi %mul3A_0, %arg1 : i32
    %scan3A = arith.constant 0 : i32
    %scan3A_1 = arith.constant 80 : i32
    %scan3A_2 = arith.addi %scan3A, %scan3A_1 : i32
    %scan3A_3 = arith.constant 1 : i32
    scf.for %scan3A_117 = %scan3A to %scan3A_2 step %scan3A_3  : i32 {
      %scan3A_118 = arith.constant 0 : i32
      %scan3A_119 = arith.constant 8 : i32
      %scan3A_120 = arith.addi %scan3A_118, %scan3A_119 : i32
      %scan3A_121 = arith.constant 1 : i32
      scf.for %scan3A_123 = %scan3A_118 to %scan3A_120 step %scan3A_121  : i32 {
        %broadcast_in_dim3A = arith.constant 0.000000e+00 : f32
        %broadcast_in_dim3A_124 = vector.broadcast %broadcast_in_dim3A : f32 to vector<16xf32>
        %mul3A_125 = arith.constant 16 : i32
        %mul3A_126 = arith.muli %scan3A_123, %mul3A_125 : i32
        %swap3A_127 = arith.index_cast %scan3A_117 : i32 to index
        %swap3A_128 = arith.index_cast %mul3A_126 : i32 to index
        %swap3A_129 = tpu.vector_load %arg9[%swap3A_127, %swap3A_128] {strides = array<i32>} : memref<80x128xf32, #tpu.memory_space<vmem>>, vector<16xf32>,
        tpu.vector_store %arg9[%swap3A_127, %swap3A_128], %broadcast_in_dim3A_124 {strides = array<i32>} : memref<80x128xf32, #tpu.memory_space<vmem>>, vector<16xf32>,
      }
      %scan3A_122 = arith.constant 8 : i32
    }
    %scan3A_4 = arith.constant 80 : i32
    %mul3A_5 = arith.constant 640 : i32
    %mul3A_6 = arith.muli %arg1, %mul3A_5 : i32
    %add3A_7 = arith.constant 0 : i32
    %add3A_8 = arith.addi %mul3A_6, %add3A_7 : i32
    "tpu.region"() ({
      %run_scoped3A = tpu.sem_alloc : memref<!tpu.dma_semaphore, #tpu.memory_space<semaphore_mem>>
      %dma_start3A_117 = arith.constant 0 : i32
      %dma_start3A_118 = tpu.memref_slice %arg11[%add3A_8, %dma_start3A_117] : memref<10240x128xf32, #tpu.memory_space<vmem_shared>> -> memref<80x128xf32, #tpu.memory_space<vmem_shared>>
      %dma_start3A_119 = arith.constant 0 : i32
      %dma_start3A_120 = tpu.memref_slice %arg11[%add3A_8, %dma_start3A_119] : memref<10240x128xf32, #tpu.memory_space<vmem_shared>> -> memref<80x128xf32, #tpu.memory_space<vmem_shared>>
      tpu.enqueue_dma source(%arg9 : memref<80x128xf32, #tpu.memory_space<vmem>>) target(%dma_start3A_120 : memref<80x128xf32, #tpu.memory_space<vmem_shared>>) target_semaphore(%run_scoped3A : memref<!tpu.dma_semaphore, #tpu.memory_space<semaphore_mem>>)
      %dma_wait3A_121 = arith.constant 0 : i32
      %dma_wait3A_122 = tpu.memref_slice %arg11[%add3A_8, %dma_wait3A_121] : memref<10240x128xf32, #tpu.memory_space<vmem_shared>> -> memref<80x128xf32, #tpu.memory_space<vmem_shared>>
      %dma_wait3A_123 = arith.constant 0 : i32
      %dma_wait3A_124 = tpu.memref_slice %arg11[%add3A_8, %dma_wait3A_123] : memref<10240x128xf32, #tpu.memory_space<vmem_shared>> -> memref<80x128xf32, #tpu.memory_space<vmem_shared>>
      tpu.wait_dma2 semaphore(%run_scoped3A : memref<!tpu.dma_semaphore, #tpu.memory_space<semaphore_mem>>) src(%arg9 : memref<80x128xf32, #tpu.memory_space<vmem>>) dst(%dma_wait3A_124 : memref<80x128xf32, #tpu.memory_space<vmem_shared>>)
      tpu.yield
    }) : () -> ()
    %mul3A_9 = arith.constant 640 : i32
    %mul3A_10 = arith.muli %arg1, %mul3A_9 : i32
    %add3A_11 = arith.constant 80 : i32
    %add3A_12 = arith.addi %mul3A_10, %add3A_11 : i32
    "tpu.region"() ({
      %run_scoped3A = tpu.sem_alloc : memref<!tpu.dma_semaphore, #tpu.memory_space<semaphore_mem>>
      %dma_start3A_117 = arith.constant 0 : i32
      %dma_start3A_118 = tpu.memref_slice %arg11[%add3A_12, %dma_start3A_117] : memref<10240x128xf32, #tpu.memory_space<vmem_shared>> -> memref<80x128xf32, #tpu.memory_space<vmem_shared>>
      %dma_start3A_119 = arith.constant 0 : i32
      %dma_start3A_120 = tpu.memref_slice %arg11[%add3A_12, %dma_start3A_119] : memref<10240x128xf32, #tpu.memory_space<vmem_shared>> -> memref<80x128xf32, #tpu.memory_space<vmem_shared>>
      tpu.enqueue_dma source(%arg9 : memref<80x128xf32, #tpu.memory_space<vmem>>) target(%dma_start3A_120 : memref<80x128xf32, #tpu.memory_space<vmem_shared>>) target_semaphore(%run_scoped3A : memref<!tpu.dma_semaphore, #tpu.memory_space<semaphore_mem>>)
      %dma_wait3A_121 = arith.constant 0 : i32
      %dma_wait3A_122 = tpu.memref_slice %arg11[%add3A_12, %dma_wait3A_121] : memref<10240x128xf32, #tpu.memory_space<vmem_shared>> -> memref<80x128xf32, #tpu.memory_space<vmem_shared>>
      %dma_wait3A_123 = arith.constant 0 : i32
      %dma_wait3A_124 = tpu.memref_slice %arg11[%add3A_12, %dma_wait3A_123] : memref<10240x128xf32, #tpu.memory_space<vmem_shared>> -> memref<80x128xf32, #tpu.memory_space<vmem_shared>>
      tpu.wait_dma2 semaphore(%run_scoped3A : memref<!tpu.dma_semaphore, #tpu.memory_space<semaphore_mem>>) src(%arg9 : memref<80x128xf32, #tpu.memory_space<vmem>>) dst(%dma_wait3A_124 : memref<80x128xf32, #tpu.memory_space<vmem_shared>>)
      tpu.yield
    }) : () -> ()
    %mul3A_13 = arith.constant 640 : i32
    %mul3A_14 = arith.muli %arg1, %mul3A_13 : i32
    %add3A_15 = arith.constant 160 : i32
    %add3A_16 = arith.addi %mul3A_14, %add3A_15 : i32
    "tpu.region"() ({
      %run_scoped3A = tpu.sem_alloc : memref<!tpu.dma_semaphore, #tpu.memory_space<semaphore_mem>>
      %dma_start3A_117 = arith.constant 0 : i32
      %dma_start3A_118 = tpu.memref_slice %arg11[%add3A_16, %dma_start3A_117] : memref<10240x128xf32, #tpu.memory_space<vmem_shared>> -> memref<80x128xf32, #tpu.memory_space<vmem_shared>>
      %dma_start3A_119 = arith.constant 0 : i32
      %dma_start3A_120 = tpu.memref_slice %arg11[%add3A_16, %dma_start3A_119] : memref<10240x128xf32, #tpu.memory_space<vmem_shared>> -> memref<80x128xf32, #tpu.memory_space<vmem_shared>>
      tpu.enqueue_dma source(%arg9 : memref<80x128xf32, #tpu.memory_space<vmem>>) target(%dma_start3A_120 : memref<80x128xf32, #tpu.memory_space<vmem_shared>>) target_semaphore(%run_scoped3A : memref<!tpu.dma_semaphore, #tpu.memory_space<semaphore_mem>>)
      %dma_wait3A_121 = arith.constant 0 : i32
      %dma_wait3A_122 = tpu.memref_slice %arg11[%add3A_16, %dma_wait3A_121] : memref<10240x128xf32, #tpu.memory_space<vmem_shared>> -> memref<80x128xf32, #tpu.memory_space<vmem_shared>>
      %dma_wait3A_123 = arith.constant 0 : i32
      %dma_wait3A_124 = tpu.memref_slice %arg11[%add3A_16, %dma_wait3A_123] : memref<10240x128xf32, #tpu.memory_space<vmem_shared>> -> memref<80x128xf32, #tpu.memory_space<vmem_shared>>
      tpu.wait_dma2 semaphore(%run_scoped3A : memref<!tpu.dma_semaphore, #tpu.memory_space<semaphore_mem>>) src(%arg9 : memref<80x128xf32, #tpu.memory_space<vmem>>) dst(%dma_wait3A_124 : memref<80x128xf32, #tpu.memory_space<vmem_shared>>)
      tpu.yield
    }) : () -> ()
    %mul3A_17 = arith.constant 640 : i32
    %mul3A_18 = arith.muli %arg1, %mul3A_17 : i32
    %add3A_19 = arith.constant 240 : i32
    %add3A_20 = arith.addi %mul3A_18, %add3A_19 : i32
    "tpu.region"() ({
      %run_scoped3A = tpu.sem_alloc : memref<!tpu.dma_semaphore, #tpu.memory_space<semaphore_mem>>
      %dma_start3A_117 = arith.constant 0 : i32
      %dma_start3A_118 = tpu.memref_slice %arg11[%add3A_20, %dma_start3A_117] : memref<10240x128xf32, #tpu.memory_space<vmem_shared>> -> memref<80x128xf32, #tpu.memory_space<vmem_shared>>
      %dma_start3A_119 = arith.constant 0 : i32
      %dma_start3A_120 = tpu.memref_slice %arg11[%add3A_20, %dma_start3A_119] : memref<10240x128xf32, #tpu.memory_space<vmem_shared>> -> memref<80x128xf32, #tpu.memory_space<vmem_shared>>
      tpu.enqueue_dma source(%arg9 : memref<80x128xf32, #tpu.memory_space<vmem>>) target(%dma_start3A_120 : memref<80x128xf32, #tpu.memory_space<vmem_shared>>) target_semaphore(%run_scoped3A : memref<!tpu.dma_semaphore, #tpu.memory_space<semaphore_mem>>)
      %dma_wait3A_121 = arith.constant 0 : i32
      %dma_wait3A_122 = tpu.memref_slice %arg11[%add3A_20, %dma_wait3A_121] : memref<10240x128xf32, #tpu.memory_space<vmem_shared>> -> memref<80x128xf32, #tpu.memory_space<vmem_shared>>
      %dma_wait3A_123 = arith.constant 0 : i32
      %dma_wait3A_124 = tpu.memref_slice %arg11[%add3A_20, %dma_wait3A_123] : memref<10240x128xf32, #tpu.memory_space<vmem_shared>> -> memref<80x128xf32, #tpu.memory_space<vmem_shared>>
      tpu.wait_dma2 semaphore(%run_scoped3A : memref<!tpu.dma_semaphore, #tpu.memory_space<semaphore_mem>>) src(%arg9 : memref<80x128xf32, #tpu.memory_space<vmem>>) dst(%dma_wait3A_124 : memref<80x128xf32, #tpu.memory_space<vmem_shared>>)
      tpu.yield
    }) : () -> ()
    %mul3A_21 = arith.constant 640 : i32
    %mul3A_22 = arith.muli %arg1, %mul3A_21 : i32
    %add3A_23 = arith.constant 320 : i32
    %add3A_24 = arith.addi %mul3A_22, %add3A_23 : i32
    "tpu.region"() ({
      %run_scoped3A = tpu.sem_alloc : memref<!tpu.dma_semaphore, #tpu.memory_space<semaphore_mem>>
      %dma_start3A_117 = arith.constant 0 : i32
      %dma_start3A_118 = tpu.memref_slice %arg11[%add3A_24, %dma_start3A_117] : memref<10240x128xf32, #tpu.memory_space<vmem_shared>> -> memref<80x128xf32, #tpu.memory_space<vmem_shared>>
      %dma_start3A_119 = arith.constant 0 : i32
      %dma_start3A_120 = tpu.memref_slice %arg11[%add3A_24, %dma_start3A_119] : memref<10240x128xf32, #tpu.memory_space<vmem_shared>> -> memref<80x128xf32, #tpu.memory_space<vmem_shared>>
      tpu.enqueue_dma source(%arg9 : memref<80x128xf32, #tpu.memory_space<vmem>>) target(%dma_start3A_120 : memref<80x128xf32, #tpu.memory_space<vmem_shared>>) target_semaphore(%run_scoped3A : memref<!tpu.dma_semaphore, #tpu.memory_space<semaphore_mem>>)
      %dma_wait3A_121 = arith.constant 0 : i32
      %dma_wait3A_122 = tpu.memref_slice %arg11[%add3A_24, %dma_wait3A_121] : memref<10240x128xf32, #tpu.memory_space<vmem_shared>> -> memref<80x128xf32, #tpu.memory_space<vmem_shared>>
      %dma_wait3A_123 = arith.constant 0 : i32
      %dma_wait3A_124 = tpu.memref_slice %arg11[%add3A_24, %dma_wait3A_123] : memref<10240x128xf32, #tpu.memory_space<vmem_shared>> -> memref<80x128xf32, #tpu.memory_space<vmem_shared>>
      tpu.wait_dma2 semaphore(%run_scoped3A : memref<!tpu.dma_semaphore, #tpu.memory_space<semaphore_mem>>) src(%arg9 : memref<80x128xf32, #tpu.memory_space<vmem>>) dst(%dma_wait3A_124 : memref<80x128xf32, #tpu.memory_space<vmem_shared>>)
      tpu.yield
    }) : () -> ()
    %mul3A_25 = arith.constant 640 : i32
    %mul3A_26 = arith.muli %arg1, %mul3A_25 : i32
    %add3A_27 = arith.constant 400 : i32
    %add3A_28 = arith.addi %mul3A_26, %add3A_27 : i32
    "tpu.region"() ({
      %run_scoped3A = tpu.sem_alloc : memref<!tpu.dma_semaphore, #tpu.memory_space<semaphore_mem>>
      %dma_start3A_117 = arith.constant 0 : i32
      %dma_start3A_118 = tpu.memref_slice %arg11[%add3A_28, %dma_start3A_117] : memref<10240x128xf32, #tpu.memory_space<vmem_shared>> -> memref<80x128xf32, #tpu.memory_space<vmem_shared>>
      %dma_start3A_119 = arith.constant 0 : i32
      %dma_start3A_120 = tpu.memref_slice %arg11[%add3A_28, %dma_start3A_119] : memref<10240x128xf32, #tpu.memory_space<vmem_shared>> -> memref<80x128xf32, #tpu.memory_space<vmem_shared>>
      tpu.enqueue_dma source(%arg9 : memref<80x128xf32, #tpu.memory_space<vmem>>) target(%dma_start3A_120 : memref<80x128xf32, #tpu.memory_space<vmem_shared>>) target_semaphore(%run_scoped3A : memref<!tpu.dma_semaphore, #tpu.memory_space<semaphore_mem>>)
      %dma_wait3A_121 = arith.constant 0 : i32
      %dma_wait3A_122 = tpu.memref_slice %arg11[%add3A_28, %dma_wait3A_121] : memref<10240x128xf32, #tpu.memory_space<vmem_shared>> -> memref<80x128xf32, #tpu.memory_space<vmem_shared>>
      %dma_wait3A_123 = arith.constant 0 : i32
      %dma_wait3A_124 = tpu.memref_slice %arg11[%add3A_28, %dma_wait3A_123] : memref<10240x128xf32, #tpu.memory_space<vmem_shared>> -> memref<80x128xf32, #tpu.memory_space<vmem_shared>>
      tpu.wait_dma2 semaphore(%run_scoped3A : memref<!tpu.dma_semaphore, #tpu.memory_space<semaphore_mem>>) src(%arg9 : memref<80x128xf32, #tpu.memory_space<vmem>>) dst(%dma_wait3A_124 : memref<80x128xf32, #tpu.memory_space<vmem_shared>>)
      tpu.yield
    }) : () -> ()
    %mul3A_29 = arith.constant 640 : i32
    %mul3A_30 = arith.muli %arg1, %mul3A_29 : i32
    %add3A_31 = arith.constant 480 : i32
    %add3A_32 = arith.addi %mul3A_30, %add3A_31 : i32
    "tpu.region"() ({
      %run_scoped3A = tpu.sem_alloc : memref<!tpu.dma_semaphore, #tpu.memory_space<semaphore_mem>>
      %dma_start3A_117 = arith.constant 0 : i32
      %dma_start3A_118 = tpu.memref_slice %arg11[%add3A_32, %dma_start3A_117] : memref<10240x128xf32, #tpu.memory_space<vmem_shared>> -> memref<80x128xf32, #tpu.memory_space<vmem_shared>>
      %dma_start3A_119 = arith.constant 0 : i32
      %dma_start3A_120 = tpu.memref_slice %arg11[%add3A_32, %dma_start3A_119] : memref<10240x128xf32, #tpu.memory_space<vmem_shared>> -> memref<80x128xf32, #tpu.memory_space<vmem_shared>>
      tpu.enqueue_dma source(%arg9 : memref<80x128xf32, #tpu.memory_space<vmem>>) target(%dma_start3A_120 : memref<80x128xf32, #tpu.memory_space<vmem_shared>>) target_semaphore(%run_scoped3A : memref<!tpu.dma_semaphore, #tpu.memory_space<semaphore_mem>>)
      %dma_wait3A_121 = arith.constant 0 : i32
      %dma_wait3A_122 = tpu.memref_slice %arg11[%add3A_32, %dma_wait3A_121] : memref<10240x128xf32, #tpu.memory_space<vmem_shared>> -> memref<80x128xf32, #tpu.memory_space<vmem_shared>>
      %dma_wait3A_123 = arith.constant 0 : i32
      %dma_wait3A_124 = tpu.memref_slice %arg11[%add3A_32, %dma_wait3A_123] : memref<10240x128xf32, #tpu.memory_space<vmem_shared>> -> memref<80x128xf32, #tpu.memory_space<vmem_shared>>
      tpu.wait_dma2 semaphore(%run_scoped3A : memref<!tpu.dma_semaphore, #tpu.memory_space<semaphore_mem>>) src(%arg9 : memref<80x128xf32, #tpu.memory_space<vmem>>) dst(%dma_wait3A_124 : memref<80x128xf32, #tpu.memory_space<vmem_shared>>)
      tpu.yield
    }) : () -> ()
    %mul3A_33 = arith.constant 640 : i32
    %mul3A_34 = arith.muli %arg1, %mul3A_33 : i32
    %add3A_35 = arith.constant 560 : i32
    %add3A_36 = arith.addi %mul3A_34, %add3A_35 : i32
    "tpu.region"() ({
      %run_scoped3A = tpu.sem_alloc : memref<!tpu.dma_semaphore, #tpu.memory_space<semaphore_mem>>
      %dma_start3A_117 = arith.constant 0 : i32
      %dma_start3A_118 = tpu.memref_slice %arg11[%add3A_36, %dma_start3A_117] : memref<10240x128xf32, #tpu.memory_space<vmem_shared>> -> memref<80x128xf32, #tpu.memory_space<vmem_shared>>
      %dma_start3A_119 = arith.constant 0 : i32
      %dma_start3A_120 = tpu.memref_slice %arg11[%add3A_36, %dma_start3A_119] : memref<10240x128xf32, #tpu.memory_space<vmem_shared>> -> memref<80x128xf32, #tpu.memory_space<vmem_shared>>
      tpu.enqueue_dma source(%arg9 : memref<80x128xf32, #tpu.memory_space<vmem>>) target(%dma_start3A_120 : memref<80x128xf32, #tpu.memory_space<vmem_shared>>) target_semaphore(%run_scoped3A : memref<!tpu.dma_semaphore, #tpu.memory_space<semaphore_mem>>)
      %dma_wait3A_121 = arith.constant 0 : i32
      %dma_wait3A_122 = tpu.memref_slice %arg11[%add3A_36, %dma_wait3A_121] : memref<10240x128xf32, #tpu.memory_space<vmem_shared>> -> memref<80x128xf32, #tpu.memory_space<vmem_shared>>
      %dma_wait3A_123 = arith.constant 0 : i32
      %dma_wait3A_124 = tpu.memref_slice %arg11[%add3A_36, %dma_wait3A_123] : memref<10240x128xf32, #tpu.memory_space<vmem_shared>> -> memref<80x128xf32, #tpu.memory_space<vmem_shared>>
      tpu.wait_dma2 semaphore(%run_scoped3A : memref<!tpu.dma_semaphore, #tpu.memory_space<semaphore_mem>>) src(%arg9 : memref<80x128xf32, #tpu.memory_space<vmem>>) dst(%dma_wait3A_124 : memref<80x128xf32, #tpu.memory_space<vmem_shared>>)
      tpu.yield
    }) : () -> ()
    "tpu.region"() ({
      %run_scoped3A = tpu.sem_alloc : memref<!tpu.dma_semaphore, #tpu.memory_space<semaphore_mem>>
      %dma_start3A_117 = arith.constant 0 : i32
      %dma_start3A_118 = tpu.memref_slice %arg3[%add3A, %dma_start3A_117] : memref<32x10000xi32, #tpu.memory_space<hbm>> -> memref<1x10000xi32, #tpu.memory_space<hbm>>
      %dma_start3A_119 = tpu.memref_squeeze %dma_start3A_118 : memref<1x10000xi32, #tpu.memory_space<hbm>> -> memref<10000xi32, #tpu.memory_space<hbm>>
      %dma_start3A_120 = arith.constant 0 : i32
      %dma_start3A_121 = tpu.memref_slice %arg3[%add3A, %dma_start3A_120] : memref<32x10000xi32, #tpu.memory_space<hbm>> -> memref<1x10000xi32, #tpu.memory_space<hbm>>
      %dma_start3A_122 = tpu.memref_squeeze %dma_start3A_121 : memref<1x10000xi32, #tpu.memory_space<hbm>> -> memref<10000xi32, #tpu.memory_space<hbm>>
      tpu.enqueue_dma source(%dma_start3A_122 : memref<10000xi32, #tpu.memory_space<hbm>>) target(%arg5 : memref<10000xi32, #tpu.memory_space<vmem>>) target_semaphore(%run_scoped3A : memref<!tpu.dma_semaphore, #tpu.memory_space<semaphore_mem>>)
      %dma_wait3A_123 = arith.constant 0 : i32
      %dma_wait3A_124 = tpu.memref_slice %arg3[%add3A, %dma_wait3A_123] : memref<32x10000xi32, #tpu.memory_space<hbm>> -> memref<1x10000xi32, #tpu.memory_space<hbm>>
      %dma_wait3A_125 = tpu.memref_squeeze %dma_wait3A_124 : memref<1x10000xi32, #tpu.memory_space<hbm>> -> memref<10000xi32, #tpu.memory_space<hbm>>
      %dma_wait3A_126 = arith.constant 0 : i32
      %dma_wait3A_127 = tpu.memref_slice %arg3[%add3A, %dma_wait3A_126] : memref<32x10000xi32, #tpu.memory_space<hbm>> -> memref<1x10000xi32, #tpu.memory_space<hbm>>
      %dma_wait3A_128 = tpu.memref_squeeze %dma_wait3A_127 : memref<1x10000xi32, #tpu.memory_space<hbm>> -> memref<10000xi32, #tpu.memory_space<hbm>>
      tpu.wait_dma2 semaphore(%run_scoped3A : memref<!tpu.dma_semaphore, #tpu.memory_space<semaphore_mem>>) src(%dma_wait3A_128 : memref<10000xi32, #tpu.memory_space<hbm>>) dst(%arg5 : memref<10000xi32, #tpu.memory_space<vmem>>)
      tpu.yield
    }) : () -> ()
    %barrier3A = arith.constant 0 : index
    tpu.barrier barrier_id(%barrier3A)
    %get3A = arith.constant 0 : index
    %get3A_37 = tpu.vector_load %arg5[%get3A] {strides = array<i32>} : memref<10000xi32, #tpu.memory_space<vmem>>, vector<16xi32>,
    %and3A = arith.constant 65535 : i32
    %and3A_38 = vector.broadcast %and3A : i32 to vector<16xi32>
    %and3A_39 = arith.andi %get3A_37, %and3A_38 : vector<16xi32>
    %swap3A = arith.constant 0 : index
    %swap3A_40 = tpu.vector_load %arg6[%swap3A] {strides = array<i32>} : memref<80xi32, #tpu.memory_space<vmem>>, vector<16xi32>,
    tpu.vector_store %arg6[%swap3A], %and3A_39 {strides = array<i32>} : memref<80xi32, #tpu.memory_space<vmem>>, vector<16xi32>,
    %get3A_41 = arith.constant 16 : index
    %get3A_42 = tpu.vector_load %arg5[%get3A_41] {strides = array<i32>} : memref<10000xi32, #tpu.memory_space<vmem>>, vector<16xi32>,
    %and3A_43 = arith.constant 65535 : i32
    %and3A_44 = vector.broadcast %and3A_43 : i32 to vector<16xi32>
    %and3A_45 = arith.andi %get3A_42, %and3A_44 : vector<16xi32>
    %swap3A_46 = arith.constant 16 : index
    %swap3A_47 = tpu.vector_load %arg6[%swap3A_46] {strides = array<i32>} : memref<80xi32, #tpu.memory_space<vmem>>, vector<16xi32>,
    tpu.vector_store %arg6[%swap3A_46], %and3A_45 {strides = array<i32>} : memref<80xi32, #tpu.memory_space<vmem>>, vector<16xi32>,
    %get3A_48 = arith.constant 32 : index
    %get3A_49 = tpu.vector_load %arg5[%get3A_48] {strides = array<i32>} : memref<10000xi32, #tpu.memory_space<vmem>>, vector<16xi32>,
    %and3A_50 = arith.constant 65535 : i32
    %and3A_51 = vector.broadcast %and3A_50 : i32 to vector<16xi32>
    %and3A_52 = arith.andi %get3A_49, %and3A_51 : vector<16xi32>
    %swap3A_53 = arith.constant 32 : index
    %swap3A_54 = tpu.vector_load %arg6[%swap3A_53] {strides = array<i32>} : memref<80xi32, #tpu.memory_space<vmem>>, vector<16xi32>,
    tpu.vector_store %arg6[%swap3A_53], %and3A_52 {strides = array<i32>} : memref<80xi32, #tpu.memory_space<vmem>>, vector<16xi32>,
    %get3A_55 = arith.constant 48 : index
    %get3A_56 = tpu.vector_load %arg5[%get3A_55] {strides = array<i32>} : memref<10000xi32, #tpu.memory_space<vmem>>, vector<16xi32>,
    %and3A_57 = arith.constant 65535 : i32
    %and3A_58 = vector.broadcast %and3A_57 : i32 to vector<16xi32>
    %and3A_59 = arith.andi %get3A_56, %and3A_58 : vector<16xi32>
    %swap3A_60 = arith.constant 48 : index
    %swap3A_61 = tpu.vector_load %arg6[%swap3A_60] {strides = array<i32>} : memref<80xi32, #tpu.memory_space<vmem>>, vector<16xi32>,
    tpu.vector_store %arg6[%swap3A_60], %and3A_59 {strides = array<i32>} : memref<80xi32, #tpu.memory_space<vmem>>, vector<16xi32>,
    %get3A_62 = arith.constant 64 : index
    %get3A_63 = tpu.vector_load %arg5[%get3A_62] {strides = array<i32>} : memref<10000xi32, #tpu.memory_space<vmem>>, vector<16xi32>,
    %and3A_64 = arith.constant 65535 : i32
    %and3A_65 = vector.broadcast %and3A_64 : i32 to vector<16xi32>
    %and3A_66 = arith.andi %get3A_63, %and3A_65 : vector<16xi32>
    %swap3A_67 = arith.constant 64 : index
    %swap3A_68 = tpu.vector_load %arg6[%swap3A_67] {strides = array<i32>} : memref<80xi32, #tpu.memory_space<vmem>>, vector<16xi32>,
    tpu.vector_store %arg6[%swap3A_67], %and3A_66 {strides = array<i32>} : memref<80xi32, #tpu.memory_space<vmem>>, vector<16xi32>,
    %dma_start3A = arith.constant 0 : i32
    %dma_start3A_69 = arith.constant 0 : i32
    %dma_start3A_70 = tpu.memref_slice %arg2[%dma_start3A, %dma_start3A_69] : memref<10000x128xf32, #tpu.memory_space<hbm>> -> memref<10000x128xf32, #tpu.memory_space<hbm>>
    tpu.enqueue_indirect_dma source(%dma_start3A_70 : memref<10000x128xf32, #tpu.memory_space<hbm>>) target(%arg9 : memref<80x128xf32, #tpu.memory_space<vmem>>) offsets(%arg6 : memref<80xi32, #tpu.memory_space<vmem>>) semaphore(%arg12 : memref<!tpu.dma_semaphore, #tpu.memory_space<semaphore_mem>>)
    %scan3A_71 = arith.constant 0 : i32
    %scan3A_72 = arith.constant 62 : i32
    %scan3A_73 = arith.addi %scan3A_71, %scan3A_72 : i32
    %scan3A_74 = arith.constant 1 : i32
    scf.for %scan3A_117 = %scan3A_71 to %scan3A_73 step %scan3A_74  : i32 {
      %mul3A_118 = arith.constant 2 : i32
      %mul3A_119 = arith.muli %mul3A_118, %scan3A_117 : i32
      %add3A_120 = arith.constant 1 : i32
      %add3A_121 = arith.addi %mul3A_119, %add3A_120 : i32
      %mul3A_122 = arith.constant 80 : i32
      %mul3A_123 = arith.muli %add3A_121, %mul3A_122 : i32
      %add3A_124 = arith.constant 0 : i32
      %add3A_125 = arith.addi %mul3A_123, %add3A_124 : i32
      %get3A_126 = arith.index_cast %add3A_125 : i32 to index
      %get3A_127 = tpu.vector_load %arg5[%get3A_126] {strides = array<i32>} : memref<10000xi32, #tpu.memory_space<vmem>>, vector<16xi32>,
      %and3A_128 = arith.constant 65535 : i32
      %and3A_129 = vector.broadcast %and3A_128 : i32 to vector<16xi32>
      %and3A_130 = arith.andi %get3A_127, %and3A_129 : vector<16xi32>
      %swap3A_131 = arith.constant 0 : index
      %swap3A_132 = tpu.vector_load %arg7[%swap3A_131] {strides = array<i32>} : memref<80xi32, #tpu.memory_space<vmem>>, vector<16xi32>,
      tpu.vector_store %arg7[%swap3A_131], %and3A_130 {strides = array<i32>} : memref<80xi32, #tpu.memory_space<vmem>>, vector<16xi32>,
      %mul3A_133 = arith.constant 80 : i32
      %mul3A_134 = arith.muli %add3A_121, %mul3A_133 : i32
      %add3A_135 = arith.constant 16 : i32
      %add3A_136 = arith.addi %mul3A_134, %add3A_135 : i32
      %get3A_137 = arith.index_cast %add3A_136 : i32 to index
      %get3A_138 = tpu.vector_load %arg5[%get3A_137] {strides = array<i32>} : memref<10000xi32, #tpu.memory_space<vmem>>, vector<16xi32>,
      %and3A_139 = arith.constant 65535 : i32
      %and3A_140 = vector.broadcast %and3A_139 : i32 to vector<16xi32>
      %and3A_141 = arith.andi %get3A_138, %and3A_140 : vector<16xi32>
      %swap3A_142 = arith.constant 16 : index
      %swap3A_143 = tpu.vector_load %arg7[%swap3A_142] {strides = array<i32>} : memref<80xi32, #tpu.memory_space<vmem>>, vector<16xi32>,
      tpu.vector_store %arg7[%swap3A_142], %and3A_141 {strides = array<i32>} : memref<80xi32, #tpu.memory_space<vmem>>, vector<16xi32>,
      %mul3A_144 = arith.constant 80 : i32
      %mul3A_145 = arith.muli %add3A_121, %mul3A_144 : i32
      %add3A_146 = arith.constant 32 : i32
      %add3A_147 = arith.addi %mul3A_145, %add3A_146 : i32
      %get3A_148 = arith.index_cast %add3A_147 : i32 to index
      %get3A_149 = tpu.vector_load %arg5[%get3A_148] {strides = array<i32>} : memref<10000xi32, #tpu.memory_space<vmem>>, vector<16xi32>,
      %and3A_150 = arith.constant 65535 : i32
      %and3A_151 = vector.broadcast %and3A_150 : i32 to vector<16xi32>
      %and3A_152 = arith.andi %get3A_149, %and3A_151 : vector<16xi32>
      %swap3A_153 = arith.constant 32 : index
      %swap3A_154 = tpu.vector_load %arg7[%swap3A_153] {strides = array<i32>} : memref<80xi32, #tpu.memory_space<vmem>>, vector<16xi32>,
      tpu.vector_store %arg7[%swap3A_153], %and3A_152 {strides = array<i32>} : memref<80xi32, #tpu.memory_space<vmem>>, vector<16xi32>,
      %mul3A_155 = arith.constant 80 : i32
      %mul3A_156 = arith.muli %add3A_121, %mul3A_155 : i32
      %add3A_157 = arith.constant 48 : i32
      %add3A_158 = arith.addi %mul3A_156, %add3A_157 : i32
      %get3A_159 = arith.index_cast %add3A_158 : i32 to index
      %get3A_160 = tpu.vector_load %arg5[%get3A_159] {strides = array<i32>} : memref<10000xi32, #tpu.memory_space<vmem>>, vector<16xi32>,
      %and3A_161 = arith.constant 65535 : i32
      %and3A_162 = vector.broadcast %and3A_161 : i32 to vector<16xi32>
      %and3A_163 = arith.andi %get3A_160, %and3A_162 : vector<16xi32>
      %swap3A_164 = arith.constant 48 : index
      %swap3A_165 = tpu.vector_load %arg7[%swap3A_164] {strides = array<i32>} : memref<80xi32, #tpu.memory_space<vmem>>, vector<16xi32>,
      tpu.vector_store %arg7[%swap3A_164], %and3A_163 {strides = array<i32>} : memref<80xi32, #tpu.memory_space<vmem>>, vector<16xi32>,
      %mul3A_166 = arith.constant 80 : i32
      %mul3A_167 = arith.muli %add3A_121, %mul3A_166 : i32
      %add3A_168 = arith.constant 64 : i32
      %add3A_169 = arith.addi %mul3A_167, %add3A_168 : i32
      %get3A_170 = arith.index_cast %add3A_169 : i32 to index
      %get3A_171 = tpu.vector_load %arg5[%get3A_170] {strides = array<i32>} : memref<10000xi32, #tpu.memory_space<vmem>>, vector<16xi32>,
      %and3A_172 = arith.constant 65535 : i32
      %and3A_173 = vector.broadcast %and3A_172 : i32 to vector<16xi32>
      %and3A_174 = arith.andi %get3A_171, %and3A_173 : vector<16xi32>
      %swap3A_175 = arith.constant 64 : index
      %swap3A_176 = tpu.vector_load %arg7[%swap3A_175] {strides = array<i32>} : memref<80xi32, #tpu.memory_space<vmem>>, vector<16xi32>,
      tpu.vector_store %arg7[%swap3A_175], %and3A_174 {strides = array<i32>} : memref<80xi32, #tpu.memory_space<vmem>>, vector<16xi32>,
      %dma_start3A_177 = arith.constant 0 : i32
      %dma_start3A_178 = arith.constant 0 : i32
      %dma_start3A_179 = tpu.memref_slice %arg2[%dma_start3A_177, %dma_start3A_178] : memref<10000x128xf32, #tpu.memory_space<hbm>> -> memref<10000x128xf32, #tpu.memory_space<hbm>>
      tpu.enqueue_indirect_dma source(%dma_start3A_179 : memref<10000x128xf32, #tpu.memory_space<hbm>>) target(%arg10 : memref<80x128xf32, #tpu.memory_space<vmem>>) offsets(%arg7 : memref<80xi32, #tpu.memory_space<vmem>>) semaphore(%arg13 : memref<!tpu.dma_semaphore, #tpu.memory_space<semaphore_mem>>)
      %dma_wait3A_180 = arith.constant 0 : i32
      %dma_wait3A_181 = arith.constant 0 : i32
      %dma_wait3A_182 = tpu.memref_slice %arg2[%dma_wait3A_180, %dma_wait3A_181] : memref<10000x128xf32, #tpu.memory_space<hbm>> -> memref<10000x128xf32, #tpu.memory_space<hbm>>
      tpu.wait_indirect_dma semaphore(%arg12 : memref<!tpu.dma_semaphore, #tpu.memory_space<semaphore_mem>>) src(%dma_wait3A_182 : memref<10000x128xf32, #tpu.memory_space<hbm>>) dst(%arg9 : memref<80x128xf32, #tpu.memory_space<vmem>>)
      %mul3A_183 = arith.constant 80 : i32
      %mul3A_184 = arith.muli %mul3A_119, %mul3A_183 : i32
      %add3A_185 = arith.constant 0 : i32
      %add3A_186 = arith.addi %mul3A_184, %add3A_185 : i32
      %get3A_187 = arith.index_cast %add3A_186 : i32 to index
      %get3A_188 = tpu.vector_load %arg5[%get3A_187] {strides = array<i32>} : memref<10000xi32, #tpu.memory_space<vmem>>, vector<16xi32>,
      %shift_right_logical3A_189 = arith.constant 16 : i32
      %shift_right_logical3A_190 = vector.broadcast %shift_right_logical3A_189 : i32 to vector<16xi32>
      %shift_right_logical3A_191 = arith.shrui %get3A_188, %shift_right_logical3A_190 : vector<16xi32>
      %swap3A_192 = arith.constant 0 : index
      %swap3A_193 = tpu.vector_load %arg8[%swap3A_192] {strides = array<i32>} : memref<80xi32, #tpu.memory_space<vmem>>, vector<16xi32>,
      tpu.vector_store %arg8[%swap3A_192], %shift_right_logical3A_191 {strides = array<i32>} : memref<80xi32, #tpu.memory_space<vmem>>, vector<16xi32>,
      %mul3A_194 = arith.constant 80 : i32
      %mul3A_195 = arith.muli %mul3A_119, %mul3A_194 : i32
      %add3A_196 = arith.constant 16 : i32
      %add3A_197 = arith.addi %mul3A_195, %add3A_196 : i32
      %get3A_198 = arith.index_cast %add3A_197 : i32 to index
      %get3A_199 = tpu.vector_load %arg5[%get3A_198] {strides = array<i32>} : memref<10000xi32, #tpu.memory_space<vmem>>, vector<16xi32>,
      %shift_right_logical3A_200 = arith.constant 16 : i32
      %shift_right_logical3A_201 = vector.broadcast %shift_right_logical3A_200 : i32 to vector<16xi32>
      %shift_right_logical3A_202 = arith.shrui %get3A_199, %shift_right_logical3A_201 : vector<16xi32>
      %swap3A_203 = arith.constant 16 : index
      %swap3A_204 = tpu.vector_load %arg8[%swap3A_203] {strides = array<i32>} : memref<80xi32, #tpu.memory_space<vmem>>, vector<16xi32>,
      tpu.vector_store %arg8[%swap3A_203], %shift_right_logical3A_202 {strides = array<i32>} : memref<80xi32, #tpu.memory_space<vmem>>, vector<16xi32>,
      %mul3A_205 = arith.constant 80 : i32
      %mul3A_206 = arith.muli %mul3A_119, %mul3A_205 : i32
      %add3A_207 = arith.constant 32 : i32
      %add3A_208 = arith.addi %mul3A_206, %add3A_207 : i32
      %get3A_209 = arith.index_cast %add3A_208 : i32 to index
      %get3A_210 = tpu.vector_load %arg5[%get3A_209] {strides = array<i32>} : memref<10000xi32, #tpu.memory_space<vmem>>, vector<16xi32>,
      %shift_right_logical3A_211 = arith.constant 16 : i32
      %shift_right_logical3A_212 = vector.broadcast %shift_right_logical3A_211 : i32 to vector<16xi32>
      %shift_right_logical3A_213 = arith.shrui %get3A_210, %shift_right_logical3A_212 : vector<16xi32>
      %swap3A_214 = arith.constant 32 : index
      %swap3A_215 = tpu.vector_load %arg8[%swap3A_214] {strides = array<i32>} : memref<80xi32, #tpu.memory_space<vmem>>, vector<16xi32>,
      tpu.vector_store %arg8[%swap3A_214], %shift_right_logical3A_213 {strides = array<i32>} : memref<80xi32, #tpu.memory_space<vmem>>, vector<16xi32>,
      %mul3A_216 = arith.constant 80 : i32
      %mul3A_217 = arith.muli %mul3A_119, %mul3A_216 : i32
      %add3A_218 = arith.constant 48 : i32
      %add3A_219 = arith.addi %mul3A_217, %add3A_218 : i32
      %get3A_220 = arith.index_cast %add3A_219 : i32 to index
      %get3A_221 = tpu.vector_load %arg5[%get3A_220] {strides = array<i32>} : memref<10000xi32, #tpu.memory_space<vmem>>, vector<16xi32>,
      %shift_right_logical3A_222 = arith.constant 16 : i32
      %shift_right_logical3A_223 = vector.broadcast %shift_right_logical3A_222 : i32 to vector<16xi32>
      %shift_right_logical3A_224 = arith.shrui %get3A_221, %shift_right_logical3A_223 : vector<16xi32>
      %swap3A_225 = arith.constant 48 : index
      %swap3A_226 = tpu.vector_load %arg8[%swap3A_225] {strides = array<i32>} : memref<80xi32, #tpu.memory_space<vmem>>, vector<16xi32>,
      tpu.vector_store %arg8[%swap3A_225], %shift_right_logical3A_224 {strides = array<i32>} : memref<80xi32, #tpu.memory_space<vmem>>, vector<16xi32>,
      %mul3A_227 = arith.constant 80 : i32
      %mul3A_228 = arith.muli %mul3A_119, %mul3A_227 : i32
      %add3A_229 = arith.constant 64 : i32
      %add3A_230 = arith.addi %mul3A_228, %add3A_229 : i32
      %get3A_231 = arith.index_cast %add3A_230 : i32 to index
      %get3A_232 = tpu.vector_load %arg5[%get3A_231] {strides = array<i32>} : memref<10000xi32, #tpu.memory_space<vmem>>, vector<16xi32>,
      %shift_right_logical3A_233 = arith.constant 16 : i32
      %shift_right_logical3A_234 = vector.broadcast %shift_right_logical3A_233 : i32 to vector<16xi32>
      %shift_right_logical3A_235 = arith.shrui %get3A_232, %shift_right_logical3A_234 : vector<16xi32>
      %swap3A_236 = arith.constant 64 : index
      %swap3A_237 = tpu.vector_load %arg8[%swap3A_236] {strides = array<i32>} : memref<80xi32, #tpu.memory_space<vmem>>, vector<16xi32>,
      tpu.vector_store %arg8[%swap3A_236], %shift_right_logical3A_235 {strides = array<i32>} : memref<80xi32, #tpu.memory_space<vmem>>, vector<16xi32>,
      "tpu.region"() ({
        %run_scoped3A = tpu.sem_alloc : memref<!tpu.dma_semaphore, #tpu.memory_space<semaphore_mem>>
        %dma_start3A_358 = arith.constant 0 : i32
        %dma_start3A_359 = arith.constant 0 : i32
        %dma_start3A_360 = tpu.memref_slice %arg11[%dma_start3A_358, %dma_start3A_359] : memref<10240x128xf32, #tpu.memory_space<vmem_shared>> -> memref<10240x128xf32, #tpu.memory_space<vmem_shared>>
        tpu.enqueue_indirect_dma source(%arg9 : memref<80x128xf32, #tpu.memory_space<vmem>>) target(%dma_start3A_360 : memref<10240x128xf32, #tpu.memory_space<vmem_shared>>) offsets(%arg8 : memref<80xi32, #tpu.memory_space<vmem>>) semaphore(%run_scoped3A : memref<!tpu.dma_semaphore, #tpu.memory_space<semaphore_mem>>) {add = true}
        %dma_wait3A_361 = arith.constant 0 : i32
        %dma_wait3A_362 = arith.constant 0 : i32
        %dma_wait3A_363 = tpu.memref_slice %arg11[%dma_wait3A_361, %dma_wait3A_362] : memref<10240x128xf32, #tpu.memory_space<vmem_shared>> -> memref<10240x128xf32, #tpu.memory_space<vmem_shared>>
        tpu.wait_indirect_dma semaphore(%run_scoped3A : memref<!tpu.dma_semaphore, #tpu.memory_space<semaphore_mem>>) src(%arg9 : memref<80x128xf32, #tpu.memory_space<vmem>>) dst(%dma_wait3A_363 : memref<10240x128xf32, #tpu.memory_space<vmem_shared>>)
        tpu.yield
      }) : () -> ()
      %add3A_238 = arith.constant 2 : i32
      %add3A_239 = arith.addi %mul3A_119, %add3A_238 : i32
      %mul3A_240 = arith.constant 80 : i32
      %mul3A_241 = arith.muli %add3A_239, %mul3A_240 : i32
      %add3A_242 = arith.constant 0 : i32
      %add3A_243 = arith.addi %mul3A_241, %add3A_242 : i32
      %get3A_244 = arith.index_cast %add3A_243 : i32 to index
      %get3A_245 = tpu.vector_load %arg5[%get3A_244] {strides = array<i32>} : memref<10000xi32, #tpu.memory_space<vmem>>, vector<16xi32>,
      %and3A_246 = arith.constant 65535 : i32
      %and3A_247 = vector.broadcast %and3A_246 : i32 to vector<16xi32>
      %and3A_248 = arith.andi %get3A_245, %and3A_247 : vector<16xi32>
      %swap3A_249 = arith.constant 0 : index
      %swap3A_250 = tpu.vector_load %arg6[%swap3A_249] {strides = array<i32>} : memref<80xi32, #tpu.memory_space<vmem>>, vector<16xi32>,
      tpu.vector_store %arg6[%swap3A_249], %and3A_248 {strides = array<i32>} : memref<80xi32, #tpu.memory_space<vmem>>, vector<16xi32>,
      %mul3A_251 = arith.constant 80 : i32
      %mul3A_252 = arith.muli %add3A_239, %mul3A_251 : i32
      %add3A_253 = arith.constant 16 : i32
      %add3A_254 = arith.addi %mul3A_252, %add3A_253 : i32
      %get3A_255 = arith.index_cast %add3A_254 : i32 to index
      %get3A_256 = tpu.vector_load %arg5[%get3A_255] {strides = array<i32>} : memref<10000xi32, #tpu.memory_space<vmem>>, vector<16xi32>,
      %and3A_257 = arith.constant 65535 : i32
      %and3A_258 = vector.broadcast %and3A_257 : i32 to vector<16xi32>
      %and3A_259 = arith.andi %get3A_256, %and3A_258 : vector<16xi32>
      %swap3A_260 = arith.constant 16 : index
      %swap3A_261 = tpu.vector_load %arg6[%swap3A_260] {strides = array<i32>} : memref<80xi32, #tpu.memory_space<vmem>>, vector<16xi32>,
      tpu.vector_store %arg6[%swap3A_260], %and3A_259 {strides = array<i32>} : memref<80xi32, #tpu.memory_space<vmem>>, vector<16xi32>,
      %mul3A_262 = arith.constant 80 : i32
      %mul3A_263 = arith.muli %add3A_239, %mul3A_262 : i32
      %add3A_264 = arith.constant 32 : i32
      %add3A_265 = arith.addi %mul3A_263, %add3A_264 : i32
      %get3A_266 = arith.index_cast %add3A_265 : i32 to index
      %get3A_267 = tpu.vector_load %arg5[%get3A_266] {strides = array<i32>} : memref<10000xi32, #tpu.memory_space<vmem>>, vector<16xi32>,
      %and3A_268 = arith.constant 65535 : i32
      %and3A_269 = vector.broadcast %and3A_268 : i32 to vector<16xi32>
      %and3A_270 = arith.andi %get3A_267, %and3A_269 : vector<16xi32>
      %swap3A_271 = arith.constant 32 : index
      %swap3A_272 = tpu.vector_load %arg6[%swap3A_271] {strides = array<i32>} : memref<80xi32, #tpu.memory_space<vmem>>, vector<16xi32>,
      tpu.vector_store %arg6[%swap3A_271], %and3A_270 {strides = array<i32>} : memref<80xi32, #tpu.memory_space<vmem>>, vector<16xi32>,
      %mul3A_273 = arith.constant 80 : i32
      %mul3A_274 = arith.muli %add3A_239, %mul3A_273 : i32
      %add3A_275 = arith.constant 48 : i32
      %add3A_276 = arith.addi %mul3A_274, %add3A_275 : i32
      %get3A_277 = arith.index_cast %add3A_276 : i32 to index
      %get3A_278 = tpu.vector_load %arg5[%get3A_277] {strides = array<i32>} : memref<10000xi32, #tpu.memory_space<vmem>>, vector<16xi32>,
      %and3A_279 = arith.constant 65535 : i32
      %and3A_280 = vector.broadcast %and3A_279 : i32 to vector<16xi32>
      %and3A_281 = arith.andi %get3A_278, %and3A_280 : vector<16xi32>
      %swap3A_282 = arith.constant 48 : index
      %swap3A_283 = tpu.vector_load %arg6[%swap3A_282] {strides = array<i32>} : memref<80xi32, #tpu.memory_space<vmem>>, vector<16xi32>,
      tpu.vector_store %arg6[%swap3A_282], %and3A_281 {strides = array<i32>} : memref<80xi32, #tpu.memory_space<vmem>>, vector<16xi32>,
      %mul3A_284 = arith.constant 80 : i32
      %mul3A_285 = arith.muli %add3A_239, %mul3A_284 : i32
      %add3A_286 = arith.constant 64 : i32
      %add3A_287 = arith.addi %mul3A_285, %add3A_286 : i32
      %get3A_288 = arith.index_cast %add3A_287 : i32 to index
      %get3A_289 = tpu.vector_load %arg5[%get3A_288] {strides = array<i32>} : memref<10000xi32, #tpu.memory_space<vmem>>, vector<16xi32>,
      %and3A_290 = arith.constant 65535 : i32
      %and3A_291 = vector.broadcast %and3A_290 : i32 to vector<16xi32>
      %and3A_292 = arith.andi %get3A_289, %and3A_291 : vector<16xi32>
      %swap3A_293 = arith.constant 64 : index
      %swap3A_294 = tpu.vector_load %arg6[%swap3A_293] {strides = array<i32>} : memref<80xi32, #tpu.memory_space<vmem>>, vector<16xi32>,
      tpu.vector_store %arg6[%swap3A_293], %and3A_292 {strides = array<i32>} : memref<80xi32, #tpu.memory_space<vmem>>, vector<16xi32>,
      %dma_start3A_295 = arith.constant 0 : i32
      %dma_start3A_296 = arith.constant 0 : i32
      %dma_start3A_297 = tpu.memref_slice %arg2[%dma_start3A_295, %dma_start3A_296] : memref<10000x128xf32, #tpu.memory_space<hbm>> -> memref<10000x128xf32, #tpu.memory_space<hbm>>
      tpu.enqueue_indirect_dma source(%dma_start3A_297 : memref<10000x128xf32, #tpu.memory_space<hbm>>) target(%arg9 : memref<80x128xf32, #tpu.memory_space<vmem>>) offsets(%arg6 : memref<80xi32, #tpu.memory_space<vmem>>) semaphore(%arg12 : memref<!tpu.dma_semaphore, #tpu.memory_space<semaphore_mem>>)
      %dma_wait3A_298 = arith.constant 0 : i32
      %dma_wait3A_299 = arith.constant 0 : i32
      %dma_wait3A_300 = tpu.memref_slice %arg2[%dma_wait3A_298, %dma_wait3A_299] : memref<10000x128xf32, #tpu.memory_space<hbm>> -> memref<10000x128xf32, #tpu.memory_space<hbm>>
      tpu.wait_indirect_dma semaphore(%arg13 : memref<!tpu.dma_semaphore, #tpu.memory_space<semaphore_mem>>) src(%dma_wait3A_300 : memref<10000x128xf32, #tpu.memory_space<hbm>>) dst(%arg10 : memref<80x128xf32, #tpu.memory_space<vmem>>)
      %add3A_301 = arith.constant 1 : i32
      %add3A_302 = arith.addi %mul3A_119, %add3A_301 : i32
      %mul3A_303 = arith.constant 80 : i32
      %mul3A_304 = arith.muli %add3A_302, %mul3A_303 : i32
      %add3A_305 = arith.constant 0 : i32
      %add3A_306 = arith.addi %mul3A_304, %add3A_305 : i32
      %get3A_307 = arith.index_cast %add3A_306 : i32 to index
      %get3A_308 = tpu.vector_load %arg5[%get3A_307] {strides = array<i32>} : memref<10000xi32, #tpu.memory_space<vmem>>, vector<16xi32>,
      %shift_right_logical3A_309 = arith.constant 16 : i32
      %shift_right_logical3A_310 = vector.broadcast %shift_right_logical3A_309 : i32 to vector<16xi32>
      %shift_right_logical3A_311 = arith.shrui %get3A_308, %shift_right_logical3A_310 : vector<16xi32>
      %swap3A_312 = arith.constant 0 : index
      %swap3A_313 = tpu.vector_load %arg8[%swap3A_312] {strides = array<i32>} : memref<80xi32, #tpu.memory_space<vmem>>, vector<16xi32>,
      tpu.vector_store %arg8[%swap3A_312], %shift_right_logical3A_311 {strides = array<i32>} : memref<80xi32, #tpu.memory_space<vmem>>, vector<16xi32>,
      %mul3A_314 = arith.constant 80 : i32
      %mul3A_315 = arith.muli %add3A_302, %mul3A_314 : i32
      %add3A_316 = arith.constant 16 : i32
      %add3A_317 = arith.addi %mul3A_315, %add3A_316 : i32
      %get3A_318 = arith.index_cast %add3A_317 : i32 to index
      %get3A_319 = tpu.vector_load %arg5[%get3A_318] {strides = array<i32>} : memref<10000xi32, #tpu.memory_space<vmem>>, vector<16xi32>,
      %shift_right_logical3A_320 = arith.constant 16 : i32
      %shift_right_logical3A_321 = vector.broadcast %shift_right_logical3A_320 : i32 to vector<16xi32>
      %shift_right_logical3A_322 = arith.shrui %get3A_319, %shift_right_logical3A_321 : vector<16xi32>
      %swap3A_323 = arith.constant 16 : index
      %swap3A_324 = tpu.vector_load %arg8[%swap3A_323] {strides = array<i32>} : memref<80xi32, #tpu.memory_space<vmem>>, vector<16xi32>,
      tpu.vector_store %arg8[%swap3A_323], %shift_right_logical3A_322 {strides = array<i32>} : memref<80xi32, #tpu.memory_space<vmem>>, vector<16xi32>,
      %mul3A_325 = arith.constant 80 : i32
      %mul3A_326 = arith.muli %add3A_302, %mul3A_325 : i32
      %add3A_327 = arith.constant 32 : i32
      %add3A_328 = arith.addi %mul3A_326, %add3A_327 : i32
      %get3A_329 = arith.index_cast %add3A_328 : i32 to index
      %get3A_330 = tpu.vector_load %arg5[%get3A_329] {strides = array<i32>} : memref<10000xi32, #tpu.memory_space<vmem>>, vector<16xi32>,
      %shift_right_logical3A_331 = arith.constant 16 : i32
      %shift_right_logical3A_332 = vector.broadcast %shift_right_logical3A_331 : i32 to vector<16xi32>
      %shift_right_logical3A_333 = arith.shrui %get3A_330, %shift_right_logical3A_332 : vector<16xi32>
      %swap3A_334 = arith.constant 32 : index
      %swap3A_335 = tpu.vector_load %arg8[%swap3A_334] {strides = array<i32>} : memref<80xi32, #tpu.memory_space<vmem>>, vector<16xi32>,
      tpu.vector_store %arg8[%swap3A_334], %shift_right_logical3A_333 {strides = array<i32>} : memref<80xi32, #tpu.memory_space<vmem>>, vector<16xi32>,
      %mul3A_336 = arith.constant 80 : i32
      %mul3A_337 = arith.muli %add3A_302, %mul3A_336 : i32
      %add3A_338 = arith.constant 48 : i32
      %add3A_339 = arith.addi %mul3A_337, %add3A_338 : i32
      %get3A_340 = arith.index_cast %add3A_339 : i32 to index
      %get3A_341 = tpu.vector_load %arg5[%get3A_340] {strides = array<i32>} : memref<10000xi32, #tpu.memory_space<vmem>>, vector<16xi32>,
      %shift_right_logical3A_342 = arith.constant 16 : i32
      %shift_right_logical3A_343 = vector.broadcast %shift_right_logical3A_342 : i32 to vector<16xi32>
      %shift_right_logical3A_344 = arith.shrui %get3A_341, %shift_right_logical3A_343 : vector<16xi32>
      %swap3A_345 = arith.constant 48 : index
      %swap3A_346 = tpu.vector_load %arg8[%swap3A_345] {strides = array<i32>} : memref<80xi32, #tpu.memory_space<vmem>>, vector<16xi32>,
      tpu.vector_store %arg8[%swap3A_345], %shift_right_logical3A_344 {strides = array<i32>} : memref<80xi32, #tpu.memory_space<vmem>>, vector<16xi32>,
      %mul3A_347 = arith.constant 80 : i32
      %mul3A_348 = arith.muli %add3A_302, %mul3A_347 : i32
      %add3A_349 = arith.constant 64 : i32
      %add3A_350 = arith.addi %mul3A_348, %add3A_349 : i32
      %get3A_351 = arith.index_cast %add3A_350 : i32 to index
      %get3A_352 = tpu.vector_load %arg5[%get3A_351] {strides = array<i32>} : memref<10000xi32, #tpu.memory_space<vmem>>, vector<16xi32>,
      %shift_right_logical3A_353 = arith.constant 16 : i32
      %shift_right_logical3A_354 = vector.broadcast %shift_right_logical3A_353 : i32 to vector<16xi32>
      %shift_right_logical3A_355 = arith.shrui %get3A_352, %shift_right_logical3A_354 : vector<16xi32>
      %swap3A_356 = arith.constant 64 : index
      %swap3A_357 = tpu.vector_load %arg8[%swap3A_356] {strides = array<i32>} : memref<80xi32, #tpu.memory_space<vmem>>, vector<16xi32>,
      tpu.vector_store %arg8[%swap3A_356], %shift_right_logical3A_355 {strides = array<i32>} : memref<80xi32, #tpu.memory_space<vmem>>, vector<16xi32>,
      "tpu.region"() ({
        %run_scoped3A = tpu.sem_alloc : memref<!tpu.dma_semaphore, #tpu.memory_space<semaphore_mem>>
        %dma_start3A_358 = arith.constant 0 : i32
        %dma_start3A_359 = arith.constant 0 : i32
        %dma_start3A_360 = tpu.memref_slice %arg11[%dma_start3A_358, %dma_start3A_359] : memref<10240x128xf32, #tpu.memory_space<vmem_shared>> -> memref<10240x128xf32, #tpu.memory_space<vmem_shared>>
        tpu.enqueue_indirect_dma source(%arg10 : memref<80x128xf32, #tpu.memory_space<vmem>>) target(%dma_start3A_360 : memref<10240x128xf32, #tpu.memory_space<vmem_shared>>) offsets(%arg8 : memref<80xi32, #tpu.memory_space<vmem>>) semaphore(%run_scoped3A : memref<!tpu.dma_semaphore, #tpu.memory_space<semaphore_mem>>) {add = true}
        %dma_wait3A_361 = arith.constant 0 : i32
        %dma_wait3A_362 = arith.constant 0 : i32
        %dma_wait3A_363 = tpu.memref_slice %arg11[%dma_wait3A_361, %dma_wait3A_362] : memref<10240x128xf32, #tpu.memory_space<vmem_shared>> -> memref<10240x128xf32, #tpu.memory_space<vmem_shared>>
        tpu.wait_indirect_dma semaphore(%run_scoped3A : memref<!tpu.dma_semaphore, #tpu.memory_space<semaphore_mem>>) src(%arg10 : memref<80x128xf32, #tpu.memory_space<vmem>>) dst(%dma_wait3A_363 : memref<10240x128xf32, #tpu.memory_space<vmem_shared>>)
        tpu.yield
      }) : () -> ()
    }
    %scan3A_75 = arith.constant 62 : i32
    %dma_wait3A = arith.constant 0 : i32
    %dma_wait3A_76 = arith.constant 0 : i32
    %dma_wait3A_77 = tpu.memref_slice %arg2[%dma_wait3A, %dma_wait3A_76] : memref<10000x128xf32, #tpu.memory_space<hbm>> -> memref<10000x128xf32, #tpu.memory_space<hbm>>
    tpu.wait_indirect_dma semaphore(%arg12 : memref<!tpu.dma_semaphore, #tpu.memory_space<semaphore_mem>>) src(%dma_wait3A_77 : memref<10000x128xf32, #tpu.memory_space<hbm>>) dst(%arg9 : memref<80x128xf32, #tpu.memory_space<vmem>>)
    %get3A_78 = arith.constant 9920 : index
    %get3A_79 = tpu.vector_load %arg5[%get3A_78] {strides = array<i32>} : memref<10000xi32, #tpu.memory_space<vmem>>, vector<16xi32>,
    %shift_right_logical3A = arith.constant 16 : i32
    %shift_right_logical3A_80 = vector.broadcast %shift_right_logical3A : i32 to vector<16xi32>
    %shift_right_logical3A_81 = arith.shrui %get3A_79, %shift_right_logical3A_80 : vector<16xi32>
    %swap3A_82 = arith.constant 0 : index
    %swap3A_83 = tpu.vector_load %arg8[%swap3A_82] {strides = array<i32>} : memref<80xi32, #tpu.memory_space<vmem>>, vector<16xi32>,
    tpu.vector_store %arg8[%swap3A_82], %shift_right_logical3A_81 {strides = array<i32>} : memref<80xi32, #tpu.memory_space<vmem>>, vector<16xi32>,
    %get3A_84 = arith.constant 9936 : index
    %get3A_85 = tpu.vector_load %arg5[%get3A_84] {strides = array<i32>} : memref<10000xi32, #tpu.memory_space<vmem>>, vector<16xi32>,
    %shift_right_logical3A_86 = arith.constant 16 : i32
    %shift_right_logical3A_87 = vector.broadcast %shift_right_logical3A_86 : i32 to vector<16xi32>
    %shift_right_logical3A_88 = arith.shrui %get3A_85, %shift_right_logical3A_87 : vector<16xi32>
    %swap3A_89 = arith.constant 16 : index
    %swap3A_90 = tpu.vector_load %arg8[%swap3A_89] {strides = array<i32>} : memref<80xi32, #tpu.memory_space<vmem>>, vector<16xi32>,
    tpu.vector_store %arg8[%swap3A_89], %shift_right_logical3A_88 {strides = array<i32>} : memref<80xi32, #tpu.memory_space<vmem>>, vector<16xi32>,
    %get3A_91 = arith.constant 9952 : index
    %get3A_92 = tpu.vector_load %arg5[%get3A_91] {strides = array<i32>} : memref<10000xi32, #tpu.memory_space<vmem>>, vector<16xi32>,
    %shift_right_logical3A_93 = arith.constant 16 : i32
    %shift_right_logical3A_94 = vector.broadcast %shift_right_logical3A_93 : i32 to vector<16xi32>
    %shift_right_logical3A_95 = arith.shrui %get3A_92, %shift_right_logical3A_94 : vector<16xi32>
    %swap3A_96 = arith.constant 32 : index
    %swap3A_97 = tpu.vector_load %arg8[%swap3A_96] {strides = array<i32>} : memref<80xi32, #tpu.memory_space<vmem>>, vector<16xi32>,
    tpu.vector_store %arg8[%swap3A_96], %shift_right_logical3A_95 {strides = array<i32>} : memref<80xi32, #tpu.memory_space<vmem>>, vector<16xi32>,
    %get3A_98 = arith.constant 9968 : index
    %get3A_99 = tpu.vector_load %arg5[%get3A_98] {strides = array<i32>} : memref<10000xi32, #tpu.memory_space<vmem>>, vector<16xi32>,
    %shift_right_logical3A_100 = arith.constant 16 : i32
    %shift_right_logical3A_101 = vector.broadcast %shift_right_logical3A_100 : i32 to vector<16xi32>
    %shift_right_logical3A_102 = arith.shrui %get3A_99, %shift_right_logical3A_101 : vector<16xi32>
    %swap3A_103 = arith.constant 48 : index
    %swap3A_104 = tpu.vector_load %arg8[%swap3A_103] {strides = array<i32>} : memref<80xi32, #tpu.memory_space<vmem>>, vector<16xi32>,
    tpu.vector_store %arg8[%swap3A_103], %shift_right_logical3A_102 {strides = array<i32>} : memref<80xi32, #tpu.memory_space<vmem>>, vector<16xi32>,
    %get3A_105 = arith.constant 9984 : index
    %get3A_106 = tpu.vector_load %arg5[%get3A_105] {strides = array<i32>} : memref<10000xi32, #tpu.memory_space<vmem>>, vector<16xi32>,
    %shift_right_logical3A_107 = arith.constant 16 : i32
    %shift_right_logical3A_108 = vector.broadcast %shift_right_logical3A_107 : i32 to vector<16xi32>
    %shift_right_logical3A_109 = arith.shrui %get3A_106, %shift_right_logical3A_108 : vector<16xi32>
    %swap3A_110 = arith.constant 64 : index
    %swap3A_111 = tpu.vector_load %arg8[%swap3A_110] {strides = array<i32>} : memref<80xi32, #tpu.memory_space<vmem>>, vector<16xi32>,
    tpu.vector_store %arg8[%swap3A_110], %shift_right_logical3A_109 {strides = array<i32>} : memref<80xi32, #tpu.memory_space<vmem>>, vector<16xi32>,
    "tpu.region"() ({
      %run_scoped3A = tpu.sem_alloc : memref<!tpu.dma_semaphore, #tpu.memory_space<semaphore_mem>>
      %dma_start3A_117 = arith.constant 0 : i32
      %dma_start3A_118 = arith.constant 0 : i32
      %dma_start3A_119 = tpu.memref_slice %arg11[%dma_start3A_117, %dma_start3A_118] : memref<10240x128xf32, #tpu.memory_space<vmem_shared>> -> memref<10240x128xf32, #tpu.memory_space<vmem_shared>>
      tpu.enqueue_indirect_dma source(%arg9 : memref<80x128xf32, #tpu.memory_space<vmem>>) target(%dma_start3A_119 : memref<10240x128xf32, #tpu.memory_space<vmem_shared>>) offsets(%arg8 : memref<80xi32, #tpu.memory_space<vmem>>) semaphore(%run_scoped3A : memref<!tpu.dma_semaphore, #tpu.memory_space<semaphore_mem>>) {add = true}
      %dma_wait3A_120 = arith.constant 0 : i32
      %dma_wait3A_121 = arith.constant 0 : i32
      %dma_wait3A_122 = tpu.memref_slice %arg11[%dma_wait3A_120, %dma_wait3A_121] : memref<10240x128xf32, #tpu.memory_space<vmem_shared>> -> memref<10240x128xf32, #tpu.memory_space<vmem_shared>>
      tpu.wait_indirect_dma semaphore(%run_scoped3A : memref<!tpu.dma_semaphore, #tpu.memory_space<semaphore_mem>>) src(%arg9 : memref<80x128xf32, #tpu.memory_space<vmem>>) dst(%dma_wait3A_122 : memref<10240x128xf32, #tpu.memory_space<vmem_shared>>)
      tpu.yield
    }) : () -> ()
    %barrier3A_112 = arith.constant 0 : index
    tpu.barrier barrier_id(%barrier3A_112)
    %mul3A_113 = arith.constant 640 : i32
    %mul3A_114 = arith.muli %arg1, %mul3A_113 : i32
    %mul3A_115 = arith.constant 640 : i32
    %mul3A_116 = arith.muli %arg1, %mul3A_115 : i32
    "tpu.region"() ({
      %run_scoped3A = tpu.sem_alloc : memref<!tpu.dma_semaphore, #tpu.memory_space<semaphore_mem>>
      %dma_start3A_117 = arith.constant 0 : i32
      %dma_start3A_118 = tpu.memref_slice %arg4[%arg0, %mul3A_116, %dma_start3A_117] : memref<2x10240x128xf32, #tpu.memory_space<hbm>> -> memref<1x640x128xf32, #tpu.memory_space<hbm>>
      %dma_start3A_119 = tpu.memref_squeeze %dma_start3A_118 : memref<1x640x128xf32, #tpu.memory_space<hbm>> -> memref<640x128xf32, #tpu.memory_space<hbm>>
      %dma_start3A_120 = arith.constant 0 : i32
      %dma_start3A_121 = tpu.memref_slice %arg11[%mul3A_114, %dma_start3A_120] : memref<10240x128xf32, #tpu.memory_space<vmem_shared>> -> memref<640x128xf32, #tpu.memory_space<vmem_shared>>
      tpu.enqueue_dma source(%dma_start3A_121 : memref<640x128xf32, #tpu.memory_space<vmem_shared>>) target(%dma_start3A_119 : memref<640x128xf32, #tpu.memory_space<hbm>>) target_semaphore(%run_scoped3A : memref<!tpu.dma_semaphore, #tpu.memory_space<semaphore_mem>>)
      %dma_wait3A_122 = arith.constant 0 : i32
      %dma_wait3A_123 = tpu.memref_slice %arg4[%arg0, %mul3A_116, %dma_wait3A_122] : memref<2x10240x128xf32, #tpu.memory_space<hbm>> -> memref<1x640x128xf32, #tpu.memory_space<hbm>>
      %dma_wait3A_124 = tpu.memref_squeeze %dma_wait3A_123 : memref<1x640x128xf32, #tpu.memory_space<hbm>> -> memref<640x128xf32, #tpu.memory_space<hbm>>
      %dma_wait3A_125 = arith.constant 0 : i32
      %dma_wait3A_126 = tpu.memref_slice %arg11[%mul3A_114, %dma_wait3A_125] : memref<10240x128xf32, #tpu.memory_space<vmem_shared>> -> memref<640x128xf32, #tpu.memory_space<vmem_shared>>
      tpu.wait_dma2 semaphore(%run_scoped3A : memref<!tpu.dma_semaphore, #tpu.memory_space<semaphore_mem>>) src(%dma_wait3A_126 : memref<640x128xf32, #tpu.memory_space<vmem_shared>>) dst(%dma_wait3A_124 : memref<640x128xf32, #tpu.memory_space<hbm>>)
      tpu.yield
    }) : () -> ()
    return
  }
}

#map = affine_map<(d0, d1) -> (0, 0)>
#map1 = affine_map<(d0, d1) -> (0, 0, 0)>
module attributes {stable_mosaic.version = 14 : i64} {
  func.func @_seg_body(%arg0: i32, %arg1: i32, %arg2: memref<10000x128xf32, #tpu.memory_space<hbm>>, %arg3: memref<32x10000xi32, #tpu.memory_space<hbm>>, %arg4: memref<2x10240x128xf32, #tpu.memory_space<hbm>>, %arg5: memref<10000xi32, #tpu.memory_space<vmem>>, %arg6: memref<80xi32, #tpu.memory_space<vmem>>, %arg7: memref<80xi32, #tpu.memory_space<vmem>>, %arg8: memref<80xi32, #tpu.memory_space<vmem>>, %arg9: memref<80x128xf32, #tpu.memory_space<vmem>>, %arg10: memref<80x128xf32, #tpu.memory_space<vmem>>, %arg11: memref<10240x128xf32, #tpu.memory_space<vmem_shared>>, %arg12: memref<!tpu.dma_semaphore, #tpu.memory_space<semaphore_mem>>, %arg13: memref<!tpu.dma_semaphore, #tpu.memory_space<semaphore_mem>>) attributes {dimension_semantics = [#tpu.dimension_semantics<core_parallel>, #tpu.dimension_semantics<subcore_parallel>], iteration_bounds = array<i64: 2, 16>, scalar_prefetch = 0 : i64, scratch_operands = 9 : i64, tpu.core_type = #tpu.core_type<sc_vector_subcore>, window_params = [{transform_indices = #map}, {transform_indices = #map}, {transform_indices = #map1}]} {
    %mul3A = arith.constant 16 : i32
    %mul3A_0 = arith.muli %arg0, %mul3A : i32
    %add3A = arith.addi %mul3A_0, %arg1 : i32
    %scan3A = arith.constant 0 : i32
    %scan3A_1 = arith.constant 80 : i32
    %scan3A_2 = arith.addi %scan3A, %scan3A_1 : i32
    %scan3A_3 = arith.constant 1 : i32
    scf.for %scan3A_117 = %scan3A to %scan3A_2 step %scan3A_3  : i32 {
      %scan3A_118 = arith.constant 0 : i32
      %scan3A_119 = arith.constant 8 : i32
      %scan3A_120 = arith.addi %scan3A_118, %scan3A_119 : i32
      %scan3A_121 = arith.constant 1 : i32
      scf.for %scan3A_123 = %scan3A_118 to %scan3A_120 step %scan3A_121  : i32 {
        %broadcast_in_dim3A = arith.constant 0.000000e+00 : f32
        %broadcast_in_dim3A_124 = vector.broadcast %broadcast_in_dim3A : f32 to vector<16xf32>
        %mul3A_125 = arith.constant 16 : i32
        %mul3A_126 = arith.muli %scan3A_123, %mul3A_125 : i32
        %swap3A_127 = arith.index_cast %scan3A_117 : i32 to index
        %swap3A_128 = arith.index_cast %mul3A_126 : i32 to index
        %swap3A_129 = tpu.vector_load %arg9[%swap3A_127, %swap3A_128] {strides = array<i32>} : memref<80x128xf32, #tpu.memory_space<vmem>>, vector<16xf32>,
        tpu.vector_store %arg9[%swap3A_127, %swap3A_128], %broadcast_in_dim3A_124 {strides = array<i32>} : memref<80x128xf32, #tpu.memory_space<vmem>>, vector<16xf32>,
      }
      %scan3A_122 = arith.constant 8 : i32
    }
    %scan3A_4 = arith.constant 80 : i32
    %mul3A_5 = arith.constant 640 : i32
    %mul3A_6 = arith.muli %arg1, %mul3A_5 : i32
    %add3A_7 = arith.constant 0 : i32
    %add3A_8 = arith.addi %mul3A_6, %add3A_7 : i32
    "tpu.region"() ({
      %run_scoped3A = tpu.sem_alloc : memref<!tpu.dma_semaphore, #tpu.memory_space<semaphore_mem>>
      %dma_start3A_117 = arith.constant 0 : i32
      %dma_start3A_118 = tpu.memref_slice %arg11[%add3A_8, %dma_start3A_117] : memref<10240x128xf32, #tpu.memory_space<vmem_shared>> -> memref<80x128xf32, #tpu.memory_space<vmem_shared>>
      %dma_start3A_119 = arith.constant 0 : i32
      %dma_start3A_120 = tpu.memref_slice %arg11[%add3A_8, %dma_start3A_119] : memref<10240x128xf32, #tpu.memory_space<vmem_shared>> -> memref<80x128xf32, #tpu.memory_space<vmem_shared>>
      tpu.enqueue_dma source(%arg9 : memref<80x128xf32, #tpu.memory_space<vmem>>) target(%dma_start3A_120 : memref<80x128xf32, #tpu.memory_space<vmem_shared>>) target_semaphore(%run_scoped3A : memref<!tpu.dma_semaphore, #tpu.memory_space<semaphore_mem>>)
      %dma_wait3A_121 = arith.constant 0 : i32
      %dma_wait3A_122 = tpu.memref_slice %arg11[%add3A_8, %dma_wait3A_121] : memref<10240x128xf32, #tpu.memory_space<vmem_shared>> -> memref<80x128xf32, #tpu.memory_space<vmem_shared>>
      %dma_wait3A_123 = arith.constant 0 : i32
      %dma_wait3A_124 = tpu.memref_slice %arg11[%add3A_8, %dma_wait3A_123] : memref<10240x128xf32, #tpu.memory_space<vmem_shared>> -> memref<80x128xf32, #tpu.memory_space<vmem_shared>>
      tpu.wait_dma2 semaphore(%run_scoped3A : memref<!tpu.dma_semaphore, #tpu.memory_space<semaphore_mem>>) src(%arg9 : memref<80x128xf32, #tpu.memory_space<vmem>>) dst(%dma_wait3A_124 : memref<80x128xf32, #tpu.memory_space<vmem_shared>>)
      tpu.yield
    }) : () -> ()
    %mul3A_9 = arith.constant 640 : i32
    %mul3A_10 = arith.muli %arg1, %mul3A_9 : i32
    %add3A_11 = arith.constant 80 : i32
    %add3A_12 = arith.addi %mul3A_10, %add3A_11 : i32
    "tpu.region"() ({
      %run_scoped3A = tpu.sem_alloc : memref<!tpu.dma_semaphore, #tpu.memory_space<semaphore_mem>>
      %dma_start3A_117 = arith.constant 0 : i32
      %dma_start3A_118 = tpu.memref_slice %arg11[%add3A_12, %dma_start3A_117] : memref<10240x128xf32, #tpu.memory_space<vmem_shared>> -> memref<80x128xf32, #tpu.memory_space<vmem_shared>>
      %dma_start3A_119 = arith.constant 0 : i32
      %dma_start3A_120 = tpu.memref_slice %arg11[%add3A_12, %dma_start3A_119] : memref<10240x128xf32, #tpu.memory_space<vmem_shared>> -> memref<80x128xf32, #tpu.memory_space<vmem_shared>>
      tpu.enqueue_dma source(%arg9 : memref<80x128xf32, #tpu.memory_space<vmem>>) target(%dma_start3A_120 : memref<80x128xf32, #tpu.memory_space<vmem_shared>>) target_semaphore(%run_scoped3A : memref<!tpu.dma_semaphore, #tpu.memory_space<semaphore_mem>>)
      %dma_wait3A_121 = arith.constant 0 : i32
      %dma_wait3A_122 = tpu.memref_slice %arg11[%add3A_12, %dma_wait3A_121] : memref<10240x128xf32, #tpu.memory_space<vmem_shared>> -> memref<80x128xf32, #tpu.memory_space<vmem_shared>>
      %dma_wait3A_123 = arith.constant 0 : i32
      %dma_wait3A_124 = tpu.memref_slice %arg11[%add3A_12, %dma_wait3A_123] : memref<10240x128xf32, #tpu.memory_space<vmem_shared>> -> memref<80x128xf32, #tpu.memory_space<vmem_shared>>
      tpu.wait_dma2 semaphore(%run_scoped3A : memref<!tpu.dma_semaphore, #tpu.memory_space<semaphore_mem>>) src(%arg9 : memref<80x128xf32, #tpu.memory_space<vmem>>) dst(%dma_wait3A_124 : memref<80x128xf32, #tpu.memory_space<vmem_shared>>)
      tpu.yield
    }) : () -> ()
    %mul3A_13 = arith.constant 640 : i32
    %mul3A_14 = arith.muli %arg1, %mul3A_13 : i32
    %add3A_15 = arith.constant 160 : i32
    %add3A_16 = arith.addi %mul3A_14, %add3A_15 : i32
    "tpu.region"() ({
      %run_scoped3A = tpu.sem_alloc : memref<!tpu.dma_semaphore, #tpu.memory_space<semaphore_mem>>
      %dma_start3A_117 = arith.constant 0 : i32
      %dma_start3A_118 = tpu.memref_slice %arg11[%add3A_16, %dma_start3A_117] : memref<10240x128xf32, #tpu.memory_space<vmem_shared>> -> memref<80x128xf32, #tpu.memory_space<vmem_shared>>
      %dma_start3A_119 = arith.constant 0 : i32
      %dma_start3A_120 = tpu.memref_slice %arg11[%add3A_16, %dma_start3A_119] : memref<10240x128xf32, #tpu.memory_space<vmem_shared>> -> memref<80x128xf32, #tpu.memory_space<vmem_shared>>
      tpu.enqueue_dma source(%arg9 : memref<80x128xf32, #tpu.memory_space<vmem>>) target(%dma_start3A_120 : memref<80x128xf32, #tpu.memory_space<vmem_shared>>) target_semaphore(%run_scoped3A : memref<!tpu.dma_semaphore, #tpu.memory_space<semaphore_mem>>)
      %dma_wait3A_121 = arith.constant 0 : i32
      %dma_wait3A_122 = tpu.memref_slice %arg11[%add3A_16, %dma_wait3A_121] : memref<10240x128xf32, #tpu.memory_space<vmem_shared>> -> memref<80x128xf32, #tpu.memory_space<vmem_shared>>
      %dma_wait3A_123 = arith.constant 0 : i32
      %dma_wait3A_124 = tpu.memref_slice %arg11[%add3A_16, %dma_wait3A_123] : memref<10240x128xf32, #tpu.memory_space<vmem_shared>> -> memref<80x128xf32, #tpu.memory_space<vmem_shared>>
      tpu.wait_dma2 semaphore(%run_scoped3A : memref<!tpu.dma_semaphore, #tpu.memory_space<semaphore_mem>>) src(%arg9 : memref<80x128xf32, #tpu.memory_space<vmem>>) dst(%dma_wait3A_124 : memref<80x128xf32, #tpu.memory_space<vmem_shared>>)
      tpu.yield
    }) : () -> ()
    %mul3A_17 = arith.constant 640 : i32
    %mul3A_18 = arith.muli %arg1, %mul3A_17 : i32
    %add3A_19 = arith.constant 240 : i32
    %add3A_20 = arith.addi %mul3A_18, %add3A_19 : i32
    "tpu.region"() ({
      %run_scoped3A = tpu.sem_alloc : memref<!tpu.dma_semaphore, #tpu.memory_space<semaphore_mem>>
      %dma_start3A_117 = arith.constant 0 : i32
      %dma_start3A_118 = tpu.memref_slice %arg11[%add3A_20, %dma_start3A_117] : memref<10240x128xf32, #tpu.memory_space<vmem_shared>> -> memref<80x128xf32, #tpu.memory_space<vmem_shared>>
      %dma_start3A_119 = arith.constant 0 : i32
      %dma_start3A_120 = tpu.memref_slice %arg11[%add3A_20, %dma_start3A_119] : memref<10240x128xf32, #tpu.memory_space<vmem_shared>> -> memref<80x128xf32, #tpu.memory_space<vmem_shared>>
      tpu.enqueue_dma source(%arg9 : memref<80x128xf32, #tpu.memory_space<vmem>>) target(%dma_start3A_120 : memref<80x128xf32, #tpu.memory_space<vmem_shared>>) target_semaphore(%run_scoped3A : memref<!tpu.dma_semaphore, #tpu.memory_space<semaphore_mem>>)
      %dma_wait3A_121 = arith.constant 0 : i32
      %dma_wait3A_122 = tpu.memref_slice %arg11[%add3A_20, %dma_wait3A_121] : memref<10240x128xf32, #tpu.memory_space<vmem_shared>> -> memref<80x128xf32, #tpu.memory_space<vmem_shared>>
      %dma_wait3A_123 = arith.constant 0 : i32
      %dma_wait3A_124 = tpu.memref_slice %arg11[%add3A_20, %dma_wait3A_123] : memref<10240x128xf32, #tpu.memory_space<vmem_shared>> -> memref<80x128xf32, #tpu.memory_space<vmem_shared>>
      tpu.wait_dma2 semaphore(%run_scoped3A : memref<!tpu.dma_semaphore, #tpu.memory_space<semaphore_mem>>) src(%arg9 : memref<80x128xf32, #tpu.memory_space<vmem>>) dst(%dma_wait3A_124 : memref<80x128xf32, #tpu.memory_space<vmem_shared>>)
      tpu.yield
    }) : () -> ()
    %mul3A_21 = arith.constant 640 : i32
    %mul3A_22 = arith.muli %arg1, %mul3A_21 : i32
    %add3A_23 = arith.constant 320 : i32
    %add3A_24 = arith.addi %mul3A_22, %add3A_23 : i32
    "tpu.region"() ({
      %run_scoped3A = tpu.sem_alloc : memref<!tpu.dma_semaphore, #tpu.memory_space<semaphore_mem>>
      %dma_start3A_117 = arith.constant 0 : i32
      %dma_start3A_118 = tpu.memref_slice %arg11[%add3A_24, %dma_start3A_117] : memref<10240x128xf32, #tpu.memory_space<vmem_shared>> -> memref<80x128xf32, #tpu.memory_space<vmem_shared>>
      %dma_start3A_119 = arith.constant 0 : i32
      %dma_start3A_120 = tpu.memref_slice %arg11[%add3A_24, %dma_start3A_119] : memref<10240x128xf32, #tpu.memory_space<vmem_shared>> -> memref<80x128xf32, #tpu.memory_space<vmem_shared>>
      tpu.enqueue_dma source(%arg9 : memref<80x128xf32, #tpu.memory_space<vmem>>) target(%dma_start3A_120 : memref<80x128xf32, #tpu.memory_space<vmem_shared>>) target_semaphore(%run_scoped3A : memref<!tpu.dma_semaphore, #tpu.memory_space<semaphore_mem>>)
      %dma_wait3A_121 = arith.constant 0 : i32
      %dma_wait3A_122 = tpu.memref_slice %arg11[%add3A_24, %dma_wait3A_121] : memref<10240x128xf32, #tpu.memory_space<vmem_shared>> -> memref<80x128xf32, #tpu.memory_space<vmem_shared>>
      %dma_wait3A_123 = arith.constant 0 : i32
      %dma_wait3A_124 = tpu.memref_slice %arg11[%add3A_24, %dma_wait3A_123] : memref<10240x128xf32, #tpu.memory_space<vmem_shared>> -> memref<80x128xf32, #tpu.memory_space<vmem_shared>>
      tpu.wait_dma2 semaphore(%run_scoped3A : memref<!tpu.dma_semaphore, #tpu.memory_space<semaphore_mem>>) src(%arg9 : memref<80x128xf32, #tpu.memory_space<vmem>>) dst(%dma_wait3A_124 : memref<80x128xf32, #tpu.memory_space<vmem_shared>>)
      tpu.yield
    }) : () -> ()
    %mul3A_25 = arith.constant 640 : i32
    %mul3A_26 = arith.muli %arg1, %mul3A_25 : i32
    %add3A_27 = arith.constant 400 : i32
    %add3A_28 = arith.addi %mul3A_26, %add3A_27 : i32
    "tpu.region"() ({
      %run_scoped3A = tpu.sem_alloc : memref<!tpu.dma_semaphore, #tpu.memory_space<semaphore_mem>>
      %dma_start3A_117 = arith.constant 0 : i32
      %dma_start3A_118 = tpu.memref_slice %arg11[%add3A_28, %dma_start3A_117] : memref<10240x128xf32, #tpu.memory_space<vmem_shared>> -> memref<80x128xf32, #tpu.memory_space<vmem_shared>>
      %dma_start3A_119 = arith.constant 0 : i32
      %dma_start3A_120 = tpu.memref_slice %arg11[%add3A_28, %dma_start3A_119] : memref<10240x128xf32, #tpu.memory_space<vmem_shared>> -> memref<80x128xf32, #tpu.memory_space<vmem_shared>>
      tpu.enqueue_dma source(%arg9 : memref<80x128xf32, #tpu.memory_space<vmem>>) target(%dma_start3A_120 : memref<80x128xf32, #tpu.memory_space<vmem_shared>>) target_semaphore(%run_scoped3A : memref<!tpu.dma_semaphore, #tpu.memory_space<semaphore_mem>>)
      %dma_wait3A_121 = arith.constant 0 : i32
      %dma_wait3A_122 = tpu.memref_slice %arg11[%add3A_28, %dma_wait3A_121] : memref<10240x128xf32, #tpu.memory_space<vmem_shared>> -> memref<80x128xf32, #tpu.memory_space<vmem_shared>>
      %dma_wait3A_123 = arith.constant 0 : i32
      %dma_wait3A_124 = tpu.memref_slice %arg11[%add3A_28, %dma_wait3A_123] : memref<10240x128xf32, #tpu.memory_space<vmem_shared>> -> memref<80x128xf32, #tpu.memory_space<vmem_shared>>
      tpu.wait_dma2 semaphore(%run_scoped3A : memref<!tpu.dma_semaphore, #tpu.memory_space<semaphore_mem>>) src(%arg9 : memref<80x128xf32, #tpu.memory_space<vmem>>) dst(%dma_wait3A_124 : memref<80x128xf32, #tpu.memory_space<vmem_shared>>)
      tpu.yield
    }) : () -> ()
    %mul3A_29 = arith.constant 640 : i32
    %mul3A_30 = arith.muli %arg1, %mul3A_29 : i32
    %add3A_31 = arith.constant 480 : i32
    %add3A_32 = arith.addi %mul3A_30, %add3A_31 : i32
    "tpu.region"() ({
      %run_scoped3A = tpu.sem_alloc : memref<!tpu.dma_semaphore, #tpu.memory_space<semaphore_mem>>
      %dma_start3A_117 = arith.constant 0 : i32
      %dma_start3A_118 = tpu.memref_slice %arg11[%add3A_32, %dma_start3A_117] : memref<10240x128xf32, #tpu.memory_space<vmem_shared>> -> memref<80x128xf32, #tpu.memory_space<vmem_shared>>
      %dma_start3A_119 = arith.constant 0 : i32
      %dma_start3A_120 = tpu.memref_slice %arg11[%add3A_32, %dma_start3A_119] : memref<10240x128xf32, #tpu.memory_space<vmem_shared>> -> memref<80x128xf32, #tpu.memory_space<vmem_shared>>
      tpu.enqueue_dma source(%arg9 : memref<80x128xf32, #tpu.memory_space<vmem>>) target(%dma_start3A_120 : memref<80x128xf32, #tpu.memory_space<vmem_shared>>) target_semaphore(%run_scoped3A : memref<!tpu.dma_semaphore, #tpu.memory_space<semaphore_mem>>)
      %dma_wait3A_121 = arith.constant 0 : i32
      %dma_wait3A_122 = tpu.memref_slice %arg11[%add3A_32, %dma_wait3A_121] : memref<10240x128xf32, #tpu.memory_space<vmem_shared>> -> memref<80x128xf32, #tpu.memory_space<vmem_shared>>
      %dma_wait3A_123 = arith.constant 0 : i32
      %dma_wait3A_124 = tpu.memref_slice %arg11[%add3A_32, %dma_wait3A_123] : memref<10240x128xf32, #tpu.memory_space<vmem_shared>> -> memref<80x128xf32, #tpu.memory_space<vmem_shared>>
      tpu.wait_dma2 semaphore(%run_scoped3A : memref<!tpu.dma_semaphore, #tpu.memory_space<semaphore_mem>>) src(%arg9 : memref<80x128xf32, #tpu.memory_space<vmem>>) dst(%dma_wait3A_124 : memref<80x128xf32, #tpu.memory_space<vmem_shared>>)
      tpu.yield
    }) : () -> ()
    %mul3A_33 = arith.constant 640 : i32
    %mul3A_34 = arith.muli %arg1, %mul3A_33 : i32
    %add3A_35 = arith.constant 560 : i32
    %add3A_36 = arith.addi %mul3A_34, %add3A_35 : i32
    "tpu.region"() ({
      %run_scoped3A = tpu.sem_alloc : memref<!tpu.dma_semaphore, #tpu.memory_space<semaphore_mem>>
      %dma_start3A_117 = arith.constant 0 : i32
      %dma_start3A_118 = tpu.memref_slice %arg11[%add3A_36, %dma_start3A_117] : memref<10240x128xf32, #tpu.memory_space<vmem_shared>> -> memref<80x128xf32, #tpu.memory_space<vmem_shared>>
      %dma_start3A_119 = arith.constant 0 : i32
      %dma_start3A_120 = tpu.memref_slice %arg11[%add3A_36, %dma_start3A_119] : memref<10240x128xf32, #tpu.memory_space<vmem_shared>> -> memref<80x128xf32, #tpu.memory_space<vmem_shared>>
      tpu.enqueue_dma source(%arg9 : memref<80x128xf32, #tpu.memory_space<vmem>>) target(%dma_start3A_120 : memref<80x128xf32, #tpu.memory_space<vmem_shared>>) target_semaphore(%run_scoped3A : memref<!tpu.dma_semaphore, #tpu.memory_space<semaphore_mem>>)
      %dma_wait3A_121 = arith.constant 0 : i32
      %dma_wait3A_122 = tpu.memref_slice %arg11[%add3A_36, %dma_wait3A_121] : memref<10240x128xf32, #tpu.memory_space<vmem_shared>> -> memref<80x128xf32, #tpu.memory_space<vmem_shared>>
      %dma_wait3A_123 = arith.constant 0 : i32
      %dma_wait3A_124 = tpu.memref_slice %arg11[%add3A_36, %dma_wait3A_123] : memref<10240x128xf32, #tpu.memory_space<vmem_shared>> -> memref<80x128xf32, #tpu.memory_space<vmem_shared>>
      tpu.wait_dma2 semaphore(%run_scoped3A : memref<!tpu.dma_semaphore, #tpu.memory_space<semaphore_mem>>) src(%arg9 : memref<80x128xf32, #tpu.memory_space<vmem>>) dst(%dma_wait3A_124 : memref<80x128xf32, #tpu.memory_space<vmem_shared>>)
      tpu.yield
    }) : () -> ()
    "tpu.region"() ({
      %run_scoped3A = tpu.sem_alloc : memref<!tpu.dma_semaphore, #tpu.memory_space<semaphore_mem>>
      %dma_start3A_117 = arith.constant 0 : i32
      %dma_start3A_118 = tpu.memref_slice %arg3[%add3A, %dma_start3A_117] : memref<32x10000xi32, #tpu.memory_space<hbm>> -> memref<1x10000xi32, #tpu.memory_space<hbm>>
      %dma_start3A_119 = tpu.memref_squeeze %dma_start3A_118 : memref<1x10000xi32, #tpu.memory_space<hbm>> -> memref<10000xi32, #tpu.memory_space<hbm>>
      %dma_start3A_120 = arith.constant 0 : i32
      %dma_start3A_121 = tpu.memref_slice %arg3[%add3A, %dma_start3A_120] : memref<32x10000xi32, #tpu.memory_space<hbm>> -> memref<1x10000xi32, #tpu.memory_space<hbm>>
      %dma_start3A_122 = tpu.memref_squeeze %dma_start3A_121 : memref<1x10000xi32, #tpu.memory_space<hbm>> -> memref<10000xi32, #tpu.memory_space<hbm>>
      tpu.enqueue_dma source(%dma_start3A_122 : memref<10000xi32, #tpu.memory_space<hbm>>) target(%arg5 : memref<10000xi32, #tpu.memory_space<vmem>>) target_semaphore(%run_scoped3A : memref<!tpu.dma_semaphore, #tpu.memory_space<semaphore_mem>>)
      %dma_wait3A_123 = arith.constant 0 : i32
      %dma_wait3A_124 = tpu.memref_slice %arg3[%add3A, %dma_wait3A_123] : memref<32x10000xi32, #tpu.memory_space<hbm>> -> memref<1x10000xi32, #tpu.memory_space<hbm>>
      %dma_wait3A_125 = tpu.memref_squeeze %dma_wait3A_124 : memref<1x10000xi32, #tpu.memory_space<hbm>> -> memref<10000xi32, #tpu.memory_space<hbm>>
      %dma_wait3A_126 = arith.constant 0 : i32
      %dma_wait3A_127 = tpu.memref_slice %arg3[%add3A, %dma_wait3A_126] : memref<32x10000xi32, #tpu.memory_space<hbm>> -> memref<1x10000xi32, #tpu.memory_space<hbm>>
      %dma_wait3A_128 = tpu.memref_squeeze %dma_wait3A_127 : memref<1x10000xi32, #tpu.memory_space<hbm>> -> memref<10000xi32, #tpu.memory_space<hbm>>
      tpu.wait_dma2 semaphore(%run_scoped3A : memref<!tpu.dma_semaphore, #tpu.memory_space<semaphore_mem>>) src(%dma_wait3A_128 : memref<10000xi32, #tpu.memory_space<hbm>>) dst(%arg5 : memref<10000xi32, #tpu.memory_space<vmem>>)
      tpu.yield
    }) : () -> ()
    %barrier3A = arith.constant 0 : index
    tpu.barrier barrier_id(%barrier3A)
    %get3A = arith.constant 0 : index
    %get3A_37 = tpu.vector_load %arg5[%get3A] {strides = array<i32>} : memref<10000xi32, #tpu.memory_space<vmem>>, vector<16xi32>,
    %and3A = arith.constant 65535 : i32
    %and3A_38 = vector.broadcast %and3A : i32 to vector<16xi32>
    %and3A_39 = arith.andi %get3A_37, %and3A_38 : vector<16xi32>
    %swap3A = arith.constant 0 : index
    %swap3A_40 = tpu.vector_load %arg6[%swap3A] {strides = array<i32>} : memref<80xi32, #tpu.memory_space<vmem>>, vector<16xi32>,
    tpu.vector_store %arg6[%swap3A], %and3A_39 {strides = array<i32>} : memref<80xi32, #tpu.memory_space<vmem>>, vector<16xi32>,
    %get3A_41 = arith.constant 16 : index
    %get3A_42 = tpu.vector_load %arg5[%get3A_41] {strides = array<i32>} : memref<10000xi32, #tpu.memory_space<vmem>>, vector<16xi32>,
    %and3A_43 = arith.constant 65535 : i32
    %and3A_44 = vector.broadcast %and3A_43 : i32 to vector<16xi32>
    %and3A_45 = arith.andi %get3A_42, %and3A_44 : vector<16xi32>
    %swap3A_46 = arith.constant 16 : index
    %swap3A_47 = tpu.vector_load %arg6[%swap3A_46] {strides = array<i32>} : memref<80xi32, #tpu.memory_space<vmem>>, vector<16xi32>,
    tpu.vector_store %arg6[%swap3A_46], %and3A_45 {strides = array<i32>} : memref<80xi32, #tpu.memory_space<vmem>>, vector<16xi32>,
    %get3A_48 = arith.constant 32 : index
    %get3A_49 = tpu.vector_load %arg5[%get3A_48] {strides = array<i32>} : memref<10000xi32, #tpu.memory_space<vmem>>, vector<16xi32>,
    %and3A_50 = arith.constant 65535 : i32
    %and3A_51 = vector.broadcast %and3A_50 : i32 to vector<16xi32>
    %and3A_52 = arith.andi %get3A_49, %and3A_51 : vector<16xi32>
    %swap3A_53 = arith.constant 32 : index
    %swap3A_54 = tpu.vector_load %arg6[%swap3A_53] {strides = array<i32>} : memref<80xi32, #tpu.memory_space<vmem>>, vector<16xi32>,
    tpu.vector_store %arg6[%swap3A_53], %and3A_52 {strides = array<i32>} : memref<80xi32, #tpu.memory_space<vmem>>, vector<16xi32>,
    %get3A_55 = arith.constant 48 : index
    %get3A_56 = tpu.vector_load %arg5[%get3A_55] {strides = array<i32>} : memref<10000xi32, #tpu.memory_space<vmem>>, vector<16xi32>,
    %and3A_57 = arith.constant 65535 : i32
    %and3A_58 = vector.broadcast %and3A_57 : i32 to vector<16xi32>
    %and3A_59 = arith.andi %get3A_56, %and3A_58 : vector<16xi32>
    %swap3A_60 = arith.constant 48 : index
    %swap3A_61 = tpu.vector_load %arg6[%swap3A_60] {strides = array<i32>} : memref<80xi32, #tpu.memory_space<vmem>>, vector<16xi32>,
    tpu.vector_store %arg6[%swap3A_60], %and3A_59 {strides = array<i32>} : memref<80xi32, #tpu.memory_space<vmem>>, vector<16xi32>,
    %get3A_62 = arith.constant 64 : index
    %get3A_63 = tpu.vector_load %arg5[%get3A_62] {strides = array<i32>} : memref<10000xi32, #tpu.memory_space<vmem>>, vector<16xi32>,
    %and3A_64 = arith.constant 65535 : i32
    %and3A_65 = vector.broadcast %and3A_64 : i32 to vector<16xi32>
    %and3A_66 = arith.andi %get3A_63, %and3A_65 : vector<16xi32>
    %swap3A_67 = arith.constant 64 : index
    %swap3A_68 = tpu.vector_load %arg6[%swap3A_67] {strides = array<i32>} : memref<80xi32, #tpu.memory_space<vmem>>, vector<16xi32>,
    tpu.vector_store %arg6[%swap3A_67], %and3A_66 {strides = array<i32>} : memref<80xi32, #tpu.memory_space<vmem>>, vector<16xi32>,
    %dma_start3A = arith.constant 0 : i32
    %dma_start3A_69 = arith.constant 0 : i32
    %dma_start3A_70 = tpu.memref_slice %arg2[%dma_start3A, %dma_start3A_69] : memref<10000x128xf32, #tpu.memory_space<hbm>> -> memref<10000x128xf32, #tpu.memory_space<hbm>>
    tpu.enqueue_indirect_dma source(%dma_start3A_70 : memref<10000x128xf32, #tpu.memory_space<hbm>>) target(%arg9 : memref<80x128xf32, #tpu.memory_space<vmem>>) offsets(%arg6 : memref<80xi32, #tpu.memory_space<vmem>>) semaphore(%arg12 : memref<!tpu.dma_semaphore, #tpu.memory_space<semaphore_mem>>)
    %scan3A_71 = arith.constant 0 : i32
    %scan3A_72 = arith.constant 62 : i32
    %scan3A_73 = arith.addi %scan3A_71, %scan3A_72 : i32
    %scan3A_74 = arith.constant 1 : i32
    scf.for %scan3A_117 = %scan3A_71 to %scan3A_73 step %scan3A_74  : i32 {
      %mul3A_118 = arith.constant 2 : i32
      %mul3A_119 = arith.muli %mul3A_118, %scan3A_117 : i32
      %add3A_120 = arith.constant 1 : i32
      %add3A_121 = arith.addi %mul3A_119, %add3A_120 : i32
      %mul3A_122 = arith.constant 80 : i32
      %mul3A_123 = arith.muli %add3A_121, %mul3A_122 : i32
      %add3A_124 = arith.constant 0 : i32
      %add3A_125 = arith.addi %mul3A_123, %add3A_124 : i32
      %get3A_126 = arith.index_cast %add3A_125 : i32 to index
      %get3A_127 = tpu.vector_load %arg5[%get3A_126] {strides = array<i32>} : memref<10000xi32, #tpu.memory_space<vmem>>, vector<16xi32>,
      %and3A_128 = arith.constant 65535 : i32
      %and3A_129 = vector.broadcast %and3A_128 : i32 to vector<16xi32>
      %and3A_130 = arith.andi %get3A_127, %and3A_129 : vector<16xi32>
      %swap3A_131 = arith.constant 0 : index
      %swap3A_132 = tpu.vector_load %arg7[%swap3A_131] {strides = array<i32>} : memref<80xi32, #tpu.memory_space<vmem>>, vector<16xi32>,
      tpu.vector_store %arg7[%swap3A_131], %and3A_130 {strides = array<i32>} : memref<80xi32, #tpu.memory_space<vmem>>, vector<16xi32>,
      %mul3A_133 = arith.constant 80 : i32
      %mul3A_134 = arith.muli %add3A_121, %mul3A_133 : i32
      %add3A_135 = arith.constant 16 : i32
      %add3A_136 = arith.addi %mul3A_134, %add3A_135 : i32
      %get3A_137 = arith.index_cast %add3A_136 : i32 to index
      %get3A_138 = tpu.vector_load %arg5[%get3A_137] {strides = array<i32>} : memref<10000xi32, #tpu.memory_space<vmem>>, vector<16xi32>,
      %and3A_139 = arith.constant 65535 : i32
      %and3A_140 = vector.broadcast %and3A_139 : i32 to vector<16xi32>
      %and3A_141 = arith.andi %get3A_138, %and3A_140 : vector<16xi32>
      %swap3A_142 = arith.constant 16 : index
      %swap3A_143 = tpu.vector_load %arg7[%swap3A_142] {strides = array<i32>} : memref<80xi32, #tpu.memory_space<vmem>>, vector<16xi32>,
      tpu.vector_store %arg7[%swap3A_142], %and3A_141 {strides = array<i32>} : memref<80xi32, #tpu.memory_space<vmem>>, vector<16xi32>,
      %mul3A_144 = arith.constant 80 : i32
      %mul3A_145 = arith.muli %add3A_121, %mul3A_144 : i32
      %add3A_146 = arith.constant 32 : i32
      %add3A_147 = arith.addi %mul3A_145, %add3A_146 : i32
      %get3A_148 = arith.index_cast %add3A_147 : i32 to index
      %get3A_149 = tpu.vector_load %arg5[%get3A_148] {strides = array<i32>} : memref<10000xi32, #tpu.memory_space<vmem>>, vector<16xi32>,
      %and3A_150 = arith.constant 65535 : i32
      %and3A_151 = vector.broadcast %and3A_150 : i32 to vector<16xi32>
      %and3A_152 = arith.andi %get3A_149, %and3A_151 : vector<16xi32>
      %swap3A_153 = arith.constant 32 : index
      %swap3A_154 = tpu.vector_load %arg7[%swap3A_153] {strides = array<i32>} : memref<80xi32, #tpu.memory_space<vmem>>, vector<16xi32>,
      tpu.vector_store %arg7[%swap3A_153], %and3A_152 {strides = array<i32>} : memref<80xi32, #tpu.memory_space<vmem>>, vector<16xi32>,
      %mul3A_155 = arith.constant 80 : i32
      %mul3A_156 = arith.muli %add3A_121, %mul3A_155 : i32
      %add3A_157 = arith.constant 48 : i32
      %add3A_158 = arith.addi %mul3A_156, %add3A_157 : i32
      %get3A_159 = arith.index_cast %add3A_158 : i32 to index
      %get3A_160 = tpu.vector_load %arg5[%get3A_159] {strides = array<i32>} : memref<10000xi32, #tpu.memory_space<vmem>>, vector<16xi32>,
      %and3A_161 = arith.constant 65535 : i32
      %and3A_162 = vector.broadcast %and3A_161 : i32 to vector<16xi32>
      %and3A_163 = arith.andi %get3A_160, %and3A_162 : vector<16xi32>
      %swap3A_164 = arith.constant 48 : index
      %swap3A_165 = tpu.vector_load %arg7[%swap3A_164] {strides = array<i32>} : memref<80xi32, #tpu.memory_space<vmem>>, vector<16xi32>,
      tpu.vector_store %arg7[%swap3A_164], %and3A_163 {strides = array<i32>} : memref<80xi32, #tpu.memory_space<vmem>>, vector<16xi32>,
      %mul3A_166 = arith.constant 80 : i32
      %mul3A_167 = arith.muli %add3A_121, %mul3A_166 : i32
      %add3A_168 = arith.constant 64 : i32
      %add3A_169 = arith.addi %mul3A_167, %add3A_168 : i32
      %get3A_170 = arith.index_cast %add3A_169 : i32 to index
      %get3A_171 = tpu.vector_load %arg5[%get3A_170] {strides = array<i32>} : memref<10000xi32, #tpu.memory_space<vmem>>, vector<16xi32>,
      %and3A_172 = arith.constant 65535 : i32
      %and3A_173 = vector.broadcast %and3A_172 : i32 to vector<16xi32>
      %and3A_174 = arith.andi %get3A_171, %and3A_173 : vector<16xi32>
      %swap3A_175 = arith.constant 64 : index
      %swap3A_176 = tpu.vector_load %arg7[%swap3A_175] {strides = array<i32>} : memref<80xi32, #tpu.memory_space<vmem>>, vector<16xi32>,
      tpu.vector_store %arg7[%swap3A_175], %and3A_174 {strides = array<i32>} : memref<80xi32, #tpu.memory_space<vmem>>, vector<16xi32>,
      %dma_start3A_177 = arith.constant 0 : i32
      %dma_start3A_178 = arith.constant 0 : i32
      %dma_start3A_179 = tpu.memref_slice %arg2[%dma_start3A_177, %dma_start3A_178] : memref<10000x128xf32, #tpu.memory_space<hbm>> -> memref<10000x128xf32, #tpu.memory_space<hbm>>
      tpu.enqueue_indirect_dma source(%dma_start3A_179 : memref<10000x128xf32, #tpu.memory_space<hbm>>) target(%arg10 : memref<80x128xf32, #tpu.memory_space<vmem>>) offsets(%arg7 : memref<80xi32, #tpu.memory_space<vmem>>) semaphore(%arg13 : memref<!tpu.dma_semaphore, #tpu.memory_space<semaphore_mem>>)
      %dma_wait3A_180 = arith.constant 0 : i32
      %dma_wait3A_181 = arith.constant 0 : i32
      %dma_wait3A_182 = tpu.memref_slice %arg2[%dma_wait3A_180, %dma_wait3A_181] : memref<10000x128xf32, #tpu.memory_space<hbm>> -> memref<10000x128xf32, #tpu.memory_space<hbm>>
      tpu.wait_indirect_dma semaphore(%arg12 : memref<!tpu.dma_semaphore, #tpu.memory_space<semaphore_mem>>) src(%dma_wait3A_182 : memref<10000x128xf32, #tpu.memory_space<hbm>>) dst(%arg9 : memref<80x128xf32, #tpu.memory_space<vmem>>)
      %mul3A_183 = arith.constant 80 : i32
      %mul3A_184 = arith.muli %mul3A_119, %mul3A_183 : i32
      %add3A_185 = arith.constant 0 : i32
      %add3A_186 = arith.addi %mul3A_184, %add3A_185 : i32
      %get3A_187 = arith.index_cast %add3A_186 : i32 to index
      %get3A_188 = tpu.vector_load %arg5[%get3A_187] {strides = array<i32>} : memref<10000xi32, #tpu.memory_space<vmem>>, vector<16xi32>,
      %shift_right_logical3A_189 = arith.constant 16 : i32
      %shift_right_logical3A_190 = vector.broadcast %shift_right_logical3A_189 : i32 to vector<16xi32>
      %shift_right_logical3A_191 = arith.shrui %get3A_188, %shift_right_logical3A_190 : vector<16xi32>
      %swap3A_192 = arith.constant 0 : index
      %swap3A_193 = tpu.vector_load %arg8[%swap3A_192] {strides = array<i32>} : memref<80xi32, #tpu.memory_space<vmem>>, vector<16xi32>,
      tpu.vector_store %arg8[%swap3A_192], %shift_right_logical3A_191 {strides = array<i32>} : memref<80xi32, #tpu.memory_space<vmem>>, vector<16xi32>,
      %mul3A_194 = arith.constant 80 : i32
      %mul3A_195 = arith.muli %mul3A_119, %mul3A_194 : i32
      %add3A_196 = arith.constant 16 : i32
      %add3A_197 = arith.addi %mul3A_195, %add3A_196 : i32
      %get3A_198 = arith.index_cast %add3A_197 : i32 to index
      %get3A_199 = tpu.vector_load %arg5[%get3A_198] {strides = array<i32>} : memref<10000xi32, #tpu.memory_space<vmem>>, vector<16xi32>,
      %shift_right_logical3A_200 = arith.constant 16 : i32
      %shift_right_logical3A_201 = vector.broadcast %shift_right_logical3A_200 : i32 to vector<16xi32>
      %shift_right_logical3A_202 = arith.shrui %get3A_199, %shift_right_logical3A_201 : vector<16xi32>
      %swap3A_203 = arith.constant 16 : index
      %swap3A_204 = tpu.vector_load %arg8[%swap3A_203] {strides = array<i32>} : memref<80xi32, #tpu.memory_space<vmem>>, vector<16xi32>,
      tpu.vector_store %arg8[%swap3A_203], %shift_right_logical3A_202 {strides = array<i32>} : memref<80xi32, #tpu.memory_space<vmem>>, vector<16xi32>,
      %mul3A_205 = arith.constant 80 : i32
      %mul3A_206 = arith.muli %mul3A_119, %mul3A_205 : i32
      %add3A_207 = arith.constant 32 : i32
      %add3A_208 = arith.addi %mul3A_206, %add3A_207 : i32
      %get3A_209 = arith.index_cast %add3A_208 : i32 to index
      %get3A_210 = tpu.vector_load %arg5[%get3A_209] {strides = array<i32>} : memref<10000xi32, #tpu.memory_space<vmem>>, vector<16xi32>,
      %shift_right_logical3A_211 = arith.constant 16 : i32
      %shift_right_logical3A_212 = vector.broadcast %shift_right_logical3A_211 : i32 to vector<16xi32>
      %shift_right_logical3A_213 = arith.shrui %get3A_210, %shift_right_logical3A_212 : vector<16xi32>
      %swap3A_214 = arith.constant 32 : index
      %swap3A_215 = tpu.vector_load %arg8[%swap3A_214] {strides = array<i32>} : memref<80xi32, #tpu.memory_space<vmem>>, vector<16xi32>,
      tpu.vector_store %arg8[%swap3A_214], %shift_right_logical3A_213 {strides = array<i32>} : memref<80xi32, #tpu.memory_space<vmem>>, vector<16xi32>,
      %mul3A_216 = arith.constant 80 : i32
      %mul3A_217 = arith.muli %mul3A_119, %mul3A_216 : i32
      %add3A_218 = arith.constant 48 : i32
      %add3A_219 = arith.addi %mul3A_217, %add3A_218 : i32
      %get3A_220 = arith.index_cast %add3A_219 : i32 to index
      %get3A_221 = tpu.vector_load %arg5[%get3A_220] {strides = array<i32>} : memref<10000xi32, #tpu.memory_space<vmem>>, vector<16xi32>,
      %shift_right_logical3A_222 = arith.constant 16 : i32
      %shift_right_logical3A_223 = vector.broadcast %shift_right_logical3A_222 : i32 to vector<16xi32>
      %shift_right_logical3A_224 = arith.shrui %get3A_221, %shift_right_logical3A_223 : vector<16xi32>
      %swap3A_225 = arith.constant 48 : index
      %swap3A_226 = tpu.vector_load %arg8[%swap3A_225] {strides = array<i32>} : memref<80xi32, #tpu.memory_space<vmem>>, vector<16xi32>,
      tpu.vector_store %arg8[%swap3A_225], %shift_right_logical3A_224 {strides = array<i32>} : memref<80xi32, #tpu.memory_space<vmem>>, vector<16xi32>,
      %mul3A_227 = arith.constant 80 : i32
      %mul3A_228 = arith.muli %mul3A_119, %mul3A_227 : i32
      %add3A_229 = arith.constant 64 : i32
      %add3A_230 = arith.addi %mul3A_228, %add3A_229 : i32
      %get3A_231 = arith.index_cast %add3A_230 : i32 to index
      %get3A_232 = tpu.vector_load %arg5[%get3A_231] {strides = array<i32>} : memref<10000xi32, #tpu.memory_space<vmem>>, vector<16xi32>,
      %shift_right_logical3A_233 = arith.constant 16 : i32
      %shift_right_logical3A_234 = vector.broadcast %shift_right_logical3A_233 : i32 to vector<16xi32>
      %shift_right_logical3A_235 = arith.shrui %get3A_232, %shift_right_logical3A_234 : vector<16xi32>
      %swap3A_236 = arith.constant 64 : index
      %swap3A_237 = tpu.vector_load %arg8[%swap3A_236] {strides = array<i32>} : memref<80xi32, #tpu.memory_space<vmem>>, vector<16xi32>,
      tpu.vector_store %arg8[%swap3A_236], %shift_right_logical3A_235 {strides = array<i32>} : memref<80xi32, #tpu.memory_space<vmem>>, vector<16xi32>,
      "tpu.region"() ({
        %run_scoped3A = tpu.sem_alloc : memref<!tpu.dma_semaphore, #tpu.memory_space<semaphore_mem>>
        %dma_start3A_358 = arith.constant 0 : i32
        %dma_start3A_359 = arith.constant 0 : i32
        %dma_start3A_360 = tpu.memref_slice %arg11[%dma_start3A_358, %dma_start3A_359] : memref<10240x128xf32, #tpu.memory_space<vmem_shared>> -> memref<10240x128xf32, #tpu.memory_space<vmem_shared>>
        tpu.enqueue_indirect_dma source(%arg9 : memref<80x128xf32, #tpu.memory_space<vmem>>) target(%dma_start3A_360 : memref<10240x128xf32, #tpu.memory_space<vmem_shared>>) offsets(%arg8 : memref<80xi32, #tpu.memory_space<vmem>>) semaphore(%run_scoped3A : memref<!tpu.dma_semaphore, #tpu.memory_space<semaphore_mem>>) {add = true}
        %dma_wait3A_361 = arith.constant 0 : i32
        %dma_wait3A_362 = arith.constant 0 : i32
        %dma_wait3A_363 = tpu.memref_slice %arg11[%dma_wait3A_361, %dma_wait3A_362] : memref<10240x128xf32, #tpu.memory_space<vmem_shared>> -> memref<10240x128xf32, #tpu.memory_space<vmem_shared>>
        tpu.wait_indirect_dma semaphore(%run_scoped3A : memref<!tpu.dma_semaphore, #tpu.memory_space<semaphore_mem>>) src(%arg9 : memref<80x128xf32, #tpu.memory_space<vmem>>) dst(%dma_wait3A_363 : memref<10240x128xf32, #tpu.memory_space<vmem_shared>>)
        tpu.yield
      }) : () -> ()
      %add3A_238 = arith.constant 2 : i32
      %add3A_239 = arith.addi %mul3A_119, %add3A_238 : i32
      %mul3A_240 = arith.constant 80 : i32
      %mul3A_241 = arith.muli %add3A_239, %mul3A_240 : i32
      %add3A_242 = arith.constant 0 : i32
      %add3A_243 = arith.addi %mul3A_241, %add3A_242 : i32
      %get3A_244 = arith.index_cast %add3A_243 : i32 to index
      %get3A_245 = tpu.vector_load %arg5[%get3A_244] {strides = array<i32>} : memref<10000xi32, #tpu.memory_space<vmem>>, vector<16xi32>,
      %and3A_246 = arith.constant 65535 : i32
      %and3A_247 = vector.broadcast %and3A_246 : i32 to vector<16xi32>
      %and3A_248 = arith.andi %get3A_245, %and3A_247 : vector<16xi32>
      %swap3A_249 = arith.constant 0 : index
      %swap3A_250 = tpu.vector_load %arg6[%swap3A_249] {strides = array<i32>} : memref<80xi32, #tpu.memory_space<vmem>>, vector<16xi32>,
      tpu.vector_store %arg6[%swap3A_249], %and3A_248 {strides = array<i32>} : memref<80xi32, #tpu.memory_space<vmem>>, vector<16xi32>,
      %mul3A_251 = arith.constant 80 : i32
      %mul3A_252 = arith.muli %add3A_239, %mul3A_251 : i32
      %add3A_253 = arith.constant 16 : i32
      %add3A_254 = arith.addi %mul3A_252, %add3A_253 : i32
      %get3A_255 = arith.index_cast %add3A_254 : i32 to index
      %get3A_256 = tpu.vector_load %arg5[%get3A_255] {strides = array<i32>} : memref<10000xi32, #tpu.memory_space<vmem>>, vector<16xi32>,
      %and3A_257 = arith.constant 65535 : i32
      %and3A_258 = vector.broadcast %and3A_257 : i32 to vector<16xi32>
      %and3A_259 = arith.andi %get3A_256, %and3A_258 : vector<16xi32>
      %swap3A_260 = arith.constant 16 : index
      %swap3A_261 = tpu.vector_load %arg6[%swap3A_260] {strides = array<i32>} : memref<80xi32, #tpu.memory_space<vmem>>, vector<16xi32>,
      tpu.vector_store %arg6[%swap3A_260], %and3A_259 {strides = array<i32>} : memref<80xi32, #tpu.memory_space<vmem>>, vector<16xi32>,
      %mul3A_262 = arith.constant 80 : i32
      %mul3A_263 = arith.muli %add3A_239, %mul3A_262 : i32
      %add3A_264 = arith.constant 32 : i32
      %add3A_265 = arith.addi %mul3A_263, %add3A_264 : i32
      %get3A_266 = arith.index_cast %add3A_265 : i32 to index
      %get3A_267 = tpu.vector_load %arg5[%get3A_266] {strides = array<i32>} : memref<10000xi32, #tpu.memory_space<vmem>>, vector<16xi32>,
      %and3A_268 = arith.constant 65535 : i32
      %and3A_269 = vector.broadcast %and3A_268 : i32 to vector<16xi32>
      %and3A_270 = arith.andi %get3A_267, %and3A_269 : vector<16xi32>
      %swap3A_271 = arith.constant 32 : index
      %swap3A_272 = tpu.vector_load %arg6[%swap3A_271] {strides = array<i32>} : memref<80xi32, #tpu.memory_space<vmem>>, vector<16xi32>,
      tpu.vector_store %arg6[%swap3A_271], %and3A_270 {strides = array<i32>} : memref<80xi32, #tpu.memory_space<vmem>>, vector<16xi32>,
      %mul3A_273 = arith.constant 80 : i32
      %mul3A_274 = arith.muli %add3A_239, %mul3A_273 : i32
      %add3A_275 = arith.constant 48 : i32
      %add3A_276 = arith.addi %mul3A_274, %add3A_275 : i32
      %get3A_277 = arith.index_cast %add3A_276 : i32 to index
      %get3A_278 = tpu.vector_load %arg5[%get3A_277] {strides = array<i32>} : memref<10000xi32, #tpu.memory_space<vmem>>, vector<16xi32>,
      %and3A_279 = arith.constant 65535 : i32
      %and3A_280 = vector.broadcast %and3A_279 : i32 to vector<16xi32>
      %and3A_281 = arith.andi %get3A_278, %and3A_280 : vector<16xi32>
      %swap3A_282 = arith.constant 48 : index
      %swap3A_283 = tpu.vector_load %arg6[%swap3A_282] {strides = array<i32>} : memref<80xi32, #tpu.memory_space<vmem>>, vector<16xi32>,
      tpu.vector_store %arg6[%swap3A_282], %and3A_281 {strides = array<i32>} : memref<80xi32, #tpu.memory_space<vmem>>, vector<16xi32>,
      %mul3A_284 = arith.constant 80 : i32
      %mul3A_285 = arith.muli %add3A_239, %mul3A_284 : i32
      %add3A_286 = arith.constant 64 : i32
      %add3A_287 = arith.addi %mul3A_285, %add3A_286 : i32
      %get3A_288 = arith.index_cast %add3A_287 : i32 to index
      %get3A_289 = tpu.vector_load %arg5[%get3A_288] {strides = array<i32>} : memref<10000xi32, #tpu.memory_space<vmem>>, vector<16xi32>,
      %and3A_290 = arith.constant 65535 : i32
      %and3A_291 = vector.broadcast %and3A_290 : i32 to vector<16xi32>
      %and3A_292 = arith.andi %get3A_289, %and3A_291 : vector<16xi32>
      %swap3A_293 = arith.constant 64 : index
      %swap3A_294 = tpu.vector_load %arg6[%swap3A_293] {strides = array<i32>} : memref<80xi32, #tpu.memory_space<vmem>>, vector<16xi32>,
      tpu.vector_store %arg6[%swap3A_293], %and3A_292 {strides = array<i32>} : memref<80xi32, #tpu.memory_space<vmem>>, vector<16xi32>,
      %dma_start3A_295 = arith.constant 0 : i32
      %dma_start3A_296 = arith.constant 0 : i32
      %dma_start3A_297 = tpu.memref_slice %arg2[%dma_start3A_295, %dma_start3A_296] : memref<10000x128xf32, #tpu.memory_space<hbm>> -> memref<10000x128xf32, #tpu.memory_space<hbm>>
      tpu.enqueue_indirect_dma source(%dma_start3A_297 : memref<10000x128xf32, #tpu.memory_space<hbm>>) target(%arg9 : memref<80x128xf32, #tpu.memory_space<vmem>>) offsets(%arg6 : memref<80xi32, #tpu.memory_space<vmem>>) semaphore(%arg12 : memref<!tpu.dma_semaphore, #tpu.memory_space<semaphore_mem>>)
      %dma_wait3A_298 = arith.constant 0 : i32
      %dma_wait3A_299 = arith.constant 0 : i32
      %dma_wait3A_300 = tpu.memref_slice %arg2[%dma_wait3A_298, %dma_wait3A_299] : memref<10000x128xf32, #tpu.memory_space<hbm>> -> memref<10000x128xf32, #tpu.memory_space<hbm>>
      tpu.wait_indirect_dma semaphore(%arg13 : memref<!tpu.dma_semaphore, #tpu.memory_space<semaphore_mem>>) src(%dma_wait3A_300 : memref<10000x128xf32, #tpu.memory_space<hbm>>) dst(%arg10 : memref<80x128xf32, #tpu.memory_space<vmem>>)
      %add3A_301 = arith.constant 1 : i32
      %add3A_302 = arith.addi %mul3A_119, %add3A_301 : i32
      %mul3A_303 = arith.constant 80 : i32
      %mul3A_304 = arith.muli %add3A_302, %mul3A_303 : i32
      %add3A_305 = arith.constant 0 : i32
      %add3A_306 = arith.addi %mul3A_304, %add3A_305 : i32
      %get3A_307 = arith.index_cast %add3A_306 : i32 to index
      %get3A_308 = tpu.vector_load %arg5[%get3A_307] {strides = array<i32>} : memref<10000xi32, #tpu.memory_space<vmem>>, vector<16xi32>,
      %shift_right_logical3A_309 = arith.constant 16 : i32
      %shift_right_logical3A_310 = vector.broadcast %shift_right_logical3A_309 : i32 to vector<16xi32>
      %shift_right_logical3A_311 = arith.shrui %get3A_308, %shift_right_logical3A_310 : vector<16xi32>
      %swap3A_312 = arith.constant 0 : index
      %swap3A_313 = tpu.vector_load %arg8[%swap3A_312] {strides = array<i32>} : memref<80xi32, #tpu.memory_space<vmem>>, vector<16xi32>,
      tpu.vector_store %arg8[%swap3A_312], %shift_right_logical3A_311 {strides = array<i32>} : memref<80xi32, #tpu.memory_space<vmem>>, vector<16xi32>,
      %mul3A_314 = arith.constant 80 : i32
      %mul3A_315 = arith.muli %add3A_302, %mul3A_314 : i32
      %add3A_316 = arith.constant 16 : i32
      %add3A_317 = arith.addi %mul3A_315, %add3A_316 : i32
      %get3A_318 = arith.index_cast %add3A_317 : i32 to index
      %get3A_319 = tpu.vector_load %arg5[%get3A_318] {strides = array<i32>} : memref<10000xi32, #tpu.memory_space<vmem>>, vector<16xi32>,
      %shift_right_logical3A_320 = arith.constant 16 : i32
      %shift_right_logical3A_321 = vector.broadcast %shift_right_logical3A_320 : i32 to vector<16xi32>
      %shift_right_logical3A_322 = arith.shrui %get3A_319, %shift_right_logical3A_321 : vector<16xi32>
      %swap3A_323 = arith.constant 16 : index
      %swap3A_324 = tpu.vector_load %arg8[%swap3A_323] {strides = array<i32>} : memref<80xi32, #tpu.memory_space<vmem>>, vector<16xi32>,
      tpu.vector_store %arg8[%swap3A_323], %shift_right_logical3A_322 {strides = array<i32>} : memref<80xi32, #tpu.memory_space<vmem>>, vector<16xi32>,
      %mul3A_325 = arith.constant 80 : i32
      %mul3A_326 = arith.muli %add3A_302, %mul3A_325 : i32
      %add3A_327 = arith.constant 32 : i32
      %add3A_328 = arith.addi %mul3A_326, %add3A_327 : i32
      %get3A_329 = arith.index_cast %add3A_328 : i32 to index
      %get3A_330 = tpu.vector_load %arg5[%get3A_329] {strides = array<i32>} : memref<10000xi32, #tpu.memory_space<vmem>>, vector<16xi32>,
      %shift_right_logical3A_331 = arith.constant 16 : i32
      %shift_right_logical3A_332 = vector.broadcast %shift_right_logical3A_331 : i32 to vector<16xi32>
      %shift_right_logical3A_333 = arith.shrui %get3A_330, %shift_right_logical3A_332 : vector<16xi32>
      %swap3A_334 = arith.constant 32 : index
      %swap3A_335 = tpu.vector_load %arg8[%swap3A_334] {strides = array<i32>} : memref<80xi32, #tpu.memory_space<vmem>>, vector<16xi32>,
      tpu.vector_store %arg8[%swap3A_334], %shift_right_logical3A_333 {strides = array<i32>} : memref<80xi32, #tpu.memory_space<vmem>>, vector<16xi32>,
      %mul3A_336 = arith.constant 80 : i32
      %mul3A_337 = arith.muli %add3A_302, %mul3A_336 : i32
      %add3A_338 = arith.constant 48 : i32
      %add3A_339 = arith.addi %mul3A_337, %add3A_338 : i32
      %get3A_340 = arith.index_cast %add3A_339 : i32 to index
      %get3A_341 = tpu.vector_load %arg5[%get3A_340] {strides = array<i32>} : memref<10000xi32, #tpu.memory_space<vmem>>, vector<16xi32>,
      %shift_right_logical3A_342 = arith.constant 16 : i32
      %shift_right_logical3A_343 = vector.broadcast %shift_right_logical3A_342 : i32 to vector<16xi32>
      %shift_right_logical3A_344 = arith.shrui %get3A_341, %shift_right_logical3A_343 : vector<16xi32>
      %swap3A_345 = arith.constant 48 : index
      %swap3A_346 = tpu.vector_load %arg8[%swap3A_345] {strides = array<i32>} : memref<80xi32, #tpu.memory_space<vmem>>, vector<16xi32>,
      tpu.vector_store %arg8[%swap3A_345], %shift_right_logical3A_344 {strides = array<i32>} : memref<80xi32, #tpu.memory_space<vmem>>, vector<16xi32>,
      %mul3A_347 = arith.constant 80 : i32
      %mul3A_348 = arith.muli %add3A_302, %mul3A_347 : i32
      %add3A_349 = arith.constant 64 : i32
      %add3A_350 = arith.addi %mul3A_348, %add3A_349 : i32
      %get3A_351 = arith.index_cast %add3A_350 : i32 to index
      %get3A_352 = tpu.vector_load %arg5[%get3A_351] {strides = array<i32>} : memref<10000xi32, #tpu.memory_space<vmem>>, vector<16xi32>,
      %shift_right_logical3A_353 = arith.constant 16 : i32
      %shift_right_logical3A_354 = vector.broadcast %shift_right_logical3A_353 : i32 to vector<16xi32>
      %shift_right_logical3A_355 = arith.shrui %get3A_352, %shift_right_logical3A_354 : vector<16xi32>
      %swap3A_356 = arith.constant 64 : index
      %swap3A_357 = tpu.vector_load %arg8[%swap3A_356] {strides = array<i32>} : memref<80xi32, #tpu.memory_space<vmem>>, vector<16xi32>,
      tpu.vector_store %arg8[%swap3A_356], %shift_right_logical3A_355 {strides = array<i32>} : memref<80xi32, #tpu.memory_space<vmem>>, vector<16xi32>,
      "tpu.region"() ({
        %run_scoped3A = tpu.sem_alloc : memref<!tpu.dma_semaphore, #tpu.memory_space<semaphore_mem>>
        %dma_start3A_358 = arith.constant 0 : i32
        %dma_start3A_359 = arith.constant 0 : i32
        %dma_start3A_360 = tpu.memref_slice %arg11[%dma_start3A_358, %dma_start3A_359] : memref<10240x128xf32, #tpu.memory_space<vmem_shared>> -> memref<10240x128xf32, #tpu.memory_space<vmem_shared>>
        tpu.enqueue_indirect_dma source(%arg10 : memref<80x128xf32, #tpu.memory_space<vmem>>) target(%dma_start3A_360 : memref<10240x128xf32, #tpu.memory_space<vmem_shared>>) offsets(%arg8 : memref<80xi32, #tpu.memory_space<vmem>>) semaphore(%run_scoped3A : memref<!tpu.dma_semaphore, #tpu.memory_space<semaphore_mem>>) {add = true}
        %dma_wait3A_361 = arith.constant 0 : i32
        %dma_wait3A_362 = arith.constant 0 : i32
        %dma_wait3A_363 = tpu.memref_slice %arg11[%dma_wait3A_361, %dma_wait3A_362] : memref<10240x128xf32, #tpu.memory_space<vmem_shared>> -> memref<10240x128xf32, #tpu.memory_space<vmem_shared>>
        tpu.wait_indirect_dma semaphore(%run_scoped3A : memref<!tpu.dma_semaphore, #tpu.memory_space<semaphore_mem>>) src(%arg10 : memref<80x128xf32, #tpu.memory_space<vmem>>) dst(%dma_wait3A_363 : memref<10240x128xf32, #tpu.memory_space<vmem_shared>>)
        tpu.yield
      }) : () -> ()
    }
    %scan3A_75 = arith.constant 62 : i32
    %dma_wait3A = arith.constant 0 : i32
    %dma_wait3A_76 = arith.constant 0 : i32
    %dma_wait3A_77 = tpu.memref_slice %arg2[%dma_wait3A, %dma_wait3A_76] : memref<10000x128xf32, #tpu.memory_space<hbm>> -> memref<10000x128xf32, #tpu.memory_space<hbm>>
    tpu.wait_indirect_dma semaphore(%arg12 : memref<!tpu.dma_semaphore, #tpu.memory_space<semaphore_mem>>) src(%dma_wait3A_77 : memref<10000x128xf32, #tpu.memory_space<hbm>>) dst(%arg9 : memref<80x128xf32, #tpu.memory_space<vmem>>)
    %get3A_78 = arith.constant 9920 : index
    %get3A_79 = tpu.vector_load %arg5[%get3A_78] {strides = array<i32>} : memref<10000xi32, #tpu.memory_space<vmem>>, vector<16xi32>,
    %shift_right_logical3A = arith.constant 16 : i32
    %shift_right_logical3A_80 = vector.broadcast %shift_right_logical3A : i32 to vector<16xi32>
    %shift_right_logical3A_81 = arith.shrui %get3A_79, %shift_right_logical3A_80 : vector<16xi32>
    %swap3A_82 = arith.constant 0 : index
    %swap3A_83 = tpu.vector_load %arg8[%swap3A_82] {strides = array<i32>} : memref<80xi32, #tpu.memory_space<vmem>>, vector<16xi32>,
    tpu.vector_store %arg8[%swap3A_82], %shift_right_logical3A_81 {strides = array<i32>} : memref<80xi32, #tpu.memory_space<vmem>>, vector<16xi32>,
    %get3A_84 = arith.constant 9936 : index
    %get3A_85 = tpu.vector_load %arg5[%get3A_84] {strides = array<i32>} : memref<10000xi32, #tpu.memory_space<vmem>>, vector<16xi32>,
    %shift_right_logical3A_86 = arith.constant 16 : i32
    %shift_right_logical3A_87 = vector.broadcast %shift_right_logical3A_86 : i32 to vector<16xi32>
    %shift_right_logical3A_88 = arith.shrui %get3A_85, %shift_right_logical3A_87 : vector<16xi32>
    %swap3A_89 = arith.constant 16 : index
    %swap3A_90 = tpu.vector_load %arg8[%swap3A_89] {strides = array<i32>} : memref<80xi32, #tpu.memory_space<vmem>>, vector<16xi32>,
    tpu.vector_store %arg8[%swap3A_89], %shift_right_logical3A_88 {strides = array<i32>} : memref<80xi32, #tpu.memory_space<vmem>>, vector<16xi32>,
    %get3A_91 = arith.constant 9952 : index
    %get3A_92 = tpu.vector_load %arg5[%get3A_91] {strides = array<i32>} : memref<10000xi32, #tpu.memory_space<vmem>>, vector<16xi32>,
    %shift_right_logical3A_93 = arith.constant 16 : i32
    %shift_right_logical3A_94 = vector.broadcast %shift_right_logical3A_93 : i32 to vector<16xi32>
    %shift_right_logical3A_95 = arith.shrui %get3A_92, %shift_right_logical3A_94 : vector<16xi32>
    %swap3A_96 = arith.constant 32 : index
    %swap3A_97 = tpu.vector_load %arg8[%swap3A_96] {strides = array<i32>} : memref<80xi32, #tpu.memory_space<vmem>>, vector<16xi32>,
    tpu.vector_store %arg8[%swap3A_96], %shift_right_logical3A_95 {strides = array<i32>} : memref<80xi32, #tpu.memory_space<vmem>>, vector<16xi32>,
    %get3A_98 = arith.constant 9968 : index
    %get3A_99 = tpu.vector_load %arg5[%get3A_98] {strides = array<i32>} : memref<10000xi32, #tpu.memory_space<vmem>>, vector<16xi32>,
    %shift_right_logical3A_100 = arith.constant 16 : i32
    %shift_right_logical3A_101 = vector.broadcast %shift_right_logical3A_100 : i32 to vector<16xi32>
    %shift_right_logical3A_102 = arith.shrui %get3A_99, %shift_right_logical3A_101 : vector<16xi32>
    %swap3A_103 = arith.constant 48 : index
    %swap3A_104 = tpu.vector_load %arg8[%swap3A_103] {strides = array<i32>} : memref<80xi32, #tpu.memory_space<vmem>>, vector<16xi32>,
    tpu.vector_store %arg8[%swap3A_103], %shift_right_logical3A_102 {strides = array<i32>} : memref<80xi32, #tpu.memory_space<vmem>>, vector<16xi32>,
    %get3A_105 = arith.constant 9984 : index
    %get3A_106 = tpu.vector_load %arg5[%get3A_105] {strides = array<i32>} : memref<10000xi32, #tpu.memory_space<vmem>>, vector<16xi32>,
    %shift_right_logical3A_107 = arith.constant 16 : i32
    %shift_right_logical3A_108 = vector.broadcast %shift_right_logical3A_107 : i32 to vector<16xi32>
    %shift_right_logical3A_109 = arith.shrui %get3A_106, %shift_right_logical3A_108 : vector<16xi32>
    %swap3A_110 = arith.constant 64 : index
    %swap3A_111 = tpu.vector_load %arg8[%swap3A_110] {strides = array<i32>} : memref<80xi32, #tpu.memory_space<vmem>>, vector<16xi32>,
    tpu.vector_store %arg8[%swap3A_110], %shift_right_logical3A_109 {strides = array<i32>} : memref<80xi32, #tpu.memory_space<vmem>>, vector<16xi32>,
    "tpu.region"() ({
      %run_scoped3A = tpu.sem_alloc : memref<!tpu.dma_semaphore, #tpu.memory_space<semaphore_mem>>
      %dma_start3A_117 = arith.constant 0 : i32
      %dma_start3A_118 = arith.constant 0 : i32
      %dma_start3A_119 = tpu.memref_slice %arg11[%dma_start3A_117, %dma_start3A_118] : memref<10240x128xf32, #tpu.memory_space<vmem_shared>> -> memref<10240x128xf32, #tpu.memory_space<vmem_shared>>
      tpu.enqueue_indirect_dma source(%arg9 : memref<80x128xf32, #tpu.memory_space<vmem>>) target(%dma_start3A_119 : memref<10240x128xf32, #tpu.memory_space<vmem_shared>>) offsets(%arg8 : memref<80xi32, #tpu.memory_space<vmem>>) semaphore(%run_scoped3A : memref<!tpu.dma_semaphore, #tpu.memory_space<semaphore_mem>>) {add = true}
      %dma_wait3A_120 = arith.constant 0 : i32
      %dma_wait3A_121 = arith.constant 0 : i32
      %dma_wait3A_122 = tpu.memref_slice %arg11[%dma_wait3A_120, %dma_wait3A_121] : memref<10240x128xf32, #tpu.memory_space<vmem_shared>> -> memref<10240x128xf32, #tpu.memory_space<vmem_shared>>
      tpu.wait_indirect_dma semaphore(%run_scoped3A : memref<!tpu.dma_semaphore, #tpu.memory_space<semaphore_mem>>) src(%arg9 : memref<80x128xf32, #tpu.memory_space<vmem>>) dst(%dma_wait3A_122 : memref<10240x128xf32, #tpu.memory_space<vmem_shared>>)
      tpu.yield
    }) : () -> ()
    %barrier3A_112 = arith.constant 0 : index
    tpu.barrier barrier_id(%barrier3A_112)
    %mul3A_113 = arith.constant 640 : i32
    %mul3A_114 = arith.muli %arg1, %mul3A_113 : i32
    %mul3A_115 = arith.constant 640 : i32
    %mul3A_116 = arith.muli %arg1, %mul3A_115 : i32
    "tpu.region"() ({
      %run_scoped3A = tpu.sem_alloc : memref<!tpu.dma_semaphore, #tpu.memory_space<semaphore_mem>>
      %dma_start3A_117 = arith.constant 0 : i32
      %dma_start3A_118 = tpu.memref_slice %arg4[%arg0, %mul3A_116, %dma_start3A_117] : memref<2x10240x128xf32, #tpu.memory_space<hbm>> -> memref<1x640x128xf32, #tpu.memory_space<hbm>>
      %dma_start3A_119 = tpu.memref_squeeze %dma_start3A_118 : memref<1x640x128xf32, #tpu.memory_space<hbm>> -> memref<640x128xf32, #tpu.memory_space<hbm>>
      %dma_start3A_120 = arith.constant 0 : i32
      %dma_start3A_121 = tpu.memref_slice %arg11[%mul3A_114, %dma_start3A_120] : memref<10240x128xf32, #tpu.memory_space<vmem_shared>> -> memref<640x128xf32, #tpu.memory_space<vmem_shared>>
      tpu.enqueue_dma source(%dma_start3A_121 : memref<640x128xf32, #tpu.memory_space<vmem_shared>>) target(%dma_start3A_119 : memref<640x128xf32, #tpu.memory_space<hbm>>) target_semaphore(%run_scoped3A : memref<!tpu.dma_semaphore, #tpu.memory_space<semaphore_mem>>)
      %dma_wait3A_122 = arith.constant 0 : i32
      %dma_wait3A_123 = tpu.memref_slice %arg4[%arg0, %mul3A_116, %dma_wait3A_122] : memref<2x10240x128xf32, #tpu.memory_space<hbm>> -> memref<1x640x128xf32, #tpu.memory_space<hbm>>
      %dma_wait3A_124 = tpu.memref_squeeze %dma_wait3A_123 : memref<1x640x128xf32, #tpu.memory_space<hbm>> -> memref<640x128xf32, #tpu.memory_space<hbm>>
      %dma_wait3A_125 = arith.constant 0 : i32
      %dma_wait3A_126 = tpu.memref_slice %arg11[%mul3A_114, %dma_wait3A_125] : memref<10240x128xf32, #tpu.memory_space<vmem_shared>> -> memref<640x128xf32, #tpu.memory_space<vmem_shared>>
      tpu.wait_dma2 semaphore(%run_scoped3A : memref<!tpu.dma_semaphore, #tpu.memory_space<semaphore_mem>>) src(%dma_wait3A_126 : memref<640x128xf32, #tpu.memory_space<vmem_shared>>) dst(%dma_wait3A_124 : memref<640x128xf32, #tpu.memory_space<hbm>>)
      tpu.yield
    }) : () -> ()
    return
  }
}

#map = affine_map<(d0, d1) -> (0, 0)>
#map1 = affine_map<(d0, d1) -> (0, 0, 0)>
module attributes {stable_mosaic.version = 14 : i64} {
  func.func @_cnt_body(%arg0: i32, %arg1: i32, %arg2: memref<32x10000xi32, #tpu.memory_space<hbm>>, %arg3: memref<32x10000xi32, #tpu.memory_space<hbm>>, %arg4: memref<32x2x10240xf32, #tpu.memory_space<hbm>>, %arg5: memref<10000xi32, #tpu.memory_space<vmem>>, %arg6: memref<10000xi32, #tpu.memory_space<vmem>>, %arg7: memref<10240xf32, #tpu.memory_space<vmem>>, %arg8: memref<10240xf32, #tpu.memory_space<vmem>>) attributes {dimension_semantics = [#tpu.dimension_semantics<core_parallel>, #tpu.dimension_semantics<subcore_parallel>], iteration_bounds = array<i64: 2, 16>, scalar_prefetch = 0 : i64, scratch_operands = 4 : i64, tpu.core_type = #tpu.core_type<sc_vector_subcore>, window_params = [{transform_indices = #map}, {transform_indices = #map}, {transform_indices = #map1}]} {
    %mul3A = arith.constant 16 : i32
    %mul3A_0 = arith.muli %arg0, %mul3A : i32
    %add3A = arith.addi %mul3A_0, %arg1 : i32
    %scan3A = arith.constant 0 : i32
    %scan3A_1 = arith.constant 640 : i32
    %scan3A_2 = arith.addi %scan3A, %scan3A_1 : i32
    %scan3A_3 = arith.constant 1 : i32
    scf.for %scan3A_12 = %scan3A to %scan3A_2 step %scan3A_3  : i32 {
      %broadcast_in_dim3A_13 = arith.constant 0.000000e+00 : f32
      %broadcast_in_dim3A_14 = vector.broadcast %broadcast_in_dim3A_13 : f32 to vector<16xf32>
      %mul3A_15 = arith.constant 16 : i32
      %mul3A_16 = arith.muli %scan3A_12, %mul3A_15 : i32
      %swap3A = arith.index_cast %mul3A_16 : i32 to index
      %swap3A_17 = tpu.vector_load %arg7[%swap3A] {strides = array<i32>} : memref<10240xf32, #tpu.memory_space<vmem>>, vector<16xf32>,
      tpu.vector_store %arg7[%swap3A], %broadcast_in_dim3A_14 {strides = array<i32>} : memref<10240xf32, #tpu.memory_space<vmem>>, vector<16xf32>,
      %mul3A_18 = arith.constant 16 : i32
      %mul3A_19 = arith.muli %scan3A_12, %mul3A_18 : i32
      %swap3A_20 = arith.index_cast %mul3A_19 : i32 to index
      %swap3A_21 = tpu.vector_load %arg8[%swap3A_20] {strides = array<i32>} : memref<10240xf32, #tpu.memory_space<vmem>>, vector<16xf32>,
      tpu.vector_store %arg8[%swap3A_20], %broadcast_in_dim3A_14 {strides = array<i32>} : memref<10240xf32, #tpu.memory_space<vmem>>, vector<16xf32>,
    }
    %scan3A_4 = arith.constant 640 : i32
    "tpu.region"() ({
      %run_scoped3A_12 = tpu.sem_alloc : memref<!tpu.dma_semaphore, #tpu.memory_space<semaphore_mem>>
      %dma_start3A = arith.constant 0 : i32
      %dma_start3A_13 = tpu.memref_slice %arg2[%add3A, %dma_start3A] : memref<32x10000xi32, #tpu.memory_space<hbm>> -> memref<1x10000xi32, #tpu.memory_space<hbm>>
      %dma_start3A_14 = tpu.memref_squeeze %dma_start3A_13 : memref<1x10000xi32, #tpu.memory_space<hbm>> -> memref<10000xi32, #tpu.memory_space<hbm>>
      %dma_start3A_15 = arith.constant 0 : i32
      %dma_start3A_16 = tpu.memref_slice %arg2[%add3A, %dma_start3A_15] : memref<32x10000xi32, #tpu.memory_space<hbm>> -> memref<1x10000xi32, #tpu.memory_space<hbm>>
      %dma_start3A_17 = tpu.memref_squeeze %dma_start3A_16 : memref<1x10000xi32, #tpu.memory_space<hbm>> -> memref<10000xi32, #tpu.memory_space<hbm>>
      tpu.enqueue_dma source(%dma_start3A_17 : memref<10000xi32, #tpu.memory_space<hbm>>) target(%arg5 : memref<10000xi32, #tpu.memory_space<vmem>>) target_semaphore(%run_scoped3A_12 : memref<!tpu.dma_semaphore, #tpu.memory_space<semaphore_mem>>)
      %dma_wait3A = arith.constant 0 : i32
      %dma_wait3A_18 = tpu.memref_slice %arg2[%add3A, %dma_wait3A] : memref<32x10000xi32, #tpu.memory_space<hbm>> -> memref<1x10000xi32, #tpu.memory_space<hbm>>
      %dma_wait3A_19 = tpu.memref_squeeze %dma_wait3A_18 : memref<1x10000xi32, #tpu.memory_space<hbm>> -> memref<10000xi32, #tpu.memory_space<hbm>>
      %dma_wait3A_20 = arith.constant 0 : i32
      %dma_wait3A_21 = tpu.memref_slice %arg2[%add3A, %dma_wait3A_20] : memref<32x10000xi32, #tpu.memory_space<hbm>> -> memref<1x10000xi32, #tpu.memory_space<hbm>>
      %dma_wait3A_22 = tpu.memref_squeeze %dma_wait3A_21 : memref<1x10000xi32, #tpu.memory_space<hbm>> -> memref<10000xi32, #tpu.memory_space<hbm>>
      tpu.wait_dma2 semaphore(%run_scoped3A_12 : memref<!tpu.dma_semaphore, #tpu.memory_space<semaphore_mem>>) src(%dma_wait3A_22 : memref<10000xi32, #tpu.memory_space<hbm>>) dst(%arg5 : memref<10000xi32, #tpu.memory_space<vmem>>)
      tpu.yield
    }) : () -> ()
    "tpu.region"() ({
      %run_scoped3A_12 = tpu.sem_alloc : memref<!tpu.dma_semaphore, #tpu.memory_space<semaphore_mem>>
      %dma_start3A = arith.constant 0 : i32
      %dma_start3A_13 = tpu.memref_slice %arg3[%add3A, %dma_start3A] : memref<32x10000xi32, #tpu.memory_space<hbm>> -> memref<1x10000xi32, #tpu.memory_space<hbm>>
      %dma_start3A_14 = tpu.memref_squeeze %dma_start3A_13 : memref<1x10000xi32, #tpu.memory_space<hbm>> -> memref<10000xi32, #tpu.memory_space<hbm>>
      %dma_start3A_15 = arith.constant 0 : i32
      %dma_start3A_16 = tpu.memref_slice %arg3[%add3A, %dma_start3A_15] : memref<32x10000xi32, #tpu.memory_space<hbm>> -> memref<1x10000xi32, #tpu.memory_space<hbm>>
      %dma_start3A_17 = tpu.memref_squeeze %dma_start3A_16 : memref<1x10000xi32, #tpu.memory_space<hbm>> -> memref<10000xi32, #tpu.memory_space<hbm>>
      tpu.enqueue_dma source(%dma_start3A_17 : memref<10000xi32, #tpu.memory_space<hbm>>) target(%arg6 : memref<10000xi32, #tpu.memory_space<vmem>>) target_semaphore(%run_scoped3A_12 : memref<!tpu.dma_semaphore, #tpu.memory_space<semaphore_mem>>)
      %dma_wait3A = arith.constant 0 : i32
      %dma_wait3A_18 = tpu.memref_slice %arg3[%add3A, %dma_wait3A] : memref<32x10000xi32, #tpu.memory_space<hbm>> -> memref<1x10000xi32, #tpu.memory_space<hbm>>
      %dma_wait3A_19 = tpu.memref_squeeze %dma_wait3A_18 : memref<1x10000xi32, #tpu.memory_space<hbm>> -> memref<10000xi32, #tpu.memory_space<hbm>>
      %dma_wait3A_20 = arith.constant 0 : i32
      %dma_wait3A_21 = tpu.memref_slice %arg3[%add3A, %dma_wait3A_20] : memref<32x10000xi32, #tpu.memory_space<hbm>> -> memref<1x10000xi32, #tpu.memory_space<hbm>>
      %dma_wait3A_22 = tpu.memref_squeeze %dma_wait3A_21 : memref<1x10000xi32, #tpu.memory_space<hbm>> -> memref<10000xi32, #tpu.memory_space<hbm>>
      tpu.wait_dma2 semaphore(%run_scoped3A_12 : memref<!tpu.dma_semaphore, #tpu.memory_space<semaphore_mem>>) src(%dma_wait3A_22 : memref<10000xi32, #tpu.memory_space<hbm>>) dst(%arg6 : memref<10000xi32, #tpu.memory_space<vmem>>)
      tpu.yield
    }) : () -> ()
    %broadcast_in_dim3A = arith.constant 1.000000e+00 : f32
    %broadcast_in_dim3A_5 = vector.broadcast %broadcast_in_dim3A : f32 to vector<16xf32>
    %iota3A = tpu.iota {dimensions = array<i32: 0>} : vector<16xi32>
    %scan3A_6 = arith.constant 0 : i32
    %scan3A_7 = arith.constant 625 : i32
    %scan3A_8 = arith.addi %scan3A_6, %scan3A_7 : i32
    %scan3A_9 = arith.constant 1 : i32
    scf.for %scan3A_12 = %scan3A_6 to %scan3A_8 step %scan3A_9  : i32 {
      %mul3A_13 = arith.constant 16 : i32
      %mul3A_14 = arith.muli %scan3A_12, %mul3A_13 : i32
      %get3A = arith.index_cast %mul3A_14 : i32 to index
      %get3A_15 = tpu.vector_load %arg5[%get3A] {strides = array<i32>} : memref<10000xi32, #tpu.memory_space<vmem>>, vector<16xi32>,
      %mul3A_16 = arith.constant 16 : i32
      %mul3A_17 = arith.muli %scan3A_12, %mul3A_16 : i32
      %get3A_18 = arith.index_cast %mul3A_17 : i32 to index
      %get3A_19 = tpu.vector_load %arg6[%get3A_18] {strides = array<i32>} : memref<10000xi32, #tpu.memory_space<vmem>>, vector<16xi32>,
      %eq3A = arith.constant 0 : i32
      %eq3A_20 = vector.broadcast %eq3A : i32 to vector<16xi32>
      %eq3A_21 = arith.cmpi eq, %iota3A, %eq3A_20 : vector<16xi32>
      tpu.vector_store_idx %arg7[%get3A_15], %broadcast_in_dim3A_5 masked %eq3A_21 {add = true} : memref<10240xf32, #tpu.memory_space<vmem>>[vector<16xi32>], vector<16xf32>, vector<16xi1>
      tpu.vector_store_idx %arg8[%get3A_19], %broadcast_in_dim3A_5 masked %eq3A_21 {add = true} : memref<10240xf32, #tpu.memory_space<vmem>>[vector<16xi32>], vector<16xf32>, vector<16xi1>
      %eq3A_22 = arith.constant 1 : i32
      %eq3A_23 = vector.broadcast %eq3A_22 : i32 to vector<16xi32>
      %eq3A_24 = arith.cmpi eq, %iota3A, %eq3A_23 : vector<16xi32>
      tpu.vector_store_idx %arg7[%get3A_15], %broadcast_in_dim3A_5 masked %eq3A_24 {add = true} : memref<10240xf32, #tpu.memory_space<vmem>>[vector<16xi32>], vector<16xf32>, vector<16xi1>
      tpu.vector_store_idx %arg8[%get3A_19], %broadcast_in_dim3A_5 masked %eq3A_24 {add = true} : memref<10240xf32, #tpu.memory_space<vmem>>[vector<16xi32>], vector<16xf32>, vector<16xi1>
      %eq3A_25 = arith.constant 2 : i32
      %eq3A_26 = vector.broadcast %eq3A_25 : i32 to vector<16xi32>
      %eq3A_27 = arith.cmpi eq, %iota3A, %eq3A_26 : vector<16xi32>
      tpu.vector_store_idx %arg7[%get3A_15], %broadcast_in_dim3A_5 masked %eq3A_27 {add = true} : memref<10240xf32, #tpu.memory_space<vmem>>[vector<16xi32>], vector<16xf32>, vector<16xi1>
      tpu.vector_store_idx %arg8[%get3A_19], %broadcast_in_dim3A_5 masked %eq3A_27 {add = true} : memref<10240xf32, #tpu.memory_space<vmem>>[vector<16xi32>], vector<16xf32>, vector<16xi1>
      %eq3A_28 = arith.constant 3 : i32
      %eq3A_29 = vector.broadcast %eq3A_28 : i32 to vector<16xi32>
      %eq3A_30 = arith.cmpi eq, %iota3A, %eq3A_29 : vector<16xi32>
      tpu.vector_store_idx %arg7[%get3A_15], %broadcast_in_dim3A_5 masked %eq3A_30 {add = true} : memref<10240xf32, #tpu.memory_space<vmem>>[vector<16xi32>], vector<16xf32>, vector<16xi1>
      tpu.vector_store_idx %arg8[%get3A_19], %broadcast_in_dim3A_5 masked %eq3A_30 {add = true} : memref<10240xf32, #tpu.memory_space<vmem>>[vector<16xi32>], vector<16xf32>, vector<16xi1>
      %eq3A_31 = arith.constant 4 : i32
      %eq3A_32 = vector.broadcast %eq3A_31 : i32 to vector<16xi32>
      %eq3A_33 = arith.cmpi eq, %iota3A, %eq3A_32 : vector<16xi32>
      tpu.vector_store_idx %arg7[%get3A_15], %broadcast_in_dim3A_5 masked %eq3A_33 {add = true} : memref<10240xf32, #tpu.memory_space<vmem>>[vector<16xi32>], vector<16xf32>, vector<16xi1>
      tpu.vector_store_idx %arg8[%get3A_19], %broadcast_in_dim3A_5 masked %eq3A_33 {add = true} : memref<10240xf32, #tpu.memory_space<vmem>>[vector<16xi32>], vector<16xf32>, vector<16xi1>
      %eq3A_34 = arith.constant 5 : i32
      %eq3A_35 = vector.broadcast %eq3A_34 : i32 to vector<16xi32>
      %eq3A_36 = arith.cmpi eq, %iota3A, %eq3A_35 : vector<16xi32>
      tpu.vector_store_idx %arg7[%get3A_15], %broadcast_in_dim3A_5 masked %eq3A_36 {add = true} : memref<10240xf32, #tpu.memory_space<vmem>>[vector<16xi32>], vector<16xf32>, vector<16xi1>
      tpu.vector_store_idx %arg8[%get3A_19], %broadcast_in_dim3A_5 masked %eq3A_36 {add = true} : memref<10240xf32, #tpu.memory_space<vmem>>[vector<16xi32>], vector<16xf32>, vector<16xi1>
      %eq3A_37 = arith.constant 6 : i32
      %eq3A_38 = vector.broadcast %eq3A_37 : i32 to vector<16xi32>
      %eq3A_39 = arith.cmpi eq, %iota3A, %eq3A_38 : vector<16xi32>
      tpu.vector_store_idx %arg7[%get3A_15], %broadcast_in_dim3A_5 masked %eq3A_39 {add = true} : memref<10240xf32, #tpu.memory_space<vmem>>[vector<16xi32>], vector<16xf32>, vector<16xi1>
      tpu.vector_store_idx %arg8[%get3A_19], %broadcast_in_dim3A_5 masked %eq3A_39 {add = true} : memref<10240xf32, #tpu.memory_space<vmem>>[vector<16xi32>], vector<16xf32>, vector<16xi1>
      %eq3A_40 = arith.constant 7 : i32
      %eq3A_41 = vector.broadcast %eq3A_40 : i32 to vector<16xi32>
      %eq3A_42 = arith.cmpi eq, %iota3A, %eq3A_41 : vector<16xi32>
      tpu.vector_store_idx %arg7[%get3A_15], %broadcast_in_dim3A_5 masked %eq3A_42 {add = true} : memref<10240xf32, #tpu.memory_space<vmem>>[vector<16xi32>], vector<16xf32>, vector<16xi1>
      tpu.vector_store_idx %arg8[%get3A_19], %broadcast_in_dim3A_5 masked %eq3A_42 {add = true} : memref<10240xf32, #tpu.memory_space<vmem>>[vector<16xi32>], vector<16xf32>, vector<16xi1>
      %eq3A_43 = arith.constant 8 : i32
      %eq3A_44 = vector.broadcast %eq3A_43 : i32 to vector<16xi32>
      %eq3A_45 = arith.cmpi eq, %iota3A, %eq3A_44 : vector<16xi32>
      tpu.vector_store_idx %arg7[%get3A_15], %broadcast_in_dim3A_5 masked %eq3A_45 {add = true} : memref<10240xf32, #tpu.memory_space<vmem>>[vector<16xi32>], vector<16xf32>, vector<16xi1>
      tpu.vector_store_idx %arg8[%get3A_19], %broadcast_in_dim3A_5 masked %eq3A_45 {add = true} : memref<10240xf32, #tpu.memory_space<vmem>>[vector<16xi32>], vector<16xf32>, vector<16xi1>
      %eq3A_46 = arith.constant 9 : i32
      %eq3A_47 = vector.broadcast %eq3A_46 : i32 to vector<16xi32>
      %eq3A_48 = arith.cmpi eq, %iota3A, %eq3A_47 : vector<16xi32>
      tpu.vector_store_idx %arg7[%get3A_15], %broadcast_in_dim3A_5 masked %eq3A_48 {add = true} : memref<10240xf32, #tpu.memory_space<vmem>>[vector<16xi32>], vector<16xf32>, vector<16xi1>
      tpu.vector_store_idx %arg8[%get3A_19], %broadcast_in_dim3A_5 masked %eq3A_48 {add = true} : memref<10240xf32, #tpu.memory_space<vmem>>[vector<16xi32>], vector<16xf32>, vector<16xi1>
      %eq3A_49 = arith.constant 10 : i32
      %eq3A_50 = vector.broadcast %eq3A_49 : i32 to vector<16xi32>
      %eq3A_51 = arith.cmpi eq, %iota3A, %eq3A_50 : vector<16xi32>
      tpu.vector_store_idx %arg7[%get3A_15], %broadcast_in_dim3A_5 masked %eq3A_51 {add = true} : memref<10240xf32, #tpu.memory_space<vmem>>[vector<16xi32>], vector<16xf32>, vector<16xi1>
      tpu.vector_store_idx %arg8[%get3A_19], %broadcast_in_dim3A_5 masked %eq3A_51 {add = true} : memref<10240xf32, #tpu.memory_space<vmem>>[vector<16xi32>], vector<16xf32>, vector<16xi1>
      %eq3A_52 = arith.constant 11 : i32
      %eq3A_53 = vector.broadcast %eq3A_52 : i32 to vector<16xi32>
      %eq3A_54 = arith.cmpi eq, %iota3A, %eq3A_53 : vector<16xi32>
      tpu.vector_store_idx %arg7[%get3A_15], %broadcast_in_dim3A_5 masked %eq3A_54 {add = true} : memref<10240xf32, #tpu.memory_space<vmem>>[vector<16xi32>], vector<16xf32>, vector<16xi1>
      tpu.vector_store_idx %arg8[%get3A_19], %broadcast_in_dim3A_5 masked %eq3A_54 {add = true} : memref<10240xf32, #tpu.memory_space<vmem>>[vector<16xi32>], vector<16xf32>, vector<16xi1>
      %eq3A_55 = arith.constant 12 : i32
      %eq3A_56 = vector.broadcast %eq3A_55 : i32 to vector<16xi32>
      %eq3A_57 = arith.cmpi eq, %iota3A, %eq3A_56 : vector<16xi32>
      tpu.vector_store_idx %arg7[%get3A_15], %broadcast_in_dim3A_5 masked %eq3A_57 {add = true} : memref<10240xf32, #tpu.memory_space<vmem>>[vector<16xi32>], vector<16xf32>, vector<16xi1>
      tpu.vector_store_idx %arg8[%get3A_19], %broadcast_in_dim3A_5 masked %eq3A_57 {add = true} : memref<10240xf32, #tpu.memory_space<vmem>>[vector<16xi32>], vector<16xf32>, vector<16xi1>
      %eq3A_58 = arith.constant 13 : i32
      %eq3A_59 = vector.broadcast %eq3A_58 : i32 to vector<16xi32>
      %eq3A_60 = arith.cmpi eq, %iota3A, %eq3A_59 : vector<16xi32>
      tpu.vector_store_idx %arg7[%get3A_15], %broadcast_in_dim3A_5 masked %eq3A_60 {add = true} : memref<10240xf32, #tpu.memory_space<vmem>>[vector<16xi32>], vector<16xf32>, vector<16xi1>
      tpu.vector_store_idx %arg8[%get3A_19], %broadcast_in_dim3A_5 masked %eq3A_60 {add = true} : memref<10240xf32, #tpu.memory_space<vmem>>[vector<16xi32>], vector<16xf32>, vector<16xi1>
      %eq3A_61 = arith.constant 14 : i32
      %eq3A_62 = vector.broadcast %eq3A_61 : i32 to vector<16xi32>
      %eq3A_63 = arith.cmpi eq, %iota3A, %eq3A_62 : vector<16xi32>
      tpu.vector_store_idx %arg7[%get3A_15], %broadcast_in_dim3A_5 masked %eq3A_63 {add = true} : memref<10240xf32, #tpu.memory_space<vmem>>[vector<16xi32>], vector<16xf32>, vector<16xi1>
      tpu.vector_store_idx %arg8[%get3A_19], %broadcast_in_dim3A_5 masked %eq3A_63 {add = true} : memref<10240xf32, #tpu.memory_space<vmem>>[vector<16xi32>], vector<16xf32>, vector<16xi1>
      %eq3A_64 = arith.constant 15 : i32
      %eq3A_65 = vector.broadcast %eq3A_64 : i32 to vector<16xi32>
      %eq3A_66 = arith.cmpi eq, %iota3A, %eq3A_65 : vector<16xi32>
      tpu.vector_store_idx %arg7[%get3A_15], %broadcast_in_dim3A_5 masked %eq3A_66 {add = true} : memref<10240xf32, #tpu.memory_space<vmem>>[vector<16xi32>], vector<16xf32>, vector<16xi1>
      tpu.vector_store_idx %arg8[%get3A_19], %broadcast_in_dim3A_5 masked %eq3A_66 {add = true} : memref<10240xf32, #tpu.memory_space<vmem>>[vector<16xi32>], vector<16xf32>, vector<16xi1>
    }
    %scan3A_10 = arith.constant 625 : i32
    %run_scoped3A = arith.constant 0 : i32
    "tpu.region"() ({
      %run_scoped3A_12 = tpu.sem_alloc : memref<!tpu.dma_semaphore, #tpu.memory_space<semaphore_mem>>
      %dma_start3A = arith.constant 0 : i32
      %dma_start3A_13 = tpu.memref_slice %arg4[%add3A, %run_scoped3A, %dma_start3A] : memref<32x2x10240xf32, #tpu.memory_space<hbm>> -> memref<1x1x10240xf32, #tpu.memory_space<hbm>>
      %dma_start3A_14 = tpu.memref_squeeze %dma_start3A_13 : memref<1x1x10240xf32, #tpu.memory_space<hbm>> -> memref<10240xf32, #tpu.memory_space<hbm>>
      %dma_start3A_15 = arith.constant 0 : i32
      %dma_start3A_16 = tpu.memref_slice %arg4[%add3A, %run_scoped3A, %dma_start3A_15] : memref<32x2x10240xf32, #tpu.memory_space<hbm>> -> memref<1x1x10240xf32, #tpu.memory_space<hbm>>
      %dma_start3A_17 = tpu.memref_squeeze %dma_start3A_16 : memref<1x1x10240xf32, #tpu.memory_space<hbm>> -> memref<10240xf32, #tpu.memory_space<hbm>>
      tpu.enqueue_dma source(%arg7 : memref<10240xf32, #tpu.memory_space<vmem>>) target(%dma_start3A_17 : memref<10240xf32, #tpu.memory_space<hbm>>) target_semaphore(%run_scoped3A_12 : memref<!tpu.dma_semaphore, #tpu.memory_space<semaphore_mem>>)
      %dma_wait3A = arith.constant 0 : i32
      %dma_wait3A_18 = tpu.memref_slice %arg4[%add3A, %run_scoped3A, %dma_wait3A] : memref<32x2x10240xf32, #tpu.memory_space<hbm>> -> memref<1x1x10240xf32, #tpu.memory_space<hbm>>
      %dma_wait3A_19 = tpu.memref_squeeze %dma_wait3A_18 : memref<1x1x10240xf32, #tpu.memory_space<hbm>> -> memref<10240xf32, #tpu.memory_space<hbm>>
      %dma_wait3A_20 = arith.constant 0 : i32
      %dma_wait3A_21 = tpu.memref_slice %arg4[%add3A, %run_scoped3A, %dma_wait3A_20] : memref<32x2x10240xf32, #tpu.memory_space<hbm>> -> memref<1x1x10240xf32, #tpu.memory_space<hbm>>
      %dma_wait3A_22 = tpu.memref_squeeze %dma_wait3A_21 : memref<1x1x10240xf32, #tpu.memory_space<hbm>> -> memref<10240xf32, #tpu.memory_space<hbm>>
      tpu.wait_dma2 semaphore(%run_scoped3A_12 : memref<!tpu.dma_semaphore, #tpu.memory_space<semaphore_mem>>) src(%arg7 : memref<10240xf32, #tpu.memory_space<vmem>>) dst(%dma_wait3A_22 : memref<10240xf32, #tpu.memory_space<hbm>>)
      tpu.yield
    }) : () -> ()
    %run_scoped3A_11 = arith.constant 1 : i32
    "tpu.region"() ({
      %run_scoped3A_12 = tpu.sem_alloc : memref<!tpu.dma_semaphore, #tpu.memory_space<semaphore_mem>>
      %dma_start3A = arith.constant 0 : i32
      %dma_start3A_13 = tpu.memref_slice %arg4[%add3A, %run_scoped3A_11, %dma_start3A] : memref<32x2x10240xf32, #tpu.memory_space<hbm>> -> memref<1x1x10240xf32, #tpu.memory_space<hbm>>
      %dma_start3A_14 = tpu.memref_squeeze %dma_start3A_13 : memref<1x1x10240xf32, #tpu.memory_space<hbm>> -> memref<10240xf32, #tpu.memory_space<hbm>>
      %dma_start3A_15 = arith.constant 0 : i32
      %dma_start3A_16 = tpu.memref_slice %arg4[%add3A, %run_scoped3A_11, %dma_start3A_15] : memref<32x2x10240xf32, #tpu.memory_space<hbm>> -> memref<1x1x10240xf32, #tpu.memory_space<hbm>>
      %dma_start3A_17 = tpu.memref_squeeze %dma_start3A_16 : memref<1x1x10240xf32, #tpu.memory_space<hbm>> -> memref<10240xf32, #tpu.memory_space<hbm>>
      tpu.enqueue_dma source(%arg8 : memref<10240xf32, #tpu.memory_space<vmem>>) target(%dma_start3A_17 : memref<10240xf32, #tpu.memory_space<hbm>>) target_semaphore(%run_scoped3A_12 : memref<!tpu.dma_semaphore, #tpu.memory_space<semaphore_mem>>)
      %dma_wait3A = arith.constant 0 : i32
      %dma_wait3A_18 = tpu.memref_slice %arg4[%add3A, %run_scoped3A_11, %dma_wait3A] : memref<32x2x10240xf32, #tpu.memory_space<hbm>> -> memref<1x1x10240xf32, #tpu.memory_space<hbm>>
      %dma_wait3A_19 = tpu.memref_squeeze %dma_wait3A_18 : memref<1x1x10240xf32, #tpu.memory_space<hbm>> -> memref<10240xf32, #tpu.memory_space<hbm>>
      %dma_wait3A_20 = arith.constant 0 : i32
      %dma_wait3A_21 = tpu.memref_slice %arg4[%add3A, %run_scoped3A_11, %dma_wait3A_20] : memref<32x2x10240xf32, #tpu.memory_space<hbm>> -> memref<1x1x10240xf32, #tpu.memory_space<hbm>>
      %dma_wait3A_22 = tpu.memref_squeeze %dma_wait3A_21 : memref<1x1x10240xf32, #tpu.memory_space<hbm>> -> memref<10240xf32, #tpu.memory_space<hbm>>
      tpu.wait_dma2 semaphore(%run_scoped3A_12 : memref<!tpu.dma_semaphore, #tpu.memory_space<semaphore_mem>>) src(%arg8 : memref<10240xf32, #tpu.memory_space<vmem>>) dst(%dma_wait3A_22 : memref<10240xf32, #tpu.memory_space<hbm>>)
      tpu.yield
    }) : () -> ()
    return
  }
}

#map = affine_map<(d0, d1) -> (0, 0)>
#map1 = affine_map<(d0, d1) -> (0, 0, 0)>
module attributes {stable_mosaic.version = 14 : i64} {
  func.func @_seg_body(%arg0: i32, %arg1: i32, %arg2: memref<10000x128xf32, #tpu.memory_space<hbm>>, %arg3: memref<32x10000xi32, #tpu.memory_space<hbm>>, %arg4: memref<2x10240x128xf32, #tpu.memory_space<hbm>>, %arg5: memref<10000xi32, #tpu.memory_space<vmem>>, %arg6: memref<80xi32, #tpu.memory_space<vmem>>, %arg7: memref<80xi32, #tpu.memory_space<vmem>>, %arg8: memref<80xi32, #tpu.memory_space<vmem>>, %arg9: memref<80x128xf32, #tpu.memory_space<vmem>>, %arg10: memref<80x128xf32, #tpu.memory_space<vmem>>, %arg11: memref<10240x128xf32, #tpu.memory_space<vmem_shared>>, %arg12: memref<!tpu.dma_semaphore, #tpu.memory_space<semaphore_mem>>, %arg13: memref<!tpu.dma_semaphore, #tpu.memory_space<semaphore_mem>>) attributes {dimension_semantics = [#tpu.dimension_semantics<core_parallel>, #tpu.dimension_semantics<subcore_parallel>], iteration_bounds = array<i64: 2, 16>, scalar_prefetch = 0 : i64, scratch_operands = 9 : i64, tpu.core_type = #tpu.core_type<sc_vector_subcore>, window_params = [{transform_indices = #map}, {transform_indices = #map}, {transform_indices = #map1}]} {
    %mul3A = arith.constant 16 : i32
    %mul3A_0 = arith.muli %arg0, %mul3A : i32
    %add3A = arith.addi %mul3A_0, %arg1 : i32
    %scan3A = arith.constant 0 : i32
    %scan3A_1 = arith.constant 80 : i32
    %scan3A_2 = arith.addi %scan3A, %scan3A_1 : i32
    %scan3A_3 = arith.constant 1 : i32
    scf.for %scan3A_117 = %scan3A to %scan3A_2 step %scan3A_3  : i32 {
      %scan3A_118 = arith.constant 0 : i32
      %scan3A_119 = arith.constant 8 : i32
      %scan3A_120 = arith.addi %scan3A_118, %scan3A_119 : i32
      %scan3A_121 = arith.constant 1 : i32
      scf.for %scan3A_123 = %scan3A_118 to %scan3A_120 step %scan3A_121  : i32 {
        %broadcast_in_dim3A = arith.constant 0.000000e+00 : f32
        %broadcast_in_dim3A_124 = vector.broadcast %broadcast_in_dim3A : f32 to vector<16xf32>
        %mul3A_125 = arith.constant 16 : i32
        %mul3A_126 = arith.muli %scan3A_123, %mul3A_125 : i32
        %swap3A_127 = arith.index_cast %scan3A_117 : i32 to index
        %swap3A_128 = arith.index_cast %mul3A_126 : i32 to index
        %swap3A_129 = tpu.vector_load %arg9[%swap3A_127, %swap3A_128] {strides = array<i32>} : memref<80x128xf32, #tpu.memory_space<vmem>>, vector<16xf32>,
        tpu.vector_store %arg9[%swap3A_127, %swap3A_128], %broadcast_in_dim3A_124 {strides = array<i32>} : memref<80x128xf32, #tpu.memory_space<vmem>>, vector<16xf32>,
      }
      %scan3A_122 = arith.constant 8 : i32
    }
    %scan3A_4 = arith.constant 80 : i32
    %mul3A_5 = arith.constant 640 : i32
    %mul3A_6 = arith.muli %arg1, %mul3A_5 : i32
    %add3A_7 = arith.constant 0 : i32
    %add3A_8 = arith.addi %mul3A_6, %add3A_7 : i32
    "tpu.region"() ({
      %run_scoped3A = tpu.sem_alloc : memref<!tpu.dma_semaphore, #tpu.memory_space<semaphore_mem>>
      %dma_start3A_117 = arith.constant 0 : i32
      %dma_start3A_118 = tpu.memref_slice %arg11[%add3A_8, %dma_start3A_117] : memref<10240x128xf32, #tpu.memory_space<vmem_shared>> -> memref<80x128xf32, #tpu.memory_space<vmem_shared>>
      %dma_start3A_119 = arith.constant 0 : i32
      %dma_start3A_120 = tpu.memref_slice %arg11[%add3A_8, %dma_start3A_119] : memref<10240x128xf32, #tpu.memory_space<vmem_shared>> -> memref<80x128xf32, #tpu.memory_space<vmem_shared>>
      tpu.enqueue_dma source(%arg9 : memref<80x128xf32, #tpu.memory_space<vmem>>) target(%dma_start3A_120 : memref<80x128xf32, #tpu.memory_space<vmem_shared>>) target_semaphore(%run_scoped3A : memref<!tpu.dma_semaphore, #tpu.memory_space<semaphore_mem>>)
      %dma_wait3A_121 = arith.constant 0 : i32
      %dma_wait3A_122 = tpu.memref_slice %arg11[%add3A_8, %dma_wait3A_121] : memref<10240x128xf32, #tpu.memory_space<vmem_shared>> -> memref<80x128xf32, #tpu.memory_space<vmem_shared>>
      %dma_wait3A_123 = arith.constant 0 : i32
      %dma_wait3A_124 = tpu.memref_slice %arg11[%add3A_8, %dma_wait3A_123] : memref<10240x128xf32, #tpu.memory_space<vmem_shared>> -> memref<80x128xf32, #tpu.memory_space<vmem_shared>>
      tpu.wait_dma2 semaphore(%run_scoped3A : memref<!tpu.dma_semaphore, #tpu.memory_space<semaphore_mem>>) src(%arg9 : memref<80x128xf32, #tpu.memory_space<vmem>>) dst(%dma_wait3A_124 : memref<80x128xf32, #tpu.memory_space<vmem_shared>>)
      tpu.yield
    }) : () -> ()
    %mul3A_9 = arith.constant 640 : i32
    %mul3A_10 = arith.muli %arg1, %mul3A_9 : i32
    %add3A_11 = arith.constant 80 : i32
    %add3A_12 = arith.addi %mul3A_10, %add3A_11 : i32
    "tpu.region"() ({
      %run_scoped3A = tpu.sem_alloc : memref<!tpu.dma_semaphore, #tpu.memory_space<semaphore_mem>>
      %dma_start3A_117 = arith.constant 0 : i32
      %dma_start3A_118 = tpu.memref_slice %arg11[%add3A_12, %dma_start3A_117] : memref<10240x128xf32, #tpu.memory_space<vmem_shared>> -> memref<80x128xf32, #tpu.memory_space<vmem_shared>>
      %dma_start3A_119 = arith.constant 0 : i32
      %dma_start3A_120 = tpu.memref_slice %arg11[%add3A_12, %dma_start3A_119] : memref<10240x128xf32, #tpu.memory_space<vmem_shared>> -> memref<80x128xf32, #tpu.memory_space<vmem_shared>>
      tpu.enqueue_dma source(%arg9 : memref<80x128xf32, #tpu.memory_space<vmem>>) target(%dma_start3A_120 : memref<80x128xf32, #tpu.memory_space<vmem_shared>>) target_semaphore(%run_scoped3A : memref<!tpu.dma_semaphore, #tpu.memory_space<semaphore_mem>>)
      %dma_wait3A_121 = arith.constant 0 : i32
      %dma_wait3A_122 = tpu.memref_slice %arg11[%add3A_12, %dma_wait3A_121] : memref<10240x128xf32, #tpu.memory_space<vmem_shared>> -> memref<80x128xf32, #tpu.memory_space<vmem_shared>>
      %dma_wait3A_123 = arith.constant 0 : i32
      %dma_wait3A_124 = tpu.memref_slice %arg11[%add3A_12, %dma_wait3A_123] : memref<10240x128xf32, #tpu.memory_space<vmem_shared>> -> memref<80x128xf32, #tpu.memory_space<vmem_shared>>
      tpu.wait_dma2 semaphore(%run_scoped3A : memref<!tpu.dma_semaphore, #tpu.memory_space<semaphore_mem>>) src(%arg9 : memref<80x128xf32, #tpu.memory_space<vmem>>) dst(%dma_wait3A_124 : memref<80x128xf32, #tpu.memory_space<vmem_shared>>)
      tpu.yield
    }) : () -> ()
    %mul3A_13 = arith.constant 640 : i32
    %mul3A_14 = arith.muli %arg1, %mul3A_13 : i32
    %add3A_15 = arith.constant 160 : i32
    %add3A_16 = arith.addi %mul3A_14, %add3A_15 : i32
    "tpu.region"() ({
      %run_scoped3A = tpu.sem_alloc : memref<!tpu.dma_semaphore, #tpu.memory_space<semaphore_mem>>
      %dma_start3A_117 = arith.constant 0 : i32
      %dma_start3A_118 = tpu.memref_slice %arg11[%add3A_16, %dma_start3A_117] : memref<10240x128xf32, #tpu.memory_space<vmem_shared>> -> memref<80x128xf32, #tpu.memory_space<vmem_shared>>
      %dma_start3A_119 = arith.constant 0 : i32
      %dma_start3A_120 = tpu.memref_slice %arg11[%add3A_16, %dma_start3A_119] : memref<10240x128xf32, #tpu.memory_space<vmem_shared>> -> memref<80x128xf32, #tpu.memory_space<vmem_shared>>
      tpu.enqueue_dma source(%arg9 : memref<80x128xf32, #tpu.memory_space<vmem>>) target(%dma_start3A_120 : memref<80x128xf32, #tpu.memory_space<vmem_shared>>) target_semaphore(%run_scoped3A : memref<!tpu.dma_semaphore, #tpu.memory_space<semaphore_mem>>)
      %dma_wait3A_121 = arith.constant 0 : i32
      %dma_wait3A_122 = tpu.memref_slice %arg11[%add3A_16, %dma_wait3A_121] : memref<10240x128xf32, #tpu.memory_space<vmem_shared>> -> memref<80x128xf32, #tpu.memory_space<vmem_shared>>
      %dma_wait3A_123 = arith.constant 0 : i32
      %dma_wait3A_124 = tpu.memref_slice %arg11[%add3A_16, %dma_wait3A_123] : memref<10240x128xf32, #tpu.memory_space<vmem_shared>> -> memref<80x128xf32, #tpu.memory_space<vmem_shared>>
      tpu.wait_dma2 semaphore(%run_scoped3A : memref<!tpu.dma_semaphore, #tpu.memory_space<semaphore_mem>>) src(%arg9 : memref<80x128xf32, #tpu.memory_space<vmem>>) dst(%dma_wait3A_124 : memref<80x128xf32, #tpu.memory_space<vmem_shared>>)
      tpu.yield
    }) : () -> ()
    %mul3A_17 = arith.constant 640 : i32
    %mul3A_18 = arith.muli %arg1, %mul3A_17 : i32
    %add3A_19 = arith.constant 240 : i32
    %add3A_20 = arith.addi %mul3A_18, %add3A_19 : i32
    "tpu.region"() ({
      %run_scoped3A = tpu.sem_alloc : memref<!tpu.dma_semaphore, #tpu.memory_space<semaphore_mem>>
      %dma_start3A_117 = arith.constant 0 : i32
      %dma_start3A_118 = tpu.memref_slice %arg11[%add3A_20, %dma_start3A_117] : memref<10240x128xf32, #tpu.memory_space<vmem_shared>> -> memref<80x128xf32, #tpu.memory_space<vmem_shared>>
      %dma_start3A_119 = arith.constant 0 : i32
      %dma_start3A_120 = tpu.memref_slice %arg11[%add3A_20, %dma_start3A_119] : memref<10240x128xf32, #tpu.memory_space<vmem_shared>> -> memref<80x128xf32, #tpu.memory_space<vmem_shared>>
      tpu.enqueue_dma source(%arg9 : memref<80x128xf32, #tpu.memory_space<vmem>>) target(%dma_start3A_120 : memref<80x128xf32, #tpu.memory_space<vmem_shared>>) target_semaphore(%run_scoped3A : memref<!tpu.dma_semaphore, #tpu.memory_space<semaphore_mem>>)
      %dma_wait3A_121 = arith.constant 0 : i32
      %dma_wait3A_122 = tpu.memref_slice %arg11[%add3A_20, %dma_wait3A_121] : memref<10240x128xf32, #tpu.memory_space<vmem_shared>> -> memref<80x128xf32, #tpu.memory_space<vmem_shared>>
      %dma_wait3A_123 = arith.constant 0 : i32
      %dma_wait3A_124 = tpu.memref_slice %arg11[%add3A_20, %dma_wait3A_123] : memref<10240x128xf32, #tpu.memory_space<vmem_shared>> -> memref<80x128xf32, #tpu.memory_space<vmem_shared>>
      tpu.wait_dma2 semaphore(%run_scoped3A : memref<!tpu.dma_semaphore, #tpu.memory_space<semaphore_mem>>) src(%arg9 : memref<80x128xf32, #tpu.memory_space<vmem>>) dst(%dma_wait3A_124 : memref<80x128xf32, #tpu.memory_space<vmem_shared>>)
      tpu.yield
    }) : () -> ()
    %mul3A_21 = arith.constant 640 : i32
    %mul3A_22 = arith.muli %arg1, %mul3A_21 : i32
    %add3A_23 = arith.constant 320 : i32
    %add3A_24 = arith.addi %mul3A_22, %add3A_23 : i32
    "tpu.region"() ({
      %run_scoped3A = tpu.sem_alloc : memref<!tpu.dma_semaphore, #tpu.memory_space<semaphore_mem>>
      %dma_start3A_117 = arith.constant 0 : i32
      %dma_start3A_118 = tpu.memref_slice %arg11[%add3A_24, %dma_start3A_117] : memref<10240x128xf32, #tpu.memory_space<vmem_shared>> -> memref<80x128xf32, #tpu.memory_space<vmem_shared>>
      %dma_start3A_119 = arith.constant 0 : i32
      %dma_start3A_120 = tpu.memref_slice %arg11[%add3A_24, %dma_start3A_119] : memref<10240x128xf32, #tpu.memory_space<vmem_shared>> -> memref<80x128xf32, #tpu.memory_space<vmem_shared>>
      tpu.enqueue_dma source(%arg9 : memref<80x128xf32, #tpu.memory_space<vmem>>) target(%dma_start3A_120 : memref<80x128xf32, #tpu.memory_space<vmem_shared>>) target_semaphore(%run_scoped3A : memref<!tpu.dma_semaphore, #tpu.memory_space<semaphore_mem>>)
      %dma_wait3A_121 = arith.constant 0 : i32
      %dma_wait3A_122 = tpu.memref_slice %arg11[%add3A_24, %dma_wait3A_121] : memref<10240x128xf32, #tpu.memory_space<vmem_shared>> -> memref<80x128xf32, #tpu.memory_space<vmem_shared>>
      %dma_wait3A_123 = arith.constant 0 : i32
      %dma_wait3A_124 = tpu.memref_slice %arg11[%add3A_24, %dma_wait3A_123] : memref<10240x128xf32, #tpu.memory_space<vmem_shared>> -> memref<80x128xf32, #tpu.memory_space<vmem_shared>>
      tpu.wait_dma2 semaphore(%run_scoped3A : memref<!tpu.dma_semaphore, #tpu.memory_space<semaphore_mem>>) src(%arg9 : memref<80x128xf32, #tpu.memory_space<vmem>>) dst(%dma_wait3A_124 : memref<80x128xf32, #tpu.memory_space<vmem_shared>>)
      tpu.yield
    }) : () -> ()
    %mul3A_25 = arith.constant 640 : i32
    %mul3A_26 = arith.muli %arg1, %mul3A_25 : i32
    %add3A_27 = arith.constant 400 : i32
    %add3A_28 = arith.addi %mul3A_26, %add3A_27 : i32
    "tpu.region"() ({
      %run_scoped3A = tpu.sem_alloc : memref<!tpu.dma_semaphore, #tpu.memory_space<semaphore_mem>>
      %dma_start3A_117 = arith.constant 0 : i32
      %dma_start3A_118 = tpu.memref_slice %arg11[%add3A_28, %dma_start3A_117] : memref<10240x128xf32, #tpu.memory_space<vmem_shared>> -> memref<80x128xf32, #tpu.memory_space<vmem_shared>>
      %dma_start3A_119 = arith.constant 0 : i32
      %dma_start3A_120 = tpu.memref_slice %arg11[%add3A_28, %dma_start3A_119] : memref<10240x128xf32, #tpu.memory_space<vmem_shared>> -> memref<80x128xf32, #tpu.memory_space<vmem_shared>>
      tpu.enqueue_dma source(%arg9 : memref<80x128xf32, #tpu.memory_space<vmem>>) target(%dma_start3A_120 : memref<80x128xf32, #tpu.memory_space<vmem_shared>>) target_semaphore(%run_scoped3A : memref<!tpu.dma_semaphore, #tpu.memory_space<semaphore_mem>>)
      %dma_wait3A_121 = arith.constant 0 : i32
      %dma_wait3A_122 = tpu.memref_slice %arg11[%add3A_28, %dma_wait3A_121] : memref<10240x128xf32, #tpu.memory_space<vmem_shared>> -> memref<80x128xf32, #tpu.memory_space<vmem_shared>>
      %dma_wait3A_123 = arith.constant 0 : i32
      %dma_wait3A_124 = tpu.memref_slice %arg11[%add3A_28, %dma_wait3A_123] : memref<10240x128xf32, #tpu.memory_space<vmem_shared>> -> memref<80x128xf32, #tpu.memory_space<vmem_shared>>
      tpu.wait_dma2 semaphore(%run_scoped3A : memref<!tpu.dma_semaphore, #tpu.memory_space<semaphore_mem>>) src(%arg9 : memref<80x128xf32, #tpu.memory_space<vmem>>) dst(%dma_wait3A_124 : memref<80x128xf32, #tpu.memory_space<vmem_shared>>)
      tpu.yield
    }) : () -> ()
    %mul3A_29 = arith.constant 640 : i32
    %mul3A_30 = arith.muli %arg1, %mul3A_29 : i32
    %add3A_31 = arith.constant 480 : i32
    %add3A_32 = arith.addi %mul3A_30, %add3A_31 : i32
    "tpu.region"() ({
      %run_scoped3A = tpu.sem_alloc : memref<!tpu.dma_semaphore, #tpu.memory_space<semaphore_mem>>
      %dma_start3A_117 = arith.constant 0 : i32
      %dma_start3A_118 = tpu.memref_slice %arg11[%add3A_32, %dma_start3A_117] : memref<10240x128xf32, #tpu.memory_space<vmem_shared>> -> memref<80x128xf32, #tpu.memory_space<vmem_shared>>
      %dma_start3A_119 = arith.constant 0 : i32
      %dma_start3A_120 = tpu.memref_slice %arg11[%add3A_32, %dma_start3A_119] : memref<10240x128xf32, #tpu.memory_space<vmem_shared>> -> memref<80x128xf32, #tpu.memory_space<vmem_shared>>
      tpu.enqueue_dma source(%arg9 : memref<80x128xf32, #tpu.memory_space<vmem>>) target(%dma_start3A_120 : memref<80x128xf32, #tpu.memory_space<vmem_shared>>) target_semaphore(%run_scoped3A : memref<!tpu.dma_semaphore, #tpu.memory_space<semaphore_mem>>)
      %dma_wait3A_121 = arith.constant 0 : i32
      %dma_wait3A_122 = tpu.memref_slice %arg11[%add3A_32, %dma_wait3A_121] : memref<10240x128xf32, #tpu.memory_space<vmem_shared>> -> memref<80x128xf32, #tpu.memory_space<vmem_shared>>
      %dma_wait3A_123 = arith.constant 0 : i32
      %dma_wait3A_124 = tpu.memref_slice %arg11[%add3A_32, %dma_wait3A_123] : memref<10240x128xf32, #tpu.memory_space<vmem_shared>> -> memref<80x128xf32, #tpu.memory_space<vmem_shared>>
      tpu.wait_dma2 semaphore(%run_scoped3A : memref<!tpu.dma_semaphore, #tpu.memory_space<semaphore_mem>>) src(%arg9 : memref<80x128xf32, #tpu.memory_space<vmem>>) dst(%dma_wait3A_124 : memref<80x128xf32, #tpu.memory_space<vmem_shared>>)
      tpu.yield
    }) : () -> ()
    %mul3A_33 = arith.constant 640 : i32
    %mul3A_34 = arith.muli %arg1, %mul3A_33 : i32
    %add3A_35 = arith.constant 560 : i32
    %add3A_36 = arith.addi %mul3A_34, %add3A_35 : i32
    "tpu.region"() ({
      %run_scoped3A = tpu.sem_alloc : memref<!tpu.dma_semaphore, #tpu.memory_space<semaphore_mem>>
      %dma_start3A_117 = arith.constant 0 : i32
      %dma_start3A_118 = tpu.memref_slice %arg11[%add3A_36, %dma_start3A_117] : memref<10240x128xf32, #tpu.memory_space<vmem_shared>> -> memref<80x128xf32, #tpu.memory_space<vmem_shared>>
      %dma_start3A_119 = arith.constant 0 : i32
      %dma_start3A_120 = tpu.memref_slice %arg11[%add3A_36, %dma_start3A_119] : memref<10240x128xf32, #tpu.memory_space<vmem_shared>> -> memref<80x128xf32, #tpu.memory_space<vmem_shared>>
      tpu.enqueue_dma source(%arg9 : memref<80x128xf32, #tpu.memory_space<vmem>>) target(%dma_start3A_120 : memref<80x128xf32, #tpu.memory_space<vmem_shared>>) target_semaphore(%run_scoped3A : memref<!tpu.dma_semaphore, #tpu.memory_space<semaphore_mem>>)
      %dma_wait3A_121 = arith.constant 0 : i32
      %dma_wait3A_122 = tpu.memref_slice %arg11[%add3A_36, %dma_wait3A_121] : memref<10240x128xf32, #tpu.memory_space<vmem_shared>> -> memref<80x128xf32, #tpu.memory_space<vmem_shared>>
      %dma_wait3A_123 = arith.constant 0 : i32
      %dma_wait3A_124 = tpu.memref_slice %arg11[%add3A_36, %dma_wait3A_123] : memref<10240x128xf32, #tpu.memory_space<vmem_shared>> -> memref<80x128xf32, #tpu.memory_space<vmem_shared>>
      tpu.wait_dma2 semaphore(%run_scoped3A : memref<!tpu.dma_semaphore, #tpu.memory_space<semaphore_mem>>) src(%arg9 : memref<80x128xf32, #tpu.memory_space<vmem>>) dst(%dma_wait3A_124 : memref<80x128xf32, #tpu.memory_space<vmem_shared>>)
      tpu.yield
    }) : () -> ()
    "tpu.region"() ({
      %run_scoped3A = tpu.sem_alloc : memref<!tpu.dma_semaphore, #tpu.memory_space<semaphore_mem>>
      %dma_start3A_117 = arith.constant 0 : i32
      %dma_start3A_118 = tpu.memref_slice %arg3[%add3A, %dma_start3A_117] : memref<32x10000xi32, #tpu.memory_space<hbm>> -> memref<1x10000xi32, #tpu.memory_space<hbm>>
      %dma_start3A_119 = tpu.memref_squeeze %dma_start3A_118 : memref<1x10000xi32, #tpu.memory_space<hbm>> -> memref<10000xi32, #tpu.memory_space<hbm>>
      %dma_start3A_120 = arith.constant 0 : i32
      %dma_start3A_121 = tpu.memref_slice %arg3[%add3A, %dma_start3A_120] : memref<32x10000xi32, #tpu.memory_space<hbm>> -> memref<1x10000xi32, #tpu.memory_space<hbm>>
      %dma_start3A_122 = tpu.memref_squeeze %dma_start3A_121 : memref<1x10000xi32, #tpu.memory_space<hbm>> -> memref<10000xi32, #tpu.memory_space<hbm>>
      tpu.enqueue_dma source(%dma_start3A_122 : memref<10000xi32, #tpu.memory_space<hbm>>) target(%arg5 : memref<10000xi32, #tpu.memory_space<vmem>>) target_semaphore(%run_scoped3A : memref<!tpu.dma_semaphore, #tpu.memory_space<semaphore_mem>>)
      %dma_wait3A_123 = arith.constant 0 : i32
      %dma_wait3A_124 = tpu.memref_slice %arg3[%add3A, %dma_wait3A_123] : memref<32x10000xi32, #tpu.memory_space<hbm>> -> memref<1x10000xi32, #tpu.memory_space<hbm>>
      %dma_wait3A_125 = tpu.memref_squeeze %dma_wait3A_124 : memref<1x10000xi32, #tpu.memory_space<hbm>> -> memref<10000xi32, #tpu.memory_space<hbm>>
      %dma_wait3A_126 = arith.constant 0 : i32
      %dma_wait3A_127 = tpu.memref_slice %arg3[%add3A, %dma_wait3A_126] : memref<32x10000xi32, #tpu.memory_space<hbm>> -> memref<1x10000xi32, #tpu.memory_space<hbm>>
      %dma_wait3A_128 = tpu.memref_squeeze %dma_wait3A_127 : memref<1x10000xi32, #tpu.memory_space<hbm>> -> memref<10000xi32, #tpu.memory_space<hbm>>
      tpu.wait_dma2 semaphore(%run_scoped3A : memref<!tpu.dma_semaphore, #tpu.memory_space<semaphore_mem>>) src(%dma_wait3A_128 : memref<10000xi32, #tpu.memory_space<hbm>>) dst(%arg5 : memref<10000xi32, #tpu.memory_space<vmem>>)
      tpu.yield
    }) : () -> ()
    %barrier3A = arith.constant 0 : index
    tpu.barrier barrier_id(%barrier3A)
    %get3A = arith.constant 0 : index
    %get3A_37 = tpu.vector_load %arg5[%get3A] {strides = array<i32>} : memref<10000xi32, #tpu.memory_space<vmem>>, vector<16xi32>,
    %and3A = arith.constant 65535 : i32
    %and3A_38 = vector.broadcast %and3A : i32 to vector<16xi32>
    %and3A_39 = arith.andi %get3A_37, %and3A_38 : vector<16xi32>
    %swap3A = arith.constant 0 : index
    %swap3A_40 = tpu.vector_load %arg6[%swap3A] {strides = array<i32>} : memref<80xi32, #tpu.memory_space<vmem>>, vector<16xi32>,
    tpu.vector_store %arg6[%swap3A], %and3A_39 {strides = array<i32>} : memref<80xi32, #tpu.memory_space<vmem>>, vector<16xi32>,
    %get3A_41 = arith.constant 16 : index
    %get3A_42 = tpu.vector_load %arg5[%get3A_41] {strides = array<i32>} : memref<10000xi32, #tpu.memory_space<vmem>>, vector<16xi32>,
    %and3A_43 = arith.constant 65535 : i32
    %and3A_44 = vector.broadcast %and3A_43 : i32 to vector<16xi32>
    %and3A_45 = arith.andi %get3A_42, %and3A_44 : vector<16xi32>
    %swap3A_46 = arith.constant 16 : index
    %swap3A_47 = tpu.vector_load %arg6[%swap3A_46] {strides = array<i32>} : memref<80xi32, #tpu.memory_space<vmem>>, vector<16xi32>,
    tpu.vector_store %arg6[%swap3A_46], %and3A_45 {strides = array<i32>} : memref<80xi32, #tpu.memory_space<vmem>>, vector<16xi32>,
    %get3A_48 = arith.constant 32 : index
    %get3A_49 = tpu.vector_load %arg5[%get3A_48] {strides = array<i32>} : memref<10000xi32, #tpu.memory_space<vmem>>, vector<16xi32>,
    %and3A_50 = arith.constant 65535 : i32
    %and3A_51 = vector.broadcast %and3A_50 : i32 to vector<16xi32>
    %and3A_52 = arith.andi %get3A_49, %and3A_51 : vector<16xi32>
    %swap3A_53 = arith.constant 32 : index
    %swap3A_54 = tpu.vector_load %arg6[%swap3A_53] {strides = array<i32>} : memref<80xi32, #tpu.memory_space<vmem>>, vector<16xi32>,
    tpu.vector_store %arg6[%swap3A_53], %and3A_52 {strides = array<i32>} : memref<80xi32, #tpu.memory_space<vmem>>, vector<16xi32>,
    %get3A_55 = arith.constant 48 : index
    %get3A_56 = tpu.vector_load %arg5[%get3A_55] {strides = array<i32>} : memref<10000xi32, #tpu.memory_space<vmem>>, vector<16xi32>,
    %and3A_57 = arith.constant 65535 : i32
    %and3A_58 = vector.broadcast %and3A_57 : i32 to vector<16xi32>
    %and3A_59 = arith.andi %get3A_56, %and3A_58 : vector<16xi32>
    %swap3A_60 = arith.constant 48 : index
    %swap3A_61 = tpu.vector_load %arg6[%swap3A_60] {strides = array<i32>} : memref<80xi32, #tpu.memory_space<vmem>>, vector<16xi32>,
    tpu.vector_store %arg6[%swap3A_60], %and3A_59 {strides = array<i32>} : memref<80xi32, #tpu.memory_space<vmem>>, vector<16xi32>,
    %get3A_62 = arith.constant 64 : index
    %get3A_63 = tpu.vector_load %arg5[%get3A_62] {strides = array<i32>} : memref<10000xi32, #tpu.memory_space<vmem>>, vector<16xi32>,
    %and3A_64 = arith.constant 65535 : i32
    %and3A_65 = vector.broadcast %and3A_64 : i32 to vector<16xi32>
    %and3A_66 = arith.andi %get3A_63, %and3A_65 : vector<16xi32>
    %swap3A_67 = arith.constant 64 : index
    %swap3A_68 = tpu.vector_load %arg6[%swap3A_67] {strides = array<i32>} : memref<80xi32, #tpu.memory_space<vmem>>, vector<16xi32>,
    tpu.vector_store %arg6[%swap3A_67], %and3A_66 {strides = array<i32>} : memref<80xi32, #tpu.memory_space<vmem>>, vector<16xi32>,
    %dma_start3A = arith.constant 0 : i32
    %dma_start3A_69 = arith.constant 0 : i32
    %dma_start3A_70 = tpu.memref_slice %arg2[%dma_start3A, %dma_start3A_69] : memref<10000x128xf32, #tpu.memory_space<hbm>> -> memref<10000x128xf32, #tpu.memory_space<hbm>>
    tpu.enqueue_indirect_dma source(%dma_start3A_70 : memref<10000x128xf32, #tpu.memory_space<hbm>>) target(%arg9 : memref<80x128xf32, #tpu.memory_space<vmem>>) offsets(%arg6 : memref<80xi32, #tpu.memory_space<vmem>>) semaphore(%arg12 : memref<!tpu.dma_semaphore, #tpu.memory_space<semaphore_mem>>)
    %scan3A_71 = arith.constant 0 : i32
    %scan3A_72 = arith.constant 62 : i32
    %scan3A_73 = arith.addi %scan3A_71, %scan3A_72 : i32
    %scan3A_74 = arith.constant 1 : i32
    scf.for %scan3A_117 = %scan3A_71 to %scan3A_73 step %scan3A_74  : i32 {
      %mul3A_118 = arith.constant 2 : i32
      %mul3A_119 = arith.muli %mul3A_118, %scan3A_117 : i32
      %add3A_120 = arith.constant 1 : i32
      %add3A_121 = arith.addi %mul3A_119, %add3A_120 : i32
      %mul3A_122 = arith.constant 80 : i32
      %mul3A_123 = arith.muli %add3A_121, %mul3A_122 : i32
      %add3A_124 = arith.constant 0 : i32
      %add3A_125 = arith.addi %mul3A_123, %add3A_124 : i32
      %get3A_126 = arith.index_cast %add3A_125 : i32 to index
      %get3A_127 = tpu.vector_load %arg5[%get3A_126] {strides = array<i32>} : memref<10000xi32, #tpu.memory_space<vmem>>, vector<16xi32>,
      %and3A_128 = arith.constant 65535 : i32
      %and3A_129 = vector.broadcast %and3A_128 : i32 to vector<16xi32>
      %and3A_130 = arith.andi %get3A_127, %and3A_129 : vector<16xi32>
      %swap3A_131 = arith.constant 0 : index
      %swap3A_132 = tpu.vector_load %arg7[%swap3A_131] {strides = array<i32>} : memref<80xi32, #tpu.memory_space<vmem>>, vector<16xi32>,
      tpu.vector_store %arg7[%swap3A_131], %and3A_130 {strides = array<i32>} : memref<80xi32, #tpu.memory_space<vmem>>, vector<16xi32>,
      %mul3A_133 = arith.constant 80 : i32
      %mul3A_134 = arith.muli %add3A_121, %mul3A_133 : i32
      %add3A_135 = arith.constant 16 : i32
      %add3A_136 = arith.addi %mul3A_134, %add3A_135 : i32
      %get3A_137 = arith.index_cast %add3A_136 : i32 to index
      %get3A_138 = tpu.vector_load %arg5[%get3A_137] {strides = array<i32>} : memref<10000xi32, #tpu.memory_space<vmem>>, vector<16xi32>,
      %and3A_139 = arith.constant 65535 : i32
      %and3A_140 = vector.broadcast %and3A_139 : i32 to vector<16xi32>
      %and3A_141 = arith.andi %get3A_138, %and3A_140 : vector<16xi32>
      %swap3A_142 = arith.constant 16 : index
      %swap3A_143 = tpu.vector_load %arg7[%swap3A_142] {strides = array<i32>} : memref<80xi32, #tpu.memory_space<vmem>>, vector<16xi32>,
      tpu.vector_store %arg7[%swap3A_142], %and3A_141 {strides = array<i32>} : memref<80xi32, #tpu.memory_space<vmem>>, vector<16xi32>,
      %mul3A_144 = arith.constant 80 : i32
      %mul3A_145 = arith.muli %add3A_121, %mul3A_144 : i32
      %add3A_146 = arith.constant 32 : i32
      %add3A_147 = arith.addi %mul3A_145, %add3A_146 : i32
      %get3A_148 = arith.index_cast %add3A_147 : i32 to index
      %get3A_149 = tpu.vector_load %arg5[%get3A_148] {strides = array<i32>} : memref<10000xi32, #tpu.memory_space<vmem>>, vector<16xi32>,
      %and3A_150 = arith.constant 65535 : i32
      %and3A_151 = vector.broadcast %and3A_150 : i32 to vector<16xi32>
      %and3A_152 = arith.andi %get3A_149, %and3A_151 : vector<16xi32>
      %swap3A_153 = arith.constant 32 : index
      %swap3A_154 = tpu.vector_load %arg7[%swap3A_153] {strides = array<i32>} : memref<80xi32, #tpu.memory_space<vmem>>, vector<16xi32>,
      tpu.vector_store %arg7[%swap3A_153], %and3A_152 {strides = array<i32>} : memref<80xi32, #tpu.memory_space<vmem>>, vector<16xi32>,
      %mul3A_155 = arith.constant 80 : i32
      %mul3A_156 = arith.muli %add3A_121, %mul3A_155 : i32
      %add3A_157 = arith.constant 48 : i32
      %add3A_158 = arith.addi %mul3A_156, %add3A_157 : i32
      %get3A_159 = arith.index_cast %add3A_158 : i32 to index
      %get3A_160 = tpu.vector_load %arg5[%get3A_159] {strides = array<i32>} : memref<10000xi32, #tpu.memory_space<vmem>>, vector<16xi32>,
      %and3A_161 = arith.constant 65535 : i32
      %and3A_162 = vector.broadcast %and3A_161 : i32 to vector<16xi32>
      %and3A_163 = arith.andi %get3A_160, %and3A_162 : vector<16xi32>
      %swap3A_164 = arith.constant 48 : index
      %swap3A_165 = tpu.vector_load %arg7[%swap3A_164] {strides = array<i32>} : memref<80xi32, #tpu.memory_space<vmem>>, vector<16xi32>,
      tpu.vector_store %arg7[%swap3A_164], %and3A_163 {strides = array<i32>} : memref<80xi32, #tpu.memory_space<vmem>>, vector<16xi32>,
      %mul3A_166 = arith.constant 80 : i32
      %mul3A_167 = arith.muli %add3A_121, %mul3A_166 : i32
      %add3A_168 = arith.constant 64 : i32
      %add3A_169 = arith.addi %mul3A_167, %add3A_168 : i32
      %get3A_170 = arith.index_cast %add3A_169 : i32 to index
      %get3A_171 = tpu.vector_load %arg5[%get3A_170] {strides = array<i32>} : memref<10000xi32, #tpu.memory_space<vmem>>, vector<16xi32>,
      %and3A_172 = arith.constant 65535 : i32
      %and3A_173 = vector.broadcast %and3A_172 : i32 to vector<16xi32>
      %and3A_174 = arith.andi %get3A_171, %and3A_173 : vector<16xi32>
      %swap3A_175 = arith.constant 64 : index
      %swap3A_176 = tpu.vector_load %arg7[%swap3A_175] {strides = array<i32>} : memref<80xi32, #tpu.memory_space<vmem>>, vector<16xi32>,
      tpu.vector_store %arg7[%swap3A_175], %and3A_174 {strides = array<i32>} : memref<80xi32, #tpu.memory_space<vmem>>, vector<16xi32>,
      %dma_start3A_177 = arith.constant 0 : i32
      %dma_start3A_178 = arith.constant 0 : i32
      %dma_start3A_179 = tpu.memref_slice %arg2[%dma_start3A_177, %dma_start3A_178] : memref<10000x128xf32, #tpu.memory_space<hbm>> -> memref<10000x128xf32, #tpu.memory_space<hbm>>
      tpu.enqueue_indirect_dma source(%dma_start3A_179 : memref<10000x128xf32, #tpu.memory_space<hbm>>) target(%arg10 : memref<80x128xf32, #tpu.memory_space<vmem>>) offsets(%arg7 : memref<80xi32, #tpu.memory_space<vmem>>) semaphore(%arg13 : memref<!tpu.dma_semaphore, #tpu.memory_space<semaphore_mem>>)
      %dma_wait3A_180 = arith.constant 0 : i32
      %dma_wait3A_181 = arith.constant 0 : i32
      %dma_wait3A_182 = tpu.memref_slice %arg2[%dma_wait3A_180, %dma_wait3A_181] : memref<10000x128xf32, #tpu.memory_space<hbm>> -> memref<10000x128xf32, #tpu.memory_space<hbm>>
      tpu.wait_indirect_dma semaphore(%arg12 : memref<!tpu.dma_semaphore, #tpu.memory_space<semaphore_mem>>) src(%dma_wait3A_182 : memref<10000x128xf32, #tpu.memory_space<hbm>>) dst(%arg9 : memref<80x128xf32, #tpu.memory_space<vmem>>)
      %mul3A_183 = arith.constant 80 : i32
      %mul3A_184 = arith.muli %mul3A_119, %mul3A_183 : i32
      %add3A_185 = arith.constant 0 : i32
      %add3A_186 = arith.addi %mul3A_184, %add3A_185 : i32
      %get3A_187 = arith.index_cast %add3A_186 : i32 to index
      %get3A_188 = tpu.vector_load %arg5[%get3A_187] {strides = array<i32>} : memref<10000xi32, #tpu.memory_space<vmem>>, vector<16xi32>,
      %shift_right_logical3A_189 = arith.constant 16 : i32
      %shift_right_logical3A_190 = vector.broadcast %shift_right_logical3A_189 : i32 to vector<16xi32>
      %shift_right_logical3A_191 = arith.shrui %get3A_188, %shift_right_logical3A_190 : vector<16xi32>
      %swap3A_192 = arith.constant 0 : index
      %swap3A_193 = tpu.vector_load %arg8[%swap3A_192] {strides = array<i32>} : memref<80xi32, #tpu.memory_space<vmem>>, vector<16xi32>,
      tpu.vector_store %arg8[%swap3A_192], %shift_right_logical3A_191 {strides = array<i32>} : memref<80xi32, #tpu.memory_space<vmem>>, vector<16xi32>,
      %mul3A_194 = arith.constant 80 : i32
      %mul3A_195 = arith.muli %mul3A_119, %mul3A_194 : i32
      %add3A_196 = arith.constant 16 : i32
      %add3A_197 = arith.addi %mul3A_195, %add3A_196 : i32
      %get3A_198 = arith.index_cast %add3A_197 : i32 to index
      %get3A_199 = tpu.vector_load %arg5[%get3A_198] {strides = array<i32>} : memref<10000xi32, #tpu.memory_space<vmem>>, vector<16xi32>,
      %shift_right_logical3A_200 = arith.constant 16 : i32
      %shift_right_logical3A_201 = vector.broadcast %shift_right_logical3A_200 : i32 to vector<16xi32>
      %shift_right_logical3A_202 = arith.shrui %get3A_199, %shift_right_logical3A_201 : vector<16xi32>
      %swap3A_203 = arith.constant 16 : index
      %swap3A_204 = tpu.vector_load %arg8[%swap3A_203] {strides = array<i32>} : memref<80xi32, #tpu.memory_space<vmem>>, vector<16xi32>,
      tpu.vector_store %arg8[%swap3A_203], %shift_right_logical3A_202 {strides = array<i32>} : memref<80xi32, #tpu.memory_space<vmem>>, vector<16xi32>,
      %mul3A_205 = arith.constant 80 : i32
      %mul3A_206 = arith.muli %mul3A_119, %mul3A_205 : i32
      %add3A_207 = arith.constant 32 : i32
      %add3A_208 = arith.addi %mul3A_206, %add3A_207 : i32
      %get3A_209 = arith.index_cast %add3A_208 : i32 to index
      %get3A_210 = tpu.vector_load %arg5[%get3A_209] {strides = array<i32>} : memref<10000xi32, #tpu.memory_space<vmem>>, vector<16xi32>,
      %shift_right_logical3A_211 = arith.constant 16 : i32
      %shift_right_logical3A_212 = vector.broadcast %shift_right_logical3A_211 : i32 to vector<16xi32>
      %shift_right_logical3A_213 = arith.shrui %get3A_210, %shift_right_logical3A_212 : vector<16xi32>
      %swap3A_214 = arith.constant 32 : index
      %swap3A_215 = tpu.vector_load %arg8[%swap3A_214] {strides = array<i32>} : memref<80xi32, #tpu.memory_space<vmem>>, vector<16xi32>,
      tpu.vector_store %arg8[%swap3A_214], %shift_right_logical3A_213 {strides = array<i32>} : memref<80xi32, #tpu.memory_space<vmem>>, vector<16xi32>,
      %mul3A_216 = arith.constant 80 : i32
      %mul3A_217 = arith.muli %mul3A_119, %mul3A_216 : i32
      %add3A_218 = arith.constant 48 : i32
      %add3A_219 = arith.addi %mul3A_217, %add3A_218 : i32
      %get3A_220 = arith.index_cast %add3A_219 : i32 to index
      %get3A_221 = tpu.vector_load %arg5[%get3A_220] {strides = array<i32>} : memref<10000xi32, #tpu.memory_space<vmem>>, vector<16xi32>,
      %shift_right_logical3A_222 = arith.constant 16 : i32
      %shift_right_logical3A_223 = vector.broadcast %shift_right_logical3A_222 : i32 to vector<16xi32>
      %shift_right_logical3A_224 = arith.shrui %get3A_221, %shift_right_logical3A_223 : vector<16xi32>
      %swap3A_225 = arith.constant 48 : index
      %swap3A_226 = tpu.vector_load %arg8[%swap3A_225] {strides = array<i32>} : memref<80xi32, #tpu.memory_space<vmem>>, vector<16xi32>,
      tpu.vector_store %arg8[%swap3A_225], %shift_right_logical3A_224 {strides = array<i32>} : memref<80xi32, #tpu.memory_space<vmem>>, vector<16xi32>,
      %mul3A_227 = arith.constant 80 : i32
      %mul3A_228 = arith.muli %mul3A_119, %mul3A_227 : i32
      %add3A_229 = arith.constant 64 : i32
      %add3A_230 = arith.addi %mul3A_228, %add3A_229 : i32
      %get3A_231 = arith.index_cast %add3A_230 : i32 to index
      %get3A_232 = tpu.vector_load %arg5[%get3A_231] {strides = array<i32>} : memref<10000xi32, #tpu.memory_space<vmem>>, vector<16xi32>,
      %shift_right_logical3A_233 = arith.constant 16 : i32
      %shift_right_logical3A_234 = vector.broadcast %shift_right_logical3A_233 : i32 to vector<16xi32>
      %shift_right_logical3A_235 = arith.shrui %get3A_232, %shift_right_logical3A_234 : vector<16xi32>
      %swap3A_236 = arith.constant 64 : index
      %swap3A_237 = tpu.vector_load %arg8[%swap3A_236] {strides = array<i32>} : memref<80xi32, #tpu.memory_space<vmem>>, vector<16xi32>,
      tpu.vector_store %arg8[%swap3A_236], %shift_right_logical3A_235 {strides = array<i32>} : memref<80xi32, #tpu.memory_space<vmem>>, vector<16xi32>,
      "tpu.region"() ({
        %run_scoped3A = tpu.sem_alloc : memref<!tpu.dma_semaphore, #tpu.memory_space<semaphore_mem>>
        %dma_start3A_358 = arith.constant 0 : i32
        %dma_start3A_359 = arith.constant 0 : i32
        %dma_start3A_360 = tpu.memref_slice %arg11[%dma_start3A_358, %dma_start3A_359] : memref<10240x128xf32, #tpu.memory_space<vmem_shared>> -> memref<10240x128xf32, #tpu.memory_space<vmem_shared>>
        tpu.enqueue_indirect_dma source(%arg9 : memref<80x128xf32, #tpu.memory_space<vmem>>) target(%dma_start3A_360 : memref<10240x128xf32, #tpu.memory_space<vmem_shared>>) offsets(%arg8 : memref<80xi32, #tpu.memory_space<vmem>>) semaphore(%run_scoped3A : memref<!tpu.dma_semaphore, #tpu.memory_space<semaphore_mem>>) {add = true}
        %dma_wait3A_361 = arith.constant 0 : i32
        %dma_wait3A_362 = arith.constant 0 : i32
        %dma_wait3A_363 = tpu.memref_slice %arg11[%dma_wait3A_361, %dma_wait3A_362] : memref<10240x128xf32, #tpu.memory_space<vmem_shared>> -> memref<10240x128xf32, #tpu.memory_space<vmem_shared>>
        tpu.wait_indirect_dma semaphore(%run_scoped3A : memref<!tpu.dma_semaphore, #tpu.memory_space<semaphore_mem>>) src(%arg9 : memref<80x128xf32, #tpu.memory_space<vmem>>) dst(%dma_wait3A_363 : memref<10240x128xf32, #tpu.memory_space<vmem_shared>>)
        tpu.yield
      }) : () -> ()
      %add3A_238 = arith.constant 2 : i32
      %add3A_239 = arith.addi %mul3A_119, %add3A_238 : i32
      %mul3A_240 = arith.constant 80 : i32
      %mul3A_241 = arith.muli %add3A_239, %mul3A_240 : i32
      %add3A_242 = arith.constant 0 : i32
      %add3A_243 = arith.addi %mul3A_241, %add3A_242 : i32
      %get3A_244 = arith.index_cast %add3A_243 : i32 to index
      %get3A_245 = tpu.vector_load %arg5[%get3A_244] {strides = array<i32>} : memref<10000xi32, #tpu.memory_space<vmem>>, vector<16xi32>,
      %and3A_246 = arith.constant 65535 : i32
      %and3A_247 = vector.broadcast %and3A_246 : i32 to vector<16xi32>
      %and3A_248 = arith.andi %get3A_245, %and3A_247 : vector<16xi32>
      %swap3A_249 = arith.constant 0 : index
      %swap3A_250 = tpu.vector_load %arg6[%swap3A_249] {strides = array<i32>} : memref<80xi32, #tpu.memory_space<vmem>>, vector<16xi32>,
      tpu.vector_store %arg6[%swap3A_249], %and3A_248 {strides = array<i32>} : memref<80xi32, #tpu.memory_space<vmem>>, vector<16xi32>,
      %mul3A_251 = arith.constant 80 : i32
      %mul3A_252 = arith.muli %add3A_239, %mul3A_251 : i32
      %add3A_253 = arith.constant 16 : i32
      %add3A_254 = arith.addi %mul3A_252, %add3A_253 : i32
      %get3A_255 = arith.index_cast %add3A_254 : i32 to index
      %get3A_256 = tpu.vector_load %arg5[%get3A_255] {strides = array<i32>} : memref<10000xi32, #tpu.memory_space<vmem>>, vector<16xi32>,
      %and3A_257 = arith.constant 65535 : i32
      %and3A_258 = vector.broadcast %and3A_257 : i32 to vector<16xi32>
      %and3A_259 = arith.andi %get3A_256, %and3A_258 : vector<16xi32>
      %swap3A_260 = arith.constant 16 : index
      %swap3A_261 = tpu.vector_load %arg6[%swap3A_260] {strides = array<i32>} : memref<80xi32, #tpu.memory_space<vmem>>, vector<16xi32>,
      tpu.vector_store %arg6[%swap3A_260], %and3A_259 {strides = array<i32>} : memref<80xi32, #tpu.memory_space<vmem>>, vector<16xi32>,
      %mul3A_262 = arith.constant 80 : i32
      %mul3A_263 = arith.muli %add3A_239, %mul3A_262 : i32
      %add3A_264 = arith.constant 32 : i32
      %add3A_265 = arith.addi %mul3A_263, %add3A_264 : i32
      %get3A_266 = arith.index_cast %add3A_265 : i32 to index
      %get3A_267 = tpu.vector_load %arg5[%get3A_266] {strides = array<i32>} : memref<10000xi32, #tpu.memory_space<vmem>>, vector<16xi32>,
      %and3A_268 = arith.constant 65535 : i32
      %and3A_269 = vector.broadcast %and3A_268 : i32 to vector<16xi32>
      %and3A_270 = arith.andi %get3A_267, %and3A_269 : vector<16xi32>
      %swap3A_271 = arith.constant 32 : index
      %swap3A_272 = tpu.vector_load %arg6[%swap3A_271] {strides = array<i32>} : memref<80xi32, #tpu.memory_space<vmem>>, vector<16xi32>,
      tpu.vector_store %arg6[%swap3A_271], %and3A_270 {strides = array<i32>} : memref<80xi32, #tpu.memory_space<vmem>>, vector<16xi32>,
      %mul3A_273 = arith.constant 80 : i32
      %mul3A_274 = arith.muli %add3A_239, %mul3A_273 : i32
      %add3A_275 = arith.constant 48 : i32
      %add3A_276 = arith.addi %mul3A_274, %add3A_275 : i32
      %get3A_277 = arith.index_cast %add3A_276 : i32 to index
      %get3A_278 = tpu.vector_load %arg5[%get3A_277] {strides = array<i32>} : memref<10000xi32, #tpu.memory_space<vmem>>, vector<16xi32>,
      %and3A_279 = arith.constant 65535 : i32
      %and3A_280 = vector.broadcast %and3A_279 : i32 to vector<16xi32>
      %and3A_281 = arith.andi %get3A_278, %and3A_280 : vector<16xi32>
      %swap3A_282 = arith.constant 48 : index
      %swap3A_283 = tpu.vector_load %arg6[%swap3A_282] {strides = array<i32>} : memref<80xi32, #tpu.memory_space<vmem>>, vector<16xi32>,
      tpu.vector_store %arg6[%swap3A_282], %and3A_281 {strides = array<i32>} : memref<80xi32, #tpu.memory_space<vmem>>, vector<16xi32>,
      %mul3A_284 = arith.constant 80 : i32
      %mul3A_285 = arith.muli %add3A_239, %mul3A_284 : i32
      %add3A_286 = arith.constant 64 : i32
      %add3A_287 = arith.addi %mul3A_285, %add3A_286 : i32
      %get3A_288 = arith.index_cast %add3A_287 : i32 to index
      %get3A_289 = tpu.vector_load %arg5[%get3A_288] {strides = array<i32>} : memref<10000xi32, #tpu.memory_space<vmem>>, vector<16xi32>,
      %and3A_290 = arith.constant 65535 : i32
      %and3A_291 = vector.broadcast %and3A_290 : i32 to vector<16xi32>
      %and3A_292 = arith.andi %get3A_289, %and3A_291 : vector<16xi32>
      %swap3A_293 = arith.constant 64 : index
      %swap3A_294 = tpu.vector_load %arg6[%swap3A_293] {strides = array<i32>} : memref<80xi32, #tpu.memory_space<vmem>>, vector<16xi32>,
      tpu.vector_store %arg6[%swap3A_293], %and3A_292 {strides = array<i32>} : memref<80xi32, #tpu.memory_space<vmem>>, vector<16xi32>,
      %dma_start3A_295 = arith.constant 0 : i32
      %dma_start3A_296 = arith.constant 0 : i32
      %dma_start3A_297 = tpu.memref_slice %arg2[%dma_start3A_295, %dma_start3A_296] : memref<10000x128xf32, #tpu.memory_space<hbm>> -> memref<10000x128xf32, #tpu.memory_space<hbm>>
      tpu.enqueue_indirect_dma source(%dma_start3A_297 : memref<10000x128xf32, #tpu.memory_space<hbm>>) target(%arg9 : memref<80x128xf32, #tpu.memory_space<vmem>>) offsets(%arg6 : memref<80xi32, #tpu.memory_space<vmem>>) semaphore(%arg12 : memref<!tpu.dma_semaphore, #tpu.memory_space<semaphore_mem>>)
      %dma_wait3A_298 = arith.constant 0 : i32
      %dma_wait3A_299 = arith.constant 0 : i32
      %dma_wait3A_300 = tpu.memref_slice %arg2[%dma_wait3A_298, %dma_wait3A_299] : memref<10000x128xf32, #tpu.memory_space<hbm>> -> memref<10000x128xf32, #tpu.memory_space<hbm>>
      tpu.wait_indirect_dma semaphore(%arg13 : memref<!tpu.dma_semaphore, #tpu.memory_space<semaphore_mem>>) src(%dma_wait3A_300 : memref<10000x128xf32, #tpu.memory_space<hbm>>) dst(%arg10 : memref<80x128xf32, #tpu.memory_space<vmem>>)
      %add3A_301 = arith.constant 1 : i32
      %add3A_302 = arith.addi %mul3A_119, %add3A_301 : i32
      %mul3A_303 = arith.constant 80 : i32
      %mul3A_304 = arith.muli %add3A_302, %mul3A_303 : i32
      %add3A_305 = arith.constant 0 : i32
      %add3A_306 = arith.addi %mul3A_304, %add3A_305 : i32
      %get3A_307 = arith.index_cast %add3A_306 : i32 to index
      %get3A_308 = tpu.vector_load %arg5[%get3A_307] {strides = array<i32>} : memref<10000xi32, #tpu.memory_space<vmem>>, vector<16xi32>,
      %shift_right_logical3A_309 = arith.constant 16 : i32
      %shift_right_logical3A_310 = vector.broadcast %shift_right_logical3A_309 : i32 to vector<16xi32>
      %shift_right_logical3A_311 = arith.shrui %get3A_308, %shift_right_logical3A_310 : vector<16xi32>
      %swap3A_312 = arith.constant 0 : index
      %swap3A_313 = tpu.vector_load %arg8[%swap3A_312] {strides = array<i32>} : memref<80xi32, #tpu.memory_space<vmem>>, vector<16xi32>,
      tpu.vector_store %arg8[%swap3A_312], %shift_right_logical3A_311 {strides = array<i32>} : memref<80xi32, #tpu.memory_space<vmem>>, vector<16xi32>,
      %mul3A_314 = arith.constant 80 : i32
      %mul3A_315 = arith.muli %add3A_302, %mul3A_314 : i32
      %add3A_316 = arith.constant 16 : i32
      %add3A_317 = arith.addi %mul3A_315, %add3A_316 : i32
      %get3A_318 = arith.index_cast %add3A_317 : i32 to index
      %get3A_319 = tpu.vector_load %arg5[%get3A_318] {strides = array<i32>} : memref<10000xi32, #tpu.memory_space<vmem>>, vector<16xi32>,
      %shift_right_logical3A_320 = arith.constant 16 : i32
      %shift_right_logical3A_321 = vector.broadcast %shift_right_logical3A_320 : i32 to vector<16xi32>
      %shift_right_logical3A_322 = arith.shrui %get3A_319, %shift_right_logical3A_321 : vector<16xi32>
      %swap3A_323 = arith.constant 16 : index
      %swap3A_324 = tpu.vector_load %arg8[%swap3A_323] {strides = array<i32>} : memref<80xi32, #tpu.memory_space<vmem>>, vector<16xi32>,
      tpu.vector_store %arg8[%swap3A_323], %shift_right_logical3A_322 {strides = array<i32>} : memref<80xi32, #tpu.memory_space<vmem>>, vector<16xi32>,
      %mul3A_325 = arith.constant 80 : i32
      %mul3A_326 = arith.muli %add3A_302, %mul3A_325 : i32
      %add3A_327 = arith.constant 32 : i32
      %add3A_328 = arith.addi %mul3A_326, %add3A_327 : i32
      %get3A_329 = arith.index_cast %add3A_328 : i32 to index
      %get3A_330 = tpu.vector_load %arg5[%get3A_329] {strides = array<i32>} : memref<10000xi32, #tpu.memory_space<vmem>>, vector<16xi32>,
      %shift_right_logical3A_331 = arith.constant 16 : i32
      %shift_right_logical3A_332 = vector.broadcast %shift_right_logical3A_331 : i32 to vector<16xi32>
      %shift_right_logical3A_333 = arith.shrui %get3A_330, %shift_right_logical3A_332 : vector<16xi32>
      %swap3A_334 = arith.constant 32 : index
      %swap3A_335 = tpu.vector_load %arg8[%swap3A_334] {strides = array<i32>} : memref<80xi32, #tpu.memory_space<vmem>>, vector<16xi32>,
      tpu.vector_store %arg8[%swap3A_334], %shift_right_logical3A_333 {strides = array<i32>} : memref<80xi32, #tpu.memory_space<vmem>>, vector<16xi32>,
      %mul3A_336 = arith.constant 80 : i32
      %mul3A_337 = arith.muli %add3A_302, %mul3A_336 : i32
      %add3A_338 = arith.constant 48 : i32
      %add3A_339 = arith.addi %mul3A_337, %add3A_338 : i32
      %get3A_340 = arith.index_cast %add3A_339 : i32 to index
      %get3A_341 = tpu.vector_load %arg5[%get3A_340] {strides = array<i32>} : memref<10000xi32, #tpu.memory_space<vmem>>, vector<16xi32>,
      %shift_right_logical3A_342 = arith.constant 16 : i32
      %shift_right_logical3A_343 = vector.broadcast %shift_right_logical3A_342 : i32 to vector<16xi32>
      %shift_right_logical3A_344 = arith.shrui %get3A_341, %shift_right_logical3A_343 : vector<16xi32>
      %swap3A_345 = arith.constant 48 : index
      %swap3A_346 = tpu.vector_load %arg8[%swap3A_345] {strides = array<i32>} : memref<80xi32, #tpu.memory_space<vmem>>, vector<16xi32>,
      tpu.vector_store %arg8[%swap3A_345], %shift_right_logical3A_344 {strides = array<i32>} : memref<80xi32, #tpu.memory_space<vmem>>, vector<16xi32>,
      %mul3A_347 = arith.constant 80 : i32
      %mul3A_348 = arith.muli %add3A_302, %mul3A_347 : i32
      %add3A_349 = arith.constant 64 : i32
      %add3A_350 = arith.addi %mul3A_348, %add3A_349 : i32
      %get3A_351 = arith.index_cast %add3A_350 : i32 to index
      %get3A_352 = tpu.vector_load %arg5[%get3A_351] {strides = array<i32>} : memref<10000xi32, #tpu.memory_space<vmem>>, vector<16xi32>,
      %shift_right_logical3A_353 = arith.constant 16 : i32
      %shift_right_logical3A_354 = vector.broadcast %shift_right_logical3A_353 : i32 to vector<16xi32>
      %shift_right_logical3A_355 = arith.shrui %get3A_352, %shift_right_logical3A_354 : vector<16xi32>
      %swap3A_356 = arith.constant 64 : index
      %swap3A_357 = tpu.vector_load %arg8[%swap3A_356] {strides = array<i32>} : memref<80xi32, #tpu.memory_space<vmem>>, vector<16xi32>,
      tpu.vector_store %arg8[%swap3A_356], %shift_right_logical3A_355 {strides = array<i32>} : memref<80xi32, #tpu.memory_space<vmem>>, vector<16xi32>,
      "tpu.region"() ({
        %run_scoped3A = tpu.sem_alloc : memref<!tpu.dma_semaphore, #tpu.memory_space<semaphore_mem>>
        %dma_start3A_358 = arith.constant 0 : i32
        %dma_start3A_359 = arith.constant 0 : i32
        %dma_start3A_360 = tpu.memref_slice %arg11[%dma_start3A_358, %dma_start3A_359] : memref<10240x128xf32, #tpu.memory_space<vmem_shared>> -> memref<10240x128xf32, #tpu.memory_space<vmem_shared>>
        tpu.enqueue_indirect_dma source(%arg10 : memref<80x128xf32, #tpu.memory_space<vmem>>) target(%dma_start3A_360 : memref<10240x128xf32, #tpu.memory_space<vmem_shared>>) offsets(%arg8 : memref<80xi32, #tpu.memory_space<vmem>>) semaphore(%run_scoped3A : memref<!tpu.dma_semaphore, #tpu.memory_space<semaphore_mem>>) {add = true}
        %dma_wait3A_361 = arith.constant 0 : i32
        %dma_wait3A_362 = arith.constant 0 : i32
        %dma_wait3A_363 = tpu.memref_slice %arg11[%dma_wait3A_361, %dma_wait3A_362] : memref<10240x128xf32, #tpu.memory_space<vmem_shared>> -> memref<10240x128xf32, #tpu.memory_space<vmem_shared>>
        tpu.wait_indirect_dma semaphore(%run_scoped3A : memref<!tpu.dma_semaphore, #tpu.memory_space<semaphore_mem>>) src(%arg10 : memref<80x128xf32, #tpu.memory_space<vmem>>) dst(%dma_wait3A_363 : memref<10240x128xf32, #tpu.memory_space<vmem_shared>>)
        tpu.yield
      }) : () -> ()
    }
    %scan3A_75 = arith.constant 62 : i32
    %dma_wait3A = arith.constant 0 : i32
    %dma_wait3A_76 = arith.constant 0 : i32
    %dma_wait3A_77 = tpu.memref_slice %arg2[%dma_wait3A, %dma_wait3A_76] : memref<10000x128xf32, #tpu.memory_space<hbm>> -> memref<10000x128xf32, #tpu.memory_space<hbm>>
    tpu.wait_indirect_dma semaphore(%arg12 : memref<!tpu.dma_semaphore, #tpu.memory_space<semaphore_mem>>) src(%dma_wait3A_77 : memref<10000x128xf32, #tpu.memory_space<hbm>>) dst(%arg9 : memref<80x128xf32, #tpu.memory_space<vmem>>)
    %get3A_78 = arith.constant 9920 : index
    %get3A_79 = tpu.vector_load %arg5[%get3A_78] {strides = array<i32>} : memref<10000xi32, #tpu.memory_space<vmem>>, vector<16xi32>,
    %shift_right_logical3A = arith.constant 16 : i32
    %shift_right_logical3A_80 = vector.broadcast %shift_right_logical3A : i32 to vector<16xi32>
    %shift_right_logical3A_81 = arith.shrui %get3A_79, %shift_right_logical3A_80 : vector<16xi32>
    %swap3A_82 = arith.constant 0 : index
    %swap3A_83 = tpu.vector_load %arg8[%swap3A_82] {strides = array<i32>} : memref<80xi32, #tpu.memory_space<vmem>>, vector<16xi32>,
    tpu.vector_store %arg8[%swap3A_82], %shift_right_logical3A_81 {strides = array<i32>} : memref<80xi32, #tpu.memory_space<vmem>>, vector<16xi32>,
    %get3A_84 = arith.constant 9936 : index
    %get3A_85 = tpu.vector_load %arg5[%get3A_84] {strides = array<i32>} : memref<10000xi32, #tpu.memory_space<vmem>>, vector<16xi32>,
    %shift_right_logical3A_86 = arith.constant 16 : i32
    %shift_right_logical3A_87 = vector.broadcast %shift_right_logical3A_86 : i32 to vector<16xi32>
    %shift_right_logical3A_88 = arith.shrui %get3A_85, %shift_right_logical3A_87 : vector<16xi32>
    %swap3A_89 = arith.constant 16 : index
    %swap3A_90 = tpu.vector_load %arg8[%swap3A_89] {strides = array<i32>} : memref<80xi32, #tpu.memory_space<vmem>>, vector<16xi32>,
    tpu.vector_store %arg8[%swap3A_89], %shift_right_logical3A_88 {strides = array<i32>} : memref<80xi32, #tpu.memory_space<vmem>>, vector<16xi32>,
    %get3A_91 = arith.constant 9952 : index
    %get3A_92 = tpu.vector_load %arg5[%get3A_91] {strides = array<i32>} : memref<10000xi32, #tpu.memory_space<vmem>>, vector<16xi32>,
    %shift_right_logical3A_93 = arith.constant 16 : i32
    %shift_right_logical3A_94 = vector.broadcast %shift_right_logical3A_93 : i32 to vector<16xi32>
    %shift_right_logical3A_95 = arith.shrui %get3A_92, %shift_right_logical3A_94 : vector<16xi32>
    %swap3A_96 = arith.constant 32 : index
    %swap3A_97 = tpu.vector_load %arg8[%swap3A_96] {strides = array<i32>} : memref<80xi32, #tpu.memory_space<vmem>>, vector<16xi32>,
    tpu.vector_store %arg8[%swap3A_96], %shift_right_logical3A_95 {strides = array<i32>} : memref<80xi32, #tpu.memory_space<vmem>>, vector<16xi32>,
    %get3A_98 = arith.constant 9968 : index
    %get3A_99 = tpu.vector_load %arg5[%get3A_98] {strides = array<i32>} : memref<10000xi32, #tpu.memory_space<vmem>>, vector<16xi32>,
    %shift_right_logical3A_100 = arith.constant 16 : i32
    %shift_right_logical3A_101 = vector.broadcast %shift_right_logical3A_100 : i32 to vector<16xi32>
    %shift_right_logical3A_102 = arith.shrui %get3A_99, %shift_right_logical3A_101 : vector<16xi32>
    %swap3A_103 = arith.constant 48 : index
    %swap3A_104 = tpu.vector_load %arg8[%swap3A_103] {strides = array<i32>} : memref<80xi32, #tpu.memory_space<vmem>>, vector<16xi32>,
    tpu.vector_store %arg8[%swap3A_103], %shift_right_logical3A_102 {strides = array<i32>} : memref<80xi32, #tpu.memory_space<vmem>>, vector<16xi32>,
    %get3A_105 = arith.constant 9984 : index
    %get3A_106 = tpu.vector_load %arg5[%get3A_105] {strides = array<i32>} : memref<10000xi32, #tpu.memory_space<vmem>>, vector<16xi32>,
    %shift_right_logical3A_107 = arith.constant 16 : i32
    %shift_right_logical3A_108 = vector.broadcast %shift_right_logical3A_107 : i32 to vector<16xi32>
    %shift_right_logical3A_109 = arith.shrui %get3A_106, %shift_right_logical3A_108 : vector<16xi32>
    %swap3A_110 = arith.constant 64 : index
    %swap3A_111 = tpu.vector_load %arg8[%swap3A_110] {strides = array<i32>} : memref<80xi32, #tpu.memory_space<vmem>>, vector<16xi32>,
    tpu.vector_store %arg8[%swap3A_110], %shift_right_logical3A_109 {strides = array<i32>} : memref<80xi32, #tpu.memory_space<vmem>>, vector<16xi32>,
    "tpu.region"() ({
      %run_scoped3A = tpu.sem_alloc : memref<!tpu.dma_semaphore, #tpu.memory_space<semaphore_mem>>
      %dma_start3A_117 = arith.constant 0 : i32
      %dma_start3A_118 = arith.constant 0 : i32
      %dma_start3A_119 = tpu.memref_slice %arg11[%dma_start3A_117, %dma_start3A_118] : memref<10240x128xf32, #tpu.memory_space<vmem_shared>> -> memref<10240x128xf32, #tpu.memory_space<vmem_shared>>
      tpu.enqueue_indirect_dma source(%arg9 : memref<80x128xf32, #tpu.memory_space<vmem>>) target(%dma_start3A_119 : memref<10240x128xf32, #tpu.memory_space<vmem_shared>>) offsets(%arg8 : memref<80xi32, #tpu.memory_space<vmem>>) semaphore(%run_scoped3A : memref<!tpu.dma_semaphore, #tpu.memory_space<semaphore_mem>>) {add = true}
      %dma_wait3A_120 = arith.constant 0 : i32
      %dma_wait3A_121 = arith.constant 0 : i32
      %dma_wait3A_122 = tpu.memref_slice %arg11[%dma_wait3A_120, %dma_wait3A_121] : memref<10240x128xf32, #tpu.memory_space<vmem_shared>> -> memref<10240x128xf32, #tpu.memory_space<vmem_shared>>
      tpu.wait_indirect_dma semaphore(%run_scoped3A : memref<!tpu.dma_semaphore, #tpu.memory_space<semaphore_mem>>) src(%arg9 : memref<80x128xf32, #tpu.memory_space<vmem>>) dst(%dma_wait3A_122 : memref<10240x128xf32, #tpu.memory_space<vmem_shared>>)
      tpu.yield
    }) : () -> ()
    %barrier3A_112 = arith.constant 0 : index
    tpu.barrier barrier_id(%barrier3A_112)
    %mul3A_113 = arith.constant 640 : i32
    %mul3A_114 = arith.muli %arg1, %mul3A_113 : i32
    %mul3A_115 = arith.constant 640 : i32
    %mul3A_116 = arith.muli %arg1, %mul3A_115 : i32
    "tpu.region"() ({
      %run_scoped3A = tpu.sem_alloc : memref<!tpu.dma_semaphore, #tpu.memory_space<semaphore_mem>>
      %dma_start3A_117 = arith.constant 0 : i32
      %dma_start3A_118 = tpu.memref_slice %arg4[%arg0, %mul3A_116, %dma_start3A_117] : memref<2x10240x128xf32, #tpu.memory_space<hbm>> -> memref<1x640x128xf32, #tpu.memory_space<hbm>>
      %dma_start3A_119 = tpu.memref_squeeze %dma_start3A_118 : memref<1x640x128xf32, #tpu.memory_space<hbm>> -> memref<640x128xf32, #tpu.memory_space<hbm>>
      %dma_start3A_120 = arith.constant 0 : i32
      %dma_start3A_121 = tpu.memref_slice %arg11[%mul3A_114, %dma_start3A_120] : memref<10240x128xf32, #tpu.memory_space<vmem_shared>> -> memref<640x128xf32, #tpu.memory_space<vmem_shared>>
      tpu.enqueue_dma source(%dma_start3A_121 : memref<640x128xf32, #tpu.memory_space<vmem_shared>>) target(%dma_start3A_119 : memref<640x128xf32, #tpu.memory_space<hbm>>) target_semaphore(%run_scoped3A : memref<!tpu.dma_semaphore, #tpu.memory_space<semaphore_mem>>)
      %dma_wait3A_122 = arith.constant 0 : i32
      %dma_wait3A_123 = tpu.memref_slice %arg4[%arg0, %mul3A_116, %dma_wait3A_122] : memref<2x10240x128xf32, #tpu.memory_space<hbm>> -> memref<1x640x128xf32, #tpu.memory_space<hbm>>
      %dma_wait3A_124 = tpu.memref_squeeze %dma_wait3A_123 : memref<1x640x128xf32, #tpu.memory_space<hbm>> -> memref<640x128xf32, #tpu.memory_space<hbm>>
      %dma_wait3A_125 = arith.constant 0 : i32
      %dma_wait3A_126 = tpu.memref_slice %arg11[%mul3A_114, %dma_wait3A_125] : memref<10240x128xf32, #tpu.memory_space<vmem_shared>> -> memref<640x128xf32, #tpu.memory_space<vmem_shared>>
      tpu.wait_dma2 semaphore(%run_scoped3A : memref<!tpu.dma_semaphore, #tpu.memory_space<semaphore_mem>>) src(%dma_wait3A_126 : memref<640x128xf32, #tpu.memory_space<vmem_shared>>) dst(%dma_wait3A_124 : memref<640x128xf32, #tpu.memory_space<hbm>>)
      tpu.yield
    }) : () -> ()
    return
  }
}

#map = affine_map<(d0, d1) -> (0, 0)>
#map1 = affine_map<(d0, d1) -> (0, 0, 0)>
module attributes {stable_mosaic.version = 14 : i64} {
  func.func @_seg_body(%arg0: i32, %arg1: i32, %arg2: memref<10000x128xf32, #tpu.memory_space<hbm>>, %arg3: memref<32x10000xi32, #tpu.memory_space<hbm>>, %arg4: memref<2x10240x128xf32, #tpu.memory_space<hbm>>, %arg5: memref<10000xi32, #tpu.memory_space<vmem>>, %arg6: memref<80xi32, #tpu.memory_space<vmem>>, %arg7: memref<80xi32, #tpu.memory_space<vmem>>, %arg8: memref<80xi32, #tpu.memory_space<vmem>>, %arg9: memref<80x128xf32, #tpu.memory_space<vmem>>, %arg10: memref<80x128xf32, #tpu.memory_space<vmem>>, %arg11: memref<10240x128xf32, #tpu.memory_space<vmem_shared>>, %arg12: memref<!tpu.dma_semaphore, #tpu.memory_space<semaphore_mem>>, %arg13: memref<!tpu.dma_semaphore, #tpu.memory_space<semaphore_mem>>) attributes {dimension_semantics = [#tpu.dimension_semantics<core_parallel>, #tpu.dimension_semantics<subcore_parallel>], iteration_bounds = array<i64: 2, 16>, scalar_prefetch = 0 : i64, scratch_operands = 9 : i64, tpu.core_type = #tpu.core_type<sc_vector_subcore>, window_params = [{transform_indices = #map}, {transform_indices = #map}, {transform_indices = #map1}]} {
    %mul3A = arith.constant 16 : i32
    %mul3A_0 = arith.muli %arg0, %mul3A : i32
    %add3A = arith.addi %mul3A_0, %arg1 : i32
    %scan3A = arith.constant 0 : i32
    %scan3A_1 = arith.constant 80 : i32
    %scan3A_2 = arith.addi %scan3A, %scan3A_1 : i32
    %scan3A_3 = arith.constant 1 : i32
    scf.for %scan3A_117 = %scan3A to %scan3A_2 step %scan3A_3  : i32 {
      %scan3A_118 = arith.constant 0 : i32
      %scan3A_119 = arith.constant 8 : i32
      %scan3A_120 = arith.addi %scan3A_118, %scan3A_119 : i32
      %scan3A_121 = arith.constant 1 : i32
      scf.for %scan3A_123 = %scan3A_118 to %scan3A_120 step %scan3A_121  : i32 {
        %broadcast_in_dim3A = arith.constant 0.000000e+00 : f32
        %broadcast_in_dim3A_124 = vector.broadcast %broadcast_in_dim3A : f32 to vector<16xf32>
        %mul3A_125 = arith.constant 16 : i32
        %mul3A_126 = arith.muli %scan3A_123, %mul3A_125 : i32
        %swap3A_127 = arith.index_cast %scan3A_117 : i32 to index
        %swap3A_128 = arith.index_cast %mul3A_126 : i32 to index
        %swap3A_129 = tpu.vector_load %arg9[%swap3A_127, %swap3A_128] {strides = array<i32>} : memref<80x128xf32, #tpu.memory_space<vmem>>, vector<16xf32>,
        tpu.vector_store %arg9[%swap3A_127, %swap3A_128], %broadcast_in_dim3A_124 {strides = array<i32>} : memref<80x128xf32, #tpu.memory_space<vmem>>, vector<16xf32>,
      }
      %scan3A_122 = arith.constant 8 : i32
    }
    %scan3A_4 = arith.constant 80 : i32
    %mul3A_5 = arith.constant 640 : i32
    %mul3A_6 = arith.muli %arg1, %mul3A_5 : i32
    %add3A_7 = arith.constant 0 : i32
    %add3A_8 = arith.addi %mul3A_6, %add3A_7 : i32
    "tpu.region"() ({
      %run_scoped3A = tpu.sem_alloc : memref<!tpu.dma_semaphore, #tpu.memory_space<semaphore_mem>>
      %dma_start3A_117 = arith.constant 0 : i32
      %dma_start3A_118 = tpu.memref_slice %arg11[%add3A_8, %dma_start3A_117] : memref<10240x128xf32, #tpu.memory_space<vmem_shared>> -> memref<80x128xf32, #tpu.memory_space<vmem_shared>>
      %dma_start3A_119 = arith.constant 0 : i32
      %dma_start3A_120 = tpu.memref_slice %arg11[%add3A_8, %dma_start3A_119] : memref<10240x128xf32, #tpu.memory_space<vmem_shared>> -> memref<80x128xf32, #tpu.memory_space<vmem_shared>>
      tpu.enqueue_dma source(%arg9 : memref<80x128xf32, #tpu.memory_space<vmem>>) target(%dma_start3A_120 : memref<80x128xf32, #tpu.memory_space<vmem_shared>>) target_semaphore(%run_scoped3A : memref<!tpu.dma_semaphore, #tpu.memory_space<semaphore_mem>>)
      %dma_wait3A_121 = arith.constant 0 : i32
      %dma_wait3A_122 = tpu.memref_slice %arg11[%add3A_8, %dma_wait3A_121] : memref<10240x128xf32, #tpu.memory_space<vmem_shared>> -> memref<80x128xf32, #tpu.memory_space<vmem_shared>>
      %dma_wait3A_123 = arith.constant 0 : i32
      %dma_wait3A_124 = tpu.memref_slice %arg11[%add3A_8, %dma_wait3A_123] : memref<10240x128xf32, #tpu.memory_space<vmem_shared>> -> memref<80x128xf32, #tpu.memory_space<vmem_shared>>
      tpu.wait_dma2 semaphore(%run_scoped3A : memref<!tpu.dma_semaphore, #tpu.memory_space<semaphore_mem>>) src(%arg9 : memref<80x128xf32, #tpu.memory_space<vmem>>) dst(%dma_wait3A_124 : memref<80x128xf32, #tpu.memory_space<vmem_shared>>)
      tpu.yield
    }) : () -> ()
    %mul3A_9 = arith.constant 640 : i32
    %mul3A_10 = arith.muli %arg1, %mul3A_9 : i32
    %add3A_11 = arith.constant 80 : i32
    %add3A_12 = arith.addi %mul3A_10, %add3A_11 : i32
    "tpu.region"() ({
      %run_scoped3A = tpu.sem_alloc : memref<!tpu.dma_semaphore, #tpu.memory_space<semaphore_mem>>
      %dma_start3A_117 = arith.constant 0 : i32
      %dma_start3A_118 = tpu.memref_slice %arg11[%add3A_12, %dma_start3A_117] : memref<10240x128xf32, #tpu.memory_space<vmem_shared>> -> memref<80x128xf32, #tpu.memory_space<vmem_shared>>
      %dma_start3A_119 = arith.constant 0 : i32
      %dma_start3A_120 = tpu.memref_slice %arg11[%add3A_12, %dma_start3A_119] : memref<10240x128xf32, #tpu.memory_space<vmem_shared>> -> memref<80x128xf32, #tpu.memory_space<vmem_shared>>
      tpu.enqueue_dma source(%arg9 : memref<80x128xf32, #tpu.memory_space<vmem>>) target(%dma_start3A_120 : memref<80x128xf32, #tpu.memory_space<vmem_shared>>) target_semaphore(%run_scoped3A : memref<!tpu.dma_semaphore, #tpu.memory_space<semaphore_mem>>)
      %dma_wait3A_121 = arith.constant 0 : i32
      %dma_wait3A_122 = tpu.memref_slice %arg11[%add3A_12, %dma_wait3A_121] : memref<10240x128xf32, #tpu.memory_space<vmem_shared>> -> memref<80x128xf32, #tpu.memory_space<vmem_shared>>
      %dma_wait3A_123 = arith.constant 0 : i32
      %dma_wait3A_124 = tpu.memref_slice %arg11[%add3A_12, %dma_wait3A_123] : memref<10240x128xf32, #tpu.memory_space<vmem_shared>> -> memref<80x128xf32, #tpu.memory_space<vmem_shared>>
      tpu.wait_dma2 semaphore(%run_scoped3A : memref<!tpu.dma_semaphore, #tpu.memory_space<semaphore_mem>>) src(%arg9 : memref<80x128xf32, #tpu.memory_space<vmem>>) dst(%dma_wait3A_124 : memref<80x128xf32, #tpu.memory_space<vmem_shared>>)
      tpu.yield
    }) : () -> ()
    %mul3A_13 = arith.constant 640 : i32
    %mul3A_14 = arith.muli %arg1, %mul3A_13 : i32
    %add3A_15 = arith.constant 160 : i32
    %add3A_16 = arith.addi %mul3A_14, %add3A_15 : i32
    "tpu.region"() ({
      %run_scoped3A = tpu.sem_alloc : memref<!tpu.dma_semaphore, #tpu.memory_space<semaphore_mem>>
      %dma_start3A_117 = arith.constant 0 : i32
      %dma_start3A_118 = tpu.memref_slice %arg11[%add3A_16, %dma_start3A_117] : memref<10240x128xf32, #tpu.memory_space<vmem_shared>> -> memref<80x128xf32, #tpu.memory_space<vmem_shared>>
      %dma_start3A_119 = arith.constant 0 : i32
      %dma_start3A_120 = tpu.memref_slice %arg11[%add3A_16, %dma_start3A_119] : memref<10240x128xf32, #tpu.memory_space<vmem_shared>> -> memref<80x128xf32, #tpu.memory_space<vmem_shared>>
      tpu.enqueue_dma source(%arg9 : memref<80x128xf32, #tpu.memory_space<vmem>>) target(%dma_start3A_120 : memref<80x128xf32, #tpu.memory_space<vmem_shared>>) target_semaphore(%run_scoped3A : memref<!tpu.dma_semaphore, #tpu.memory_space<semaphore_mem>>)
      %dma_wait3A_121 = arith.constant 0 : i32
      %dma_wait3A_122 = tpu.memref_slice %arg11[%add3A_16, %dma_wait3A_121] : memref<10240x128xf32, #tpu.memory_space<vmem_shared>> -> memref<80x128xf32, #tpu.memory_space<vmem_shared>>
      %dma_wait3A_123 = arith.constant 0 : i32
      %dma_wait3A_124 = tpu.memref_slice %arg11[%add3A_16, %dma_wait3A_123] : memref<10240x128xf32, #tpu.memory_space<vmem_shared>> -> memref<80x128xf32, #tpu.memory_space<vmem_shared>>
      tpu.wait_dma2 semaphore(%run_scoped3A : memref<!tpu.dma_semaphore, #tpu.memory_space<semaphore_mem>>) src(%arg9 : memref<80x128xf32, #tpu.memory_space<vmem>>) dst(%dma_wait3A_124 : memref<80x128xf32, #tpu.memory_space<vmem_shared>>)
      tpu.yield
    }) : () -> ()
    %mul3A_17 = arith.constant 640 : i32
    %mul3A_18 = arith.muli %arg1, %mul3A_17 : i32
    %add3A_19 = arith.constant 240 : i32
    %add3A_20 = arith.addi %mul3A_18, %add3A_19 : i32
    "tpu.region"() ({
      %run_scoped3A = tpu.sem_alloc : memref<!tpu.dma_semaphore, #tpu.memory_space<semaphore_mem>>
      %dma_start3A_117 = arith.constant 0 : i32
      %dma_start3A_118 = tpu.memref_slice %arg11[%add3A_20, %dma_start3A_117] : memref<10240x128xf32, #tpu.memory_space<vmem_shared>> -> memref<80x128xf32, #tpu.memory_space<vmem_shared>>
      %dma_start3A_119 = arith.constant 0 : i32
      %dma_start3A_120 = tpu.memref_slice %arg11[%add3A_20, %dma_start3A_119] : memref<10240x128xf32, #tpu.memory_space<vmem_shared>> -> memref<80x128xf32, #tpu.memory_space<vmem_shared>>
      tpu.enqueue_dma source(%arg9 : memref<80x128xf32, #tpu.memory_space<vmem>>) target(%dma_start3A_120 : memref<80x128xf32, #tpu.memory_space<vmem_shared>>) target_semaphore(%run_scoped3A : memref<!tpu.dma_semaphore, #tpu.memory_space<semaphore_mem>>)
      %dma_wait3A_121 = arith.constant 0 : i32
      %dma_wait3A_122 = tpu.memref_slice %arg11[%add3A_20, %dma_wait3A_121] : memref<10240x128xf32, #tpu.memory_space<vmem_shared>> -> memref<80x128xf32, #tpu.memory_space<vmem_shared>>
      %dma_wait3A_123 = arith.constant 0 : i32
      %dma_wait3A_124 = tpu.memref_slice %arg11[%add3A_20, %dma_wait3A_123] : memref<10240x128xf32, #tpu.memory_space<vmem_shared>> -> memref<80x128xf32, #tpu.memory_space<vmem_shared>>
      tpu.wait_dma2 semaphore(%run_scoped3A : memref<!tpu.dma_semaphore, #tpu.memory_space<semaphore_mem>>) src(%arg9 : memref<80x128xf32, #tpu.memory_space<vmem>>) dst(%dma_wait3A_124 : memref<80x128xf32, #tpu.memory_space<vmem_shared>>)
      tpu.yield
    }) : () -> ()
    %mul3A_21 = arith.constant 640 : i32
    %mul3A_22 = arith.muli %arg1, %mul3A_21 : i32
    %add3A_23 = arith.constant 320 : i32
    %add3A_24 = arith.addi %mul3A_22, %add3A_23 : i32
    "tpu.region"() ({
      %run_scoped3A = tpu.sem_alloc : memref<!tpu.dma_semaphore, #tpu.memory_space<semaphore_mem>>
      %dma_start3A_117 = arith.constant 0 : i32
      %dma_start3A_118 = tpu.memref_slice %arg11[%add3A_24, %dma_start3A_117] : memref<10240x128xf32, #tpu.memory_space<vmem_shared>> -> memref<80x128xf32, #tpu.memory_space<vmem_shared>>
      %dma_start3A_119 = arith.constant 0 : i32
      %dma_start3A_120 = tpu.memref_slice %arg11[%add3A_24, %dma_start3A_119] : memref<10240x128xf32, #tpu.memory_space<vmem_shared>> -> memref<80x128xf32, #tpu.memory_space<vmem_shared>>
      tpu.enqueue_dma source(%arg9 : memref<80x128xf32, #tpu.memory_space<vmem>>) target(%dma_start3A_120 : memref<80x128xf32, #tpu.memory_space<vmem_shared>>) target_semaphore(%run_scoped3A : memref<!tpu.dma_semaphore, #tpu.memory_space<semaphore_mem>>)
      %dma_wait3A_121 = arith.constant 0 : i32
      %dma_wait3A_122 = tpu.memref_slice %arg11[%add3A_24, %dma_wait3A_121] : memref<10240x128xf32, #tpu.memory_space<vmem_shared>> -> memref<80x128xf32, #tpu.memory_space<vmem_shared>>
      %dma_wait3A_123 = arith.constant 0 : i32
      %dma_wait3A_124 = tpu.memref_slice %arg11[%add3A_24, %dma_wait3A_123] : memref<10240x128xf32, #tpu.memory_space<vmem_shared>> -> memref<80x128xf32, #tpu.memory_space<vmem_shared>>
      tpu.wait_dma2 semaphore(%run_scoped3A : memref<!tpu.dma_semaphore, #tpu.memory_space<semaphore_mem>>) src(%arg9 : memref<80x128xf32, #tpu.memory_space<vmem>>) dst(%dma_wait3A_124 : memref<80x128xf32, #tpu.memory_space<vmem_shared>>)
      tpu.yield
    }) : () -> ()
    %mul3A_25 = arith.constant 640 : i32
    %mul3A_26 = arith.muli %arg1, %mul3A_25 : i32
    %add3A_27 = arith.constant 400 : i32
    %add3A_28 = arith.addi %mul3A_26, %add3A_27 : i32
    "tpu.region"() ({
      %run_scoped3A = tpu.sem_alloc : memref<!tpu.dma_semaphore, #tpu.memory_space<semaphore_mem>>
      %dma_start3A_117 = arith.constant 0 : i32
      %dma_start3A_118 = tpu.memref_slice %arg11[%add3A_28, %dma_start3A_117] : memref<10240x128xf32, #tpu.memory_space<vmem_shared>> -> memref<80x128xf32, #tpu.memory_space<vmem_shared>>
      %dma_start3A_119 = arith.constant 0 : i32
      %dma_start3A_120 = tpu.memref_slice %arg11[%add3A_28, %dma_start3A_119] : memref<10240x128xf32, #tpu.memory_space<vmem_shared>> -> memref<80x128xf32, #tpu.memory_space<vmem_shared>>
      tpu.enqueue_dma source(%arg9 : memref<80x128xf32, #tpu.memory_space<vmem>>) target(%dma_start3A_120 : memref<80x128xf32, #tpu.memory_space<vmem_shared>>) target_semaphore(%run_scoped3A : memref<!tpu.dma_semaphore, #tpu.memory_space<semaphore_mem>>)
      %dma_wait3A_121 = arith.constant 0 : i32
      %dma_wait3A_122 = tpu.memref_slice %arg11[%add3A_28, %dma_wait3A_121] : memref<10240x128xf32, #tpu.memory_space<vmem_shared>> -> memref<80x128xf32, #tpu.memory_space<vmem_shared>>
      %dma_wait3A_123 = arith.constant 0 : i32
      %dma_wait3A_124 = tpu.memref_slice %arg11[%add3A_28, %dma_wait3A_123] : memref<10240x128xf32, #tpu.memory_space<vmem_shared>> -> memref<80x128xf32, #tpu.memory_space<vmem_shared>>
      tpu.wait_dma2 semaphore(%run_scoped3A : memref<!tpu.dma_semaphore, #tpu.memory_space<semaphore_mem>>) src(%arg9 : memref<80x128xf32, #tpu.memory_space<vmem>>) dst(%dma_wait3A_124 : memref<80x128xf32, #tpu.memory_space<vmem_shared>>)
      tpu.yield
    }) : () -> ()
    %mul3A_29 = arith.constant 640 : i32
    %mul3A_30 = arith.muli %arg1, %mul3A_29 : i32
    %add3A_31 = arith.constant 480 : i32
    %add3A_32 = arith.addi %mul3A_30, %add3A_31 : i32
    "tpu.region"() ({
      %run_scoped3A = tpu.sem_alloc : memref<!tpu.dma_semaphore, #tpu.memory_space<semaphore_mem>>
      %dma_start3A_117 = arith.constant 0 : i32
      %dma_start3A_118 = tpu.memref_slice %arg11[%add3A_32, %dma_start3A_117] : memref<10240x128xf32, #tpu.memory_space<vmem_shared>> -> memref<80x128xf32, #tpu.memory_space<vmem_shared>>
      %dma_start3A_119 = arith.constant 0 : i32
      %dma_start3A_120 = tpu.memref_slice %arg11[%add3A_32, %dma_start3A_119] : memref<10240x128xf32, #tpu.memory_space<vmem_shared>> -> memref<80x128xf32, #tpu.memory_space<vmem_shared>>
      tpu.enqueue_dma source(%arg9 : memref<80x128xf32, #tpu.memory_space<vmem>>) target(%dma_start3A_120 : memref<80x128xf32, #tpu.memory_space<vmem_shared>>) target_semaphore(%run_scoped3A : memref<!tpu.dma_semaphore, #tpu.memory_space<semaphore_mem>>)
      %dma_wait3A_121 = arith.constant 0 : i32
      %dma_wait3A_122 = tpu.memref_slice %arg11[%add3A_32, %dma_wait3A_121] : memref<10240x128xf32, #tpu.memory_space<vmem_shared>> -> memref<80x128xf32, #tpu.memory_space<vmem_shared>>
      %dma_wait3A_123 = arith.constant 0 : i32
      %dma_wait3A_124 = tpu.memref_slice %arg11[%add3A_32, %dma_wait3A_123] : memref<10240x128xf32, #tpu.memory_space<vmem_shared>> -> memref<80x128xf32, #tpu.memory_space<vmem_shared>>
      tpu.wait_dma2 semaphore(%run_scoped3A : memref<!tpu.dma_semaphore, #tpu.memory_space<semaphore_mem>>) src(%arg9 : memref<80x128xf32, #tpu.memory_space<vmem>>) dst(%dma_wait3A_124 : memref<80x128xf32, #tpu.memory_space<vmem_shared>>)
      tpu.yield
    }) : () -> ()
    %mul3A_33 = arith.constant 640 : i32
    %mul3A_34 = arith.muli %arg1, %mul3A_33 : i32
    %add3A_35 = arith.constant 560 : i32
    %add3A_36 = arith.addi %mul3A_34, %add3A_35 : i32
    "tpu.region"() ({
      %run_scoped3A = tpu.sem_alloc : memref<!tpu.dma_semaphore, #tpu.memory_space<semaphore_mem>>
      %dma_start3A_117 = arith.constant 0 : i32
      %dma_start3A_118 = tpu.memref_slice %arg11[%add3A_36, %dma_start3A_117] : memref<10240x128xf32, #tpu.memory_space<vmem_shared>> -> memref<80x128xf32, #tpu.memory_space<vmem_shared>>
      %dma_start3A_119 = arith.constant 0 : i32
      %dma_start3A_120 = tpu.memref_slice %arg11[%add3A_36, %dma_start3A_119] : memref<10240x128xf32, #tpu.memory_space<vmem_shared>> -> memref<80x128xf32, #tpu.memory_space<vmem_shared>>
      tpu.enqueue_dma source(%arg9 : memref<80x128xf32, #tpu.memory_space<vmem>>) target(%dma_start3A_120 : memref<80x128xf32, #tpu.memory_space<vmem_shared>>) target_semaphore(%run_scoped3A : memref<!tpu.dma_semaphore, #tpu.memory_space<semaphore_mem>>)
      %dma_wait3A_121 = arith.constant 0 : i32
      %dma_wait3A_122 = tpu.memref_slice %arg11[%add3A_36, %dma_wait3A_121] : memref<10240x128xf32, #tpu.memory_space<vmem_shared>> -> memref<80x128xf32, #tpu.memory_space<vmem_shared>>
      %dma_wait3A_123 = arith.constant 0 : i32
      %dma_wait3A_124 = tpu.memref_slice %arg11[%add3A_36, %dma_wait3A_123] : memref<10240x128xf32, #tpu.memory_space<vmem_shared>> -> memref<80x128xf32, #tpu.memory_space<vmem_shared>>
      tpu.wait_dma2 semaphore(%run_scoped3A : memref<!tpu.dma_semaphore, #tpu.memory_space<semaphore_mem>>) src(%arg9 : memref<80x128xf32, #tpu.memory_space<vmem>>) dst(%dma_wait3A_124 : memref<80x128xf32, #tpu.memory_space<vmem_shared>>)
      tpu.yield
    }) : () -> ()
    "tpu.region"() ({
      %run_scoped3A = tpu.sem_alloc : memref<!tpu.dma_semaphore, #tpu.memory_space<semaphore_mem>>
      %dma_start3A_117 = arith.constant 0 : i32
      %dma_start3A_118 = tpu.memref_slice %arg3[%add3A, %dma_start3A_117] : memref<32x10000xi32, #tpu.memory_space<hbm>> -> memref<1x10000xi32, #tpu.memory_space<hbm>>
      %dma_start3A_119 = tpu.memref_squeeze %dma_start3A_118 : memref<1x10000xi32, #tpu.memory_space<hbm>> -> memref<10000xi32, #tpu.memory_space<hbm>>
      %dma_start3A_120 = arith.constant 0 : i32
      %dma_start3A_121 = tpu.memref_slice %arg3[%add3A, %dma_start3A_120] : memref<32x10000xi32, #tpu.memory_space<hbm>> -> memref<1x10000xi32, #tpu.memory_space<hbm>>
      %dma_start3A_122 = tpu.memref_squeeze %dma_start3A_121 : memref<1x10000xi32, #tpu.memory_space<hbm>> -> memref<10000xi32, #tpu.memory_space<hbm>>
      tpu.enqueue_dma source(%dma_start3A_122 : memref<10000xi32, #tpu.memory_space<hbm>>) target(%arg5 : memref<10000xi32, #tpu.memory_space<vmem>>) target_semaphore(%run_scoped3A : memref<!tpu.dma_semaphore, #tpu.memory_space<semaphore_mem>>)
      %dma_wait3A_123 = arith.constant 0 : i32
      %dma_wait3A_124 = tpu.memref_slice %arg3[%add3A, %dma_wait3A_123] : memref<32x10000xi32, #tpu.memory_space<hbm>> -> memref<1x10000xi32, #tpu.memory_space<hbm>>
      %dma_wait3A_125 = tpu.memref_squeeze %dma_wait3A_124 : memref<1x10000xi32, #tpu.memory_space<hbm>> -> memref<10000xi32, #tpu.memory_space<hbm>>
      %dma_wait3A_126 = arith.constant 0 : i32
      %dma_wait3A_127 = tpu.memref_slice %arg3[%add3A, %dma_wait3A_126] : memref<32x10000xi32, #tpu.memory_space<hbm>> -> memref<1x10000xi32, #tpu.memory_space<hbm>>
      %dma_wait3A_128 = tpu.memref_squeeze %dma_wait3A_127 : memref<1x10000xi32, #tpu.memory_space<hbm>> -> memref<10000xi32, #tpu.memory_space<hbm>>
      tpu.wait_dma2 semaphore(%run_scoped3A : memref<!tpu.dma_semaphore, #tpu.memory_space<semaphore_mem>>) src(%dma_wait3A_128 : memref<10000xi32, #tpu.memory_space<hbm>>) dst(%arg5 : memref<10000xi32, #tpu.memory_space<vmem>>)
      tpu.yield
    }) : () -> ()
    %barrier3A = arith.constant 0 : index
    tpu.barrier barrier_id(%barrier3A)
    %get3A = arith.constant 0 : index
    %get3A_37 = tpu.vector_load %arg5[%get3A] {strides = array<i32>} : memref<10000xi32, #tpu.memory_space<vmem>>, vector<16xi32>,
    %and3A = arith.constant 65535 : i32
    %and3A_38 = vector.broadcast %and3A : i32 to vector<16xi32>
    %and3A_39 = arith.andi %get3A_37, %and3A_38 : vector<16xi32>
    %swap3A = arith.constant 0 : index
    %swap3A_40 = tpu.vector_load %arg6[%swap3A] {strides = array<i32>} : memref<80xi32, #tpu.memory_space<vmem>>, vector<16xi32>,
    tpu.vector_store %arg6[%swap3A], %and3A_39 {strides = array<i32>} : memref<80xi32, #tpu.memory_space<vmem>>, vector<16xi32>,
    %get3A_41 = arith.constant 16 : index
    %get3A_42 = tpu.vector_load %arg5[%get3A_41] {strides = array<i32>} : memref<10000xi32, #tpu.memory_space<vmem>>, vector<16xi32>,
    %and3A_43 = arith.constant 65535 : i32
    %and3A_44 = vector.broadcast %and3A_43 : i32 to vector<16xi32>
    %and3A_45 = arith.andi %get3A_42, %and3A_44 : vector<16xi32>
    %swap3A_46 = arith.constant 16 : index
    %swap3A_47 = tpu.vector_load %arg6[%swap3A_46] {strides = array<i32>} : memref<80xi32, #tpu.memory_space<vmem>>, vector<16xi32>,
    tpu.vector_store %arg6[%swap3A_46], %and3A_45 {strides = array<i32>} : memref<80xi32, #tpu.memory_space<vmem>>, vector<16xi32>,
    %get3A_48 = arith.constant 32 : index
    %get3A_49 = tpu.vector_load %arg5[%get3A_48] {strides = array<i32>} : memref<10000xi32, #tpu.memory_space<vmem>>, vector<16xi32>,
    %and3A_50 = arith.constant 65535 : i32
    %and3A_51 = vector.broadcast %and3A_50 : i32 to vector<16xi32>
    %and3A_52 = arith.andi %get3A_49, %and3A_51 : vector<16xi32>
    %swap3A_53 = arith.constant 32 : index
    %swap3A_54 = tpu.vector_load %arg6[%swap3A_53] {strides = array<i32>} : memref<80xi32, #tpu.memory_space<vmem>>, vector<16xi32>,
    tpu.vector_store %arg6[%swap3A_53], %and3A_52 {strides = array<i32>} : memref<80xi32, #tpu.memory_space<vmem>>, vector<16xi32>,
    %get3A_55 = arith.constant 48 : index
    %get3A_56 = tpu.vector_load %arg5[%get3A_55] {strides = array<i32>} : memref<10000xi32, #tpu.memory_space<vmem>>, vector<16xi32>,
    %and3A_57 = arith.constant 65535 : i32
    %and3A_58 = vector.broadcast %and3A_57 : i32 to vector<16xi32>
    %and3A_59 = arith.andi %get3A_56, %and3A_58 : vector<16xi32>
    %swap3A_60 = arith.constant 48 : index
    %swap3A_61 = tpu.vector_load %arg6[%swap3A_60] {strides = array<i32>} : memref<80xi32, #tpu.memory_space<vmem>>, vector<16xi32>,
    tpu.vector_store %arg6[%swap3A_60], %and3A_59 {strides = array<i32>} : memref<80xi32, #tpu.memory_space<vmem>>, vector<16xi32>,
    %get3A_62 = arith.constant 64 : index
    %get3A_63 = tpu.vector_load %arg5[%get3A_62] {strides = array<i32>} : memref<10000xi32, #tpu.memory_space<vmem>>, vector<16xi32>,
    %and3A_64 = arith.constant 65535 : i32
    %and3A_65 = vector.broadcast %and3A_64 : i32 to vector<16xi32>
    %and3A_66 = arith.andi %get3A_63, %and3A_65 : vector<16xi32>
    %swap3A_67 = arith.constant 64 : index
    %swap3A_68 = tpu.vector_load %arg6[%swap3A_67] {strides = array<i32>} : memref<80xi32, #tpu.memory_space<vmem>>, vector<16xi32>,
    tpu.vector_store %arg6[%swap3A_67], %and3A_66 {strides = array<i32>} : memref<80xi32, #tpu.memory_space<vmem>>, vector<16xi32>,
    %dma_start3A = arith.constant 0 : i32
    %dma_start3A_69 = arith.constant 0 : i32
    %dma_start3A_70 = tpu.memref_slice %arg2[%dma_start3A, %dma_start3A_69] : memref<10000x128xf32, #tpu.memory_space<hbm>> -> memref<10000x128xf32, #tpu.memory_space<hbm>>
    tpu.enqueue_indirect_dma source(%dma_start3A_70 : memref<10000x128xf32, #tpu.memory_space<hbm>>) target(%arg9 : memref<80x128xf32, #tpu.memory_space<vmem>>) offsets(%arg6 : memref<80xi32, #tpu.memory_space<vmem>>) semaphore(%arg12 : memref<!tpu.dma_semaphore, #tpu.memory_space<semaphore_mem>>)
    %scan3A_71 = arith.constant 0 : i32
    %scan3A_72 = arith.constant 62 : i32
    %scan3A_73 = arith.addi %scan3A_71, %scan3A_72 : i32
    %scan3A_74 = arith.constant 1 : i32
    scf.for %scan3A_117 = %scan3A_71 to %scan3A_73 step %scan3A_74  : i32 {
      %mul3A_118 = arith.constant 2 : i32
      %mul3A_119 = arith.muli %mul3A_118, %scan3A_117 : i32
      %add3A_120 = arith.constant 1 : i32
      %add3A_121 = arith.addi %mul3A_119, %add3A_120 : i32
      %mul3A_122 = arith.constant 80 : i32
      %mul3A_123 = arith.muli %add3A_121, %mul3A_122 : i32
      %add3A_124 = arith.constant 0 : i32
      %add3A_125 = arith.addi %mul3A_123, %add3A_124 : i32
      %get3A_126 = arith.index_cast %add3A_125 : i32 to index
      %get3A_127 = tpu.vector_load %arg5[%get3A_126] {strides = array<i32>} : memref<10000xi32, #tpu.memory_space<vmem>>, vector<16xi32>,
      %and3A_128 = arith.constant 65535 : i32
      %and3A_129 = vector.broadcast %and3A_128 : i32 to vector<16xi32>
      %and3A_130 = arith.andi %get3A_127, %and3A_129 : vector<16xi32>
      %swap3A_131 = arith.constant 0 : index
      %swap3A_132 = tpu.vector_load %arg7[%swap3A_131] {strides = array<i32>} : memref<80xi32, #tpu.memory_space<vmem>>, vector<16xi32>,
      tpu.vector_store %arg7[%swap3A_131], %and3A_130 {strides = array<i32>} : memref<80xi32, #tpu.memory_space<vmem>>, vector<16xi32>,
      %mul3A_133 = arith.constant 80 : i32
      %mul3A_134 = arith.muli %add3A_121, %mul3A_133 : i32
      %add3A_135 = arith.constant 16 : i32
      %add3A_136 = arith.addi %mul3A_134, %add3A_135 : i32
      %get3A_137 = arith.index_cast %add3A_136 : i32 to index
      %get3A_138 = tpu.vector_load %arg5[%get3A_137] {strides = array<i32>} : memref<10000xi32, #tpu.memory_space<vmem>>, vector<16xi32>,
      %and3A_139 = arith.constant 65535 : i32
      %and3A_140 = vector.broadcast %and3A_139 : i32 to vector<16xi32>
      %and3A_141 = arith.andi %get3A_138, %and3A_140 : vector<16xi32>
      %swap3A_142 = arith.constant 16 : index
      %swap3A_143 = tpu.vector_load %arg7[%swap3A_142] {strides = array<i32>} : memref<80xi32, #tpu.memory_space<vmem>>, vector<16xi32>,
      tpu.vector_store %arg7[%swap3A_142], %and3A_141 {strides = array<i32>} : memref<80xi32, #tpu.memory_space<vmem>>, vector<16xi32>,
      %mul3A_144 = arith.constant 80 : i32
      %mul3A_145 = arith.muli %add3A_121, %mul3A_144 : i32
      %add3A_146 = arith.constant 32 : i32
      %add3A_147 = arith.addi %mul3A_145, %add3A_146 : i32
      %get3A_148 = arith.index_cast %add3A_147 : i32 to index
      %get3A_149 = tpu.vector_load %arg5[%get3A_148] {strides = array<i32>} : memref<10000xi32, #tpu.memory_space<vmem>>, vector<16xi32>,
      %and3A_150 = arith.constant 65535 : i32
      %and3A_151 = vector.broadcast %and3A_150 : i32 to vector<16xi32>
      %and3A_152 = arith.andi %get3A_149, %and3A_151 : vector<16xi32>
      %swap3A_153 = arith.constant 32 : index
      %swap3A_154 = tpu.vector_load %arg7[%swap3A_153] {strides = array<i32>} : memref<80xi32, #tpu.memory_space<vmem>>, vector<16xi32>,
      tpu.vector_store %arg7[%swap3A_153], %and3A_152 {strides = array<i32>} : memref<80xi32, #tpu.memory_space<vmem>>, vector<16xi32>,
      %mul3A_155 = arith.constant 80 : i32
      %mul3A_156 = arith.muli %add3A_121, %mul3A_155 : i32
      %add3A_157 = arith.constant 48 : i32
      %add3A_158 = arith.addi %mul3A_156, %add3A_157 : i32
      %get3A_159 = arith.index_cast %add3A_158 : i32 to index
      %get3A_160 = tpu.vector_load %arg5[%get3A_159] {strides = array<i32>} : memref<10000xi32, #tpu.memory_space<vmem>>, vector<16xi32>,
      %and3A_161 = arith.constant 65535 : i32
      %and3A_162 = vector.broadcast %and3A_161 : i32 to vector<16xi32>
      %and3A_163 = arith.andi %get3A_160, %and3A_162 : vector<16xi32>
      %swap3A_164 = arith.constant 48 : index
      %swap3A_165 = tpu.vector_load %arg7[%swap3A_164] {strides = array<i32>} : memref<80xi32, #tpu.memory_space<vmem>>, vector<16xi32>,
      tpu.vector_store %arg7[%swap3A_164], %and3A_163 {strides = array<i32>} : memref<80xi32, #tpu.memory_space<vmem>>, vector<16xi32>,
      %mul3A_166 = arith.constant 80 : i32
      %mul3A_167 = arith.muli %add3A_121, %mul3A_166 : i32
      %add3A_168 = arith.constant 64 : i32
      %add3A_169 = arith.addi %mul3A_167, %add3A_168 : i32
      %get3A_170 = arith.index_cast %add3A_169 : i32 to index
      %get3A_171 = tpu.vector_load %arg5[%get3A_170] {strides = array<i32>} : memref<10000xi32, #tpu.memory_space<vmem>>, vector<16xi32>,
      %and3A_172 = arith.constant 65535 : i32
      %and3A_173 = vector.broadcast %and3A_172 : i32 to vector<16xi32>
      %and3A_174 = arith.andi %get3A_171, %and3A_173 : vector<16xi32>
      %swap3A_175 = arith.constant 64 : index
      %swap3A_176 = tpu.vector_load %arg7[%swap3A_175] {strides = array<i32>} : memref<80xi32, #tpu.memory_space<vmem>>, vector<16xi32>,
      tpu.vector_store %arg7[%swap3A_175], %and3A_174 {strides = array<i32>} : memref<80xi32, #tpu.memory_space<vmem>>, vector<16xi32>,
      %dma_start3A_177 = arith.constant 0 : i32
      %dma_start3A_178 = arith.constant 0 : i32
      %dma_start3A_179 = tpu.memref_slice %arg2[%dma_start3A_177, %dma_start3A_178] : memref<10000x128xf32, #tpu.memory_space<hbm>> -> memref<10000x128xf32, #tpu.memory_space<hbm>>
      tpu.enqueue_indirect_dma source(%dma_start3A_179 : memref<10000x128xf32, #tpu.memory_space<hbm>>) target(%arg10 : memref<80x128xf32, #tpu.memory_space<vmem>>) offsets(%arg7 : memref<80xi32, #tpu.memory_space<vmem>>) semaphore(%arg13 : memref<!tpu.dma_semaphore, #tpu.memory_space<semaphore_mem>>)
      %dma_wait3A_180 = arith.constant 0 : i32
      %dma_wait3A_181 = arith.constant 0 : i32
      %dma_wait3A_182 = tpu.memref_slice %arg2[%dma_wait3A_180, %dma_wait3A_181] : memref<10000x128xf32, #tpu.memory_space<hbm>> -> memref<10000x128xf32, #tpu.memory_space<hbm>>
      tpu.wait_indirect_dma semaphore(%arg12 : memref<!tpu.dma_semaphore, #tpu.memory_space<semaphore_mem>>) src(%dma_wait3A_182 : memref<10000x128xf32, #tpu.memory_space<hbm>>) dst(%arg9 : memref<80x128xf32, #tpu.memory_space<vmem>>)
      %mul3A_183 = arith.constant 80 : i32
      %mul3A_184 = arith.muli %mul3A_119, %mul3A_183 : i32
      %add3A_185 = arith.constant 0 : i32
      %add3A_186 = arith.addi %mul3A_184, %add3A_185 : i32
      %get3A_187 = arith.index_cast %add3A_186 : i32 to index
      %get3A_188 = tpu.vector_load %arg5[%get3A_187] {strides = array<i32>} : memref<10000xi32, #tpu.memory_space<vmem>>, vector<16xi32>,
      %shift_right_logical3A_189 = arith.constant 16 : i32
      %shift_right_logical3A_190 = vector.broadcast %shift_right_logical3A_189 : i32 to vector<16xi32>
      %shift_right_logical3A_191 = arith.shrui %get3A_188, %shift_right_logical3A_190 : vector<16xi32>
      %swap3A_192 = arith.constant 0 : index
      %swap3A_193 = tpu.vector_load %arg8[%swap3A_192] {strides = array<i32>} : memref<80xi32, #tpu.memory_space<vmem>>, vector<16xi32>,
      tpu.vector_store %arg8[%swap3A_192], %shift_right_logical3A_191 {strides = array<i32>} : memref<80xi32, #tpu.memory_space<vmem>>, vector<16xi32>,
      %mul3A_194 = arith.constant 80 : i32
      %mul3A_195 = arith.muli %mul3A_119, %mul3A_194 : i32
      %add3A_196 = arith.constant 16 : i32
      %add3A_197 = arith.addi %mul3A_195, %add3A_196 : i32
      %get3A_198 = arith.index_cast %add3A_197 : i32 to index
      %get3A_199 = tpu.vector_load %arg5[%get3A_198] {strides = array<i32>} : memref<10000xi32, #tpu.memory_space<vmem>>, vector<16xi32>,
      %shift_right_logical3A_200 = arith.constant 16 : i32
      %shift_right_logical3A_201 = vector.broadcast %shift_right_logical3A_200 : i32 to vector<16xi32>
      %shift_right_logical3A_202 = arith.shrui %get3A_199, %shift_right_logical3A_201 : vector<16xi32>
      %swap3A_203 = arith.constant 16 : index
      %swap3A_204 = tpu.vector_load %arg8[%swap3A_203] {strides = array<i32>} : memref<80xi32, #tpu.memory_space<vmem>>, vector<16xi32>,
      tpu.vector_store %arg8[%swap3A_203], %shift_right_logical3A_202 {strides = array<i32>} : memref<80xi32, #tpu.memory_space<vmem>>, vector<16xi32>,
      %mul3A_205 = arith.constant 80 : i32
      %mul3A_206 = arith.muli %mul3A_119, %mul3A_205 : i32
      %add3A_207 = arith.constant 32 : i32
      %add3A_208 = arith.addi %mul3A_206, %add3A_207 : i32
      %get3A_209 = arith.index_cast %add3A_208 : i32 to index
      %get3A_210 = tpu.vector_load %arg5[%get3A_209] {strides = array<i32>} : memref<10000xi32, #tpu.memory_space<vmem>>, vector<16xi32>,
      %shift_right_logical3A_211 = arith.constant 16 : i32
      %shift_right_logical3A_212 = vector.broadcast %shift_right_logical3A_211 : i32 to vector<16xi32>
      %shift_right_logical3A_213 = arith.shrui %get3A_210, %shift_right_logical3A_212 : vector<16xi32>
      %swap3A_214 = arith.constant 32 : index
      %swap3A_215 = tpu.vector_load %arg8[%swap3A_214] {strides = array<i32>} : memref<80xi32, #tpu.memory_space<vmem>>, vector<16xi32>,
      tpu.vector_store %arg8[%swap3A_214], %shift_right_logical3A_213 {strides = array<i32>} : memref<80xi32, #tpu.memory_space<vmem>>, vector<16xi32>,
      %mul3A_216 = arith.constant 80 : i32
      %mul3A_217 = arith.muli %mul3A_119, %mul3A_216 : i32
      %add3A_218 = arith.constant 48 : i32
      %add3A_219 = arith.addi %mul3A_217, %add3A_218 : i32
      %get3A_220 = arith.index_cast %add3A_219 : i32 to index
      %get3A_221 = tpu.vector_load %arg5[%get3A_220] {strides = array<i32>} : memref<10000xi32, #tpu.memory_space<vmem>>, vector<16xi32>,
      %shift_right_logical3A_222 = arith.constant 16 : i32
      %shift_right_logical3A_223 = vector.broadcast %shift_right_logical3A_222 : i32 to vector<16xi32>
      %shift_right_logical3A_224 = arith.shrui %get3A_221, %shift_right_logical3A_223 : vector<16xi32>
      %swap3A_225 = arith.constant 48 : index
      %swap3A_226 = tpu.vector_load %arg8[%swap3A_225] {strides = array<i32>} : memref<80xi32, #tpu.memory_space<vmem>>, vector<16xi32>,
      tpu.vector_store %arg8[%swap3A_225], %shift_right_logical3A_224 {strides = array<i32>} : memref<80xi32, #tpu.memory_space<vmem>>, vector<16xi32>,
      %mul3A_227 = arith.constant 80 : i32
      %mul3A_228 = arith.muli %mul3A_119, %mul3A_227 : i32
      %add3A_229 = arith.constant 64 : i32
      %add3A_230 = arith.addi %mul3A_228, %add3A_229 : i32
      %get3A_231 = arith.index_cast %add3A_230 : i32 to index
      %get3A_232 = tpu.vector_load %arg5[%get3A_231] {strides = array<i32>} : memref<10000xi32, #tpu.memory_space<vmem>>, vector<16xi32>,
      %shift_right_logical3A_233 = arith.constant 16 : i32
      %shift_right_logical3A_234 = vector.broadcast %shift_right_logical3A_233 : i32 to vector<16xi32>
      %shift_right_logical3A_235 = arith.shrui %get3A_232, %shift_right_logical3A_234 : vector<16xi32>
      %swap3A_236 = arith.constant 64 : index
      %swap3A_237 = tpu.vector_load %arg8[%swap3A_236] {strides = array<i32>} : memref<80xi32, #tpu.memory_space<vmem>>, vector<16xi32>,
      tpu.vector_store %arg8[%swap3A_236], %shift_right_logical3A_235 {strides = array<i32>} : memref<80xi32, #tpu.memory_space<vmem>>, vector<16xi32>,
      "tpu.region"() ({
        %run_scoped3A = tpu.sem_alloc : memref<!tpu.dma_semaphore, #tpu.memory_space<semaphore_mem>>
        %dma_start3A_358 = arith.constant 0 : i32
        %dma_start3A_359 = arith.constant 0 : i32
        %dma_start3A_360 = tpu.memref_slice %arg11[%dma_start3A_358, %dma_start3A_359] : memref<10240x128xf32, #tpu.memory_space<vmem_shared>> -> memref<10240x128xf32, #tpu.memory_space<vmem_shared>>
        tpu.enqueue_indirect_dma source(%arg9 : memref<80x128xf32, #tpu.memory_space<vmem>>) target(%dma_start3A_360 : memref<10240x128xf32, #tpu.memory_space<vmem_shared>>) offsets(%arg8 : memref<80xi32, #tpu.memory_space<vmem>>) semaphore(%run_scoped3A : memref<!tpu.dma_semaphore, #tpu.memory_space<semaphore_mem>>) {add = true}
        %dma_wait3A_361 = arith.constant 0 : i32
        %dma_wait3A_362 = arith.constant 0 : i32
        %dma_wait3A_363 = tpu.memref_slice %arg11[%dma_wait3A_361, %dma_wait3A_362] : memref<10240x128xf32, #tpu.memory_space<vmem_shared>> -> memref<10240x128xf32, #tpu.memory_space<vmem_shared>>
        tpu.wait_indirect_dma semaphore(%run_scoped3A : memref<!tpu.dma_semaphore, #tpu.memory_space<semaphore_mem>>) src(%arg9 : memref<80x128xf32, #tpu.memory_space<vmem>>) dst(%dma_wait3A_363 : memref<10240x128xf32, #tpu.memory_space<vmem_shared>>)
        tpu.yield
      }) : () -> ()
      %add3A_238 = arith.constant 2 : i32
      %add3A_239 = arith.addi %mul3A_119, %add3A_238 : i32
      %mul3A_240 = arith.constant 80 : i32
      %mul3A_241 = arith.muli %add3A_239, %mul3A_240 : i32
      %add3A_242 = arith.constant 0 : i32
      %add3A_243 = arith.addi %mul3A_241, %add3A_242 : i32
      %get3A_244 = arith.index_cast %add3A_243 : i32 to index
      %get3A_245 = tpu.vector_load %arg5[%get3A_244] {strides = array<i32>} : memref<10000xi32, #tpu.memory_space<vmem>>, vector<16xi32>,
      %and3A_246 = arith.constant 65535 : i32
      %and3A_247 = vector.broadcast %and3A_246 : i32 to vector<16xi32>
      %and3A_248 = arith.andi %get3A_245, %and3A_247 : vector<16xi32>
      %swap3A_249 = arith.constant 0 : index
      %swap3A_250 = tpu.vector_load %arg6[%swap3A_249] {strides = array<i32>} : memref<80xi32, #tpu.memory_space<vmem>>, vector<16xi32>,
      tpu.vector_store %arg6[%swap3A_249], %and3A_248 {strides = array<i32>} : memref<80xi32, #tpu.memory_space<vmem>>, vector<16xi32>,
      %mul3A_251 = arith.constant 80 : i32
      %mul3A_252 = arith.muli %add3A_239, %mul3A_251 : i32
      %add3A_253 = arith.constant 16 : i32
      %add3A_254 = arith.addi %mul3A_252, %add3A_253 : i32
      %get3A_255 = arith.index_cast %add3A_254 : i32 to index
      %get3A_256 = tpu.vector_load %arg5[%get3A_255] {strides = array<i32>} : memref<10000xi32, #tpu.memory_space<vmem>>, vector<16xi32>,
      %and3A_257 = arith.constant 65535 : i32
      %and3A_258 = vector.broadcast %and3A_257 : i32 to vector<16xi32>
      %and3A_259 = arith.andi %get3A_256, %and3A_258 : vector<16xi32>
      %swap3A_260 = arith.constant 16 : index
      %swap3A_261 = tpu.vector_load %arg6[%swap3A_260] {strides = array<i32>} : memref<80xi32, #tpu.memory_space<vmem>>, vector<16xi32>,
      tpu.vector_store %arg6[%swap3A_260], %and3A_259 {strides = array<i32>} : memref<80xi32, #tpu.memory_space<vmem>>, vector<16xi32>,
      %mul3A_262 = arith.constant 80 : i32
      %mul3A_263 = arith.muli %add3A_239, %mul3A_262 : i32
      %add3A_264 = arith.constant 32 : i32
      %add3A_265 = arith.addi %mul3A_263, %add3A_264 : i32
      %get3A_266 = arith.index_cast %add3A_265 : i32 to index
      %get3A_267 = tpu.vector_load %arg5[%get3A_266] {strides = array<i32>} : memref<10000xi32, #tpu.memory_space<vmem>>, vector<16xi32>,
      %and3A_268 = arith.constant 65535 : i32
      %and3A_269 = vector.broadcast %and3A_268 : i32 to vector<16xi32>
      %and3A_270 = arith.andi %get3A_267, %and3A_269 : vector<16xi32>
      %swap3A_271 = arith.constant 32 : index
      %swap3A_272 = tpu.vector_load %arg6[%swap3A_271] {strides = array<i32>} : memref<80xi32, #tpu.memory_space<vmem>>, vector<16xi32>,
      tpu.vector_store %arg6[%swap3A_271], %and3A_270 {strides = array<i32>} : memref<80xi32, #tpu.memory_space<vmem>>, vector<16xi32>,
      %mul3A_273 = arith.constant 80 : i32
      %mul3A_274 = arith.muli %add3A_239, %mul3A_273 : i32
      %add3A_275 = arith.constant 48 : i32
      %add3A_276 = arith.addi %mul3A_274, %add3A_275 : i32
      %get3A_277 = arith.index_cast %add3A_276 : i32 to index
      %get3A_278 = tpu.vector_load %arg5[%get3A_277] {strides = array<i32>} : memref<10000xi32, #tpu.memory_space<vmem>>, vector<16xi32>,
      %and3A_279 = arith.constant 65535 : i32
      %and3A_280 = vector.broadcast %and3A_279 : i32 to vector<16xi32>
      %and3A_281 = arith.andi %get3A_278, %and3A_280 : vector<16xi32>
      %swap3A_282 = arith.constant 48 : index
      %swap3A_283 = tpu.vector_load %arg6[%swap3A_282] {strides = array<i32>} : memref<80xi32, #tpu.memory_space<vmem>>, vector<16xi32>,
      tpu.vector_store %arg6[%swap3A_282], %and3A_281 {strides = array<i32>} : memref<80xi32, #tpu.memory_space<vmem>>, vector<16xi32>,
      %mul3A_284 = arith.constant 80 : i32
      %mul3A_285 = arith.muli %add3A_239, %mul3A_284 : i32
      %add3A_286 = arith.constant 64 : i32
      %add3A_287 = arith.addi %mul3A_285, %add3A_286 : i32
      %get3A_288 = arith.index_cast %add3A_287 : i32 to index
      %get3A_289 = tpu.vector_load %arg5[%get3A_288] {strides = array<i32>} : memref<10000xi32, #tpu.memory_space<vmem>>, vector<16xi32>,
      %and3A_290 = arith.constant 65535 : i32
      %and3A_291 = vector.broadcast %and3A_290 : i32 to vector<16xi32>
      %and3A_292 = arith.andi %get3A_289, %and3A_291 : vector<16xi32>
      %swap3A_293 = arith.constant 64 : index
      %swap3A_294 = tpu.vector_load %arg6[%swap3A_293] {strides = array<i32>} : memref<80xi32, #tpu.memory_space<vmem>>, vector<16xi32>,
      tpu.vector_store %arg6[%swap3A_293], %and3A_292 {strides = array<i32>} : memref<80xi32, #tpu.memory_space<vmem>>, vector<16xi32>,
      %dma_start3A_295 = arith.constant 0 : i32
      %dma_start3A_296 = arith.constant 0 : i32
      %dma_start3A_297 = tpu.memref_slice %arg2[%dma_start3A_295, %dma_start3A_296] : memref<10000x128xf32, #tpu.memory_space<hbm>> -> memref<10000x128xf32, #tpu.memory_space<hbm>>
      tpu.enqueue_indirect_dma source(%dma_start3A_297 : memref<10000x128xf32, #tpu.memory_space<hbm>>) target(%arg9 : memref<80x128xf32, #tpu.memory_space<vmem>>) offsets(%arg6 : memref<80xi32, #tpu.memory_space<vmem>>) semaphore(%arg12 : memref<!tpu.dma_semaphore, #tpu.memory_space<semaphore_mem>>)
      %dma_wait3A_298 = arith.constant 0 : i32
      %dma_wait3A_299 = arith.constant 0 : i32
      %dma_wait3A_300 = tpu.memref_slice %arg2[%dma_wait3A_298, %dma_wait3A_299] : memref<10000x128xf32, #tpu.memory_space<hbm>> -> memref<10000x128xf32, #tpu.memory_space<hbm>>
      tpu.wait_indirect_dma semaphore(%arg13 : memref<!tpu.dma_semaphore, #tpu.memory_space<semaphore_mem>>) src(%dma_wait3A_300 : memref<10000x128xf32, #tpu.memory_space<hbm>>) dst(%arg10 : memref<80x128xf32, #tpu.memory_space<vmem>>)
      %add3A_301 = arith.constant 1 : i32
      %add3A_302 = arith.addi %mul3A_119, %add3A_301 : i32
      %mul3A_303 = arith.constant 80 : i32
      %mul3A_304 = arith.muli %add3A_302, %mul3A_303 : i32
      %add3A_305 = arith.constant 0 : i32
      %add3A_306 = arith.addi %mul3A_304, %add3A_305 : i32
      %get3A_307 = arith.index_cast %add3A_306 : i32 to index
      %get3A_308 = tpu.vector_load %arg5[%get3A_307] {strides = array<i32>} : memref<10000xi32, #tpu.memory_space<vmem>>, vector<16xi32>,
      %shift_right_logical3A_309 = arith.constant 16 : i32
      %shift_right_logical3A_310 = vector.broadcast %shift_right_logical3A_309 : i32 to vector<16xi32>
      %shift_right_logical3A_311 = arith.shrui %get3A_308, %shift_right_logical3A_310 : vector<16xi32>
      %swap3A_312 = arith.constant 0 : index
      %swap3A_313 = tpu.vector_load %arg8[%swap3A_312] {strides = array<i32>} : memref<80xi32, #tpu.memory_space<vmem>>, vector<16xi32>,
      tpu.vector_store %arg8[%swap3A_312], %shift_right_logical3A_311 {strides = array<i32>} : memref<80xi32, #tpu.memory_space<vmem>>, vector<16xi32>,
      %mul3A_314 = arith.constant 80 : i32
      %mul3A_315 = arith.muli %add3A_302, %mul3A_314 : i32
      %add3A_316 = arith.constant 16 : i32
      %add3A_317 = arith.addi %mul3A_315, %add3A_316 : i32
      %get3A_318 = arith.index_cast %add3A_317 : i32 to index
      %get3A_319 = tpu.vector_load %arg5[%get3A_318] {strides = array<i32>} : memref<10000xi32, #tpu.memory_space<vmem>>, vector<16xi32>,
      %shift_right_logical3A_320 = arith.constant 16 : i32
      %shift_right_logical3A_321 = vector.broadcast %shift_right_logical3A_320 : i32 to vector<16xi32>
      %shift_right_logical3A_322 = arith.shrui %get3A_319, %shift_right_logical3A_321 : vector<16xi32>
      %swap3A_323 = arith.constant 16 : index
      %swap3A_324 = tpu.vector_load %arg8[%swap3A_323] {strides = array<i32>} : memref<80xi32, #tpu.memory_space<vmem>>, vector<16xi32>,
      tpu.vector_store %arg8[%swap3A_323], %shift_right_logical3A_322 {strides = array<i32>} : memref<80xi32, #tpu.memory_space<vmem>>, vector<16xi32>,
      %mul3A_325 = arith.constant 80 : i32
      %mul3A_326 = arith.muli %add3A_302, %mul3A_325 : i32
      %add3A_327 = arith.constant 32 : i32
      %add3A_328 = arith.addi %mul3A_326, %add3A_327 : i32
      %get3A_329 = arith.index_cast %add3A_328 : i32 to index
      %get3A_330 = tpu.vector_load %arg5[%get3A_329] {strides = array<i32>} : memref<10000xi32, #tpu.memory_space<vmem>>, vector<16xi32>,
      %shift_right_logical3A_331 = arith.constant 16 : i32
      %shift_right_logical3A_332 = vector.broadcast %shift_right_logical3A_331 : i32 to vector<16xi32>
      %shift_right_logical3A_333 = arith.shrui %get3A_330, %shift_right_logical3A_332 : vector<16xi32>
      %swap3A_334 = arith.constant 32 : index
      %swap3A_335 = tpu.vector_load %arg8[%swap3A_334] {strides = array<i32>} : memref<80xi32, #tpu.memory_space<vmem>>, vector<16xi32>,
      tpu.vector_store %arg8[%swap3A_334], %shift_right_logical3A_333 {strides = array<i32>} : memref<80xi32, #tpu.memory_space<vmem>>, vector<16xi32>,
      %mul3A_336 = arith.constant 80 : i32
      %mul3A_337 = arith.muli %add3A_302, %mul3A_336 : i32
      %add3A_338 = arith.constant 48 : i32
      %add3A_339 = arith.addi %mul3A_337, %add3A_338 : i32
      %get3A_340 = arith.index_cast %add3A_339 : i32 to index
      %get3A_341 = tpu.vector_load %arg5[%get3A_340] {strides = array<i32>} : memref<10000xi32, #tpu.memory_space<vmem>>, vector<16xi32>,
      %shift_right_logical3A_342 = arith.constant 16 : i32
      %shift_right_logical3A_343 = vector.broadcast %shift_right_logical3A_342 : i32 to vector<16xi32>
      %shift_right_logical3A_344 = arith.shrui %get3A_341, %shift_right_logical3A_343 : vector<16xi32>
      %swap3A_345 = arith.constant 48 : index
      %swap3A_346 = tpu.vector_load %arg8[%swap3A_345] {strides = array<i32>} : memref<80xi32, #tpu.memory_space<vmem>>, vector<16xi32>,
      tpu.vector_store %arg8[%swap3A_345], %shift_right_logical3A_344 {strides = array<i32>} : memref<80xi32, #tpu.memory_space<vmem>>, vector<16xi32>,
      %mul3A_347 = arith.constant 80 : i32
      %mul3A_348 = arith.muli %add3A_302, %mul3A_347 : i32
      %add3A_349 = arith.constant 64 : i32
      %add3A_350 = arith.addi %mul3A_348, %add3A_349 : i32
      %get3A_351 = arith.index_cast %add3A_350 : i32 to index
      %get3A_352 = tpu.vector_load %arg5[%get3A_351] {strides = array<i32>} : memref<10000xi32, #tpu.memory_space<vmem>>, vector<16xi32>,
      %shift_right_logical3A_353 = arith.constant 16 : i32
      %shift_right_logical3A_354 = vector.broadcast %shift_right_logical3A_353 : i32 to vector<16xi32>
      %shift_right_logical3A_355 = arith.shrui %get3A_352, %shift_right_logical3A_354 : vector<16xi32>
      %swap3A_356 = arith.constant 64 : index
      %swap3A_357 = tpu.vector_load %arg8[%swap3A_356] {strides = array<i32>} : memref<80xi32, #tpu.memory_space<vmem>>, vector<16xi32>,
      tpu.vector_store %arg8[%swap3A_356], %shift_right_logical3A_355 {strides = array<i32>} : memref<80xi32, #tpu.memory_space<vmem>>, vector<16xi32>,
      "tpu.region"() ({
        %run_scoped3A = tpu.sem_alloc : memref<!tpu.dma_semaphore, #tpu.memory_space<semaphore_mem>>
        %dma_start3A_358 = arith.constant 0 : i32
        %dma_start3A_359 = arith.constant 0 : i32
        %dma_start3A_360 = tpu.memref_slice %arg11[%dma_start3A_358, %dma_start3A_359] : memref<10240x128xf32, #tpu.memory_space<vmem_shared>> -> memref<10240x128xf32, #tpu.memory_space<vmem_shared>>
        tpu.enqueue_indirect_dma source(%arg10 : memref<80x128xf32, #tpu.memory_space<vmem>>) target(%dma_start3A_360 : memref<10240x128xf32, #tpu.memory_space<vmem_shared>>) offsets(%arg8 : memref<80xi32, #tpu.memory_space<vmem>>) semaphore(%run_scoped3A : memref<!tpu.dma_semaphore, #tpu.memory_space<semaphore_mem>>) {add = true}
        %dma_wait3A_361 = arith.constant 0 : i32
        %dma_wait3A_362 = arith.constant 0 : i32
        %dma_wait3A_363 = tpu.memref_slice %arg11[%dma_wait3A_361, %dma_wait3A_362] : memref<10240x128xf32, #tpu.memory_space<vmem_shared>> -> memref<10240x128xf32, #tpu.memory_space<vmem_shared>>
        tpu.wait_indirect_dma semaphore(%run_scoped3A : memref<!tpu.dma_semaphore, #tpu.memory_space<semaphore_mem>>) src(%arg10 : memref<80x128xf32, #tpu.memory_space<vmem>>) dst(%dma_wait3A_363 : memref<10240x128xf32, #tpu.memory_space<vmem_shared>>)
        tpu.yield
      }) : () -> ()
    }
    %scan3A_75 = arith.constant 62 : i32
    %dma_wait3A = arith.constant 0 : i32
    %dma_wait3A_76 = arith.constant 0 : i32
    %dma_wait3A_77 = tpu.memref_slice %arg2[%dma_wait3A, %dma_wait3A_76] : memref<10000x128xf32, #tpu.memory_space<hbm>> -> memref<10000x128xf32, #tpu.memory_space<hbm>>
    tpu.wait_indirect_dma semaphore(%arg12 : memref<!tpu.dma_semaphore, #tpu.memory_space<semaphore_mem>>) src(%dma_wait3A_77 : memref<10000x128xf32, #tpu.memory_space<hbm>>) dst(%arg9 : memref<80x128xf32, #tpu.memory_space<vmem>>)
    %get3A_78 = arith.constant 9920 : index
    %get3A_79 = tpu.vector_load %arg5[%get3A_78] {strides = array<i32>} : memref<10000xi32, #tpu.memory_space<vmem>>, vector<16xi32>,
    %shift_right_logical3A = arith.constant 16 : i32
    %shift_right_logical3A_80 = vector.broadcast %shift_right_logical3A : i32 to vector<16xi32>
    %shift_right_logical3A_81 = arith.shrui %get3A_79, %shift_right_logical3A_80 : vector<16xi32>
    %swap3A_82 = arith.constant 0 : index
    %swap3A_83 = tpu.vector_load %arg8[%swap3A_82] {strides = array<i32>} : memref<80xi32, #tpu.memory_space<vmem>>, vector<16xi32>,
    tpu.vector_store %arg8[%swap3A_82], %shift_right_logical3A_81 {strides = array<i32>} : memref<80xi32, #tpu.memory_space<vmem>>, vector<16xi32>,
    %get3A_84 = arith.constant 9936 : index
    %get3A_85 = tpu.vector_load %arg5[%get3A_84] {strides = array<i32>} : memref<10000xi32, #tpu.memory_space<vmem>>, vector<16xi32>,
    %shift_right_logical3A_86 = arith.constant 16 : i32
    %shift_right_logical3A_87 = vector.broadcast %shift_right_logical3A_86 : i32 to vector<16xi32>
    %shift_right_logical3A_88 = arith.shrui %get3A_85, %shift_right_logical3A_87 : vector<16xi32>
    %swap3A_89 = arith.constant 16 : index
    %swap3A_90 = tpu.vector_load %arg8[%swap3A_89] {strides = array<i32>} : memref<80xi32, #tpu.memory_space<vmem>>, vector<16xi32>,
    tpu.vector_store %arg8[%swap3A_89], %shift_right_logical3A_88 {strides = array<i32>} : memref<80xi32, #tpu.memory_space<vmem>>, vector<16xi32>,
    %get3A_91 = arith.constant 9952 : index
    %get3A_92 = tpu.vector_load %arg5[%get3A_91] {strides = array<i32>} : memref<10000xi32, #tpu.memory_space<vmem>>, vector<16xi32>,
    %shift_right_logical3A_93 = arith.constant 16 : i32
    %shift_right_logical3A_94 = vector.broadcast %shift_right_logical3A_93 : i32 to vector<16xi32>
    %shift_right_logical3A_95 = arith.shrui %get3A_92, %shift_right_logical3A_94 : vector<16xi32>
    %swap3A_96 = arith.constant 32 : index
    %swap3A_97 = tpu.vector_load %arg8[%swap3A_96] {strides = array<i32>} : memref<80xi32, #tpu.memory_space<vmem>>, vector<16xi32>,
    tpu.vector_store %arg8[%swap3A_96], %shift_right_logical3A_95 {strides = array<i32>} : memref<80xi32, #tpu.memory_space<vmem>>, vector<16xi32>,
    %get3A_98 = arith.constant 9968 : index
    %get3A_99 = tpu.vector_load %arg5[%get3A_98] {strides = array<i32>} : memref<10000xi32, #tpu.memory_space<vmem>>, vector<16xi32>,
    %shift_right_logical3A_100 = arith.constant 16 : i32
    %shift_right_logical3A_101 = vector.broadcast %shift_right_logical3A_100 : i32 to vector<16xi32>
    %shift_right_logical3A_102 = arith.shrui %get3A_99, %shift_right_logical3A_101 : vector<16xi32>
    %swap3A_103 = arith.constant 48 : index
    %swap3A_104 = tpu.vector_load %arg8[%swap3A_103] {strides = array<i32>} : memref<80xi32, #tpu.memory_space<vmem>>, vector<16xi32>,
    tpu.vector_store %arg8[%swap3A_103], %shift_right_logical3A_102 {strides = array<i32>} : memref<80xi32, #tpu.memory_space<vmem>>, vector<16xi32>,
    %get3A_105 = arith.constant 9984 : index
    %get3A_106 = tpu.vector_load %arg5[%get3A_105] {strides = array<i32>} : memref<10000xi32, #tpu.memory_space<vmem>>, vector<16xi32>,
    %shift_right_logical3A_107 = arith.constant 16 : i32
    %shift_right_logical3A_108 = vector.broadcast %shift_right_logical3A_107 : i32 to vector<16xi32>
    %shift_right_logical3A_109 = arith.shrui %get3A_106, %shift_right_logical3A_108 : vector<16xi32>
    %swap3A_110 = arith.constant 64 : index
    %swap3A_111 = tpu.vector_load %arg8[%swap3A_110] {strides = array<i32>} : memref<80xi32, #tpu.memory_space<vmem>>, vector<16xi32>,
    tpu.vector_store %arg8[%swap3A_110], %shift_right_logical3A_109 {strides = array<i32>} : memref<80xi32, #tpu.memory_space<vmem>>, vector<16xi32>,
    "tpu.region"() ({
      %run_scoped3A = tpu.sem_alloc : memref<!tpu.dma_semaphore, #tpu.memory_space<semaphore_mem>>
      %dma_start3A_117 = arith.constant 0 : i32
      %dma_start3A_118 = arith.constant 0 : i32
      %dma_start3A_119 = tpu.memref_slice %arg11[%dma_start3A_117, %dma_start3A_118] : memref<10240x128xf32, #tpu.memory_space<vmem_shared>> -> memref<10240x128xf32, #tpu.memory_space<vmem_shared>>
      tpu.enqueue_indirect_dma source(%arg9 : memref<80x128xf32, #tpu.memory_space<vmem>>) target(%dma_start3A_119 : memref<10240x128xf32, #tpu.memory_space<vmem_shared>>) offsets(%arg8 : memref<80xi32, #tpu.memory_space<vmem>>) semaphore(%run_scoped3A : memref<!tpu.dma_semaphore, #tpu.memory_space<semaphore_mem>>) {add = true}
      %dma_wait3A_120 = arith.constant 0 : i32
      %dma_wait3A_121 = arith.constant 0 : i32
      %dma_wait3A_122 = tpu.memref_slice %arg11[%dma_wait3A_120, %dma_wait3A_121] : memref<10240x128xf32, #tpu.memory_space<vmem_shared>> -> memref<10240x128xf32, #tpu.memory_space<vmem_shared>>
      tpu.wait_indirect_dma semaphore(%run_scoped3A : memref<!tpu.dma_semaphore, #tpu.memory_space<semaphore_mem>>) src(%arg9 : memref<80x128xf32, #tpu.memory_space<vmem>>) dst(%dma_wait3A_122 : memref<10240x128xf32, #tpu.memory_space<vmem_shared>>)
      tpu.yield
    }) : () -> ()
    %barrier3A_112 = arith.constant 0 : index
    tpu.barrier barrier_id(%barrier3A_112)
    %mul3A_113 = arith.constant 640 : i32
    %mul3A_114 = arith.muli %arg1, %mul3A_113 : i32
    %mul3A_115 = arith.constant 640 : i32
    %mul3A_116 = arith.muli %arg1, %mul3A_115 : i32
    "tpu.region"() ({
      %run_scoped3A = tpu.sem_alloc : memref<!tpu.dma_semaphore, #tpu.memory_space<semaphore_mem>>
      %dma_start3A_117 = arith.constant 0 : i32
      %dma_start3A_118 = tpu.memref_slice %arg4[%arg0, %mul3A_116, %dma_start3A_117] : memref<2x10240x128xf32, #tpu.memory_space<hbm>> -> memref<1x640x128xf32, #tpu.memory_space<hbm>>
      %dma_start3A_119 = tpu.memref_squeeze %dma_start3A_118 : memref<1x640x128xf32, #tpu.memory_space<hbm>> -> memref<640x128xf32, #tpu.memory_space<hbm>>
      %dma_start3A_120 = arith.constant 0 : i32
      %dma_start3A_121 = tpu.memref_slice %arg11[%mul3A_114, %dma_start3A_120] : memref<10240x128xf32, #tpu.memory_space<vmem_shared>> -> memref<640x128xf32, #tpu.memory_space<vmem_shared>>
      tpu.enqueue_dma source(%dma_start3A_121 : memref<640x128xf32, #tpu.memory_space<vmem_shared>>) target(%dma_start3A_119 : memref<640x128xf32, #tpu.memory_space<hbm>>) target_semaphore(%run_scoped3A : memref<!tpu.dma_semaphore, #tpu.memory_space<semaphore_mem>>)
      %dma_wait3A_122 = arith.constant 0 : i32
      %dma_wait3A_123 = tpu.memref_slice %arg4[%arg0, %mul3A_116, %dma_wait3A_122] : memref<2x10240x128xf32, #tpu.memory_space<hbm>> -> memref<1x640x128xf32, #tpu.memory_space<hbm>>
      %dma_wait3A_124 = tpu.memref_squeeze %dma_wait3A_123 : memref<1x640x128xf32, #tpu.memory_space<hbm>> -> memref<640x128xf32, #tpu.memory_space<hbm>>
      %dma_wait3A_125 = arith.constant 0 : i32
      %dma_wait3A_126 = tpu.memref_slice %arg11[%mul3A_114, %dma_wait3A_125] : memref<10240x128xf32, #tpu.memory_space<vmem_shared>> -> memref<640x128xf32, #tpu.memory_space<vmem_shared>>
      tpu.wait_dma2 semaphore(%run_scoped3A : memref<!tpu.dma_semaphore, #tpu.memory_space<semaphore_mem>>) src(%dma_wait3A_126 : memref<640x128xf32, #tpu.memory_space<vmem_shared>>) dst(%dma_wait3A_124 : memref<640x128xf32, #tpu.memory_space<hbm>>)
      tpu.yield
    }) : () -> ()
    return
  }
}

module attributes {stable_mosaic.version = 14 : i64} {
  func.func @_mm_body(%arg0: memref<10000x128xf32, #tpu.memory_space<vmem>>, %arg1: memref<128x128xf32, #tpu.memory_space<vmem>>, %arg2: memref<10000x128xf32, #tpu.memory_space<vmem>>) attributes {dimension_semantics = [], scalar_prefetch = 0 : i64, scratch_operands = 0 : i64, tpu.core_type = #tpu.core_type<tc>} {
    %get3A = arith.constant 0 : index
    %get3A_0 = arith.constant 0 : index
    %get3A_1 = vector.load %arg0[%get3A, %get3A_0] : memref<10000x128xf32, #tpu.memory_space<vmem>>, vector<10000x128xf32>
    %get3A_2 = arith.constant 0 : index
    %get3A_3 = arith.constant 0 : index
    %get3A_4 = vector.load %arg1[%get3A_2, %get3A_3] : memref<128x128xf32, #tpu.memory_space<vmem>>, vector<128x128xf32>
    %dot_general3A = arith.constant dense<0.000000e+00> : vector<10000x128xf32>
    %dot_general3A_5 = tpu.matmul %get3A_1, %get3A_4, %dot_general3A {dimension_numbers = #tpu.dot_dimension_numbers<[1], [0], [0], [1], [0, 0, 1, 1], [], []>, transpose_lhs_hint = false} : vector<10000x128xf32>, vector<128x128xf32>, vector<10000x128xf32> -> vector<10000x128xf32>
    %swap3A = arith.constant 0 : index
    %swap3A_6 = arith.constant 0 : index
    %swap3A_7 = vector.load %arg2[%swap3A, %swap3A_6] : memref<10000x128xf32, #tpu.memory_space<vmem>>, vector<10000x128xf32>
    tpu.vector_store %arg2[%swap3A, %swap3A_6], %dot_general3A_5 {strides = array<i32>} : memref<10000x128xf32, #tpu.memory_space<vmem>>, vector<10000x128xf32>,
    return
  }
}

module attributes {stable_mosaic.version = 14 : i64} {
  func.func @_norms_body(%arg0: memref<32x2x10240xf32, #tpu.memory_space<vmem>>, %arg1: memref<10240xf32, #tpu.memory_space<vmem>>, %arg2: memref<10240xf32, #tpu.memory_space<vmem>>) attributes {dimension_semantics = [], scalar_prefetch = 0 : i64, scratch_operands = 0 : i64, tpu.core_type = #tpu.core_type<tc>} {
    %get3A = arith.constant 0 : index
    %get3A_0 = arith.constant 0 : index
    %get3A_1 = arith.constant 0 : index
    %get3A_2 = vector.load %arg0[%get3A, %get3A_0, %get3A_1] : memref<32x2x10240xf32, #tpu.memory_space<vmem>>, vector<32x2x10240xf32>
    %reduce_sum3A = arith.constant dense<0.000000e+00> : vector<2x10240xf32>
    %reduce_sum3A_3 = vector.multi_reduction <add>, %get3A_2, %reduce_sum3A [0] : vector<32x2x10240xf32> to vector<2x10240xf32>
    %slice3A = vector.extract_strided_slice %reduce_sum3A_3 {offsets = [0, 0], sizes = [1, 10240], strides = [1, 1]} : vector<2x10240xf32> to vector<1x10240xf32>
    %squeeze3A = vector.shape_cast %slice3A : vector<1x10240xf32> to vector<10240xf32>
    %slice3A_4 = vector.extract_strided_slice %reduce_sum3A_3 {offsets = [1, 0], sizes = [1, 10240], strides = [1, 1]} : vector<2x10240xf32> to vector<1x10240xf32>
    %squeeze3A_5 = vector.shape_cast %slice3A_4 : vector<1x10240xf32> to vector<10240xf32>
    %gt3A = arith.constant 0.000000e+00 : f32
    %gt3A_6 = vector.broadcast %gt3A : f32 to vector<10240xf32>
    %gt3A_7 = arith.cmpf ogt, %squeeze3A, %gt3A_6 : vector<10240xf32>
    %div3A = arith.constant 1.000000e+00 : f32
    %div3A_8 = vector.broadcast %div3A : f32 to vector<10240xf32>
    %div3A_9 = arith.divf %div3A_8, %squeeze3A : vector<10240xf32>
    %jit3A = arith.constant 0.000000e+00 : f32
    %broadcast_in_dim3A = vector.broadcast %jit3A : f32 to vector<10240xf32>
    %select_n3A = arith.select %gt3A_7, %div3A_9, %broadcast_in_dim3A : vector<10240xi1>, vector<10240xf32>
    %swap3A = arith.constant 0 : index
    %swap3A_10 = vector.load %arg1[%swap3A] : memref<10240xf32, #tpu.memory_space<vmem>>, vector<10240xf32>
    tpu.vector_store %arg1[%swap3A], %select_n3A {strides = array<i32>} : memref<10240xf32, #tpu.memory_space<vmem>>, vector<10240xf32>,
    %gt3A_11 = arith.constant 0.000000e+00 : f32
    %gt3A_12 = vector.broadcast %gt3A_11 : f32 to vector<10240xf32>
    %gt3A_13 = arith.cmpf ogt, %squeeze3A_5, %gt3A_12 : vector<10240xf32>
    %div3A_14 = arith.constant 1.000000e+00 : f32
    %div3A_15 = vector.broadcast %div3A_14 : f32 to vector<10240xf32>
    %div3A_16 = arith.divf %div3A_15, %squeeze3A_5 : vector<10240xf32>
    %jit3A_17 = arith.constant 0.000000e+00 : f32
    %broadcast_in_dim3A_18 = vector.broadcast %jit3A_17 : f32 to vector<10240xf32>
    %select_n3A_19 = arith.select %gt3A_13, %div3A_16, %broadcast_in_dim3A_18 : vector<10240xi1>, vector<10240xf32>
    %swap3A_20 = arith.constant 0 : index
    %swap3A_21 = vector.load %arg2[%swap3A_20] : memref<10240xf32, #tpu.memory_space<vmem>>, vector<10240xf32>
    tpu.vector_store %arg2[%swap3A_20], %select_n3A_19 {strides = array<i32>} : memref<10240xf32, #tpu.memory_space<vmem>>, vector<10240xf32>,
    return
  }
}

module attributes {stable_mosaic.version = 14 : i64} {
  func.func @_scale_body(%arg0: memref<2x10000x128xf32, #tpu.memory_space<vmem>>, %arg1: memref<10000x1xf32, #tpu.memory_space<vmem>>, %arg2: memref<10000x128xf32, #tpu.memory_space<vmem>>) attributes {dimension_semantics = [], scalar_prefetch = 0 : i64, scratch_operands = 0 : i64, tpu.core_type = #tpu.core_type<tc>} {
    %get3A = arith.constant 0 : index
    %get3A_0 = arith.constant 0 : index
    %get3A_1 = arith.constant 0 : index
    %get3A_2 = vector.load %arg0[%get3A, %get3A_0, %get3A_1] : memref<2x10000x128xf32, #tpu.memory_space<vmem>>, vector<1x10000x128xf32>
    %get3A_3 = vector.shape_cast %get3A_2 : vector<1x10000x128xf32> to vector<10000x128xf32>
    %get3A_4 = arith.constant 1 : index
    %get3A_5 = arith.constant 0 : index
    %get3A_6 = arith.constant 0 : index
    %get3A_7 = vector.load %arg0[%get3A_4, %get3A_5, %get3A_6] : memref<2x10000x128xf32, #tpu.memory_space<vmem>>, vector<1x10000x128xf32>
    %get3A_8 = vector.shape_cast %get3A_7 : vector<1x10000x128xf32> to vector<10000x128xf32>
    %add3A = arith.addf %get3A_3, %get3A_8 : vector<10000x128xf32>
    %get3A_9 = arith.constant 0 : index
    %get3A_10 = arith.constant 0 : index
    %get3A_11 = vector.load %arg1[%get3A_9, %get3A_10] : memref<10000x1xf32, #tpu.memory_space<vmem>>, vector<10000x1xf32>
    %mul3A = vector.broadcast %get3A_11 : vector<10000x1xf32> to vector<10000x128xf32>
    %mul3A_12 = arith.mulf %add3A, %mul3A : vector<10000x128xf32>
    %swap3A = arith.constant 0 : index
    %swap3A_13 = arith.constant 0 : index
    %swap3A_14 = vector.load %arg2[%swap3A, %swap3A_13] : memref<10000x128xf32, #tpu.memory_space<vmem>>, vector<10000x128xf32>
    tpu.vector_store %arg2[%swap3A, %swap3A_13], %mul3A_12 {strides = array<i32>} : memref<10000x128xf32, #tpu.memory_space<vmem>>, vector<10000x128xf32>,
    return
  }
}

module attributes {stable_mosaic.version = 14 : i64} {
  func.func @_decode1_body(%arg0: memref<2x10000x128xf32, #tpu.memory_space<vmem>>, %arg1: memref<10000x1xf32, #tpu.memory_space<vmem>>, %arg2: memref<128xf32, #tpu.memory_space<vmem>>, %arg3: memref<128x128xf32, #tpu.memory_space<vmem>>, %arg4: memref<10000x128xf32, #tpu.memory_space<vmem>>) attributes {dimension_semantics = [], scalar_prefetch = 0 : i64, scratch_operands = 0 : i64, tpu.core_type = #tpu.core_type<tc>} {
    %get3A = arith.constant 0 : index
    %get3A_0 = arith.constant 0 : index
    %get3A_1 = arith.constant 0 : index
    %get3A_2 = vector.load %arg0[%get3A, %get3A_0, %get3A_1] : memref<2x10000x128xf32, #tpu.memory_space<vmem>>, vector<1x10000x128xf32>
    %get3A_3 = vector.shape_cast %get3A_2 : vector<1x10000x128xf32> to vector<10000x128xf32>
    %get3A_4 = arith.constant 1 : index
    %get3A_5 = arith.constant 0 : index
    %get3A_6 = arith.constant 0 : index
    %get3A_7 = vector.load %arg0[%get3A_4, %get3A_5, %get3A_6] : memref<2x10000x128xf32, #tpu.memory_space<vmem>>, vector<1x10000x128xf32>
    %get3A_8 = vector.shape_cast %get3A_7 : vector<1x10000x128xf32> to vector<10000x128xf32>
    %add3A = arith.addf %get3A_3, %get3A_8 : vector<10000x128xf32>
    %get3A_9 = arith.constant 0 : index
    %get3A_10 = arith.constant 0 : index
    %get3A_11 = vector.load %arg1[%get3A_9, %get3A_10] : memref<10000x1xf32, #tpu.memory_space<vmem>>, vector<10000x1xf32>
    %mul3A = vector.broadcast %get3A_11 : vector<10000x1xf32> to vector<10000x128xf32>
    %mul3A_12 = arith.mulf %add3A, %mul3A : vector<10000x128xf32>
    %get3A_13 = arith.constant 0 : index
    %get3A_14 = vector.load %arg2[%get3A_13] : memref<128xf32, #tpu.memory_space<vmem>>, vector<128xf32>
    %broadcast_in_dim3A = vector.shape_cast %get3A_14 : vector<128xf32> to vector<1x128xf32>
    %add3A_15 = vector.broadcast %broadcast_in_dim3A : vector<1x128xf32> to vector<10000x128xf32>
    %add3A_16 = arith.addf %mul3A_12, %add3A_15 : vector<10000x128xf32>
    %max3A = arith.constant 0.000000e+00 : f32
    %max3A_17 = vector.broadcast %max3A : f32 to vector<10000x128xf32>
    %max3A_18 = arith.maximumf %add3A_16, %max3A_17 : vector<10000x128xf32>
    %get3A_19 = arith.constant 0 : index
    %get3A_20 = arith.constant 0 : index
    %get3A_21 = vector.load %arg3[%get3A_19, %get3A_20] : memref<128x128xf32, #tpu.memory_space<vmem>>, vector<128x128xf32>
    %dot_general3A = arith.constant dense<0.000000e+00> : vector<10000x128xf32>
    %dot_general3A_22 = tpu.matmul %max3A_18, %get3A_21, %dot_general3A {dimension_numbers = #tpu.dot_dimension_numbers<[1], [0], [0], [1], [0, 0, 1, 1], [], []>, transpose_lhs_hint = false} : vector<10000x128xf32>, vector<128x128xf32>, vector<10000x128xf32> -> vector<10000x128xf32>
    %swap3A = arith.constant 0 : index
    %swap3A_23 = arith.constant 0 : index
    %swap3A_24 = vector.load %arg4[%swap3A, %swap3A_23] : memref<10000x128xf32, #tpu.memory_space<vmem>>, vector<10000x128xf32>
    tpu.vector_store %arg4[%swap3A, %swap3A_23], %dot_general3A_22 {strides = array<i32>} : memref<10000x128xf32, #tpu.memory_space<vmem>>, vector<10000x128xf32>,
    return
  }
}

module attributes {stable_mosaic.version = 14 : i64} {
  func.func @_final_body(%arg0: memref<2x10000x128xf32, #tpu.memory_space<vmem>>, %arg1: memref<10000x1xf32, #tpu.memory_space<vmem>>, %arg2: memref<128xf32, #tpu.memory_space<vmem>>, %arg3: memref<10000x128xf32, #tpu.memory_space<vmem>>) attributes {dimension_semantics = [], scalar_prefetch = 0 : i64, scratch_operands = 0 : i64, tpu.core_type = #tpu.core_type<tc>} {
    %get3A = arith.constant 0 : index
    %get3A_0 = arith.constant 0 : index
    %get3A_1 = arith.constant 0 : index
    %get3A_2 = vector.load %arg0[%get3A, %get3A_0, %get3A_1] : memref<2x10000x128xf32, #tpu.memory_space<vmem>>, vector<1x10000x128xf32>
    %get3A_3 = vector.shape_cast %get3A_2 : vector<1x10000x128xf32> to vector<10000x128xf32>
    %get3A_4 = arith.constant 1 : index
    %get3A_5 = arith.constant 0 : index
    %get3A_6 = arith.constant 0 : index
    %get3A_7 = vector.load %arg0[%get3A_4, %get3A_5, %get3A_6] : memref<2x10000x128xf32, #tpu.memory_space<vmem>>, vector<1x10000x128xf32>
    %get3A_8 = vector.shape_cast %get3A_7 : vector<1x10000x128xf32> to vector<10000x128xf32>
    %add3A = arith.addf %get3A_3, %get3A_8 : vector<10000x128xf32>
    %get3A_9 = arith.constant 0 : index
    %get3A_10 = arith.constant 0 : index
    %get3A_11 = vector.load %arg1[%get3A_9, %get3A_10] : memref<10000x1xf32, #tpu.memory_space<vmem>>, vector<10000x1xf32>
    %mul3A = vector.broadcast %get3A_11 : vector<10000x1xf32> to vector<10000x128xf32>
    %mul3A_12 = arith.mulf %add3A, %mul3A : vector<10000x128xf32>
    %get3A_13 = arith.constant 0 : index
    %get3A_14 = vector.load %arg2[%get3A_13] : memref<128xf32, #tpu.memory_space<vmem>>, vector<128xf32>
    %broadcast_in_dim3A = vector.shape_cast %get3A_14 : vector<128xf32> to vector<1x128xf32>
    %add3A_15 = vector.broadcast %broadcast_in_dim3A : vector<1x128xf32> to vector<10000x128xf32>
    %add3A_16 = arith.addf %mul3A_12, %add3A_15 : vector<10000x128xf32>
    %swap3A = arith.constant 0 : index
    %swap3A_17 = arith.constant 0 : index
    %swap3A_18 = vector.load %arg3[%swap3A, %swap3A_17] : memref<10000x128xf32, #tpu.memory_space<vmem>>, vector<10000x128xf32>
    tpu.vector_store %arg3[%swap3A, %swap3A_17], %add3A_16 {strides = array<i32>} : memref<10000x128xf32, #tpu.memory_space<vmem>>, vector<10000x128xf32>,
    return
  }
}

</mosaic_0001>

<sc_bundles>
// kernel: kernel.13.cloned.1.call-start
scs
__scs_entry_jumppad:
0x0: {  	(pc) =	sbr.rel $0x88, $3  }
0x1: {  	(tag) =	ssettag $0x0;
	lr =	simm.s32 $0x1  }
0x2: {  	[smem:$0x3F9B] =	sst lr;
	_ =	strace $0xD0000000  }
0x3: {  	_ = 	snop  }
0x4: {  	_ = 	snop  }
0x5: {  	_ = 	snop  }
0x6: {  	_ = 	snop  }
0x7: {  	_ = 	snop  }
__scs_overlays_trampoline_lowered:
0x8: {  	[smem:$0x3FAA] =	sst s0  }
0x9: {  	[smem:$0x3FAB] =	sst s1  }
0xa: {  	[smem:$0x3FAC] =	sst s2  }
0xb: {  	[smem:$0x3FAD] =	sst s3  }
0xc: {  	[smem:$0x3FAE] =	sst s4  }
0xd: {  	[smem:$0x3FAF] =	sst s5  }
0xe: {  	[smem:$0x3FB0] =	sst s6  }
0xf: {  	[smem:$0x3FB1] =	sst s7  }
0x10: {  	[smem:$0x3FB2] =	sst s8  }
0x11: {  	[smem:$0x3FB3] =	sst s9;
	s0 =	simm.s32 @!p0 $0x0  }
0x12: {  	s1 =	sld [smem:$0x3F99];
	s0 =	simm.s32 @p0 $0x1  }
0x13: {  	[smem:$0x3FB4] =	sst s0;
	s0 =	simm.s32 @!p1 $0x0  }
0x14: {  	s2 =	sld [smem:$0x3F98];
	s0 =	simm.s32 @p1 $0x1  }
0x15: {  	[smem:$0x3FB5] =	sst s0;
	s0 =	simm.s32 @!p2 $0x0  }
0x16: {  	s3 =	sld [smem:$0x3FDB];
	s0 =	simm.s32 @p2 $0x1  }
0x17: {  	s4 =	simm.s32 $0x1BF5;
	[smem:$0x3FB7] =	sst s0  }
0x18: {  	s0 =	sld [smem:$0x3F9A];
	_ =	swait.ge [sflag:s4], $0x0  }
0x19: {  	s7 =	sld [smem:$0x3F9B]  }
0x1a: {  	s8 =	sadd.s32 $0xFFFFE003, lr  }
0x1b: {  	s9 =	sadd.s32 $0xFFFFFEF7, lr;
	s5 =	simm.s32 $0xFFFFFFFF;
	p2 =	slt.u32 s8, $0xFFFFF086  }
0x1c: {  	p1 =	slt.u32 s9, $0xF7A;
	s5 =	simm.s32 @!p2 $0x0  }
0x1d: {  	s5 =	simm.s32 @p1 $0x1;
	p0 =	seq.s32 s7, s2  }
0x1e: {  	s7 =	smul.u32 @!p0 $0xF7A, s2;
	p2 =	seq.s32 @!p0 s5, $0x0  }
0x1f: {  	s9 =	smul.u32 $0xF7A, s1;
	s8 =	simm.s32 @!p0 $0x1BF5;
	p2 =	por !p2, p0  }
0x20: {  	[sflag:s8] =	ssyncset.s32 @!p0 $0xFFFFF086;
	s6 =	sadd.s32 @!p0 s3, s7;
	s7 =	simm.s32 @!p0 $0x108  }
0x21: {  	s3 =	sadd.s32 s3, s9;
	s6 =	sadd.s32 @!p0 $0x88, s6;
	s7 =	simm.s32 @p2 $0x1082  }
0x22: {  	[simem:s7], [sflag:s8] =	dma.local @!p0 [hbm:s6], $0xF7A  }
0x23: {  	s9 =	sor.u32 $0xD0000000, s2;
	s6 =	simm.s32 $0x108;
	_ =	swait.ge @!p0 [sflag:s8], $0x0  }
0x24: {  	s3 =	sadd.s32 $0x88, s3;
	s6 =	simm.s32 @!p1 $0x1082;
	[sflag:s4] =	ssyncset.s32 $0xFFFFF086  }
0x25: {  	[simem:s6], [sflag:s4] =	dma.local [hbm:s3], $0xF7A  }
0x26: {  	[smem:$0x3F9B] =	sst s1;
	(tag) =	ssettag s2;
	_ =	strace s9  }
0x27: {  	s1 =	sld [smem:$0x3FAB]  }
0x28: {  	s2 =	sld [smem:$0x3FAC]  }
0x29: {  	s4 =	sld [smem:$0x3FAE]  }
0x2a: {  	p0 =	seq.s32 s5, $0x0;
	s5 =	sld [smem:$0x3FAF]  }
0x2b: {  	s6 =	sld [smem:$0x3FB0]  }
0x2c: {  	s7 =	sld [smem:$0x3FB1]  }
0x2d: {  	s3 =	simm.s32 $0x108;
	s8 =	sld [smem:$0x3FB2]  }
0x2e: {  	s3 =	simm.s32 @!p0 $0x1082;
	s9 =	sld [smem:$0x3FB3]  }
0x2f: {  	lr =	sadd.s32 s0, s3;
	s0 =	sld [smem:$0x3FAA]  }
0x30: {  	s3 =	sld [smem:$0x3FAD]  }
0x31: {  	[smem:$0x3FB6] =	sst s10  }
0x32: {  	s10 =	sld [smem:$0x3FB4];
	_ =	sdelay $0x3  }
0x33: {  	p0 =	seq.s32 s10, $0x1;
	s10 =	sld [smem:$0x3FB6];
	_ =	sdelay $0x3  }
0x34: {  	[smem:$0x3FB6] =	sst s10  }
0x35: {  	s10 =	sld [smem:$0x3FB5];
	_ =	sdelay $0x3  }
0x36: {  	p1 =	seq.s32 s10, $0x1;
	s10 =	sld [smem:$0x3FB6];
	_ =	sdelay $0x3  }
0x37: {  	[smem:$0x3FB6] =	sst s10  }
0x38: {  	s10 =	sld [smem:$0x3FB7]  }
0x39: {  	_ = 	snop;
	(pc) =	sbr.ind lr, $3  }
0x3a: {  	_ = 	snop  }
0x3b: {  	_ = 	snop  }
0x3c: {  	p2 =	seq.s32 s10, $0x1;
	s10 =	sld [smem:$0x3FB6]  }
0x3d: {  	_ =	shalt  }
0x3e: {  	_ =	shalt  }
0x3f: {  	_ =	shalt  }
0x40: {  	_ =	shalt  }
0x41: {  	_ =	shalt  }
0x42: {  	_ =	shalt  }
0x43: {  	_ =	shalt  }
0x44: {  	_ =	shalt  }
0x45: {  	_ =	shalt  }
0x46: {  	_ =	shalt  }
0x47: {  	_ =	shalt  }
0x48: {  	_ =	shalt  }
0x49: {  	_ =	shalt  }
0x4a: {  	_ =	shalt  }
0x4b: {  	_ =	shalt  }
0x4c: {  	_ =	shalt  }
0x4d: {  	_ =	shalt  }
0x4e: {  	_ =	shalt  }
0x4f: {  	_ =	shalt  }
0x50: {  	_ =	shalt  }
0x51: {  	_ =	shalt  }
0x52: {  	_ =	shalt  }
0x53: {  	_ =	shalt  }
0x54: {  	_ =	shalt  }
0x55: {  	_ =	shalt  }
0x56: {  	_ =	shalt  }
0x57: {  	_ =	shalt  }
0x58: {  	_ =	shalt  }
0x59: {  	_ =	shalt  }
0x5a: {  	_ =	shalt  }
0x5b: {  	_ =	shalt  }
0x5c: {  	_ =	shalt  }
0x5d: {  	_ =	shalt  }
0x5e: {  	_ =	shalt  }
0x5f: {  	_ =	shalt  }
0x60: {  	_ =	shalt  }
0x61: {  	_ =	shalt  }
0x62: {  	_ =	shalt  }
0x63: {  	_ =	shalt  }
0x64: {  	_ =	shalt  }
0x65: {  	_ =	shalt  }
0x66: {  	_ =	shalt  }
0x67: {  	_ =	shalt  }
0x68: {  	_ =	shalt  }
0x69: {  	_ =	shalt  }
0x6a: {  	_ =	shalt  }
0x6b: {  	_ =	shalt  }
0x6c: {  	_ =	shalt  }
0x6d: {  	_ =	shalt  }
0x6e: {  	_ =	shalt  }
0x6f: {  	_ =	shalt  }
0x70: {  	_ =	shalt  }
0x71: {  	_ =	shalt  }
0x72: {  	_ =	shalt  }
0x73: {  	_ =	shalt  }
0x74: {  	_ =	shalt  }
0x75: {  	_ =	shalt  }
0x76: {  	_ =	shalt  }
0x77: {  	_ =	shalt  }
0x78: {  	_ =	shalt  }
0x79: {  	_ =	shalt  }
0x7a: {  	_ =	shalt  }
0x7b: {  	_ =	shalt  }
0x7c: {  	_ =	shalt  }
0x7d: {  	_ =	shalt  }
0x7e: {  	_ =	shalt  }
0x7f: {  	_ =	shalt  }
0x80: {  	_ =	shalt  }
0x81: {  	_ =	shalt  }
0x82: {  	_ =	shalt  }
0x83: {  	_ =	shalt  }
0x84: {  	_ =	shalt  }
0x85: {  	_ =	shalt  }
0x86: {  	_ =	shalt  }
0x87: {  	_ =	shalt  }
.Lfunc_end0:
.L_simem_size_0:
called_computation_lowered:
.L_overlay_start_0:
0x88: {  	s2 =	sld [smem:$0x3FD9]  }
0x89: {  	s3 =	sld [smem:$0x3FFE];
	_ =	sdelay $0x1  }
0x8a: {  	s1 =	srdreg.scid  }
0x8b: {  	s0 =	sand.u32 $0x1, s1  }
0x8c: {  	s16 =	sshll.u32 s0, $0xA;
	s2 =	sadd.s32 s3, s2  }
0x8d: {  	s2 =	sadd.s32 s2, s16  }
0x8e: {  	[smem:$0x3FC2] =	sst s2  }
0x8f: {  	_ = 	snop  }
0x90: {  	(tm) =	ssettm $0x1  }
0x91: {  	s17 =	sld [smem:$0x3FFB];
	_ =	sdelay $0x3  }
0x92: {  	_ =	strace s17  }
0x93: {  	s2 =	sld [smem:$0x3FFC];
	_ =	sdelay $0x3  }
0x94: {  	_ =	strace s2  }
0x95: {  	s2 =	sld [smem:$0x3FFD];
	_ =	sdelay $0x3  }
0x96: {  	_ =	strace s2  }
0x97: {  	_ =	strace $0x8FFFFFFF  }
0x98: {  	s18 =	sld [smem:$0x3FDB];
	_ =	sdelay $0x1  }
0x99: {  	s19 =	simm.s32 $_scs_section_size  }
0x9a: {  	s4 =	simm.s32 $_size__tile_overlayer_lowered;
	s5 =	simm.s32 $_tile_overlayer_lowered  }
0x9b: {  	s22 =	simm.s32 $0x1BFF;
	s21 =	sshll.u32 s5, $0x1;
	s2 =	sadd.s32 s19, s18  }
0x9c: {  	s6 =	simm.s32 $0x0;
	s20 =	sshll.u32 s4, $0x1;
	s4 =	sadd.s32 s21, s2  }
0x9d: {  	[timem:s6], [sflag:s22] =	dma.local [hbm:s4], s20  }
0x9e: {  	_ =	swait.ge [sflag:s22], s20  }
0x9f: {  	s3 =	ssub.s32 $0x0, s20;
	[sflag:s22] =	ssyncset.done $0x0  }
0xa0: {  	[sflag:s22] =	ssyncadd.s32 s3;
	_ =	sdelay $0x1  }
0xa1: {  	s23 =	simm.s32 $0x1B8B  }
0xa2: {  	_ =	swait.ge [sflag:s23], $0x1  }
0xa3: {  	[sflag:s23] =	ssyncset.done $0x0  }
0xa4: {  	s25 =	simm.s32 $0x1B8E;
	s24 =	sld [smem:$0x3FFE];
	[sflag:s23] =	ssyncadd.s32 $0xFFFFFFFF  }
0xa5: {  	s26 =	simm.s32 $execute0_lowered;
	[smem:$0x3FD2] =	sst s25  }
0xa6: {  	s4 =	sshll.u32 s26, $0x1;
	_ =	strace $0x80000046;
	[dreg:$0x1] =	wrdreg $0xFFFFFFFF  }
0xa7: {  	s28 =	simm.s32 $_size_execute0_lowered;
	s2 =	sadd.s32 s2, s4;
	[dreg:$0x0] =	wrdreg $0x0  }
0xa8: {  	s4 =	sshll.u32 s28, $0x1;
	[dreg:$0x2] =	wrdreg s2  }
0xa9: {  	[dreg:$0x3] =	wrdreg s4  }
0xaa: {  	[dreg:$0x4] =	wrdreg $0xC0  }
0xab: {  	_ =	task [dreg:s6], $0x5FFFF  }
0xac: {  	[dreg:$0x1] =	wrdreg $0xFFFFFFFF  }
0xad: {  	[dreg:$0x0] =	wrdreg $0x60  }
0xae: {  	[dreg:$0x2] =	wrdreg s24  }
0xaf: {  	[dreg:$0x3] =	wrdreg $0x9  }
0xb0: {  	_ =	task.clear_ibuf [dreg:s6], $0x4FFFF;
	_ =	strace $0x90000046  }
0xb1: {  	s29 =	simm.s32 $0x9;
	_ =	strace $0x80000048  }
0xb2: {  	_ =	swait.ge [sflag:s29], $0x1  }
0xb3: {  	[sflag:s29] =	ssyncadd.s32 $0xFFFFFFFF  }
0xb4: {  	_ =	strace $0x90000048  }
0xb5: {  	_ =	sfence  }
0xb6: {  	s30 =	sld [smem:$0x0];
	_ =	sdelay $0x2  }
0xb7: {  	s31 =	sshll.u32 s1, $0xD;
	s1 =	sshrl.u32 s1, $0x2  }
0xb8: {  	s3 =	sand.u32 $0x4000, s31;
	s1 =	sadd.s32 s1, s30  }
0xb9: {  	s0 =	sor.u32 s3, s0;
	s1 =	sshll.u32 s1, $0x11  }
0xba: {  	s0 =	sor.u32 s1, s0  }
0xbb: {  	s0 =	sadd.s32 $0x8F2B, s0  }
0xbc: {  	[sflag:s0] =	ssyncadd.remote.s32 $0x1  }
0xbd: {  	_ =	sfence.sel $0xFFFF  }
0xbe: {  	[dreg:$0x0] =	wrdreg $0xFFFFFFFF;
	(pc) =	sbr.abs _section_cstart, $3  }
0xbf: {  	[dreg:$0x1] =	wrdreg $0xFFFFFFFF  }
0xc0: {  	_ =	task.clear_ibuf [dreg:s6], $0x2FFFF;
	_ =	strace $0x9FFFFFFF  }
0xc1: {  	(tm) =	ssettm $0x7FFFFFFF  }
tec
execute0_lowered:
.L_overlay_start_1:
0x0: {  	(tag) =	ssettag $0x1  }
0x1: {  	s0 =	srdreg.scid  }
0x2: {  	s4 =	rddreg [dreg:$0x0];
	s2 =	simm.s32 $0x0;
	s3 =	sand.u32 $0x1, s0  }
0x3: {  	s9 =	simm.s32 $0x400;
	s0 =	stileid.u32;
	s1 =	sshll.u32 s3, $0x4  }
0x4: {  	s10 =	simm.s32 $0x1;
	s11 =	simm.s32 $0x2780;
	s5 =	sor.u32 s0, s1  }
0x5: {  	s12 =	simm.s32 $0x4F00;
	s13 =	simm.s32 $0x7700;
	s6 =	sshrl.u32 s5, $0x3  }
0x6: {  	s14 =	simm.s32 $0x100;
	s7 =	sshll.u32 s0, $0x7;
	s6 =	smul.u32 $0x13C00, s6  }
0x7: {  	v0 =	vimm.f32 $0.0e+00;
	v1 =	vimm.f32 $1.000000000e+00;
	[smem:$0x7FF] =	sst s2;
	s3 =	ssub.s32 $0x2, s3;
	s7 =	sand.u32 $0x380, s7  }
0x8: {  	vm0 =	vcmask $0x704;
	vm1 =	vcmask $0xB08;
	vm14 =	vcmask $0x3F3C;
	s1 =	rddreg [dreg:$0x1];
	s5 =	smul.u32 $0xA00, s5;
	s6 =	sor.u32 s7, s6  }
0x9: {  	vm2 =	vcmask $0xF0C;
	vm3 =	vcmask $0x1310;
	vm4 =	vcmask $0x1714;
	_ =	strace $0x80000047;
	s31 =	sshrl.u32 s3, $0x1;
	s6 =	sshrl.u32 s6, $0x3  }
0xa: {  	vm5 =	vcmask $0x1B18;
	vm6 =	vcmask $0x1F1C;
	vm7 =	vcmask $0x2320;
	s8 =	sadd.s32 s5, s4;
	s7 =	ssub.s32 s3, s31;
	s6 =	sadd.s32 s6, s4  }
0xb: {  	vm8 =	vcmask $0x2724;
	vm9 =	vcmask $0x2B28;
	vm10 =	vcmask $0x2F2C;
	s5 =	sadd.s32 $0x16A00, s8;
	s7 =	smax.u32 s7, $0x1;
	s3 =	sadd.s32 $0x2E00, s6  }
0xc: {  	vm11 =	vcmask $0x3330;
	vm12 =	vcmask $0x3734;
	vm13 =	vcmask $0x3B38;
	s4 =	sadd.s32 $0xCC00, s6;
	s6 =	sadd.s32 $0x16A10, s8;
	s8 =	simm.s32 $0x80  }
.LBB2_1:
0xd: {  	s15 =	simm.s32 $0x40;
	s16 =	simm.s32 $0x0  }
.LBB2_2:
0xe: {  	p0 =	sne.s32 s15, $0x9FC0;
	[tilespmem:s16+$0x4F00] =	vst v0;
	s17 =	smov.u32 s15;
	s15 =	sadd.s32 $0x40, s15  }
.Ltmp0:
0xf: {  	[tilespmem:s16+$0x7700] =	vst v0;
	(pc) =	sbr.rel @p0 .LBB2_2-.Ltmp0, $2  }
0x10: {  	_ =	sdelay $0x2  }
0x11: {  	s16 =	sshra.s32 s17, $0x2  }
0x12: {  	[tilespmem:s16+$0x4F00] =	vst v0  }
0x13: {  	[tilespmem:s16+$0x7700] =	vst v0;
	s15 =	simm.s32 $0x0  }
0x14: {  	[tilespmem:s15], [sflag:$0x1] =	stream.strided.gather [hbm4b:s3+s8], $0x2780, s9, s8, $0x38;
	[tilespmem:$0x9F00] =	vst v63  }
0x15: {  	_ =	swait.ge [sflag:s10], $0x2780  }
0x16: {  	[sflag:s10] =	ssyncset.done $0x0  }
0x17: {  	[sflag:s10] =	ssyncadd.s32 $0xFFFFD880  }
0x18: {  	[tilespmem:s11], [sflag:$0x1] =	stream.strided.gather [hbm4b:s4+s8], $0x2780, s9, s8, $0x38;
	[tilespmem:$0x9F00] =	vst v63  }
0x19: {  	_ =	swait.ge [sflag:s10], $0x2780  }
0x1a: {  	[sflag:s10] =	ssyncset.done $0x0  }
0x1b: {  	s31 =	simm.s32 $0x0;
	[sflag:s10] =	ssyncadd.s32 $0xFFFFD880  }
0x1c: {  	v3 =	vld [tilespmem:s31+$0x0]  }
0x1d: {  	v2 =	vld [tilespmem:s31+$0x2780];
	_ =	sdelay $0x6  }
0x1e: {  	[tilespmem:v3+s12+$0x0] =	vst.idx.add.f32.msk $0x1, v1  }
0x1f: {  	[tilespmem:v2+s13+$0x0] =	vst.idx.add.f32.msk $0x1, v1  }
0x20: {  	[tilespmem:v3+s12+$0x0] =	vst.idx.add.f32.msk vm0, v1  }
0x21: {  	[tilespmem:v2+s13+$0x0] =	vst.idx.add.f32.msk vm0, v1  }
0x22: {  	[tilespmem:v3+s12+$0x0] =	vst.idx.add.f32.msk vm1, v1  }
0x23: {  	[tilespmem:v2+s13+$0x0] =	vst.idx.add.f32.msk vm1, v1  }
0x24: {  	[tilespmem:v3+s12+$0x0] =	vst.idx.add.f32.msk vm2, v1  }
0x25: {  	[tilespmem:v2+s13+$0x0] =	vst.idx.add.f32.msk vm2, v1  }
0x26: {  	[tilespmem:v3+s12+$0x0] =	vst.idx.add.f32.msk vm3, v1  }
0x27: {  	[tilespmem:v2+s13+$0x0] =	vst.idx.add.f32.msk vm3, v1  }
0x28: {  	[tilespmem:v3+s12+$0x0] =	vst.idx.add.f32.msk vm4, v1  }
0x29: {  	[tilespmem:v2+s13+$0x0] =	vst.idx.add.f32.msk vm4, v1  }
0x2a: {  	[tilespmem:v3+s12+$0x0] =	vst.idx.add.f32.msk vm5, v1  }
0x2b: {  	[tilespmem:v2+s13+$0x0] =	vst.idx.add.f32.msk vm5, v1  }
0x2c: {  	[tilespmem:v3+s12+$0x0] =	vst.idx.add.f32.msk vm6, v1  }
0x2d: {  	[tilespmem:v2+s13+$0x0] =	vst.idx.add.f32.msk vm6, v1  }
0x2e: {  	[tilespmem:v3+s12+$0x0] =	vst.idx.add.f32.msk vm7, v1  }
0x2f: {  	[tilespmem:v2+s13+$0x0] =	vst.idx.add.f32.msk vm7, v1  }
0x30: {  	[tilespmem:v3+s12+$0x0] =	vst.idx.add.f32.msk vm8, v1  }
0x31: {  	[tilespmem:v2+s13+$0x0] =	vst.idx.add.f32.msk vm8, v1  }
0x32: {  	[tilespmem:v3+s12+$0x0] =	vst.idx.add.f32.msk vm9, v1  }
0x33: {  	[tilespmem:v2+s13+$0x0] =	vst.idx.add.f32.msk vm9, v1  }
0x34: {  	[tilespmem:v3+s12+$0x0] =	vst.idx.add.f32.msk vm10, v1  }
0x35: {  	[tilespmem:v2+s13+$0x0] =	vst.idx.add.f32.msk vm10, v1  }
0x36: {  	[tilespmem:v3+s12+$0x0] =	vst.idx.add.f32.msk vm11, v1  }
0x37: {  	[tilespmem:v2+s13+$0x0] =	vst.idx.add.f32.msk vm11, v1  }
0x38: {  	[tilespmem:v3+s12+$0x0] =	vst.idx.add.f32.msk vm12, v1  }
0x39: {  	[tilespmem:v2+s13+$0x0] =	vst.idx.add.f32.msk vm12, v1  }
0x3a: {  	[tilespmem:v3+s12+$0x0] =	vst.idx.add.f32.msk vm13, v1  }
0x3b: {  	[tilespmem:v2+s13+$0x0] =	vst.idx.add.f32.msk vm13, v1  }
0x3c: {  	s16 =	simm.s32 $0x80;
	s15 =	simm.s32 $0x40;
	[tilespmem:v3+s12+$0x0] =	vst.idx.add.f32.msk vm14, v1  }
.LBB2_4:
0x3d: {  	p0 =	sne.s32 s16, $0x9C00  }
0x3e: {  	s17 =	sshra.s32 s15, $0x2;
	[tilespmem:v2+s13+$0x0] =	vst.idx.add.f32.msk vm14, v1;
	s15 =	smov.u32 s16;
	s16 =	sadd.s32 $0x40, s16  }
0x3f: {  	v3 =	vld [tilespmem:s17+$0x0]  }
0x40: {  	v2 =	vld [tilespmem:s17+$0x2780];
	_ =	sdelay $0x6  }
0x41: {  	[tilespmem:v3+s12+$0x0] =	vst.idx.add.f32.msk $0x1, v1  }
0x42: {  	[tilespmem:v2+s13+$0x0] =	vst.idx.add.f32.msk $0x1, v1  }
0x43: {  	[tilespmem:v3+s12+$0x0] =	vst.idx.add.f32.msk vm0, v1  }
0x44: {  	[tilespmem:v2+s13+$0x0] =	vst.idx.add.f32.msk vm0, v1  }
0x45: {  	[tilespmem:v3+s12+$0x0] =	vst.idx.add.f32.msk vm1, v1  }
0x46: {  	[tilespmem:v2+s13+$0x0] =	vst.idx.add.f32.msk vm1, v1  }
0x47: {  	[tilespmem:v3+s12+$0x0] =	vst.idx.add.f32.msk vm2, v1  }
0x48: {  	[tilespmem:v2+s13+$0x0] =	vst.idx.add.f32.msk vm2, v1  }
0x49: {  	[tilespmem:v3+s12+$0x0] =	vst.idx.add.f32.msk vm3, v1  }
0x4a: {  	[tilespmem:v2+s13+$0x0] =	vst.idx.add.f32.msk vm3, v1  }
0x4b: {  	[tilespmem:v3+s12+$0x0] =	vst.idx.add.f32.msk vm4, v1  }
0x4c: {  	[tilespmem:v2+s13+$0x0] =	vst.idx.add.f32.msk vm4, v1  }
0x4d: {  	[tilespmem:v3+s12+$0x0] =	vst.idx.add.f32.msk vm5, v1  }
0x4e: {  	[tilespmem:v2+s13+$0x0] =	vst.idx.add.f32.msk vm5, v1  }
0x4f: {  	[tilespmem:v3+s12+$0x0] =	vst.idx.add.f32.msk vm6, v1  }
0x50: {  	[tilespmem:v2+s13+$0x0] =	vst.idx.add.f32.msk vm6, v1  }
0x51: {  	[tilespmem:v3+s12+$0x0] =	vst.idx.add.f32.msk vm7, v1  }
0x52: {  	[tilespmem:v2+s13+$0x0] =	vst.idx.add.f32.msk vm7, v1  }
0x53: {  	[tilespmem:v3+s12+$0x0] =	vst.idx.add.f32.msk vm8, v1  }
0x54: {  	[tilespmem:v2+s13+$0x0] =	vst.idx.add.f32.msk vm8, v1  }
0x55: {  	[tilespmem:v3+s12+$0x0] =	vst.idx.add.f32.msk vm9, v1  }
0x56: {  	[tilespmem:v2+s13+$0x0] =	vst.idx.add.f32.msk vm9, v1  }
0x57: {  	[tilespmem:v3+s12+$0x0] =	vst.idx.add.f32.msk vm10, v1  }
0x58: {  	[tilespmem:v2+s13+$0x0] =	vst.idx.add.f32.msk vm10, v1  }
0x59: {  	[tilespmem:v3+s12+$0x0] =	vst.idx.add.f32.msk vm11, v1  }
0x5a: {  	[tilespmem:v2+s13+$0x0] =	vst.idx.add.f32.msk vm11, v1  }
.Ltmp1:
0x5b: {  	[tilespmem:v3+s12+$0x0] =	vst.idx.add.f32.msk vm12, v1;
	(pc) =	sbr.rel @p0 .LBB2_4-.Ltmp1, $4  }
0x5c: {  	[tilespmem:v2+s13+$0x0] =	vst.idx.add.f32.msk vm12, v1  }
0x5d: {  	[tilespmem:v3+s12+$0x0] =	vst.idx.add.f32.msk vm13, v1  }
0x5e: {  	[tilespmem:v2+s13+$0x0] =	vst.idx.add.f32.msk vm13, v1  }
0x5f: {  	[tilespmem:v3+s12+$0x0] =	vst.idx.add.f32.msk vm14, v1  }
0x60: {  	_ =	sdelay $0x4  }
0x61: {  	s15 =	sshra.s32 s15, $0x2;
	[tilespmem:v2+s13+$0x0] =	vst.idx.add.f32.msk vm14, v1  }
0x62: {  	v2 =	vld [tilespmem:s15+$0x0]  }
0x63: {  	v3 =	vld [tilespmem:s15+$0x2780];
	_ =	sdelay $0x6  }
0x64: {  	[tilespmem:v2+s12+$0x0] =	vst.idx.add.f32.msk $0x1, v1  }
0x65: {  	[tilespmem:v3+s13+$0x0] =	vst.idx.add.f32.msk $0x1, v1  }
0x66: {  	[tilespmem:v2+s12+$0x0] =	vst.idx.add.f32.msk vm0, v1  }
0x67: {  	[tilespmem:v3+s13+$0x0] =	vst.idx.add.f32.msk vm0, v1  }
0x68: {  	[tilespmem:v2+s12+$0x0] =	vst.idx.add.f32.msk vm1, v1  }
0x69: {  	[tilespmem:v3+s13+$0x0] =	vst.idx.add.f32.msk vm1, v1  }
0x6a: {  	[tilespmem:v2+s12+$0x0] =	vst.idx.add.f32.msk vm2, v1  }
0x6b: {  	[tilespmem:v3+s13+$0x0] =	vst.idx.add.f32.msk vm2, v1  }
0x6c: {  	[tilespmem:v2+s12+$0x0] =	vst.idx.add.f32.msk vm3, v1  }
0x6d: {  	[tilespmem:v3+s13+$0x0] =	vst.idx.add.f32.msk vm3, v1  }
0x6e: {  	[tilespmem:v2+s12+$0x0] =	vst.idx.add.f32.msk vm4, v1  }
0x6f: {  	[tilespmem:v3+s13+$0x0] =	vst.idx.add.f32.msk vm4, v1  }
0x70: {  	[tilespmem:v2+s12+$0x0] =	vst.idx.add.f32.msk vm5, v1  }
0x71: {  	[tilespmem:v3+s13+$0x0] =	vst.idx.add.f32.msk vm5, v1  }
0x72: {  	[tilespmem:v2+s12+$0x0] =	vst.idx.add.f32.msk vm6, v1  }
0x73: {  	[tilespmem:v3+s13+$0x0] =	vst.idx.add.f32.msk vm6, v1  }
0x74: {  	[tilespmem:v2+s12+$0x0] =	vst.idx.add.f32.msk vm7, v1  }
0x75: {  	[tilespmem:v3+s13+$0x0] =	vst.idx.add.f32.msk vm7, v1  }
0x76: {  	[tilespmem:v2+s12+$0x0] =	vst.idx.add.f32.msk vm8, v1  }
0x77: {  	[tilespmem:v3+s13+$0x0] =	vst.idx.add.f32.msk vm8, v1  }
0x78: {  	[tilespmem:v2+s12+$0x0] =	vst.idx.add.f32.msk vm9, v1  }
0x79: {  	[tilespmem:v3+s13+$0x0] =	vst.idx.add.f32.msk vm9, v1  }
0x7a: {  	[tilespmem:v2+s12+$0x0] =	vst.idx.add.f32.msk vm10, v1  }
0x7b: {  	[tilespmem:v3+s13+$0x0] =	vst.idx.add.f32.msk vm10, v1  }
0x7c: {  	[tilespmem:v2+s12+$0x0] =	vst.idx.add.f32.msk vm11, v1  }
0x7d: {  	[tilespmem:v3+s13+$0x0] =	vst.idx.add.f32.msk vm11, v1  }
0x7e: {  	[tilespmem:v2+s12+$0x0] =	vst.idx.add.f32.msk vm12, v1  }
0x7f: {  	[tilespmem:v3+s13+$0x0] =	vst.idx.add.f32.msk vm12, v1  }
0x80: {  	[tilespmem:v2+s12+$0x0] =	vst.idx.add.f32.msk vm13, v1  }
0x81: {  	[tilespmem:v3+s13+$0x0] =	vst.idx.add.f32.msk vm13, v1  }
0x82: {  	[tilespmem:v2+s12+$0x0] =	vst.idx.add.f32.msk vm14, v1  }
0x83: {  	[tilespmem:v3+s13+$0x0] =	vst.idx.add.f32.msk vm14, v1  }
0x84: {  	[hbm4b:s5+s8] =	stream.strided.scatter [tilespmem:s12], [sflag:$0x1], $0x2800, s14, s8, $0x38;
	[tilespmem:$0x9F00] =	vst v63  }
0x85: {  	s2 =	sadd.s32 $0x1, s2;
	_ =	swait.ge [sflag:s10], $0x2800  }
0x86: {  	p0 =	sne.s32 s2, s7;
	[sflag:s10] =	ssyncset.done $0x0  }
.Ltmp2:
0x87: {  	[sflag:s10] =	ssyncadd.s32 $0xFFFFD800;
	(pc) =	sbr.rel @p0 .LBB2_1-.Ltmp2, $4  }
0x88: {  	[hbm4b:s6+s8] =	stream.strided.scatter [tilespmem:s13], [sflag:$0x1], $0x2800, s14, s8, $0x38;
	[tilespmem:$0x9F00] =	vst v63  }
0x89: {  	_ =	swait.ge [sflag:s10], $0x2800  }
0x8a: {  	[sflag:s10] =	ssyncset.done $0x0  }
0x8b: {  	[sflag:s10] =	ssyncadd.s32 $0xFFFFD800  }
0x8c: {  	_ =	sfence.sel $0x180000  }
0x8d: {  	[bflag:$0x0] =	sbarrier.arrive $0xFFFF  }
0x8e: {  	p0 =	sne.s32 s0, $0x0;
	_ =	strace $0x90000047  }
0x8f: {  	s0 =	sadd.s32 @!p0 $0x100000, s1;
	[bflag:$0x2] =	sbarrier.arrive $0xFFFF  }
0x90: {  	[sflag:s0] =	ssyncadd.tile.s32 @!p0 $0x1;
	_ =	shalt  }
.Lfunc_end2:
_tile_overlayer_lowered:
.L_overlay_start_2:
0x91: {  	(tag) =	ssettag $0x2  }
0x92: {  	s0 =	rddreg [dreg:$0x0];
	s2 =	stileid.u32  }
0x93: {  	s1 =	rddreg [dreg:$0x1];
	p0 =	sne.s32 s2, $0x0  }
0x94: {  	s3 =	rddreg [dreg:$0x2];
	[bflag:$0x3] =	sbarrier.arrive $0xFFFF;
	s2 =	simm.s32 @!p0 $0x1C01  }
0x95: {  	[timem:s3], [sflag:s2] =	dma.local @!p0 [hbm:s0], s1  }
0x96: {  	s0 =	simm.s32 @!p0 $0x1  }
0x97: {  	_ =	swait.ge @!p0 [sflag:s0], s1  }
0x98: {  	s1 =	ssub.s32 @!p0 $0x0, s1;
	[sflag:s0] =	ssyncset.done @!p0 $0x0  }
0x99: {  	[sflag:s0] =	ssyncadd.s32 @!p0 s1  }
0x9a: {  	[bflag:$0x3] =	sbarrier.arrive $0xFFFF  }
0x9b: {  	_ =	shalt  }

// kernel: kernel.16.cloned.1.call-start
scs
__scs_entry_jumppad:
0x0: {  	(pc) =	sbr.rel $0x88, $3  }
0x1: {  	(tag) =	ssettag $0x0;
	lr =	simm.s32 $0x1  }
0x2: {  	[smem:$0x3F9B] =	sst lr;
	_ =	strace $0xD0000000  }
0x3: {  	_ = 	snop  }
0x4: {  	_ = 	snop  }
0x5: {  	_ = 	snop  }
0x6: {  	_ = 	snop  }
0x7: {  	_ = 	snop  }
__scs_overlays_trampoline_lowered:
0x8: {  	[smem:$0x3FAA] =	sst s0  }
0x9: {  	[smem:$0x3FAB] =	sst s1  }
0xa: {  	[smem:$0x3FAC] =	sst s2  }
0xb: {  	[smem:$0x3FAD] =	sst s3  }
0xc: {  	[smem:$0x3FAE] =	sst s4  }
0xd: {  	[smem:$0x3FAF] =	sst s5  }
0xe: {  	[smem:$0x3FB0] =	sst s6  }
0xf: {  	[smem:$0x3FB1] =	sst s7  }
0x10: {  	[smem:$0x3FB2] =	sst s8  }
0x11: {  	[smem:$0x3FB3] =	sst s9;
	s0 =	simm.s32 @!p0 $0x0  }
0x12: {  	s1 =	sld [smem:$0x3F99];
	s0 =	simm.s32 @p0 $0x1  }
0x13: {  	[smem:$0x3FB4] =	sst s0;
	s0 =	simm.s32 @!p1 $0x0  }
0x14: {  	s2 =	sld [smem:$0x3F98];
	s0 =	simm.s32 @p1 $0x1  }
0x15: {  	[smem:$0x3FB5] =	sst s0;
	s0 =	simm.s32 @!p2 $0x0  }
0x16: {  	s3 =	sld [smem:$0x3FDB];
	s0 =	simm.s32 @p2 $0x1  }
0x17: {  	s4 =	simm.s32 $0x1BF5;
	[smem:$0x3FB7] =	sst s0  }
0x18: {  	s0 =	sld [smem:$0x3F9A];
	_ =	swait.ge [sflag:s4], $0x0  }
0x19: {  	s7 =	sld [smem:$0x3F9B]  }
0x1a: {  	s8 =	sadd.s32 $0xFFFFE003, lr  }
0x1b: {  	s9 =	sadd.s32 $0xFFFFFEF7, lr;
	s5 =	simm.s32 $0xFFFFFFFF;
	p2 =	slt.u32 s8, $0xFFFFF086  }
0x1c: {  	p1 =	slt.u32 s9, $0xF7A;
	s5 =	simm.s32 @!p2 $0x0  }
0x1d: {  	s5 =	simm.s32 @p1 $0x1;
	p0 =	seq.s32 s7, s2  }
0x1e: {  	s7 =	smul.u32 @!p0 $0xF7A, s2;
	p2 =	seq.s32 @!p0 s5, $0x0  }
0x1f: {  	s9 =	smul.u32 $0xF7A, s1;
	s8 =	simm.s32 @!p0 $0x1BF5;
	p2 =	por !p2, p0  }
0x20: {  	[sflag:s8] =	ssyncset.s32 @!p0 $0xFFFFF086;
	s6 =	sadd.s32 @!p0 s3, s7;
	s7 =	simm.s32 @!p0 $0x108  }
0x21: {  	s3 =	sadd.s32 s3, s9;
	s6 =	sadd.s32 @!p0 $0x88, s6;
	s7 =	simm.s32 @p2 $0x1082  }
0x22: {  	[simem:s7], [sflag:s8] =	dma.local @!p0 [hbm:s6], $0xF7A  }
0x23: {  	s9 =	sor.u32 $0xD0000000, s2;
	s6 =	simm.s32 $0x108;
	_ =	swait.ge @!p0 [sflag:s8], $0x0  }
0x24: {  	s3 =	sadd.s32 $0x88, s3;
	s6 =	simm.s32 @!p1 $0x1082;
	[sflag:s4] =	ssyncset.s32 $0xFFFFF086  }
0x25: {  	[simem:s6], [sflag:s4] =	dma.local [hbm:s3], $0xF7A  }
0x26: {  	[smem:$0x3F9B] =	sst s1;
	(tag) =	ssettag s2;
	_ =	strace s9  }
0x27: {  	s1 =	sld [smem:$0x3FAB]  }
0x28: {  	s2 =	sld [smem:$0x3FAC]  }
0x29: {  	s4 =	sld [smem:$0x3FAE]  }
0x2a: {  	p0 =	seq.s32 s5, $0x0;
	s5 =	sld [smem:$0x3FAF]  }
0x2b: {  	s6 =	sld [smem:$0x3FB0]  }
0x2c: {  	s7 =	sld [smem:$0x3FB1]  }
0x2d: {  	s3 =	simm.s32 $0x108;
	s8 =	sld [smem:$0x3FB2]  }
0x2e: {  	s3 =	simm.s32 @!p0 $0x1082;
	s9 =	sld [smem:$0x3FB3]  }
0x2f: {  	lr =	sadd.s32 s0, s3;
	s0 =	sld [smem:$0x3FAA]  }
0x30: {  	s3 =	sld [smem:$0x3FAD]  }
0x31: {  	[smem:$0x3FB6] =	sst s10  }
0x32: {  	s10 =	sld [smem:$0x3FB4];
	_ =	sdelay $0x3  }
0x33: {  	p0 =	seq.s32 s10, $0x1;
	s10 =	sld [smem:$0x3FB6];
	_ =	sdelay $0x3  }
0x34: {  	[smem:$0x3FB6] =	sst s10  }
0x35: {  	s10 =	sld [smem:$0x3FB5];
	_ =	sdelay $0x3  }
0x36: {  	p1 =	seq.s32 s10, $0x1;
	s10 =	sld [smem:$0x3FB6];
	_ =	sdelay $0x3  }
0x37: {  	[smem:$0x3FB6] =	sst s10  }
0x38: {  	s10 =	sld [smem:$0x3FB7]  }
0x39: {  	_ = 	snop;
	(pc) =	sbr.ind lr, $3  }
0x3a: {  	_ = 	snop  }
0x3b: {  	_ = 	snop  }
0x3c: {  	p2 =	seq.s32 s10, $0x1;
	s10 =	sld [smem:$0x3FB6]  }
0x3d: {  	_ =	shalt  }
0x3e: {  	_ =	shalt  }
0x3f: {  	_ =	shalt  }
0x40: {  	_ =	shalt  }
0x41: {  	_ =	shalt  }
0x42: {  	_ =	shalt  }
0x43: {  	_ =	shalt  }
0x44: {  	_ =	shalt  }
0x45: {  	_ =	shalt  }
0x46: {  	_ =	shalt  }
0x47: {  	_ =	shalt  }
0x48: {  	_ =	shalt  }
0x49: {  	_ =	shalt  }
0x4a: {  	_ =	shalt  }
0x4b: {  	_ =	shalt  }
0x4c: {  	_ =	shalt  }
0x4d: {  	_ =	shalt  }
0x4e: {  	_ =	shalt  }
0x4f: {  	_ =	shalt  }
0x50: {  	_ =	shalt  }
0x51: {  	_ =	shalt  }
0x52: {  	_ =	shalt  }
0x53: {  	_ =	shalt  }
0x54: {  	_ =	shalt  }
0x55: {  	_ =	shalt  }
0x56: {  	_ =	shalt  }
0x57: {  	_ =	shalt  }
0x58: {  	_ =	shalt  }
0x59: {  	_ =	shalt  }
0x5a: {  	_ =	shalt  }
0x5b: {  	_ =	shalt  }
0x5c: {  	_ =	shalt  }
0x5d: {  	_ =	shalt  }
0x5e: {  	_ =	shalt  }
0x5f: {  	_ =	shalt  }
0x60: {  	_ =	shalt  }
0x61: {  	_ =	shalt  }
0x62: {  	_ =	shalt  }
0x63: {  	_ =	shalt  }
0x64: {  	_ =	shalt  }
0x65: {  	_ =	shalt  }
0x66: {  	_ =	shalt  }
0x67: {  	_ =	shalt  }
0x68: {  	_ =	shalt  }
0x69: {  	_ =	shalt  }
0x6a: {  	_ =	shalt  }
0x6b: {  	_ =	shalt  }
0x6c: {  	_ =	shalt  }
0x6d: {  	_ =	shalt  }
0x6e: {  	_ =	shalt  }
0x6f: {  	_ =	shalt  }
0x70: {  	_ =	shalt  }
0x71: {  	_ =	shalt  }
0x72: {  	_ =	shalt  }
0x73: {  	_ =	shalt  }
0x74: {  	_ =	shalt  }
0x75: {  	_ =	shalt  }
0x76: {  	_ =	shalt  }
0x77: {  	_ =	shalt  }
0x78: {  	_ =	shalt  }
0x79: {  	_ =	shalt  }
0x7a: {  	_ =	shalt  }
0x7b: {  	_ =	shalt  }
0x7c: {  	_ =	shalt  }
0x7d: {  	_ =	shalt  }
0x7e: {  	_ =	shalt  }
0x7f: {  	_ =	shalt  }
0x80: {  	_ =	shalt  }
0x81: {  	_ =	shalt  }
0x82: {  	_ =	shalt  }
0x83: {  	_ =	shalt  }
0x84: {  	_ =	shalt  }
0x85: {  	_ =	shalt  }
0x86: {  	_ =	shalt  }
0x87: {  	_ =	shalt  }
.Lfunc_end0:
.L_simem_size_0:
called_computation.1_lowered:
.L_overlay_start_0:
0x88: {  	s2 =	sld [smem:$0x3FD9]  }
0x89: {  	s3 =	sld [smem:$0x3FFE];
	_ =	sdelay $0x1  }
0x8a: {  	s1 =	srdreg.scid  }
0x8b: {  	s0 =	sand.u32 $0x1, s1  }
0x8c: {  	s17 =	sshll.u32 s0, $0xA;
	s2 =	sadd.s32 s3, s2  }
0x8d: {  	s2 =	sadd.s32 s2, s17  }
0x8e: {  	[smem:$0x3FC2] =	sst s2  }
0x8f: {  	_ = 	snop  }
0x90: {  	s18 =	sld [smem:$0x3FD0];
	(tm) =	ssettm $0x1  }
0x91: {  	s19 =	sld [smem:$0x3FFB];
	_ =	sdelay $0x3  }
0x92: {  	_ =	strace s19  }
0x93: {  	s2 =	sld [smem:$0x3FFC];
	_ =	sdelay $0x3  }
0x94: {  	_ =	strace s2  }
0x95: {  	s2 =	sld [smem:$0x3FFD];
	_ =	sdelay $0x3  }
0x96: {  	_ =	strace s2  }
0x97: {  	_ =	strace $0x8FFFFFFF  }
0x98: {  	s20 =	sld [smem:$0x3FDB];
	_ =	sdelay $0x1  }
0x99: {  	s4 =	simm.s32 $_scs_section_size  }
0x9a: {  	s5 =	simm.s32 $_size__tile_overlayer_lowered;
	s6 =	simm.s32 $_tile_overlayer_lowered  }
0x9b: {  	s7 =	simm.s32 $0x1BFF;
	s21 =	sshll.u32 s6, $0x1;
	s4 =	sadd.s32 s4, s20  }
0x9c: {  	s22 =	simm.s32 $0x0;
	s5 =	sshll.u32 s5, $0x1;
	s6 =	sadd.s32 s21, s4  }
0x9d: {  	[timem:s22], [sflag:s7] =	dma.local [hbm:s6], s5  }
0x9e: {  	_ =	swait.ge [sflag:s7], s5  }
0x9f: {  	s5 =	ssub.s32 $0x0, s5;
	[sflag:s7] =	ssyncset.done $0x0  }
0xa0: {  	[sflag:s7] =	ssyncadd.s32 s5;
	_ =	sdelay $0x1  }
0xa1: {  	s23 =	simm.s32 $0x1B8B  }
0xa2: {  	_ =	swait.ge [sflag:s23], $0x1  }
0xa3: {  	[sflag:s23] =	ssyncset.done $0x0  }
0xa4: {  	[sflag:s23] =	ssyncadd.s32 $0xFFFFFFFF  }
0xa5: {  	s5 =	sld [smem:$0x0]  }
0xa6: {  	s6 =	sand.u32 $0xFFFFFFFE, s1  }
0xa7: {  	p0 =	sne.s32 s1, s6  }
0xa8: {  	s6 =	sshll.u32 @p0 s6, $0xE  }
0xa9: {  	s6 =	sadd.s32 @p0 $0x11B8D, s6;
	s7 =	sshll.u32 @p0 s5, $0x11  }
0xaa: {  	s6 =	sor.u32 @p0 s7, s6  }
0xab: {  	[sflag:s6] =	ssyncadd.remote.s32 @p0 $0x1;
	_ =	sdelay $0x1  }
0xac: {  	s6 =	simm.s32 @p0 $0x1B8D  }
0xad: {  	_ =	swait.eq @p0 [sflag:s6], $0x1  }
0xae: {  	[sflag:s6] =	ssyncadd.s32 @p0 $0xFFFFFFFF  }
0xaf: {  	s7 =	sshll.u32 @!p0 s1, $0xE  }
0xb0: {  	s7 =	sor.u32 @!p0 $0x4000, s7;
	s6 =	simm.s32 @!p0 $0x1B8D  }
0xb1: {  	s5 =	sshll.u32 @!p0 s5, $0x11;
	s7 =	sadd.s32 @!p0 $0x11B8D, s7;
	_ =	swait.eq @!p0 [sflag:s6], $0x1  }
0xb2: {  	s5 =	sor.u32 @!p0 s5, s7;
	[sflag:s6] =	ssyncadd.s32 @!p0 $0xFFFFFFFF  }
0xb3: {  	s25 =	simm.s32 $0x1B8E;
	s24 =	sld [smem:$0x3FFE];
	[sflag:s5] =	ssyncadd.remote.s32 @!p0 $0x1  }
0xb4: {  	s26 =	simm.s32 $execute0_lowered;
	[smem:$0x3FD2] =	sst s25  }
0xb5: {  	s6 =	sshll.u32 s26, $0x1;
	_ =	strace $0x80000049;
	[dreg:$0x1] =	wrdreg $0xFFFFFFFF  }
0xb6: {  	s28 =	simm.s32 $_size_execute0_lowered;
	s4 =	sadd.s32 s4, s6;
	[dreg:$0x0] =	wrdreg $0x0  }
0xb7: {  	s6 =	sshll.u32 s28, $0x1;
	[dreg:$0x2] =	wrdreg s4  }
0xb8: {  	[dreg:$0x3] =	wrdreg s6  }
0xb9: {  	[dreg:$0x4] =	wrdreg $0xC0  }
0xba: {  	_ =	task [dreg:s22], $0x5FFFF  }
0xbb: {  	[dreg:$0x1] =	wrdreg $0xFFFFFFFF  }
0xbc: {  	[dreg:$0x0] =	wrdreg $0x60  }
0xbd: {  	[dreg:$0x2] =	wrdreg s18  }
0xbe: {  	[dreg:$0x3] =	wrdreg s24  }
0xbf: {  	[dreg:$0x4] =	wrdreg $0x79000  }
0xc0: {  	[dreg:$0x5] =	wrdreg $0xA  }
0xc1: {  	_ =	task.clear_ibuf [dreg:s22], $0x6FFFF;
	_ =	strace $0x90000049  }
0xc2: {  	s29 =	simm.s32 $0xA;
	_ =	strace $0x8000004B  }
0xc3: {  	_ =	swait.ge [sflag:s29], $0x1  }
0xc4: {  	[sflag:s29] =	ssyncadd.s32 $0xFFFFFFFF  }
0xc5: {  	_ =	strace $0x9000004B  }
0xc6: {  	_ =	sfence  }
0xc7: {  	s30 =	sld [smem:$0x0];
	_ =	sdelay $0x2  }
0xc8: {  	s31 =	sshll.u32 s1, $0xD;
	s1 =	sshrl.u32 s1, $0x2  }
0xc9: {  	s4 =	sand.u32 $0x4000, s31;
	s1 =	sadd.s32 s1, s30  }
0xca: {  	s0 =	sor.u32 s4, s0;
	s1 =	sshll.u32 s1, $0x11  }
0xcb: {  	s0 =	sor.u32 s1, s0  }
0xcc: {  	s0 =	sadd.s32 $0x8F2B, s0  }
0xcd: {  	[sflag:s0] =	ssyncadd.remote.s32 $0x1  }
0xce: {  	_ =	sfence.sel $0xFFFF  }
0xcf: {  	[dreg:$0x0] =	wrdreg $0xFFFFFFFF;
	(pc) =	sbr.abs _section_cstart, $3  }
0xd0: {  	[dreg:$0x1] =	wrdreg $0xFFFFFFFF  }
0xd1: {  	_ =	task.clear_ibuf [dreg:s22], $0x2FFFF;
	_ =	strace $0x9FFFFFFF  }
0xd2: {  	(tm) =	ssettm $0x7FFFFFFF  }
0xd3: {  	_ =	shalt  }
tec
execute0_lowered:
.L_overlay_start_1:
0x0: {  	(tag) =	ssettag $0x1  }
0x1: {  	s1 =	rddreg [dreg:$0x0]  }
0x2: {  	s0 =	srdreg.scid;
	s6 =	rddreg [dreg:$0x1]  }
0x3: {  	s3 =	rddreg [dreg:$0x2];
	s16 =	simm.s32 $0x2900;
	s17 =	simm.s32 $0x3  }
0x4: {  	s18 =	simm.s32 $0x80;
	s19 =	simm.s32 $0x400;
	s20 =	simm.s32 $0x50  }
0x5: {  	s21 =	simm.s32 $0x2780;
	s22 =	simm.s32 $0x2800;
	s23 =	simm.s32 $0x5100  }
0x6: {  	s24 =	simm.s32 $0x1;
	s25 =	simm.s32 $0x2880;
	s5 =	sand.u32 $0x1, s0  }
0x7: {  	s26 =	simm.s32 $0x2;
	s0 =	stileid.u32;
	s9 =	smul.u32 $0x140000, s5  }
0x8: {  	s2 =	sshll.u32 s5, $0x4;
	s8 =	sshll.u32 s0, $0x7;
	s28 =	smul.u32 $0x14000, s0  }
0x9: {  	s10 =	smul.u32 $0x50000, s0;
	s5 =	ssub.s32 $0x2, s5;
	s2 =	sor.u32 s0, s2  }
0xa: {  	s8 =	sand.u32 $0x380, s8;
	s30 =	sshrl.u32 s5, $0x1;
	s4 =	sshrl.u32 s2, $0x3  }
0xb: {  	s2 =	rddreg [dreg:$0x3];
	s29 =	sadd.s32 s28, s9;
	s31 =	sshrl.u32 s10, $0x2  }
0xc: {  	s15 =	ssub.s32 s5, s30;
	s7 =	smul.u32 $0x13C00, s4;
	s4 =	simm.s32 $0x0  }
0xd: {  	s5 =	sadd.s32 s31, s3;
	s15 =	smax.u32 s15, $0x1;
	[smem:$0x7FF] =	sst s4  }
0xe: {  	s9 =	sadd.s32 $0xA000, s5;
	s10 =	sadd.s32 $0xC800, s5;
	s7 =	sor.u32 s8, s7  }
0xf: {  	s11 =	sadd.s32 $0xF000, s5;
	s12 =	sadd.s32 $0x11800, s5;
	s7 =	sshrl.u32 s7, $0x3  }
0x10: {  	_ =	strace $0x8000004A;
	s13 =	sadd.s32 s7, s6;
	s7 =	sshrl.u32 s29, $0x3  }
0x11: {  	s8 =	sadd.s32 $0x7800, s5;
	s14 =	sadd.s32 s7, s6;
	s6 =	sadd.s32 $0x2800, s5  }
0x12: {  	v0 =	vimm.f32 $0.0e+00;
	s7 =	sadd.s32 $0x5000, s5;
	s13 =	sadd.s32 $0x2AA00, s13;
	s14 =	sadd.s32 $0x3E600, s14  }
.LBB2_1:
0x13: {  	s28 =	simm.s32 $0x70;
	s29 =	simm.s32 $0x3C0  }
.LBB2_2:
0x14: {  	p0 =	sne.s32 s29, $0x9FC0;
	[tilespmem:s28+$0x2900] =	vst v0  }
0x15: {  	[tilespmem:s28+$0x2890] =	vst v0  }
0x16: {  	[tilespmem:s28+$0x28A0] =	vst v0  }
.Ltmp0:
0x17: {  	[tilespmem:s28+$0x28B0] =	vst v0;
	(pc) =	sbr.rel @p0 .LBB2_2-.Ltmp0, $4  }
0x18: {  	[tilespmem:s28+$0x28C0] =	vst v0  }
0x19: {  	[tilespmem:s28+$0x28D0] =	vst v0  }
0x1a: {  	[tilespmem:s28+$0x28E0] =	vst v0  }
0x1b: {  	[tilespmem:s28+$0x28F0] =	vst v0;
	s28 =	sshra.s32 s29, $0x2;
	s29 =	sadd.s32 $0x200, s29  }
0x1c: {  	[tilespmem:s28+$0x2900] =	vst v0  }
0x1d: {  	[tilespmem:s28+$0x2890] =	vst v0  }
0x1e: {  	[tilespmem:s28+$0x28A0] =	vst v0  }
0x1f: {  	[tilespmem:s28+$0x28B0] =	vst v0  }
0x20: {  	[tilespmem:s28+$0x28C0] =	vst v0  }
0x21: {  	[tilespmem:s28+$0x28D0] =	vst v0  }
0x22: {  	[tilespmem:s28+$0x28E0] =	vst v0  }
0x23: {  	[tilespmem:s28+$0x28F0] =	vst v0  }
0x24: {  	[spmem:s5] =	stream.linear.scatter [tilespmem:s16], [sflag:$0x3], $0x2800, $0x38;
	[tilespmem:$0x1B900] =	vst v63  }
0x25: {  	_ =	swait.ge [sflag:s17], $0x2800  }
0x26: {  	[sflag:s17] =	ssyncset.done $0x0  }
0x27: {  	[sflag:s17] =	ssyncadd.s32 $0xFFFFD800  }
0x28: {  	[spmem:s6] =	stream.linear.scatter [tilespmem:s16], [sflag:$0x3], $0x2800, $0x38;
	[tilespmem:$0x1B900] =	vst v63  }
0x29: {  	_ =	swait.ge [sflag:s17], $0x2800  }
0x2a: {  	[sflag:s17] =	ssyncset.done $0x0  }
0x2b: {  	[sflag:s17] =	ssyncadd.s32 $0xFFFFD800  }
0x2c: {  	[spmem:s7] =	stream.linear.scatter [tilespmem:s16], [sflag:$0x3], $0x2800, $0x38;
	[tilespmem:$0x1B900] =	vst v63  }
0x2d: {  	_ =	swait.ge [sflag:s17], $0x2800  }
0x2e: {  	[sflag:s17] =	ssyncset.done $0x0  }
0x2f: {  	[sflag:s17] =	ssyncadd.s32 $0xFFFFD800  }
0x30: {  	[spmem:s8] =	stream.linear.scatter [tilespmem:s16], [sflag:$0x3], $0x2800, $0x38;
	[tilespmem:$0x1B900] =	vst v63  }
0x31: {  	_ =	swait.ge [sflag:s17], $0x2800  }
0x32: {  	[sflag:s17] =	ssyncset.done $0x0  }
0x33: {  	[sflag:s17] =	ssyncadd.s32 $0xFFFFD800  }
0x34: {  	[spmem:s9] =	stream.linear.scatter [tilespmem:s16], [sflag:$0x3], $0x2800, $0x38;
	[tilespmem:$0x1B900] =	vst v63  }
0x35: {  	_ =	swait.ge [sflag:s17], $0x2800  }
0x36: {  	[sflag:s17] =	ssyncset.done $0x0  }
0x37: {  	[sflag:s17] =	ssyncadd.s32 $0xFFFFD800  }
0x38: {  	[spmem:s10] =	stream.linear.scatter [tilespmem:s16], [sflag:$0x3], $0x2800, $0x38;
	[tilespmem:$0x1B900] =	vst v63  }
0x39: {  	_ =	swait.ge [sflag:s17], $0x2800  }
0x3a: {  	[sflag:s17] =	ssyncset.done $0x0  }
0x3b: {  	[sflag:s17] =	ssyncadd.s32 $0xFFFFD800  }
0x3c: {  	[spmem:s11] =	stream.linear.scatter [tilespmem:s16], [sflag:$0x3], $0x2800, $0x38;
	[tilespmem:$0x1B900] =	vst v63  }
0x3d: {  	_ =	swait.ge [sflag:s17], $0x2800  }
0x3e: {  	[sflag:s17] =	ssyncset.done $0x0  }
0x3f: {  	[sflag:s17] =	ssyncadd.s32 $0xFFFFD800  }
0x40: {  	[spmem:s12] =	stream.linear.scatter [tilespmem:s16], [sflag:$0x3], $0x2800, $0x38;
	[tilespmem:$0x1B900] =	vst v63  }
0x41: {  	_ =	swait.ge [sflag:s17], $0x2800  }
0x42: {  	[sflag:s17] =	ssyncset.done $0x0  }
0x43: {  	s29 =	simm.s32 $0x0;
	[sflag:s17] =	ssyncadd.s32 $0xFFFFD800  }
0x44: {  	[tilespmem:s29], [sflag:$0x3] =	stream.strided.gather [hbm4b:s13+s18], $0x2780, s19, s18, $0x38;
	[tilespmem:$0x1B900] =	vst v63  }
0x45: {  	_ =	swait.ge [sflag:s17], $0x2780  }
0x46: {  	[sflag:s17] =	ssyncset.done $0x0  }
0x47: {  	[sflag:s17] =	ssyncadd.s32 $0xFFFFD880  }
0x48: {  	[bflag:$0x0] =	sbarrier.arrive $0xFFFF  }
0x49: {  	v1 =	vld [tilespmem:$0x0]  }
0x4a: {  	v2 =	vld [tilespmem:$0x10]  }
0x4b: {  	v3 =	vld [tilespmem:$0x20]  }
0x4c: {  	v4 =	vld [tilespmem:$0x30]  }
0x4d: {  	v5 =	vld [tilespmem:$0x40]  }
0x4e: {  	v1 =	vand.u32 $0xFFFF, v1  }
0x4f: {  	[tilespmem:$0x2780] =	vst v1;
	v1 =	vand.u32 $0xFFFF, v2  }
0x50: {  	[tilespmem:$0x2790] =	vst v1;
	v1 =	vand.u32 $0xFFFF, v3  }
0x51: {  	[tilespmem:$0x27A0] =	vst v1;
	v1 =	vand.u32 $0xFFFF, v4  }
0x52: {  	[tilespmem:$0x27B0] =	vst v1;
	v1 =	vand.u32 $0xFFFF, v5  }
0x53: {  	s28 =	simm.s32 $0x70;
	[tilespmem:$0x27C0] =	vst v1  }
0x54: {  	[tilespmem:s16], [sflag:$0x1] =	stream.indirect.gather [hbm4b:s1+s20], $0x80, s21, s20, $0xb8;
	[tilespmem:$0x1B900] =	vst v63  }
0x55: {  	v1 =	vld [tilespmem:s28+$0xFFFFFFE0];
	_ =	sdelay $0x4  }
0x56: {  	v1 =	vand.u32 $0xFFFF, v1  }
0x57: {  	[tilespmem:$0x2800] =	vst v1  }
0x58: {  	v1 =	vld [tilespmem:s28+$0xFFFFFFF0];
	_ =	sdelay $0x4  }
0x59: {  	v1 =	vand.u32 $0xFFFF, v1  }
0x5a: {  	[tilespmem:$0x2810] =	vst v1  }
0x5b: {  	v1 =	vld [tilespmem:s28+$0x0];
	_ =	sdelay $0x4  }
0x5c: {  	v1 =	vand.u32 $0xFFFF, v1  }
0x5d: {  	s29 =	sand.u32 $0x3FE0, s29;
	[tilespmem:$0x2820] =	vst v1  }
0x5e: {  	v1 =	vld [tilespmem:s29+$0x80];
	_ =	sdelay $0x4  }
0x5f: {  	v1 =	vand.u32 $0xFFFF, v1  }
0x60: {  	[tilespmem:$0x2830] =	vst v1  }
0x61: {  	v1 =	vld [tilespmem:s28+$0x20];
	_ =	sdelay $0x4  }
0x62: {  	v1 =	vand.u32 $0xFFFF, v1  }
0x63: {  	[tilespmem:$0x2840] =	vst v1  }
0x64: {  	[tilespmem:s23], [sflag:$0x2] =	stream.indirect.gather [hbm4b:s1+s20], $0x80, s22, s20, $0xb8;
	[tilespmem:$0x1B900] =	vst v63  }
0x65: {  	_ =	swait.ge [sflag:s24], $0x2800  }
0x66: {  	[sflag:s24] =	ssyncset.done $0x0  }
0x67: {  	[sflag:s24] =	ssyncadd.s32 $0xFFFFD800  }
0x68: {  	v1 =	vld [tilespmem:s28+$0xFFFFFF90];
	_ =	sdelay $0x4  }
0x69: {  	v1 =	vshrl.u32 v1, $0x10  }
0x6a: {  	[tilespmem:$0x2880] =	vst v1  }
0x6b: {  	v1 =	vld [tilespmem:s28+$0xFFFFFFA0];
	_ =	sdelay $0x4  }
0x6c: {  	v1 =	vshrl.u32 v1, $0x10  }
0x6d: {  	[tilespmem:$0x2890] =	vst v1  }
0x6e: {  	v1 =	vld [tilespmem:s28+$0xFFFFFFB0];
	_ =	sdelay $0x4  }
0x6f: {  	v1 =	vshrl.u32 v1, $0x10  }
0x70: {  	[tilespmem:$0x28A0] =	vst v1  }
0x71: {  	v1 =	vld [tilespmem:s28+$0xFFFFFFC0];
	_ =	sdelay $0x4  }
0x72: {  	v1 =	vshrl.u32 v1, $0x10  }
0x73: {  	[tilespmem:$0x28B0] =	vst v1  }
0x74: {  	v1 =	vld [tilespmem:s28+$0xFFFFFFD0];
	_ =	sdelay $0x4  }
0x75: {  	v1 =	vshrl.u32 v1, $0x10  }
0x76: {  	[tilespmem:$0x28C0] =	vst v1  }
0x77: {  	[spmem:s3] =	stream.indirect.scatter.add.f32 [tilespmem:s16], [sflag:$0x3], $0x80, s25, s20, $0xb8;
	[tilespmem:$0x1B900] =	vst v63  }
0x78: {  	_ =	swait.ge [sflag:s17], $0x2800  }
0x79: {  	[sflag:s17] =	ssyncset.done $0x0  }
0x7a: {  	[sflag:s17] =	ssyncadd.s32 $0xFFFFD800  }
0x7b: {  	v1 =	vld [tilespmem:s28+$0x30];
	_ =	sdelay $0x4  }
0x7c: {  	v1 =	vand.u32 $0xFFFF, v1  }
0x7d: {  	[tilespmem:$0x2780] =	vst v1  }
0x7e: {  	v1 =	vld [tilespmem:s28+$0x40];
	_ =	sdelay $0x4  }
0x7f: {  	v1 =	vand.u32 $0xFFFF, v1  }
0x80: {  	[tilespmem:$0x2790] =	vst v1  }
0x81: {  	v1 =	vld [tilespmem:s28+$0x50];
	_ =	sdelay $0x4  }
0x82: {  	v1 =	vand.u32 $0xFFFF, v1  }
0x83: {  	[tilespmem:$0x27A0] =	vst v1  }
0x84: {  	v1 =	vld [tilespmem:s28+$0x60];
	_ =	sdelay $0x4  }
0x85: {  	v1 =	vand.u32 $0xFFFF, v1  }
0x86: {  	[tilespmem:$0x27B0] =	vst v1  }
0x87: {  	v1 =	vld [tilespmem:s28+$0x70];
	_ =	sdelay $0x4  }
0x88: {  	v1 =	vand.u32 $0xFFFF, v1  }
0x89: {  	[tilespmem:$0x27C0] =	vst v1  }
0x8a: {  	[tilespmem:s16], [sflag:$0x1] =	stream.indirect.gather [hbm4b:s1+s20], $0x80, s21, s20, $0xb8;
	[tilespmem:$0x1B900] =	vst v63  }
0x8b: {  	_ =	swait.ge [sflag:s26], $0x2800  }
0x8c: {  	[sflag:s26] =	ssyncset.done $0x0  }
0x8d: {  	[sflag:s26] =	ssyncadd.s32 $0xFFFFD800  }
0x8e: {  	v1 =	vld [tilespmem:s28+$0xFFFFFFE0];
	_ =	sdelay $0x4  }
0x8f: {  	v1 =	vshrl.u32 v1, $0x10  }
0x90: {  	[tilespmem:$0x2880] =	vst v1  }
0x91: {  	v1 =	vld [tilespmem:s28+$0xFFFFFFF0];
	_ =	sdelay $0x4  }
0x92: {  	v1 =	vshrl.u32 v1, $0x10  }
0x93: {  	[tilespmem:$0x2890] =	vst v1  }
0x94: {  	v1 =	vld [tilespmem:s28+$0x0];
	_ =	sdelay $0x4  }
0x95: {  	v1 =	vshrl.u32 v1, $0x10  }
0x96: {  	[tilespmem:$0x28A0] =	vst v1  }
0x97: {  	v1 =	vld [tilespmem:s29+$0x80];
	_ =	sdelay $0x4  }
0x98: {  	v1 =	vshrl.u32 v1, $0x10  }
0x99: {  	[tilespmem:$0x28B0] =	vst v1  }
0x9a: {  	v1 =	vld [tilespmem:s28+$0x20];
	_ =	sdelay $0x4  }
0x9b: {  	v1 =	vshrl.u32 v1, $0x10  }
0x9c: {  	[tilespmem:$0x28C0] =	vst v1  }
0x9d: {  	[spmem:s3] =	stream.indirect.scatter.add.f32 [tilespmem:s23], [sflag:$0x3], $0x80, s25, s20, $0xb8;
	[tilespmem:$0x1B900] =	vst v63  }
0x9e: {  	_ =	swait.ge [sflag:s17], $0x2800  }
0x9f: {  	s29 =	simm.s32 $0xA0;
	[sflag:s17] =	ssyncset.done $0x0  }
.LBB2_4:
0xa0: {  	p0 =	sne.s32 s29, $0x2620;
	[sflag:s17] =	ssyncadd.s32 $0xFFFFD800;
	s28 =	sadd.s32 $0xA0, s28  }
0xa1: {  	s30 =	smov.u32 s29;
	s29 =	sadd.s32 $0xA0, s29;
	v1 =	vld [tilespmem:s28+$0xFFFFFFE0];
	_ =	sdelay $0x4  }
0xa2: {  	v1 =	vand.u32 $0xFFFF, v1  }
0xa3: {  	[tilespmem:$0x2800] =	vst v1  }
0xa4: {  	v1 =	vld [tilespmem:s28+$0xFFFFFFF0];
	_ =	sdelay $0x4  }
0xa5: {  	v1 =	vand.u32 $0xFFFF, v1  }
0xa6: {  	[tilespmem:$0x2810] =	vst v1  }
0xa7: {  	v1 =	vld [tilespmem:s28+$0x0];
	_ =	sdelay $0x4  }
0xa8: {  	v1 =	vand.u32 $0xFFFF, v1  }
0xa9: {  	s30 =	sand.u32 $0x3FE0, s30;
	[tilespmem:$0x2820] =	vst v1  }
0xaa: {  	v1 =	vld [tilespmem:s30+$0x80];
	_ =	sdelay $0x4  }
0xab: {  	v1 =	vand.u32 $0xFFFF, v1  }
0xac: {  	[tilespmem:$0x2830] =	vst v1  }
0xad: {  	v1 =	vld [tilespmem:s28+$0x20];
	_ =	sdelay $0x4  }
0xae: {  	v1 =	vand.u32 $0xFFFF, v1  }
0xaf: {  	[tilespmem:$0x2840] =	vst v1  }
0xb0: {  	[tilespmem:s23], [sflag:$0x2] =	stream.indirect.gather [hbm4b:s1+s20], $0x80, s22, s20, $0xb8;
	[tilespmem:$0x1B900] =	vst v63  }
0xb1: {  	_ =	swait.ge [sflag:s24], $0x2800  }
0xb2: {  	[sflag:s24] =	ssyncset.done $0x0  }
0xb3: {  	[sflag:s24] =	ssyncadd.s32 $0xFFFFD800  }
0xb4: {  	v1 =	vld [tilespmem:s28+$0xFFFFFF90];
	_ =	sdelay $0x4  }
0xb5: {  	v1 =	vshrl.u32 v1, $0x10  }
0xb6: {  	[tilespmem:$0x2880] =	vst v1  }
0xb7: {  	v1 =	vld [tilespmem:s28+$0xFFFFFFA0];
	_ =	sdelay $0x4  }
0xb8: {  	v1 =	vshrl.u32 v1, $0x10  }
0xb9: {  	[tilespmem:$0x2890] =	vst v1  }
0xba: {  	v1 =	vld [tilespmem:s28+$0xFFFFFFB0];
	_ =	sdelay $0x4  }
0xbb: {  	v1 =	vshrl.u32 v1, $0x10  }
0xbc: {  	[tilespmem:$0x28A0] =	vst v1  }
0xbd: {  	v1 =	vld [tilespmem:s28+$0xFFFFFFC0];
	_ =	sdelay $0x4  }
0xbe: {  	v1 =	vshrl.u32 v1, $0x10  }
0xbf: {  	[tilespmem:$0x28B0] =	vst v1  }
0xc0: {  	v1 =	vld [tilespmem:s28+$0xFFFFFFD0];
	_ =	sdelay $0x4  }
0xc1: {  	v1 =	vshrl.u32 v1, $0x10  }
0xc2: {  	[tilespmem:$0x28C0] =	vst v1  }
0xc3: {  	[spmem:s3] =	stream.indirect.scatter.add.f32 [tilespmem:s16], [sflag:$0x3], $0x80, s25, s20, $0xb8;
	[tilespmem:$0x1B900] =	vst v63  }
0xc4: {  	_ =	swait.ge [sflag:s17], $0x2800  }
0xc5: {  	[sflag:s17] =	ssyncset.done $0x0  }
0xc6: {  	[sflag:s17] =	ssyncadd.s32 $0xFFFFD800  }
0xc7: {  	v1 =	vld [tilespmem:s28+$0x30];
	_ =	sdelay $0x4  }
0xc8: {  	v1 =	vand.u32 $0xFFFF, v1  }
0xc9: {  	[tilespmem:$0x2780] =	vst v1  }
0xca: {  	v1 =	vld [tilespmem:s28+$0x40];
	_ =	sdelay $0x4  }
0xcb: {  	v1 =	vand.u32 $0xFFFF, v1  }
0xcc: {  	[tilespmem:$0x2790] =	vst v1  }
0xcd: {  	v1 =	vld [tilespmem:s28+$0x50];
	_ =	sdelay $0x4  }
0xce: {  	v1 =	vand.u32 $0xFFFF, v1  }
0xcf: {  	[tilespmem:$0x27A0] =	vst v1  }
0xd0: {  	v1 =	vld [tilespmem:s28+$0x60];
	_ =	sdelay $0x4  }
0xd1: {  	v1 =	vand.u32 $0xFFFF, v1  }
0xd2: {  	[tilespmem:$0x27B0] =	vst v1  }
0xd3: {  	v1 =	vld [tilespmem:s28+$0x70];
	_ =	sdelay $0x4  }
0xd4: {  	v1 =	vand.u32 $0xFFFF, v1  }
0xd5: {  	[tilespmem:$0x27C0] =	vst v1  }
0xd6: {  	[tilespmem:s16], [sflag:$0x1] =	stream.indirect.gather [hbm4b:s1+s20], $0x80, s21, s20, $0xb8;
	[tilespmem:$0x1B900] =	vst v63  }
0xd7: {  	_ =	swait.ge [sflag:s26], $0x2800  }
0xd8: {  	[sflag:s26] =	ssyncset.done $0x0  }
0xd9: {  	[sflag:s26] =	ssyncadd.s32 $0xFFFFD800  }
0xda: {  	v1 =	vld [tilespmem:s28+$0xFFFFFFE0];
	_ =	sdelay $0x4  }
0xdb: {  	v1 =	vshrl.u32 v1, $0x10  }
0xdc: {  	[tilespmem:$0x2880] =	vst v1  }
0xdd: {  	v1 =	vld [tilespmem:s28+$0xFFFFFFF0];
	_ =	sdelay $0x4  }
0xde: {  	v1 =	vshrl.u32 v1, $0x10  }
0xdf: {  	[tilespmem:$0x2890] =	vst v1  }
0xe0: {  	v1 =	vld [tilespmem:s28+$0x0];
	_ =	sdelay $0x4  }
0xe1: {  	v1 =	vshrl.u32 v1, $0x10  }
0xe2: {  	[tilespmem:$0x28A0] =	vst v1  }
0xe3: {  	v1 =	vld [tilespmem:s30+$0x80];
	_ =	sdelay $0x4  }
0xe4: {  	v1 =	vshrl.u32 v1, $0x10  }
0xe5: {  	[tilespmem:$0x28B0] =	vst v1  }
0xe6: {  	v1 =	vld [tilespmem:s28+$0x20];
	_ =	sdelay $0x4  }
.Ltmp1:
0xe7: {  	v1 =	vshrl.u32 v1, $0x10;
	(pc) =	sbr.rel @p0 .LBB2_4-.Ltmp1, $4  }
0xe8: {  	[tilespmem:$0x28C0] =	vst v1  }
0xe9: {  	[spmem:s3] =	stream.indirect.scatter.add.f32 [tilespmem:s23], [sflag:$0x3], $0x80, s25, s20, $0xb8;
	[tilespmem:$0x1B900] =	vst v63  }
0xea: {  	_ =	swait.ge [sflag:s17], $0x2800  }
0xeb: {  	[sflag:s17] =	ssyncset.done $0x0  }
0xec: {  	[sflag:s17] =	ssyncadd.s32 $0xFFFFD800  }
0xed: {  	_ =	swait.ge [sflag:s24], $0x2800  }
0xee: {  	[sflag:s24] =	ssyncset.done $0x0  }
0xef: {  	[sflag:s24] =	ssyncadd.s32 $0xFFFFD800  }
0xf0: {  	v1 =	vld [tilespmem:$0x26C0]  }
0xf1: {  	v2 =	vld [tilespmem:$0x26D0]  }
0xf2: {  	v3 =	vld [tilespmem:$0x26E0]  }
0xf3: {  	v4 =	vld [tilespmem:$0x26F0]  }
0xf4: {  	v5 =	vld [tilespmem:$0x2700]  }
0xf5: {  	v1 =	vshrl.u32 v1, $0x10  }
0xf6: {  	[tilespmem:$0x2880] =	vst v1;
	v1 =	vshrl.u32 v2, $0x10  }
0xf7: {  	[tilespmem:$0x2890] =	vst v1;
	v1 =	vshrl.u32 v3, $0x10  }
0xf8: {  	[tilespmem:$0x28A0] =	vst v1;
	v1 =	vshrl.u32 v4, $0x10  }
0xf9: {  	[tilespmem:$0x28B0] =	vst v1;
	v1 =	vshrl.u32 v5, $0x10  }
0xfa: {  	[tilespmem:$0x28C0] =	vst v1  }
0xfb: {  	[spmem:s3] =	stream.indirect.scatter.add.f32 [tilespmem:s16], [sflag:$0x3], $0x80, s25, s20, $0xb8;
	[tilespmem:$0x1B900] =	vst v63  }
0xfc: {  	_ =	swait.ge [sflag:s17], $0x2800  }
0xfd: {  	s28 =	sshll.u32 s0, $0x6;
	s4 =	sadd.s32 $0x1, s4;
	[sflag:s17] =	ssyncset.done $0x0  }
0xfe: {  	s29 =	sshrl.u32 s5, $0x3;
	p0 =	sne.s32 s4, s15;
	[sflag:s17] =	ssyncadd.s32 $0xFFFFD800  }
.Ltmp2:
0xff: {  	s28 =	sor.u32 $0x1C03, s28;
	[bflag:$0x0] =	sbarrier.arrive $0xFFFF;
	(pc) =	sbr.rel @p0 .LBB2_1-.Ltmp2, $4  }
0x100: {  	[hbm:s14], [sflag:s28] =	dma.local [spmem:s29], $0x2800  }
0x101: {  	_ =	swait.ge [sflag:s17], $0x2800  }
0x102: {  	[sflag:s17] =	ssyncset.done $0x0  }
0x103: {  	[sflag:s17] =	ssyncadd.s32 $0xFFFFD800  }
0x104: {  	_ =	sfence.sel $0x180000  }
0x105: {  	[bflag:$0x0] =	sbarrier.arrive $0xFFFF  }
0x106: {  	p0 =	sne.s32 s0, $0x0;
	_ =	strace $0x9000004A  }
0x107: {  	s0 =	sadd.s32 @!p0 $0x100000, s2;
	[bflag:$0x2] =	sbarrier.arrive $0xFFFF  }
0x108: {  	[sflag:s0] =	ssyncadd.tile.s32 @!p0 $0x1;
	_ =	shalt  }
.Lfunc_end2:
_tile_overlayer_lowered:
.L_overlay_start_2:
0x109: {  	(tag) =	ssettag $0x2  }
0x10a: {  	s0 =	rddreg [dreg:$0x0];
	s2 =	stileid.u32  }
0x10b: {  	s1 =	rddreg [dreg:$0x1];
	p0 =	sne.s32 s2, $0x0  }
0x10c: {  	s3 =	rddreg [dreg:$0x2];
	[bflag:$0x3] =	sbarrier.arrive $0xFFFF;
	s2 =	simm.s32 @!p0 $0x1C03  }
0x10d: {  	[timem:s3], [sflag:s2] =	dma.local @!p0 [hbm:s0], s1  }
0x10e: {  	s0 =	simm.s32 @!p0 $0x3  }
0x10f: {  	_ =	swait.ge @!p0 [sflag:s0], s1  }
0x110: {  	s1 =	ssub.s32 @!p0 $0x0, s1;
	[sflag:s0] =	ssyncset.done @!p0 $0x0  }
0x111: {  	[sflag:s0] =	ssyncadd.s32 @!p0 s1  }
0x112: {  	[bflag:$0x3] =	sbarrier.arrive $0xFFFF  }
0x113: {  	_ =	shalt  }

// kernel: kernel.19.cloned.1.call-start
scs
__scs_entry_jumppad:
0x0: {  	(pc) =	sbr.rel $0x88, $3  }
0x1: {  	(tag) =	ssettag $0x0;
	lr =	simm.s32 $0x1  }
0x2: {  	[smem:$0x3F9B] =	sst lr;
	_ =	strace $0xD0000000  }
0x3: {  	_ = 	snop  }
0x4: {  	_ = 	snop  }
0x5: {  	_ = 	snop  }
0x6: {  	_ = 	snop  }
0x7: {  	_ = 	snop  }
__scs_overlays_trampoline_lowered:
0x8: {  	[smem:$0x3FAA] =	sst s0  }
0x9: {  	[smem:$0x3FAB] =	sst s1  }
0xa: {  	[smem:$0x3FAC] =	sst s2  }
0xb: {  	[smem:$0x3FAD] =	sst s3  }
0xc: {  	[smem:$0x3FAE] =	sst s4  }
0xd: {  	[smem:$0x3FAF] =	sst s5  }
0xe: {  	[smem:$0x3FB0] =	sst s6  }
0xf: {  	[smem:$0x3FB1] =	sst s7  }
0x10: {  	[smem:$0x3FB2] =	sst s8  }
0x11: {  	[smem:$0x3FB3] =	sst s9;
	s0 =	simm.s32 @!p0 $0x0  }
0x12: {  	s1 =	sld [smem:$0x3F99];
	s0 =	simm.s32 @p0 $0x1  }
0x13: {  	[smem:$0x3FB4] =	sst s0;
	s0 =	simm.s32 @!p1 $0x0  }
0x14: {  	s2 =	sld [smem:$0x3F98];
	s0 =	simm.s32 @p1 $0x1  }
0x15: {  	[smem:$0x3FB5] =	sst s0;
	s0 =	simm.s32 @!p2 $0x0  }
0x16: {  	s3 =	sld [smem:$0x3FDB];
	s0 =	simm.s32 @p2 $0x1  }
0x17: {  	s4 =	simm.s32 $0x1BF5;
	[smem:$0x3FB7] =	sst s0  }
0x18: {  	s0 =	sld [smem:$0x3F9A];
	_ =	swait.ge [sflag:s4], $0x0  }
0x19: {  	s7 =	sld [smem:$0x3F9B]  }
0x1a: {  	s8 =	sadd.s32 $0xFFFFE003, lr  }
0x1b: {  	s9 =	sadd.s32 $0xFFFFFEF7, lr;
	s5 =	simm.s32 $0xFFFFFFFF;
	p2 =	slt.u32 s8, $0xFFFFF086  }
0x1c: {  	p1 =	slt.u32 s9, $0xF7A;
	s5 =	simm.s32 @!p2 $0x0  }
0x1d: {  	s5 =	simm.s32 @p1 $0x1;
	p0 =	seq.s32 s7, s2  }
0x1e: {  	s7 =	smul.u32 @!p0 $0xF7A, s2;
	p2 =	seq.s32 @!p0 s5, $0x0  }
0x1f: {  	s9 =	smul.u32 $0xF7A, s1;
	s8 =	simm.s32 @!p0 $0x1BF5;
	p2 =	por !p2, p0  }
0x20: {  	[sflag:s8] =	ssyncset.s32 @!p0 $0xFFFFF086;
	s6 =	sadd.s32 @!p0 s3, s7;
	s7 =	simm.s32 @!p0 $0x108  }
0x21: {  	s3 =	sadd.s32 s3, s9;
	s6 =	sadd.s32 @!p0 $0x88, s6;
	s7 =	simm.s32 @p2 $0x1082  }
0x22: {  	[simem:s7], [sflag:s8] =	dma.local @!p0 [hbm:s6], $0xF7A  }
0x23: {  	s9 =	sor.u32 $0xD0000000, s2;
	s6 =	simm.s32 $0x108;
	_ =	swait.ge @!p0 [sflag:s8], $0x0  }
0x24: {  	s3 =	sadd.s32 $0x88, s3;
	s6 =	simm.s32 @!p1 $0x1082;
	[sflag:s4] =	ssyncset.s32 $0xFFFFF086  }
0x25: {  	[simem:s6], [sflag:s4] =	dma.local [hbm:s3], $0xF7A  }
0x26: {  	[smem:$0x3F9B] =	sst s1;
	(tag) =	ssettag s2;
	_ =	strace s9  }
0x27: {  	s1 =	sld [smem:$0x3FAB]  }
0x28: {  	s2 =	sld [smem:$0x3FAC]  }
0x29: {  	s4 =	sld [smem:$0x3FAE]  }
0x2a: {  	p0 =	seq.s32 s5, $0x0;
	s5 =	sld [smem:$0x3FAF]  }
0x2b: {  	s6 =	sld [smem:$0x3FB0]  }
0x2c: {  	s7 =	sld [smem:$0x3FB1]  }
0x2d: {  	s3 =	simm.s32 $0x108;
	s8 =	sld [smem:$0x3FB2]  }
0x2e: {  	s3 =	simm.s32 @!p0 $0x1082;
	s9 =	sld [smem:$0x3FB3]  }
0x2f: {  	lr =	sadd.s32 s0, s3;
	s0 =	sld [smem:$0x3FAA]  }
0x30: {  	s3 =	sld [smem:$0x3FAD]  }
0x31: {  	[smem:$0x3FB6] =	sst s10  }
0x32: {  	s10 =	sld [smem:$0x3FB4];
	_ =	sdelay $0x3  }
0x33: {  	p0 =	seq.s32 s10, $0x1;
	s10 =	sld [smem:$0x3FB6];
	_ =	sdelay $0x3  }
0x34: {  	[smem:$0x3FB6] =	sst s10  }
0x35: {  	s10 =	sld [smem:$0x3FB5];
	_ =	sdelay $0x3  }
0x36: {  	p1 =	seq.s32 s10, $0x1;
	s10 =	sld [smem:$0x3FB6];
	_ =	sdelay $0x3  }
0x37: {  	[smem:$0x3FB6] =	sst s10  }
0x38: {  	s10 =	sld [smem:$0x3FB7]  }
0x39: {  	_ = 	snop;
	(pc) =	sbr.ind lr, $3  }
0x3a: {  	_ = 	snop  }
0x3b: {  	_ = 	snop  }
0x3c: {  	p2 =	seq.s32 s10, $0x1;
	s10 =	sld [smem:$0x3FB6]  }
0x3d: {  	_ =	shalt  }
0x3e: {  	_ =	shalt  }
0x3f: {  	_ =	shalt  }
0x40: {  	_ =	shalt  }
0x41: {  	_ =	shalt  }
0x42: {  	_ =	shalt  }
0x43: {  	_ =	shalt  }
0x44: {  	_ =	shalt  }
0x45: {  	_ =	shalt  }
0x46: {  	_ =	shalt  }
0x47: {  	_ =	shalt  }
0x48: {  	_ =	shalt  }
0x49: {  	_ =	shalt  }
0x4a: {  	_ =	shalt  }
0x4b: {  	_ =	shalt  }
0x4c: {  	_ =	shalt  }
0x4d: {  	_ =	shalt  }
0x4e: {  	_ =	shalt  }
0x4f: {  	_ =	shalt  }
0x50: {  	_ =	shalt  }
0x51: {  	_ =	shalt  }
0x52: {  	_ =	shalt  }
0x53: {  	_ =	shalt  }
0x54: {  	_ =	shalt  }
0x55: {  	_ =	shalt  }
0x56: {  	_ =	shalt  }
0x57: {  	_ =	shalt  }
0x58: {  	_ =	shalt  }
0x59: {  	_ =	shalt  }
0x5a: {  	_ =	shalt  }
0x5b: {  	_ =	shalt  }
0x5c: {  	_ =	shalt  }
0x5d: {  	_ =	shalt  }
0x5e: {  	_ =	shalt  }
0x5f: {  	_ =	shalt  }
0x60: {  	_ =	shalt  }
0x61: {  	_ =	shalt  }
0x62: {  	_ =	shalt  }
0x63: {  	_ =	shalt  }
0x64: {  	_ =	shalt  }
0x65: {  	_ =	shalt  }
0x66: {  	_ =	shalt  }
0x67: {  	_ =	shalt  }
0x68: {  	_ =	shalt  }
0x69: {  	_ =	shalt  }
0x6a: {  	_ =	shalt  }
0x6b: {  	_ =	shalt  }
0x6c: {  	_ =	shalt  }
0x6d: {  	_ =	shalt  }
0x6e: {  	_ =	shalt  }
0x6f: {  	_ =	shalt  }
0x70: {  	_ =	shalt  }
0x71: {  	_ =	shalt  }
0x72: {  	_ =	shalt  }
0x73: {  	_ =	shalt  }
0x74: {  	_ =	shalt  }
0x75: {  	_ =	shalt  }
0x76: {  	_ =	shalt  }
0x77: {  	_ =	shalt  }
0x78: {  	_ =	shalt  }
0x79: {  	_ =	shalt  }
0x7a: {  	_ =	shalt  }
0x7b: {  	_ =	shalt  }
0x7c: {  	_ =	shalt  }
0x7d: {  	_ =	shalt  }
0x7e: {  	_ =	shalt  }
0x7f: {  	_ =	shalt  }
0x80: {  	_ =	shalt  }
0x81: {  	_ =	shalt  }
0x82: {  	_ =	shalt  }
0x83: {  	_ =	shalt  }
0x84: {  	_ =	shalt  }
0x85: {  	_ =	shalt  }
0x86: {  	_ =	shalt  }
0x87: {  	_ =	shalt  }
.Lfunc_end0:
.L_simem_size_0:
called_computation.2_lowered:
.L_overlay_start_0:
0x88: {  	s2 =	sld [smem:$0x3FD9]  }
0x89: {  	s3 =	sld [smem:$0x3FFE];
	_ =	sdelay $0x1  }
0x8a: {  	s1 =	srdreg.scid  }
0x8b: {  	s0 =	sand.u32 $0x1, s1  }
0x8c: {  	s17 =	sshll.u32 s0, $0xA;
	s2 =	sadd.s32 s3, s2  }
0x8d: {  	s2 =	sadd.s32 s2, s17  }
0x8e: {  	[smem:$0x3FC2] =	sst s2  }
0x8f: {  	_ = 	snop  }
0x90: {  	s2 =	sld [smem:$0x3FD0];
	(tm) =	ssettm $0x1  }
0x91: {  	s18 =	sld [smem:$0x3FFB];
	_ =	sdelay $0x3  }
0x92: {  	_ =	strace s18  }
0x93: {  	s3 =	sld [smem:$0x3FFC];
	_ =	sdelay $0x3  }
0x94: {  	_ =	strace s3  }
0x95: {  	s3 =	sld [smem:$0x3FFD];
	_ =	sdelay $0x3  }
0x96: {  	_ =	strace s3  }
0x97: {  	_ =	strace $0x8FFFFFFF  }
0x98: {  	s19 =	sld [smem:$0x3FDB];
	_ =	sdelay $0x1  }
0x99: {  	s4 =	simm.s32 $_scs_section_size  }
0x9a: {  	s5 =	simm.s32 $_size__tile_overlayer_lowered;
	s6 =	simm.s32 $_tile_overlayer_lowered  }
0x9b: {  	s22 =	simm.s32 $0x1BFF;
	s21 =	sshll.u32 s6, $0x1;
	s3 =	sadd.s32 s4, s19  }
0x9c: {  	s7 =	simm.s32 $0x0;
	s20 =	sshll.u32 s5, $0x1;
	s5 =	sadd.s32 s21, s3  }
0x9d: {  	[timem:s7], [sflag:s22] =	dma.local [hbm:s5], s20  }
0x9e: {  	_ =	swait.ge [sflag:s22], s20  }
0x9f: {  	s4 =	ssub.s32 $0x0, s20;
	[sflag:s22] =	ssyncset.done $0x0  }
0xa0: {  	[sflag:s22] =	ssyncadd.s32 s4;
	_ =	sdelay $0x1  }
0xa1: {  	s23 =	simm.s32 $0x1B8B  }
0xa2: {  	_ =	swait.ge [sflag:s23], $0x1  }
0xa3: {  	[sflag:s23] =	ssyncset.done $0x0  }
0xa4: {  	s25 =	simm.s32 $0x1B8E;
	s24 =	sld [smem:$0x3FFE];
	[sflag:s23] =	ssyncadd.s32 $0xFFFFFFFF  }
0xa5: {  	s26 =	simm.s32 $execute0_lowered;
	[smem:$0x3FD2] =	sst s25  }
0xa6: {  	s5 =	sshll.u32 s26, $0x1;
	_ =	strace $0x8000004C;
	[dreg:$0x1] =	wrdreg $0xFFFFFFFF  }
0xa7: {  	s28 =	simm.s32 $_size_execute0_lowered;
	s3 =	sadd.s32 s3, s5;
	[dreg:$0x0] =	wrdreg $0x0  }
0xa8: {  	s5 =	sshll.u32 s28, $0x1;
	[dreg:$0x2] =	wrdreg s3  }
0xa9: {  	[dreg:$0x3] =	wrdreg s5  }
0xaa: {  	[dreg:$0x4] =	wrdreg $0xC0  }
0xab: {  	_ =	task [dreg:s7], $0x5FFFF  }
0xac: {  	[dreg:$0x1] =	wrdreg $0xFFFFFFFF  }
0xad: {  	[dreg:$0x0] =	wrdreg $0x60  }
0xae: {  	[dreg:$0x2] =	wrdreg s2  }
0xaf: {  	[dreg:$0x3] =	wrdreg s24  }
0xb0: {  	[dreg:$0x4] =	wrdreg $0x79000  }
0xb1: {  	[dreg:$0x5] =	wrdreg $0x9  }
0xb2: {  	_ =	task.clear_ibuf [dreg:s7], $0x6FFFF;
	_ =	strace $0x9000004C  }
0xb3: {  	s29 =	simm.s32 $0x9;
	_ =	strace $0x8000004E  }
0xb4: {  	_ =	swait.ge [sflag:s29], $0x1  }
0xb5: {  	[sflag:s29] =	ssyncadd.s32 $0xFFFFFFFF  }
0xb6: {  	_ =	strace $0x9000004E  }
0xb7: {  	_ =	sfence  }
0xb8: {  	s30 =	sld [smem:$0x0];
	_ =	sdelay $0x2  }
0xb9: {  	s31 =	sshll.u32 s1, $0xD;
	s1 =	sshrl.u32 s1, $0x2  }
0xba: {  	s3 =	sand.u32 $0x4000, s31;
	s1 =	sadd.s32 s1, s30  }
0xbb: {  	s0 =	sor.u32 s3, s0;
	s1 =	sshll.u32 s1, $0x11  }
0xbc: {  	s0 =	sor.u32 s1, s0  }
0xbd: {  	s0 =	sadd.s32 $0x8F2B, s0  }
0xbe: {  	[sflag:s0] =	ssyncadd.remote.s32 $0x1  }
0xbf: {  	_ =	sfence.sel $0xFFFF  }
0xc0: {  	[dreg:$0x0] =	wrdreg $0xFFFFFFFF;
	(pc) =	sbr.abs _section_cstart, $3  }
0xc1: {  	[dreg:$0x1] =	wrdreg $0xFFFFFFFF  }
0xc2: {  	_ =	task.clear_ibuf [dreg:s7], $0x2FFFF;
	_ =	strace $0x9FFFFFFF  }
0xc3: {  	(tm) =	ssettm $0x7FFFFFFF  }
tec
execute0_lowered:
.L_overlay_start_1:
0x0: {  	(tag) =	ssettag $0x1  }
0x1: {  	s1 =	rddreg [dreg:$0x0]  }
0x2: {  	s0 =	srdreg.scid;
	s6 =	rddreg [dreg:$0x1]  }
0x3: {  	s3 =	rddreg [dreg:$0x2];
	s16 =	simm.s32 $0x2900;
	s17 =	simm.s32 $0x3  }
0x4: {  	s18 =	simm.s32 $0x80;
	s19 =	simm.s32 $0x400;
	s20 =	simm.s32 $0x50  }
0x5: {  	s21 =	simm.s32 $0x2780;
	s22 =	simm.s32 $0x2800;
	s23 =	simm.s32 $0x5100  }
0x6: {  	s24 =	simm.s32 $0x1;
	s25 =	simm.s32 $0x2880;
	s5 =	sand.u32 $0x1, s0  }
0x7: {  	s26 =	simm.s32 $0x2;
	s0 =	stileid.u32;
	s9 =	smul.u32 $0x140000, s5  }
0x8: {  	s2 =	sshll.u32 s5, $0x4;
	s8 =	sshll.u32 s0, $0x7;
	s28 =	smul.u32 $0x14000, s0  }
0x9: {  	s10 =	smul.u32 $0x50000, s0;
	s5 =	ssub.s32 $0x2, s5;
	s2 =	sor.u32 s0, s2  }
0xa: {  	s8 =	sand.u32 $0x380, s8;
	s30 =	sshrl.u32 s5, $0x1;
	s4 =	sshrl.u32 s2, $0x3  }
0xb: {  	s2 =	rddreg [dreg:$0x3];
	s29 =	sadd.s32 s28, s9;
	s31 =	sshrl.u32 s10, $0x2  }
0xc: {  	s15 =	ssub.s32 s5, s30;
	s7 =	smul.u32 $0x13C00, s4;
	s4 =	simm.s32 $0x0  }
0xd: {  	s5 =	sadd.s32 s31, s3;
	s15 =	smax.u32 s15, $0x1;
	[smem:$0x7FF] =	sst s4  }
0xe: {  	s9 =	sadd.s32 $0xA000, s5;
	s10 =	sadd.s32 $0xC800, s5;
	s7 =	sor.u32 s8, s7  }
0xf: {  	s11 =	sadd.s32 $0xF000, s5;
	s12 =	sadd.s32 $0x11800, s5;
	s7 =	sshrl.u32 s7, $0x3  }
0x10: {  	_ =	strace $0x8000004D;
	s13 =	sadd.s32 s7, s6;
	s7 =	sshrl.u32 s29, $0x3  }
0x11: {  	s8 =	sadd.s32 $0x7800, s5;
	s14 =	sadd.s32 s7, s6;
	s6 =	sadd.s32 $0x2800, s5  }
0x12: {  	v0 =	vimm.f32 $0.0e+00;
	s7 =	sadd.s32 $0x5000, s5;
	s13 =	sadd.s32 $0x34800, s13;
	s14 =	sadd.s32 $0x3E600, s14  }
.LBB2_1:
0x13: {  	s28 =	simm.s32 $0x70;
	s29 =	simm.s32 $0x3C0  }
.LBB2_2:
0x14: {  	p0 =	sne.s32 s29, $0x9FC0;
	[tilespmem:s28+$0x2900] =	vst v0  }
0x15: {  	[tilespmem:s28+$0x2890] =	vst v0  }
0x16: {  	[tilespmem:s28+$0x28A0] =	vst v0  }
.Ltmp0:
0x17: {  	[tilespmem:s28+$0x28B0] =	vst v0;
	(pc) =	sbr.rel @p0 .LBB2_2-.Ltmp0, $4  }
0x18: {  	[tilespmem:s28+$0x28C0] =	vst v0  }
0x19: {  	[tilespmem:s28+$0x28D0] =	vst v0  }
0x1a: {  	[tilespmem:s28+$0x28E0] =	vst v0  }
0x1b: {  	[tilespmem:s28+$0x28F0] =	vst v0;
	s28 =	sshra.s32 s29, $0x2;
	s29 =	sadd.s32 $0x200, s29  }
0x1c: {  	[tilespmem:s28+$0x2900] =	vst v0  }
0x1d: {  	[tilespmem:s28+$0x2890] =	vst v0  }
0x1e: {  	[tilespmem:s28+$0x28A0] =	vst v0  }
0x1f: {  	[tilespmem:s28+$0x28B0] =	vst v0  }
0x20: {  	[tilespmem:s28+$0x28C0] =	vst v0  }
0x21: {  	[tilespmem:s28+$0x28D0] =	vst v0  }
0x22: {  	[tilespmem:s28+$0x28E0] =	vst v0  }
0x23: {  	[tilespmem:s28+$0x28F0] =	vst v0  }
0x24: {  	[spmem:s5] =	stream.linear.scatter [tilespmem:s16], [sflag:$0x3], $0x2800, $0x38;
	[tilespmem:$0x1B900] =	vst v63  }
0x25: {  	_ =	swait.ge [sflag:s17], $0x2800  }
0x26: {  	[sflag:s17] =	ssyncset.done $0x0  }
0x27: {  	[sflag:s17] =	ssyncadd.s32 $0xFFFFD800  }
0x28: {  	[spmem:s6] =	stream.linear.scatter [tilespmem:s16], [sflag:$0x3], $0x2800, $0x38;
	[tilespmem:$0x1B900] =	vst v63  }
0x29: {  	_ =	swait.ge [sflag:s17], $0x2800  }
0x2a: {  	[sflag:s17] =	ssyncset.done $0x0  }
0x2b: {  	[sflag:s17] =	ssyncadd.s32 $0xFFFFD800  }
0x2c: {  	[spmem:s7] =	stream.linear.scatter [tilespmem:s16], [sflag:$0x3], $0x2800, $0x38;
	[tilespmem:$0x1B900] =	vst v63  }
0x2d: {  	_ =	swait.ge [sflag:s17], $0x2800  }
0x2e: {  	[sflag:s17] =	ssyncset.done $0x0  }
0x2f: {  	[sflag:s17] =	ssyncadd.s32 $0xFFFFD800  }
0x30: {  	[spmem:s8] =	stream.linear.scatter [tilespmem:s16], [sflag:$0x3], $0x2800, $0x38;
	[tilespmem:$0x1B900] =	vst v63  }
0x31: {  	_ =	swait.ge [sflag:s17], $0x2800  }
0x32: {  	[sflag:s17] =	ssyncset.done $0x0  }
0x33: {  	[sflag:s17] =	ssyncadd.s32 $0xFFFFD800  }
0x34: {  	[spmem:s9] =	stream.linear.scatter [tilespmem:s16], [sflag:$0x3], $0x2800, $0x38;
	[tilespmem:$0x1B900] =	vst v63  }
0x35: {  	_ =	swait.ge [sflag:s17], $0x2800  }
0x36: {  	[sflag:s17] =	ssyncset.done $0x0  }
0x37: {  	[sflag:s17] =	ssyncadd.s32 $0xFFFFD800  }
0x38: {  	[spmem:s10] =	stream.linear.scatter [tilespmem:s16], [sflag:$0x3], $0x2800, $0x38;
	[tilespmem:$0x1B900] =	vst v63  }
0x39: {  	_ =	swait.ge [sflag:s17], $0x2800  }
0x3a: {  	[sflag:s17] =	ssyncset.done $0x0  }
0x3b: {  	[sflag:s17] =	ssyncadd.s32 $0xFFFFD800  }
0x3c: {  	[spmem:s11] =	stream.linear.scatter [tilespmem:s16], [sflag:$0x3], $0x2800, $0x38;
	[tilespmem:$0x1B900] =	vst v63  }
0x3d: {  	_ =	swait.ge [sflag:s17], $0x2800  }
0x3e: {  	[sflag:s17] =	ssyncset.done $0x0  }
0x3f: {  	[sflag:s17] =	ssyncadd.s32 $0xFFFFD800  }
0x40: {  	[spmem:s12] =	stream.linear.scatter [tilespmem:s16], [sflag:$0x3], $0x2800, $0x38;
	[tilespmem:$0x1B900] =	vst v63  }
0x41: {  	_ =	swait.ge [sflag:s17], $0x2800  }
0x42: {  	[sflag:s17] =	ssyncset.done $0x0  }
0x43: {  	s29 =	simm.s32 $0x0;
	[sflag:s17] =	ssyncadd.s32 $0xFFFFD800  }
0x44: {  	[tilespmem:s29], [sflag:$0x3] =	stream.strided.gather [hbm4b:s13+s18], $0x2780, s19, s18, $0x38;
	[tilespmem:$0x1B900] =	vst v63  }
0x45: {  	_ =	swait.ge [sflag:s17], $0x2780  }
0x46: {  	[sflag:s17] =	ssyncset.done $0x0  }
0x47: {  	[sflag:s17] =	ssyncadd.s32 $0xFFFFD880  }
0x48: {  	[bflag:$0x0] =	sbarrier.arrive $0xFFFF  }
0x49: {  	v1 =	vld [tilespmem:$0x0]  }
0x4a: {  	v2 =	vld [tilespmem:$0x10]  }
0x4b: {  	v3 =	vld [tilespmem:$0x20]  }
0x4c: {  	v4 =	vld [tilespmem:$0x30]  }
0x4d: {  	v5 =	vld [tilespmem:$0x40]  }
0x4e: {  	v1 =	vand.u32 $0xFFFF, v1  }
0x4f: {  	[tilespmem:$0x2780] =	vst v1;
	v1 =	vand.u32 $0xFFFF, v2  }
0x50: {  	[tilespmem:$0x2790] =	vst v1;
	v1 =	vand.u32 $0xFFFF, v3  }
0x51: {  	[tilespmem:$0x27A0] =	vst v1;
	v1 =	vand.u32 $0xFFFF, v4  }
0x52: {  	[tilespmem:$0x27B0] =	vst v1;
	v1 =	vand.u32 $0xFFFF, v5  }
0x53: {  	s28 =	simm.s32 $0x70;
	[tilespmem:$0x27C0] =	vst v1  }
0x54: {  	[tilespmem:s16], [sflag:$0x1] =	stream.indirect.gather [hbm4b:s1+s20], $0x80, s21, s20, $0xb8;
	[tilespmem:$0x1B900] =	vst v63  }
0x55: {  	v1 =	vld [tilespmem:s28+$0xFFFFFFE0];
	_ =	sdelay $0x4  }
0x56: {  	v1 =	vand.u32 $0xFFFF, v1  }
0x57: {  	[tilespmem:$0x2800] =	vst v1  }
0x58: {  	v1 =	vld [tilespmem:s28+$0xFFFFFFF0];
	_ =	sdelay $0x4  }
0x59: {  	v1 =	vand.u32 $0xFFFF, v1  }
0x5a: {  	[tilespmem:$0x2810] =	vst v1  }
0x5b: {  	v1 =	vld [tilespmem:s28+$0x0];
	_ =	sdelay $0x4  }
0x5c: {  	v1 =	vand.u32 $0xFFFF, v1  }
0x5d: {  	s29 =	sand.u32 $0x3FE0, s29;
	[tilespmem:$0x2820] =	vst v1  }
0x5e: {  	v1 =	vld [tilespmem:s29+$0x80];
	_ =	sdelay $0x4  }
0x5f: {  	v1 =	vand.u32 $0xFFFF, v1  }
0x60: {  	[tilespmem:$0x2830] =	vst v1  }
0x61: {  	v1 =	vld [tilespmem:s28+$0x20];
	_ =	sdelay $0x4  }
0x62: {  	v1 =	vand.u32 $0xFFFF, v1  }
0x63: {  	[tilespmem:$0x2840] =	vst v1  }
0x64: {  	[tilespmem:s23], [sflag:$0x2] =	stream.indirect.gather [hbm4b:s1+s20], $0x80, s22, s20, $0xb8;
	[tilespmem:$0x1B900] =	vst v63  }
0x65: {  	_ =	swait.ge [sflag:s24], $0x2800  }
0x66: {  	[sflag:s24] =	ssyncset.done $0x0  }
0x67: {  	[sflag:s24] =	ssyncadd.s32 $0xFFFFD800  }
0x68: {  	v1 =	vld [tilespmem:s28+$0xFFFFFF90];
	_ =	sdelay $0x4  }
0x69: {  	v1 =	vshrl.u32 v1, $0x10  }
0x6a: {  	[tilespmem:$0x2880] =	vst v1  }
0x6b: {  	v1 =	vld [tilespmem:s28+$0xFFFFFFA0];
	_ =	sdelay $0x4  }
0x6c: {  	v1 =	vshrl.u32 v1, $0x10  }
0x6d: {  	[tilespmem:$0x2890] =	vst v1  }
0x6e: {  	v1 =	vld [tilespmem:s28+$0xFFFFFFB0];
	_ =	sdelay $0x4  }
0x6f: {  	v1 =	vshrl.u32 v1, $0x10  }
0x70: {  	[tilespmem:$0x28A0] =	vst v1  }
0x71: {  	v1 =	vld [tilespmem:s28+$0xFFFFFFC0];
	_ =	sdelay $0x4  }
0x72: {  	v1 =	vshrl.u32 v1, $0x10  }
0x73: {  	[tilespmem:$0x28B0] =	vst v1  }
0x74: {  	v1 =	vld [tilespmem:s28+$0xFFFFFFD0];
	_ =	sdelay $0x4  }
0x75: {  	v1 =	vshrl.u32 v1, $0x10  }
0x76: {  	[tilespmem:$0x28C0] =	vst v1  }
0x77: {  	[spmem:s3] =	stream.indirect.scatter.add.f32 [tilespmem:s16], [sflag:$0x3], $0x80, s25, s20, $0xb8;
	[tilespmem:$0x1B900] =	vst v63  }
0x78: {  	_ =	swait.ge [sflag:s17], $0x2800  }
0x79: {  	[sflag:s17] =	ssyncset.done $0x0  }
0x7a: {  	[sflag:s17] =	ssyncadd.s32 $0xFFFFD800  }
0x7b: {  	v1 =	vld [tilespmem:s28+$0x30];
	_ =	sdelay $0x4  }
0x7c: {  	v1 =	vand.u32 $0xFFFF, v1  }
0x7d: {  	[tilespmem:$0x2780] =	vst v1  }
0x7e: {  	v1 =	vld [tilespmem:s28+$0x40];
	_ =	sdelay $0x4  }
0x7f: {  	v1 =	vand.u32 $0xFFFF, v1  }
0x80: {  	[tilespmem:$0x2790] =	vst v1  }
0x81: {  	v1 =	vld [tilespmem:s28+$0x50];
	_ =	sdelay $0x4  }
0x82: {  	v1 =	vand.u32 $0xFFFF, v1  }
0x83: {  	[tilespmem:$0x27A0] =	vst v1  }
0x84: {  	v1 =	vld [tilespmem:s28+$0x60];
	_ =	sdelay $0x4  }
0x85: {  	v1 =	vand.u32 $0xFFFF, v1  }
0x86: {  	[tilespmem:$0x27B0] =	vst v1  }
0x87: {  	v1 =	vld [tilespmem:s28+$0x70];
	_ =	sdelay $0x4  }
0x88: {  	v1 =	vand.u32 $0xFFFF, v1  }
0x89: {  	[tilespmem:$0x27C0] =	vst v1  }
0x8a: {  	[tilespmem:s16], [sflag:$0x1] =	stream.indirect.gather [hbm4b:s1+s20], $0x80, s21, s20, $0xb8;
	[tilespmem:$0x1B900] =	vst v63  }
0x8b: {  	_ =	swait.ge [sflag:s26], $0x2800  }
0x8c: {  	[sflag:s26] =	ssyncset.done $0x0  }
0x8d: {  	[sflag:s26] =	ssyncadd.s32 $0xFFFFD800  }
0x8e: {  	v1 =	vld [tilespmem:s28+$0xFFFFFFE0];
	_ =	sdelay $0x4  }
0x8f: {  	v1 =	vshrl.u32 v1, $0x10  }
0x90: {  	[tilespmem:$0x2880] =	vst v1  }
0x91: {  	v1 =	vld [tilespmem:s28+$0xFFFFFFF0];
	_ =	sdelay $0x4  }
0x92: {  	v1 =	vshrl.u32 v1, $0x10  }
0x93: {  	[tilespmem:$0x2890] =	vst v1  }
0x94: {  	v1 =	vld [tilespmem:s28+$0x0];
	_ =	sdelay $0x4  }
0x95: {  	v1 =	vshrl.u32 v1, $0x10  }
0x96: {  	[tilespmem:$0x28A0] =	vst v1  }
0x97: {  	v1 =	vld [tilespmem:s29+$0x80];
	_ =	sdelay $0x4  }
0x98: {  	v1 =	vshrl.u32 v1, $0x10  }
0x99: {  	[tilespmem:$0x28B0] =	vst v1  }
0x9a: {  	v1 =	vld [tilespmem:s28+$0x20];
	_ =	sdelay $0x4  }
0x9b: {  	v1 =	vshrl.u32 v1, $0x10  }
0x9c: {  	[tilespmem:$0x28C0] =	vst v1  }
0x9d: {  	[spmem:s3] =	stream.indirect.scatter.add.f32 [tilespmem:s23], [sflag:$0x3], $0x80, s25, s20, $0xb8;
	[tilespmem:$0x1B900] =	vst v63  }
0x9e: {  	_ =	swait.ge [sflag:s17], $0x2800  }
0x9f: {  	s29 =	simm.s32 $0xA0;
	[sflag:s17] =	ssyncset.done $0x0  }
.LBB2_4:
0xa0: {  	p0 =	sne.s32 s29, $0x2620;
	[sflag:s17] =	ssyncadd.s32 $0xFFFFD800;
	s28 =	sadd.s32 $0xA0, s28  }
0xa1: {  	s30 =	smov.u32 s29;
	s29 =	sadd.s32 $0xA0, s29;
	v1 =	vld [tilespmem:s28+$0xFFFFFFE0];
	_ =	sdelay $0x4  }
0xa2: {  	v1 =	vand.u32 $0xFFFF, v1  }
0xa3: {  	[tilespmem:$0x2800] =	vst v1  }
0xa4: {  	v1 =	vld [tilespmem:s28+$0xFFFFFFF0];
	_ =	sdelay $0x4  }
0xa5: {  	v1 =	vand.u32 $0xFFFF, v1  }
0xa6: {  	[tilespmem:$0x2810] =	vst v1  }
0xa7: {  	v1 =	vld [tilespmem:s28+$0x0];
	_ =	sdelay $0x4  }
0xa8: {  	v1 =	vand.u32 $0xFFFF, v1  }
0xa9: {  	s30 =	sand.u32 $0x3FE0, s30;
	[tilespmem:$0x2820] =	vst v1  }
0xaa: {  	v1 =	vld [tilespmem:s30+$0x80];
	_ =	sdelay $0x4  }
0xab: {  	v1 =	vand.u32 $0xFFFF, v1  }
0xac: {  	[tilespmem:$0x2830] =	vst v1  }
0xad: {  	v1 =	vld [tilespmem:s28+$0x20];
	_ =	sdelay $0x4  }
0xae: {  	v1 =	vand.u32 $0xFFFF, v1  }
0xaf: {  	[tilespmem:$0x2840] =	vst v1  }
0xb0: {  	[tilespmem:s23], [sflag:$0x2] =	stream.indirect.gather [hbm4b:s1+s20], $0x80, s22, s20, $0xb8;
	[tilespmem:$0x1B900] =	vst v63  }
0xb1: {  	_ =	swait.ge [sflag:s24], $0x2800  }
0xb2: {  	[sflag:s24] =	ssyncset.done $0x0  }
0xb3: {  	[sflag:s24] =	ssyncadd.s32 $0xFFFFD800  }
0xb4: {  	v1 =	vld [tilespmem:s28+$0xFFFFFF90];
	_ =	sdelay $0x4  }
0xb5: {  	v1 =	vshrl.u32 v1, $0x10  }
0xb6: {  	[tilespmem:$0x2880] =	vst v1  }
0xb7: {  	v1 =	vld [tilespmem:s28+$0xFFFFFFA0];
	_ =	sdelay $0x4  }
0xb8: {  	v1 =	vshrl.u32 v1, $0x10  }
0xb9: {  	[tilespmem:$0x2890] =	vst v1  }
0xba: {  	v1 =	vld [tilespmem:s28+$0xFFFFFFB0];
	_ =	sdelay $0x4  }
0xbb: {  	v1 =	vshrl.u32 v1, $0x10  }
0xbc: {  	[tilespmem:$0x28A0] =	vst v1  }
0xbd: {  	v1 =	vld [tilespmem:s28+$0xFFFFFFC0];
	_ =	sdelay $0x4  }
0xbe: {  	v1 =	vshrl.u32 v1, $0x10  }
0xbf: {  	[tilespmem:$0x28B0] =	vst v1  }
0xc0: {  	v1 =	vld [tilespmem:s28+$0xFFFFFFD0];
	_ =	sdelay $0x4  }
0xc1: {  	v1 =	vshrl.u32 v1, $0x10  }
0xc2: {  	[tilespmem:$0x28C0] =	vst v1  }
0xc3: {  	[spmem:s3] =	stream.indirect.scatter.add.f32 [tilespmem:s16], [sflag:$0x3], $0x80, s25, s20, $0xb8;
	[tilespmem:$0x1B900] =	vst v63  }
0xc4: {  	_ =	swait.ge [sflag:s17], $0x2800  }
0xc5: {  	[sflag:s17] =	ssyncset.done $0x0  }
0xc6: {  	[sflag:s17] =	ssyncadd.s32 $0xFFFFD800  }
0xc7: {  	v1 =	vld [tilespmem:s28+$0x30];
	_ =	sdelay $0x4  }
0xc8: {  	v1 =	vand.u32 $0xFFFF, v1  }
0xc9: {  	[tilespmem:$0x2780] =	vst v1  }
0xca: {  	v1 =	vld [tilespmem:s28+$0x40];
	_ =	sdelay $0x4  }
0xcb: {  	v1 =	vand.u32 $0xFFFF, v1  }
0xcc: {  	[tilespmem:$0x2790] =	vst v1  }
0xcd: {  	v1 =	vld [tilespmem:s28+$0x50];
	_ =	sdelay $0x4  }
0xce: {  	v1 =	vand.u32 $0xFFFF, v1  }
0xcf: {  	[tilespmem:$0x27A0] =	vst v1  }
0xd0: {  	v1 =	vld [tilespmem:s28+$0x60];
	_ =	sdelay $0x4  }
0xd1: {  	v1 =	vand.u32 $0xFFFF, v1  }
0xd2: {  	[tilespmem:$0x27B0] =	vst v1  }
0xd3: {  	v1 =	vld [tilespmem:s28+$0x70];
	_ =	sdelay $0x4  }
0xd4: {  	v1 =	vand.u32 $0xFFFF, v1  }
0xd5: {  	[tilespmem:$0x27C0] =	vst v1  }
0xd6: {  	[tilespmem:s16], [sflag:$0x1] =	stream.indirect.gather [hbm4b:s1+s20], $0x80, s21, s20, $0xb8;
	[tilespmem:$0x1B900] =	vst v63  }
0xd7: {  	_ =	swait.ge [sflag:s26], $0x2800  }
0xd8: {  	[sflag:s26] =	ssyncset.done $0x0  }
0xd9: {  	[sflag:s26] =	ssyncadd.s32 $0xFFFFD800  }
0xda: {  	v1 =	vld [tilespmem:s28+$0xFFFFFFE0];
	_ =	sdelay $0x4  }
0xdb: {  	v1 =	vshrl.u32 v1, $0x10  }
0xdc: {  	[tilespmem:$0x2880] =	vst v1  }
0xdd: {  	v1 =	vld [tilespmem:s28+$0xFFFFFFF0];
	_ =	sdelay $0x4  }
0xde: {  	v1 =	vshrl.u32 v1, $0x10  }
0xdf: {  	[tilespmem:$0x2890] =	vst v1  }
0xe0: {  	v1 =	vld [tilespmem:s28+$0x0];
	_ =	sdelay $0x4  }
0xe1: {  	v1 =	vshrl.u32 v1, $0x10  }
0xe2: {  	[tilespmem:$0x28A0] =	vst v1  }
0xe3: {  	v1 =	vld [tilespmem:s30+$0x80];
	_ =	sdelay $0x4  }
0xe4: {  	v1 =	vshrl.u32 v1, $0x10  }
0xe5: {  	[tilespmem:$0x28B0] =	vst v1  }
0xe6: {  	v1 =	vld [tilespmem:s28+$0x20];
	_ =	sdelay $0x4  }
.Ltmp1:
0xe7: {  	v1 =	vshrl.u32 v1, $0x10;
	(pc) =	sbr.rel @p0 .LBB2_4-.Ltmp1, $4  }
0xe8: {  	[tilespmem:$0x28C0] =	vst v1  }
0xe9: {  	[spmem:s3] =	stream.indirect.scatter.add.f32 [tilespmem:s23], [sflag:$0x3], $0x80, s25, s20, $0xb8;
	[tilespmem:$0x1B900] =	vst v63  }
0xea: {  	_ =	swait.ge [sflag:s17], $0x2800  }
0xeb: {  	[sflag:s17] =	ssyncset.done $0x0  }
0xec: {  	[sflag:s17] =	ssyncadd.s32 $0xFFFFD800  }
0xed: {  	_ =	swait.ge [sflag:s24], $0x2800  }
0xee: {  	[sflag:s24] =	ssyncset.done $0x0  }
0xef: {  	[sflag:s24] =	ssyncadd.s32 $0xFFFFD800  }
0xf0: {  	v1 =	vld [tilespmem:$0x26C0]  }
0xf1: {  	v2 =	vld [tilespmem:$0x26D0]  }
0xf2: {  	v3 =	vld [tilespmem:$0x26E0]  }
0xf3: {  	v4 =	vld [tilespmem:$0x26F0]  }
0xf4: {  	v5 =	vld [tilespmem:$0x2700]  }
0xf5: {  	v1 =	vshrl.u32 v1, $0x10  }
0xf6: {  	[tilespmem:$0x2880] =	vst v1;
	v1 =	vshrl.u32 v2, $0x10  }
0xf7: {  	[tilespmem:$0x2890] =	vst v1;
	v1 =	vshrl.u32 v3, $0x10  }
0xf8: {  	[tilespmem:$0x28A0] =	vst v1;
	v1 =	vshrl.u32 v4, $0x10  }
0xf9: {  	[tilespmem:$0x28B0] =	vst v1;
	v1 =	vshrl.u32 v5, $0x10  }
0xfa: {  	[tilespmem:$0x28C0] =	vst v1  }
0xfb: {  	[spmem:s3] =	stream.indirect.scatter.add.f32 [tilespmem:s16], [sflag:$0x3], $0x80, s25, s20, $0xb8;
	[tilespmem:$0x1B900] =	vst v63  }
0xfc: {  	_ =	swait.ge [sflag:s17], $0x2800  }
0xfd: {  	s28 =	sshll.u32 s0, $0x6;
	s4 =	sadd.s32 $0x1, s4;
	[sflag:s17] =	ssyncset.done $0x0  }
0xfe: {  	s29 =	sshrl.u32 s5, $0x3;
	p0 =	sne.s32 s4, s15;
	[sflag:s17] =	ssyncadd.s32 $0xFFFFD800  }
.Ltmp2:
0xff: {  	s28 =	sor.u32 $0x1C03, s28;
	[bflag:$0x0] =	sbarrier.arrive $0xFFFF;
	(pc) =	sbr.rel @p0 .LBB2_1-.Ltmp2, $4  }
0x100: {  	[hbm:s14], [sflag:s28] =	dma.local [spmem:s29], $0x2800  }
0x101: {  	_ =	swait.ge [sflag:s17], $0x2800  }
0x102: {  	[sflag:s17] =	ssyncset.done $0x0  }
0x103: {  	[sflag:s17] =	ssyncadd.s32 $0xFFFFD800  }
0x104: {  	_ =	sfence.sel $0x180000  }
0x105: {  	[bflag:$0x0] =	sbarrier.arrive $0xFFFF  }
0x106: {  	p0 =	sne.s32 s0, $0x0;
	_ =	strace $0x9000004D  }
0x107: {  	s0 =	sadd.s32 @!p0 $0x100000, s2;
	[bflag:$0x2] =	sbarrier.arrive $0xFFFF  }
0x108: {  	[sflag:s0] =	ssyncadd.tile.s32 @!p0 $0x1;
	_ =	shalt  }
.Lfunc_end2:
_tile_overlayer_lowered:
.L_overlay_start_2:
0x109: {  	(tag) =	ssettag $0x2  }
0x10a: {  	s0 =	rddreg [dreg:$0x0];
	s2 =	stileid.u32  }
0x10b: {  	s1 =	rddreg [dreg:$0x1];
	p0 =	sne.s32 s2, $0x0  }
0x10c: {  	s3 =	rddreg [dreg:$0x2];
	[bflag:$0x3] =	sbarrier.arrive $0xFFFF;
	s2 =	simm.s32 @!p0 $0x1C03  }
0x10d: {  	[timem:s3], [sflag:s2] =	dma.local @!p0 [hbm:s0], s1  }
0x10e: {  	s0 =	simm.s32 @!p0 $0x3  }
0x10f: {  	_ =	swait.ge @!p0 [sflag:s0], s1  }
0x110: {  	s1 =	ssub.s32 @!p0 $0x0, s1;
	[sflag:s0] =	ssyncset.done @!p0 $0x0  }
0x111: {  	[sflag:s0] =	ssyncadd.s32 @!p0 s1  }
0x112: {  	[bflag:$0x3] =	sbarrier.arrive $0xFFFF  }
0x113: {  	_ =	shalt  }

// kernel: kernel.22.cloned.1.call-start
scs
__scs_entry_jumppad:
0x0: {  	(pc) =	sbr.rel $0x88, $3  }
0x1: {  	(tag) =	ssettag $0x0;
	lr =	simm.s32 $0x1  }
0x2: {  	[smem:$0x3F9B] =	sst lr;
	_ =	strace $0xD0000000  }
0x3: {  	_ = 	snop  }
0x4: {  	_ = 	snop  }
0x5: {  	_ = 	snop  }
0x6: {  	_ = 	snop  }
0x7: {  	_ = 	snop  }
__scs_overlays_trampoline_lowered:
0x8: {  	[smem:$0x3FAA] =	sst s0  }
0x9: {  	[smem:$0x3FAB] =	sst s1  }
0xa: {  	[smem:$0x3FAC] =	sst s2  }
0xb: {  	[smem:$0x3FAD] =	sst s3  }
0xc: {  	[smem:$0x3FAE] =	sst s4  }
0xd: {  	[smem:$0x3FAF] =	sst s5  }
0xe: {  	[smem:$0x3FB0] =	sst s6  }
0xf: {  	[smem:$0x3FB1] =	sst s7  }
0x10: {  	[smem:$0x3FB2] =	sst s8  }
0x11: {  	[smem:$0x3FB3] =	sst s9;
	s0 =	simm.s32 @!p0 $0x0  }
0x12: {  	s1 =	sld [smem:$0x3F99];
	s0 =	simm.s32 @p0 $0x1  }
0x13: {  	[smem:$0x3FB4] =	sst s0;
	s0 =	simm.s32 @!p1 $0x0  }
0x14: {  	s2 =	sld [smem:$0x3F98];
	s0 =	simm.s32 @p1 $0x1  }
0x15: {  	[smem:$0x3FB5] =	sst s0;
	s0 =	simm.s32 @!p2 $0x0  }
0x16: {  	s3 =	sld [smem:$0x3FDB];
	s0 =	simm.s32 @p2 $0x1  }
0x17: {  	s4 =	simm.s32 $0x1BF5;
	[smem:$0x3FB7] =	sst s0  }
0x18: {  	s0 =	sld [smem:$0x3F9A];
	_ =	swait.ge [sflag:s4], $0x0  }
0x19: {  	s7 =	sld [smem:$0x3F9B]  }
0x1a: {  	s8 =	sadd.s32 $0xFFFFE003, lr  }
0x1b: {  	s9 =	sadd.s32 $0xFFFFFEF7, lr;
	s5 =	simm.s32 $0xFFFFFFFF;
	p2 =	slt.u32 s8, $0xFFFFF086  }
0x1c: {  	p1 =	slt.u32 s9, $0xF7A;
	s5 =	simm.s32 @!p2 $0x0  }
0x1d: {  	s5 =	simm.s32 @p1 $0x1;
	p0 =	seq.s32 s7, s2  }
0x1e: {  	s7 =	smul.u32 @!p0 $0xF7A, s2;
	p2 =	seq.s32 @!p0 s5, $0x0  }
0x1f: {  	s9 =	smul.u32 $0xF7A, s1;
	s8 =	simm.s32 @!p0 $0x1BF5;
	p2 =	por !p2, p0  }
0x20: {  	[sflag:s8] =	ssyncset.s32 @!p0 $0xFFFFF086;
	s6 =	sadd.s32 @!p0 s3, s7;
	s7 =	simm.s32 @!p0 $0x108  }
0x21: {  	s3 =	sadd.s32 s3, s9;
	s6 =	sadd.s32 @!p0 $0x88, s6;
	s7 =	simm.s32 @p2 $0x1082  }
0x22: {  	[simem:s7], [sflag:s8] =	dma.local @!p0 [hbm:s6], $0xF7A  }
0x23: {  	s9 =	sor.u32 $0xD0000000, s2;
	s6 =	simm.s32 $0x108;
	_ =	swait.ge @!p0 [sflag:s8], $0x0  }
0x24: {  	s3 =	sadd.s32 $0x88, s3;
	s6 =	simm.s32 @!p1 $0x1082;
	[sflag:s4] =	ssyncset.s32 $0xFFFFF086  }
0x25: {  	[simem:s6], [sflag:s4] =	dma.local [hbm:s3], $0xF7A  }
0x26: {  	[smem:$0x3F9B] =	sst s1;
	(tag) =	ssettag s2;
	_ =	strace s9  }
0x27: {  	s1 =	sld [smem:$0x3FAB]  }
0x28: {  	s2 =	sld [smem:$0x3FAC]  }
0x29: {  	s4 =	sld [smem:$0x3FAE]  }
0x2a: {  	p0 =	seq.s32 s5, $0x0;
	s5 =	sld [smem:$0x3FAF]  }
0x2b: {  	s6 =	sld [smem:$0x3FB0]  }
0x2c: {  	s7 =	sld [smem:$0x3FB1]  }
0x2d: {  	s3 =	simm.s32 $0x108;
	s8 =	sld [smem:$0x3FB2]  }
0x2e: {  	s3 =	simm.s32 @!p0 $0x1082;
	s9 =	sld [smem:$0x3FB3]  }
0x2f: {  	lr =	sadd.s32 s0, s3;
	s0 =	sld [smem:$0x3FAA]  }
0x30: {  	s3 =	sld [smem:$0x3FAD]  }
0x31: {  	[smem:$0x3FB6] =	sst s10  }
0x32: {  	s10 =	sld [smem:$0x3FB4];
	_ =	sdelay $0x3  }
0x33: {  	p0 =	seq.s32 s10, $0x1;
	s10 =	sld [smem:$0x3FB6];
	_ =	sdelay $0x3  }
0x34: {  	[smem:$0x3FB6] =	sst s10  }
0x35: {  	s10 =	sld [smem:$0x3FB5];
	_ =	sdelay $0x3  }
0x36: {  	p1 =	seq.s32 s10, $0x1;
	s10 =	sld [smem:$0x3FB6];
	_ =	sdelay $0x3  }
0x37: {  	[smem:$0x3FB6] =	sst s10  }
0x38: {  	s10 =	sld [smem:$0x3FB7]  }
0x39: {  	_ = 	snop;
	(pc) =	sbr.ind lr, $3  }
0x3a: {  	_ = 	snop  }
0x3b: {  	_ = 	snop  }
0x3c: {  	p2 =	seq.s32 s10, $0x1;
	s10 =	sld [smem:$0x3FB6]  }
0x3d: {  	_ =	shalt  }
0x3e: {  	_ =	shalt  }
0x3f: {  	_ =	shalt  }
0x40: {  	_ =	shalt  }
0x41: {  	_ =	shalt  }
0x42: {  	_ =	shalt  }
0x43: {  	_ =	shalt  }
0x44: {  	_ =	shalt  }
0x45: {  	_ =	shalt  }
0x46: {  	_ =	shalt  }
0x47: {  	_ =	shalt  }
0x48: {  	_ =	shalt  }
0x49: {  	_ =	shalt  }
0x4a: {  	_ =	shalt  }
0x4b: {  	_ =	shalt  }
0x4c: {  	_ =	shalt  }
0x4d: {  	_ =	shalt  }
0x4e: {  	_ =	shalt  }
0x4f: {  	_ =	shalt  }
0x50: {  	_ =	shalt  }
0x51: {  	_ =	shalt  }
0x52: {  	_ =	shalt  }
0x53: {  	_ =	shalt  }
0x54: {  	_ =	shalt  }
0x55: {  	_ =	shalt  }
0x56: {  	_ =	shalt  }
0x57: {  	_ =	shalt  }
0x58: {  	_ =	shalt  }
0x59: {  	_ =	shalt  }
0x5a: {  	_ =	shalt  }
0x5b: {  	_ =	shalt  }
0x5c: {  	_ =	shalt  }
0x5d: {  	_ =	shalt  }
0x5e: {  	_ =	shalt  }
0x5f: {  	_ =	shalt  }
0x60: {  	_ =	shalt  }
0x61: {  	_ =	shalt  }
0x62: {  	_ =	shalt  }
0x63: {  	_ =	shalt  }
0x64: {  	_ =	shalt  }
0x65: {  	_ =	shalt  }
0x66: {  	_ =	shalt  }
0x67: {  	_ =	shalt  }
0x68: {  	_ =	shalt  }
0x69: {  	_ =	shalt  }
0x6a: {  	_ =	shalt  }
0x6b: {  	_ =	shalt  }
0x6c: {  	_ =	shalt  }
0x6d: {  	_ =	shalt  }
0x6e: {  	_ =	shalt  }
0x6f: {  	_ =	shalt  }
0x70: {  	_ =	shalt  }
0x71: {  	_ =	shalt  }
0x72: {  	_ =	shalt  }
0x73: {  	_ =	shalt  }
0x74: {  	_ =	shalt  }
0x75: {  	_ =	shalt  }
0x76: {  	_ =	shalt  }
0x77: {  	_ =	shalt  }
0x78: {  	_ =	shalt  }
0x79: {  	_ =	shalt  }
0x7a: {  	_ =	shalt  }
0x7b: {  	_ =	shalt  }
0x7c: {  	_ =	shalt  }
0x7d: {  	_ =	shalt  }
0x7e: {  	_ =	shalt  }
0x7f: {  	_ =	shalt  }
0x80: {  	_ =	shalt  }
0x81: {  	_ =	shalt  }
0x82: {  	_ =	shalt  }
0x83: {  	_ =	shalt  }
0x84: {  	_ =	shalt  }
0x85: {  	_ =	shalt  }
0x86: {  	_ =	shalt  }
0x87: {  	_ =	shalt  }
.Lfunc_end0:
.L_simem_size_0:
called_computation.3_lowered:
.L_overlay_start_0:
0x88: {  	s2 =	sld [smem:$0x3FD9]  }
0x89: {  	s3 =	sld [smem:$0x3FFE];
	_ =	sdelay $0x1  }
0x8a: {  	s1 =	srdreg.scid  }
0x8b: {  	s0 =	sand.u32 $0x1, s1  }
0x8c: {  	s17 =	sshll.u32 s0, $0xA;
	s2 =	sadd.s32 s3, s2  }
0x8d: {  	s2 =	sadd.s32 s2, s17  }
0x8e: {  	[smem:$0x3FC2] =	sst s2  }
0x8f: {  	_ = 	snop  }
0x90: {  	s2 =	sld [smem:$0x3FD0];
	(tm) =	ssettm $0x1  }
0x91: {  	s18 =	sld [smem:$0x3FFB];
	_ =	sdelay $0x3  }
0x92: {  	_ =	strace s18  }
0x93: {  	s3 =	sld [smem:$0x3FFC];
	_ =	sdelay $0x3  }
0x94: {  	_ =	strace s3  }
0x95: {  	s3 =	sld [smem:$0x3FFD];
	_ =	sdelay $0x3  }
0x96: {  	_ =	strace s3  }
0x97: {  	_ =	strace $0x8FFFFFFF  }
0x98: {  	s19 =	sld [smem:$0x3FDB];
	_ =	sdelay $0x1  }
0x99: {  	s4 =	simm.s32 $_scs_section_size  }
0x9a: {  	s5 =	simm.s32 $_size__tile_overlayer_lowered;
	s6 =	simm.s32 $_tile_overlayer_lowered  }
0x9b: {  	s22 =	simm.s32 $0x1BFF;
	s21 =	sshll.u32 s6, $0x1;
	s3 =	sadd.s32 s4, s19  }
0x9c: {  	s7 =	simm.s32 $0x0;
	s20 =	sshll.u32 s5, $0x1;
	s5 =	sadd.s32 s21, s3  }
0x9d: {  	[timem:s7], [sflag:s22] =	dma.local [hbm:s5], s20  }
0x9e: {  	_ =	swait.ge [sflag:s22], s20  }
0x9f: {  	s4 =	ssub.s32 $0x0, s20;
	[sflag:s22] =	ssyncset.done $0x0  }
0xa0: {  	[sflag:s22] =	ssyncadd.s32 s4;
	_ =	sdelay $0x1  }
0xa1: {  	s23 =	simm.s32 $0x1B8B  }
0xa2: {  	_ =	swait.ge [sflag:s23], $0x1  }
0xa3: {  	[sflag:s23] =	ssyncset.done $0x0  }
0xa4: {  	s25 =	simm.s32 $0x1B8E;
	s24 =	sld [smem:$0x3FFE];
	[sflag:s23] =	ssyncadd.s32 $0xFFFFFFFF  }
0xa5: {  	s26 =	simm.s32 $execute0_lowered;
	[smem:$0x3FD2] =	sst s25  }
0xa6: {  	s5 =	sshll.u32 s26, $0x1;
	_ =	strace $0x8000004F;
	[dreg:$0x1] =	wrdreg $0xFFFFFFFF  }
0xa7: {  	s28 =	simm.s32 $_size_execute0_lowered;
	s3 =	sadd.s32 s3, s5;
	[dreg:$0x0] =	wrdreg $0x0  }
0xa8: {  	s5 =	sshll.u32 s28, $0x1;
	[dreg:$0x2] =	wrdreg s3  }
0xa9: {  	[dreg:$0x3] =	wrdreg s5  }
0xaa: {  	[dreg:$0x4] =	wrdreg $0xC0  }
0xab: {  	_ =	task [dreg:s7], $0x5FFFF  }
0xac: {  	[dreg:$0x1] =	wrdreg $0xFFFFFFFF  }
0xad: {  	[dreg:$0x0] =	wrdreg $0x60  }
0xae: {  	[dreg:$0x2] =	wrdreg s2  }
0xaf: {  	[dreg:$0x3] =	wrdreg s24  }
0xb0: {  	[dreg:$0x4] =	wrdreg $0x79000  }
0xb1: {  	[dreg:$0x5] =	wrdreg $0x9  }
0xb2: {  	_ =	task.clear_ibuf [dreg:s7], $0x6FFFF;
	_ =	strace $0x9000004F  }
0xb3: {  	s29 =	simm.s32 $0x9;
	_ =	strace $0x80000051  }
0xb4: {  	_ =	swait.ge [sflag:s29], $0x1  }
0xb5: {  	[sflag:s29] =	ssyncadd.s32 $0xFFFFFFFF  }
0xb6: {  	_ =	strace $0x90000051  }
0xb7: {  	_ =	sfence  }
0xb8: {  	s30 =	sld [smem:$0x0];
	_ =	sdelay $0x2  }
0xb9: {  	s31 =	sshll.u32 s1, $0xD;
	s1 =	sshrl.u32 s1, $0x2  }
0xba: {  	s3 =	sand.u32 $0x4000, s31;
	s1 =	sadd.s32 s1, s30  }
0xbb: {  	s0 =	sor.u32 s3, s0;
	s1 =	sshll.u32 s1, $0x11  }
0xbc: {  	s0 =	sor.u32 s1, s0  }
0xbd: {  	s0 =	sadd.s32 $0x8F2B, s0  }
0xbe: {  	[sflag:s0] =	ssyncadd.remote.s32 $0x1  }
0xbf: {  	_ =	sfence.sel $0xFFFF  }
0xc0: {  	[dreg:$0x0] =	wrdreg $0xFFFFFFFF;
	(pc) =	sbr.abs _section_cstart, $3  }
0xc1: {  	[dreg:$0x1] =	wrdreg $0xFFFFFFFF  }
0xc2: {  	_ =	task.clear_ibuf [dreg:s7], $0x2FFFF;
	_ =	strace $0x9FFFFFFF  }
0xc3: {  	(tm) =	ssettm $0x7FFFFFFF  }
tec
execute0_lowered:
.L_overlay_start_1:
0x0: {  	(tag) =	ssettag $0x1  }
0x1: {  	s1 =	rddreg [dreg:$0x0]  }
0x2: {  	s0 =	srdreg.scid;
	s6 =	rddreg [dreg:$0x1]  }
0x3: {  	s3 =	rddreg [dreg:$0x2];
	s16 =	simm.s32 $0x2900;
	s17 =	simm.s32 $0x3  }
0x4: {  	s18 =	simm.s32 $0x80;
	s19 =	simm.s32 $0x400;
	s20 =	simm.s32 $0x50  }
0x5: {  	s21 =	simm.s32 $0x2780;
	s22 =	simm.s32 $0x2800;
	s23 =	simm.s32 $0x5100  }
0x6: {  	s24 =	simm.s32 $0x1;
	s25 =	simm.s32 $0x2880;
	s5 =	sand.u32 $0x1, s0  }
0x7: {  	s26 =	simm.s32 $0x2;
	s0 =	stileid.u32;
	s9 =	smul.u32 $0x140000, s5  }
0x8: {  	s2 =	sshll.u32 s5, $0x4;
	s8 =	sshll.u32 s0, $0x7;
	s28 =	smul.u32 $0x14000, s0  }
0x9: {  	s10 =	smul.u32 $0x50000, s0;
	s5 =	ssub.s32 $0x2, s5;
	s2 =	sor.u32 s0, s2  }
0xa: {  	s8 =	sand.u32 $0x380, s8;
	s30 =	sshrl.u32 s5, $0x1;
	s4 =	sshrl.u32 s2, $0x3  }
0xb: {  	s2 =	rddreg [dreg:$0x3];
	s29 =	sadd.s32 s28, s9;
	s31 =	sshrl.u32 s10, $0x2  }
0xc: {  	s15 =	ssub.s32 s5, s30;
	s7 =	smul.u32 $0x13C00, s4;
	s4 =	simm.s32 $0x0  }
0xd: {  	s5 =	sadd.s32 s31, s3;
	s15 =	smax.u32 s15, $0x1;
	[smem:$0x7FF] =	sst s4  }
0xe: {  	s9 =	sadd.s32 $0xA000, s5;
	s10 =	sadd.s32 $0xC800, s5;
	s7 =	sor.u32 s8, s7  }
0xf: {  	s11 =	sadd.s32 $0xF000, s5;
	s12 =	sadd.s32 $0x11800, s5;
	s7 =	sshrl.u32 s7, $0x3  }
0x10: {  	_ =	strace $0x80000050;
	s13 =	sadd.s32 s7, s6;
	s7 =	sshrl.u32 s29, $0x3  }
0x11: {  	s8 =	sadd.s32 $0x7800, s5;
	s14 =	sadd.s32 s7, s6;
	s6 =	sadd.s32 $0x2800, s5  }
0x12: {  	v0 =	vimm.f32 $0.0e+00;
	s7 =	sadd.s32 $0x5000, s5;
	s13 =	sadd.s32 $0x2AA00, s13;
	s14 =	sadd.s32 $0x3E600, s14  }
.LBB2_1:
0x13: {  	s28 =	simm.s32 $0x70;
	s29 =	simm.s32 $0x3C0  }
.LBB2_2:
0x14: {  	p0 =	sne.s32 s29, $0x9FC0;
	[tilespmem:s28+$0x2900] =	vst v0  }
0x15: {  	[tilespmem:s28+$0x2890] =	vst v0  }
0x16: {  	[tilespmem:s28+$0x28A0] =	vst v0  }
.Ltmp0:
0x17: {  	[tilespmem:s28+$0x28B0] =	vst v0;
	(pc) =	sbr.rel @p0 .LBB2_2-.Ltmp0, $4  }
0x18: {  	[tilespmem:s28+$0x28C0] =	vst v0  }
0x19: {  	[tilespmem:s28+$0x28D0] =	vst v0  }
0x1a: {  	[tilespmem:s28+$0x28E0] =	vst v0  }
0x1b: {  	[tilespmem:s28+$0x28F0] =	vst v0;
	s28 =	sshra.s32 s29, $0x2;
	s29 =	sadd.s32 $0x200, s29  }
0x1c: {  	[tilespmem:s28+$0x2900] =	vst v0  }
0x1d: {  	[tilespmem:s28+$0x2890] =	vst v0  }
0x1e: {  	[tilespmem:s28+$0x28A0] =	vst v0  }
0x1f: {  	[tilespmem:s28+$0x28B0] =	vst v0  }
0x20: {  	[tilespmem:s28+$0x28C0] =	vst v0  }
0x21: {  	[tilespmem:s28+$0x28D0] =	vst v0  }
0x22: {  	[tilespmem:s28+$0x28E0] =	vst v0  }
0x23: {  	[tilespmem:s28+$0x28F0] =	vst v0  }
0x24: {  	[spmem:s5] =	stream.linear.scatter [tilespmem:s16], [sflag:$0x3], $0x2800, $0x38;
	[tilespmem:$0x1B900] =	vst v63  }
0x25: {  	_ =	swait.ge [sflag:s17], $0x2800  }
0x26: {  	[sflag:s17] =	ssyncset.done $0x0  }
0x27: {  	[sflag:s17] =	ssyncadd.s32 $0xFFFFD800  }
0x28: {  	[spmem:s6] =	stream.linear.scatter [tilespmem:s16], [sflag:$0x3], $0x2800, $0x38;
	[tilespmem:$0x1B900] =	vst v63  }
0x29: {  	_ =	swait.ge [sflag:s17], $0x2800  }
0x2a: {  	[sflag:s17] =	ssyncset.done $0x0  }
0x2b: {  	[sflag:s17] =	ssyncadd.s32 $0xFFFFD800  }
0x2c: {  	[spmem:s7] =	stream.linear.scatter [tilespmem:s16], [sflag:$0x3], $0x2800, $0x38;
	[tilespmem:$0x1B900] =	vst v63  }
0x2d: {  	_ =	swait.ge [sflag:s17], $0x2800  }
0x2e: {  	[sflag:s17] =	ssyncset.done $0x0  }
0x2f: {  	[sflag:s17] =	ssyncadd.s32 $0xFFFFD800  }
0x30: {  	[spmem:s8] =	stream.linear.scatter [tilespmem:s16], [sflag:$0x3], $0x2800, $0x38;
	[tilespmem:$0x1B900] =	vst v63  }
0x31: {  	_ =	swait.ge [sflag:s17], $0x2800  }
0x32: {  	[sflag:s17] =	ssyncset.done $0x0  }
0x33: {  	[sflag:s17] =	ssyncadd.s32 $0xFFFFD800  }
0x34: {  	[spmem:s9] =	stream.linear.scatter [tilespmem:s16], [sflag:$0x3], $0x2800, $0x38;
	[tilespmem:$0x1B900] =	vst v63  }
0x35: {  	_ =	swait.ge [sflag:s17], $0x2800  }
0x36: {  	[sflag:s17] =	ssyncset.done $0x0  }
0x37: {  	[sflag:s17] =	ssyncadd.s32 $0xFFFFD800  }
0x38: {  	[spmem:s10] =	stream.linear.scatter [tilespmem:s16], [sflag:$0x3], $0x2800, $0x38;
	[tilespmem:$0x1B900] =	vst v63  }
0x39: {  	_ =	swait.ge [sflag:s17], $0x2800  }
0x3a: {  	[sflag:s17] =	ssyncset.done $0x0  }
0x3b: {  	[sflag:s17] =	ssyncadd.s32 $0xFFFFD800  }
0x3c: {  	[spmem:s11] =	stream.linear.scatter [tilespmem:s16], [sflag:$0x3], $0x2800, $0x38;
	[tilespmem:$0x1B900] =	vst v63  }
0x3d: {  	_ =	swait.ge [sflag:s17], $0x2800  }
0x3e: {  	[sflag:s17] =	ssyncset.done $0x0  }
0x3f: {  	[sflag:s17] =	ssyncadd.s32 $0xFFFFD800  }
0x40: {  	[spmem:s12] =	stream.linear.scatter [tilespmem:s16], [sflag:$0x3], $0x2800, $0x38;
	[tilespmem:$0x1B900] =	vst v63  }
0x41: {  	_ =	swait.ge [sflag:s17], $0x2800  }
0x42: {  	[sflag:s17] =	ssyncset.done $0x0  }
0x43: {  	s29 =	simm.s32 $0x0;
	[sflag:s17] =	ssyncadd.s32 $0xFFFFD800  }
0x44: {  	[tilespmem:s29], [sflag:$0x3] =	stream.strided.gather [hbm4b:s13+s18], $0x2780, s19, s18, $0x38;
	[tilespmem:$0x1B900] =	vst v63  }
0x45: {  	_ =	swait.ge [sflag:s17], $0x2780  }
0x46: {  	[sflag:s17] =	ssyncset.done $0x0  }
0x47: {  	[sflag:s17] =	ssyncadd.s32 $0xFFFFD880  }
0x48: {  	[bflag:$0x0] =	sbarrier.arrive $0xFFFF  }
0x49: {  	v1 =	vld [tilespmem:$0x0]  }
0x4a: {  	v2 =	vld [tilespmem:$0x10]  }
0x4b: {  	v3 =	vld [tilespmem:$0x20]  }
0x4c: {  	v4 =	vld [tilespmem:$0x30]  }
0x4d: {  	v5 =	vld [tilespmem:$0x40]  }
0x4e: {  	v1 =	vand.u32 $0xFFFF, v1  }
0x4f: {  	[tilespmem:$0x2780] =	vst v1;
	v1 =	vand.u32 $0xFFFF, v2  }
0x50: {  	[tilespmem:$0x2790] =	vst v1;
	v1 =	vand.u32 $0xFFFF, v3  }
0x51: {  	[tilespmem:$0x27A0] =	vst v1;
	v1 =	vand.u32 $0xFFFF, v4  }
0x52: {  	[tilespmem:$0x27B0] =	vst v1;
	v1 =	vand.u32 $0xFFFF, v5  }
0x53: {  	s28 =	simm.s32 $0x70;
	[tilespmem:$0x27C0] =	vst v1  }
0x54: {  	[tilespmem:s16], [sflag:$0x1] =	stream.indirect.gather [hbm4b:s1+s20], $0x80, s21, s20, $0xb8;
	[tilespmem:$0x1B900] =	vst v63  }
0x55: {  	v1 =	vld [tilespmem:s28+$0xFFFFFFE0];
	_ =	sdelay $0x4  }
0x56: {  	v1 =	vand.u32 $0xFFFF, v1  }
0x57: {  	[tilespmem:$0x2800] =	vst v1  }
0x58: {  	v1 =	vld [tilespmem:s28+$0xFFFFFFF0];
	_ =	sdelay $0x4  }
0x59: {  	v1 =	vand.u32 $0xFFFF, v1  }
0x5a: {  	[tilespmem:$0x2810] =	vst v1  }
0x5b: {  	v1 =	vld [tilespmem:s28+$0x0];
	_ =	sdelay $0x4  }
0x5c: {  	v1 =	vand.u32 $0xFFFF, v1  }
0x5d: {  	s29 =	sand.u32 $0x3FE0, s29;
	[tilespmem:$0x2820] =	vst v1  }
0x5e: {  	v1 =	vld [tilespmem:s29+$0x80];
	_ =	sdelay $0x4  }
0x5f: {  	v1 =	vand.u32 $0xFFFF, v1  }
0x60: {  	[tilespmem:$0x2830] =	vst v1  }
0x61: {  	v1 =	vld [tilespmem:s28+$0x20];
	_ =	sdelay $0x4  }
0x62: {  	v1 =	vand.u32 $0xFFFF, v1  }
0x63: {  	[tilespmem:$0x2840] =	vst v1  }
0x64: {  	[tilespmem:s23], [sflag:$0x2] =	stream.indirect.gather [hbm4b:s1+s20], $0x80, s22, s20, $0xb8;
	[tilespmem:$0x1B900] =	vst v63  }
0x65: {  	_ =	swait.ge [sflag:s24], $0x2800  }
0x66: {  	[sflag:s24] =	ssyncset.done $0x0  }
0x67: {  	[sflag:s24] =	ssyncadd.s32 $0xFFFFD800  }
0x68: {  	v1 =	vld [tilespmem:s28+$0xFFFFFF90];
	_ =	sdelay $0x4  }
0x69: {  	v1 =	vshrl.u32 v1, $0x10  }
0x6a: {  	[tilespmem:$0x2880] =	vst v1  }
0x6b: {  	v1 =	vld [tilespmem:s28+$0xFFFFFFA0];
	_ =	sdelay $0x4  }
0x6c: {  	v1 =	vshrl.u32 v1, $0x10  }
0x6d: {  	[tilespmem:$0x2890] =	vst v1  }
0x6e: {  	v1 =	vld [tilespmem:s28+$0xFFFFFFB0];
	_ =	sdelay $0x4  }
0x6f: {  	v1 =	vshrl.u32 v1, $0x10  }
0x70: {  	[tilespmem:$0x28A0] =	vst v1  }
0x71: {  	v1 =	vld [tilespmem:s28+$0xFFFFFFC0];
	_ =	sdelay $0x4  }
0x72: {  	v1 =	vshrl.u32 v1, $0x10  }
0x73: {  	[tilespmem:$0x28B0] =	vst v1  }
0x74: {  	v1 =	vld [tilespmem:s28+$0xFFFFFFD0];
	_ =	sdelay $0x4  }
0x75: {  	v1 =	vshrl.u32 v1, $0x10  }
0x76: {  	[tilespmem:$0x28C0] =	vst v1  }
0x77: {  	[spmem:s3] =	stream.indirect.scatter.add.f32 [tilespmem:s16], [sflag:$0x3], $0x80, s25, s20, $0xb8;
	[tilespmem:$0x1B900] =	vst v63  }
0x78: {  	_ =	swait.ge [sflag:s17], $0x2800  }
0x79: {  	[sflag:s17] =	ssyncset.done $0x0  }
0x7a: {  	[sflag:s17] =	ssyncadd.s32 $0xFFFFD800  }
0x7b: {  	v1 =	vld [tilespmem:s28+$0x30];
	_ =	sdelay $0x4  }
0x7c: {  	v1 =	vand.u32 $0xFFFF, v1  }
0x7d: {  	[tilespmem:$0x2780] =	vst v1  }
0x7e: {  	v1 =	vld [tilespmem:s28+$0x40];
	_ =	sdelay $0x4  }
0x7f: {  	v1 =	vand.u32 $0xFFFF, v1  }
0x80: {  	[tilespmem:$0x2790] =	vst v1  }
0x81: {  	v1 =	vld [tilespmem:s28+$0x50];
	_ =	sdelay $0x4  }
0x82: {  	v1 =	vand.u32 $0xFFFF, v1  }
0x83: {  	[tilespmem:$0x27A0] =	vst v1  }
0x84: {  	v1 =	vld [tilespmem:s28+$0x60];
	_ =	sdelay $0x4  }
0x85: {  	v1 =	vand.u32 $0xFFFF, v1  }
0x86: {  	[tilespmem:$0x27B0] =	vst v1  }
0x87: {  	v1 =	vld [tilespmem:s28+$0x70];
	_ =	sdelay $0x4  }
0x88: {  	v1 =	vand.u32 $0xFFFF, v1  }
0x89: {  	[tilespmem:$0x27C0] =	vst v1  }
0x8a: {  	[tilespmem:s16], [sflag:$0x1] =	stream.indirect.gather [hbm4b:s1+s20], $0x80, s21, s20, $0xb8;
	[tilespmem:$0x1B900] =	vst v63  }
0x8b: {  	_ =	swait.ge [sflag:s26], $0x2800  }
0x8c: {  	[sflag:s26] =	ssyncset.done $0x0  }
0x8d: {  	[sflag:s26] =	ssyncadd.s32 $0xFFFFD800  }
0x8e: {  	v1 =	vld [tilespmem:s28+$0xFFFFFFE0];
	_ =	sdelay $0x4  }
0x8f: {  	v1 =	vshrl.u32 v1, $0x10  }
0x90: {  	[tilespmem:$0x2880] =	vst v1  }
0x91: {  	v1 =	vld [tilespmem:s28+$0xFFFFFFF0];
	_ =	sdelay $0x4  }
0x92: {  	v1 =	vshrl.u32 v1, $0x10  }
0x93: {  	[tilespmem:$0x2890] =	vst v1  }
0x94: {  	v1 =	vld [tilespmem:s28+$0x0];
	_ =	sdelay $0x4  }
0x95: {  	v1 =	vshrl.u32 v1, $0x10  }
0x96: {  	[tilespmem:$0x28A0] =	vst v1  }
0x97: {  	v1 =	vld [tilespmem:s29+$0x80];
	_ =	sdelay $0x4  }
0x98: {  	v1 =	vshrl.u32 v1, $0x10  }
0x99: {  	[tilespmem:$0x28B0] =	vst v1  }
0x9a: {  	v1 =	vld [tilespmem:s28+$0x20];
	_ =	sdelay $0x4  }
0x9b: {  	v1 =	vshrl.u32 v1, $0x10  }
0x9c: {  	[tilespmem:$0x28C0] =	vst v1  }
0x9d: {  	[spmem:s3] =	stream.indirect.scatter.add.f32 [tilespmem:s23], [sflag:$0x3], $0x80, s25, s20, $0xb8;
	[tilespmem:$0x1B900] =	vst v63  }
0x9e: {  	_ =	swait.ge [sflag:s17], $0x2800  }
0x9f: {  	s29 =	simm.s32 $0xA0;
	[sflag:s17] =	ssyncset.done $0x0  }
.LBB2_4:
0xa0: {  	p0 =	sne.s32 s29, $0x2620;
	[sflag:s17] =	ssyncadd.s32 $0xFFFFD800;
	s28 =	sadd.s32 $0xA0, s28  }
0xa1: {  	s30 =	smov.u32 s29;
	s29 =	sadd.s32 $0xA0, s29;
	v1 =	vld [tilespmem:s28+$0xFFFFFFE0];
	_ =	sdelay $0x4  }
0xa2: {  	v1 =	vand.u32 $0xFFFF, v1  }
0xa3: {  	[tilespmem:$0x2800] =	vst v1  }
0xa4: {  	v1 =	vld [tilespmem:s28+$0xFFFFFFF0];
	_ =	sdelay $0x4  }
0xa5: {  	v1 =	vand.u32 $0xFFFF, v1  }
0xa6: {  	[tilespmem:$0x2810] =	vst v1  }
0xa7: {  	v1 =	vld [tilespmem:s28+$0x0];
	_ =	sdelay $0x4  }
0xa8: {  	v1 =	vand.u32 $0xFFFF, v1  }
0xa9: {  	s30 =	sand.u32 $0x3FE0, s30;
	[tilespmem:$0x2820] =	vst v1  }
0xaa: {  	v1 =	vld [tilespmem:s30+$0x80];
	_ =	sdelay $0x4  }
0xab: {  	v1 =	vand.u32 $0xFFFF, v1  }
0xac: {  	[tilespmem:$0x2830] =	vst v1  }
0xad: {  	v1 =	vld [tilespmem:s28+$0x20];
	_ =	sdelay $0x4  }
0xae: {  	v1 =	vand.u32 $0xFFFF, v1  }
0xaf: {  	[tilespmem:$0x2840] =	vst v1  }
0xb0: {  	[tilespmem:s23], [sflag:$0x2] =	stream.indirect.gather [hbm4b:s1+s20], $0x80, s22, s20, $0xb8;
	[tilespmem:$0x1B900] =	vst v63  }
0xb1: {  	_ =	swait.ge [sflag:s24], $0x2800  }
0xb2: {  	[sflag:s24] =	ssyncset.done $0x0  }
0xb3: {  	[sflag:s24] =	ssyncadd.s32 $0xFFFFD800  }
0xb4: {  	v1 =	vld [tilespmem:s28+$0xFFFFFF90];
	_ =	sdelay $0x4  }
0xb5: {  	v1 =	vshrl.u32 v1, $0x10  }
0xb6: {  	[tilespmem:$0x2880] =	vst v1  }
0xb7: {  	v1 =	vld [tilespmem:s28+$0xFFFFFFA0];
	_ =	sdelay $0x4  }
0xb8: {  	v1 =	vshrl.u32 v1, $0x10  }
0xb9: {  	[tilespmem:$0x2890] =	vst v1  }
0xba: {  	v1 =	vld [tilespmem:s28+$0xFFFFFFB0];
	_ =	sdelay $0x4  }
0xbb: {  	v1 =	vshrl.u32 v1, $0x10  }
0xbc: {  	[tilespmem:$0x28A0] =	vst v1  }
0xbd: {  	v1 =	vld [tilespmem:s28+$0xFFFFFFC0];
	_ =	sdelay $0x4  }
0xbe: {  	v1 =	vshrl.u32 v1, $0x10  }
0xbf: {  	[tilespmem:$0x28B0] =	vst v1  }
0xc0: {  	v1 =	vld [tilespmem:s28+$0xFFFFFFD0];
	_ =	sdelay $0x4  }
0xc1: {  	v1 =	vshrl.u32 v1, $0x10  }
0xc2: {  	[tilespmem:$0x28C0] =	vst v1  }
0xc3: {  	[spmem:s3] =	stream.indirect.scatter.add.f32 [tilespmem:s16], [sflag:$0x3], $0x80, s25, s20, $0xb8;
	[tilespmem:$0x1B900] =	vst v63  }
0xc4: {  	_ =	swait.ge [sflag:s17], $0x2800  }
0xc5: {  	[sflag:s17] =	ssyncset.done $0x0  }
0xc6: {  	[sflag:s17] =	ssyncadd.s32 $0xFFFFD800  }
0xc7: {  	v1 =	vld [tilespmem:s28+$0x30];
	_ =	sdelay $0x4  }
0xc8: {  	v1 =	vand.u32 $0xFFFF, v1  }
0xc9: {  	[tilespmem:$0x2780] =	vst v1  }
0xca: {  	v1 =	vld [tilespmem:s28+$0x40];
	_ =	sdelay $0x4  }
0xcb: {  	v1 =	vand.u32 $0xFFFF, v1  }
0xcc: {  	[tilespmem:$0x2790] =	vst v1  }
0xcd: {  	v1 =	vld [tilespmem:s28+$0x50];
	_ =	sdelay $0x4  }
0xce: {  	v1 =	vand.u32 $0xFFFF, v1  }
0xcf: {  	[tilespmem:$0x27A0] =	vst v1  }
0xd0: {  	v1 =	vld [tilespmem:s28+$0x60];
	_ =	sdelay $0x4  }
0xd1: {  	v1 =	vand.u32 $0xFFFF, v1  }
0xd2: {  	[tilespmem:$0x27B0] =	vst v1  }
0xd3: {  	v1 =	vld [tilespmem:s28+$0x70];
	_ =	sdelay $0x4  }
0xd4: {  	v1 =	vand.u32 $0xFFFF, v1  }
0xd5: {  	[tilespmem:$0x27C0] =	vst v1  }
0xd6: {  	[tilespmem:s16], [sflag:$0x1] =	stream.indirect.gather [hbm4b:s1+s20], $0x80, s21, s20, $0xb8;
	[tilespmem:$0x1B900] =	vst v63  }
0xd7: {  	_ =	swait.ge [sflag:s26], $0x2800  }
0xd8: {  	[sflag:s26] =	ssyncset.done $0x0  }
0xd9: {  	[sflag:s26] =	ssyncadd.s32 $0xFFFFD800  }
0xda: {  	v1 =	vld [tilespmem:s28+$0xFFFFFFE0];
	_ =	sdelay $0x4  }
0xdb: {  	v1 =	vshrl.u32 v1, $0x10  }
0xdc: {  	[tilespmem:$0x2880] =	vst v1  }
0xdd: {  	v1 =	vld [tilespmem:s28+$0xFFFFFFF0];
	_ =	sdelay $0x4  }
0xde: {  	v1 =	vshrl.u32 v1, $0x10  }
0xdf: {  	[tilespmem:$0x2890] =	vst v1  }
0xe0: {  	v1 =	vld [tilespmem:s28+$0x0];
	_ =	sdelay $0x4  }
0xe1: {  	v1 =	vshrl.u32 v1, $0x10  }
0xe2: {  	[tilespmem:$0x28A0] =	vst v1  }
0xe3: {  	v1 =	vld [tilespmem:s30+$0x80];
	_ =	sdelay $0x4  }
0xe4: {  	v1 =	vshrl.u32 v1, $0x10  }
0xe5: {  	[tilespmem:$0x28B0] =	vst v1  }
0xe6: {  	v1 =	vld [tilespmem:s28+$0x20];
	_ =	sdelay $0x4  }
.Ltmp1:
0xe7: {  	v1 =	vshrl.u32 v1, $0x10;
	(pc) =	sbr.rel @p0 .LBB2_4-.Ltmp1, $4  }
0xe8: {  	[tilespmem:$0x28C0] =	vst v1  }
0xe9: {  	[spmem:s3] =	stream.indirect.scatter.add.f32 [tilespmem:s23], [sflag:$0x3], $0x80, s25, s20, $0xb8;
	[tilespmem:$0x1B900] =	vst v63  }
0xea: {  	_ =	swait.ge [sflag:s17], $0x2800  }
0xeb: {  	[sflag:s17] =	ssyncset.done $0x0  }
0xec: {  	[sflag:s17] =	ssyncadd.s32 $0xFFFFD800  }
0xed: {  	_ =	swait.ge [sflag:s24], $0x2800  }
0xee: {  	[sflag:s24] =	ssyncset.done $0x0  }
0xef: {  	[sflag:s24] =	ssyncadd.s32 $0xFFFFD800  }
0xf0: {  	v1 =	vld [tilespmem:$0x26C0]  }
0xf1: {  	v2 =	vld [tilespmem:$0x26D0]  }
0xf2: {  	v3 =	vld [tilespmem:$0x26E0]  }
0xf3: {  	v4 =	vld [tilespmem:$0x26F0]  }
0xf4: {  	v5 =	vld [tilespmem:$0x2700]  }
0xf5: {  	v1 =	vshrl.u32 v1, $0x10  }
0xf6: {  	[tilespmem:$0x2880] =	vst v1;
	v1 =	vshrl.u32 v2, $0x10  }
0xf7: {  	[tilespmem:$0x2890] =	vst v1;
	v1 =	vshrl.u32 v3, $0x10  }
0xf8: {  	[tilespmem:$0x28A0] =	vst v1;
	v1 =	vshrl.u32 v4, $0x10  }
0xf9: {  	[tilespmem:$0x28B0] =	vst v1;
	v1 =	vshrl.u32 v5, $0x10  }
0xfa: {  	[tilespmem:$0x28C0] =	vst v1  }
0xfb: {  	[spmem:s3] =	stream.indirect.scatter.add.f32 [tilespmem:s16], [sflag:$0x3], $0x80, s25, s20, $0xb8;
	[tilespmem:$0x1B900] =	vst v63  }
0xfc: {  	_ =	swait.ge [sflag:s17], $0x2800  }
0xfd: {  	s28 =	sshll.u32 s0, $0x6;
	s4 =	sadd.s32 $0x1, s4;
	[sflag:s17] =	ssyncset.done $0x0  }
0xfe: {  	s29 =	sshrl.u32 s5, $0x3;
	p0 =	sne.s32 s4, s15;
	[sflag:s17] =	ssyncadd.s32 $0xFFFFD800  }
.Ltmp2:
0xff: {  	s28 =	sor.u32 $0x1C03, s28;
	[bflag:$0x0] =	sbarrier.arrive $0xFFFF;
	(pc) =	sbr.rel @p0 .LBB2_1-.Ltmp2, $4  }
0x100: {  	[hbm:s14], [sflag:s28] =	dma.local [spmem:s29], $0x2800  }
0x101: {  	_ =	swait.ge [sflag:s17], $0x2800  }
0x102: {  	[sflag:s17] =	ssyncset.done $0x0  }
0x103: {  	[sflag:s17] =	ssyncadd.s32 $0xFFFFD800  }
0x104: {  	_ =	sfence.sel $0x180000  }
0x105: {  	[bflag:$0x0] =	sbarrier.arrive $0xFFFF  }
0x106: {  	p0 =	sne.s32 s0, $0x0;
	_ =	strace $0x90000050  }
0x107: {  	s0 =	sadd.s32 @!p0 $0x100000, s2;
	[bflag:$0x2] =	sbarrier.arrive $0xFFFF  }
0x108: {  	[sflag:s0] =	ssyncadd.tile.s32 @!p0 $0x1;
	_ =	shalt  }
.Lfunc_end2:
_tile_overlayer_lowered:
.L_overlay_start_2:
0x109: {  	(tag) =	ssettag $0x2  }
0x10a: {  	s0 =	rddreg [dreg:$0x0];
	s2 =	stileid.u32  }
0x10b: {  	s1 =	rddreg [dreg:$0x1];
	p0 =	sne.s32 s2, $0x0  }
0x10c: {  	s3 =	rddreg [dreg:$0x2];
	[bflag:$0x3] =	sbarrier.arrive $0xFFFF;
	s2 =	simm.s32 @!p0 $0x1C03  }
0x10d: {  	[timem:s3], [sflag:s2] =	dma.local @!p0 [hbm:s0], s1  }
0x10e: {  	s0 =	simm.s32 @!p0 $0x3  }
0x10f: {  	_ =	swait.ge @!p0 [sflag:s0], s1  }
0x110: {  	s1 =	ssub.s32 @!p0 $0x0, s1;
	[sflag:s0] =	ssyncset.done @!p0 $0x0  }
0x111: {  	[sflag:s0] =	ssyncadd.s32 @!p0 s1  }
0x112: {  	[bflag:$0x3] =	sbarrier.arrive $0xFFFF  }
0x113: {  	_ =	shalt  }

// kernel: kernel.25.cloned.1.call-start
scs
__scs_entry_jumppad:
0x0: {  	(pc) =	sbr.rel $0x88, $3  }
0x1: {  	(tag) =	ssettag $0x0;
	lr =	simm.s32 $0x1  }
0x2: {  	[smem:$0x3F9B] =	sst lr;
	_ =	strace $0xD0000000  }
0x3: {  	_ = 	snop  }
0x4: {  	_ = 	snop  }
0x5: {  	_ = 	snop  }
0x6: {  	_ = 	snop  }
0x7: {  	_ = 	snop  }
__scs_overlays_trampoline_lowered:
0x8: {  	[smem:$0x3FAA] =	sst s0  }
0x9: {  	[smem:$0x3FAB] =	sst s1  }
0xa: {  	[smem:$0x3FAC] =	sst s2  }
0xb: {  	[smem:$0x3FAD] =	sst s3  }
0xc: {  	[smem:$0x3FAE] =	sst s4  }
0xd: {  	[smem:$0x3FAF] =	sst s5  }
0xe: {  	[smem:$0x3FB0] =	sst s6  }
0xf: {  	[smem:$0x3FB1] =	sst s7  }
0x10: {  	[smem:$0x3FB2] =	sst s8  }
0x11: {  	[smem:$0x3FB3] =	sst s9;
	s0 =	simm.s32 @!p0 $0x0  }
0x12: {  	s1 =	sld [smem:$0x3F99];
	s0 =	simm.s32 @p0 $0x1  }
0x13: {  	[smem:$0x3FB4] =	sst s0;
	s0 =	simm.s32 @!p1 $0x0  }
0x14: {  	s2 =	sld [smem:$0x3F98];
	s0 =	simm.s32 @p1 $0x1  }
0x15: {  	[smem:$0x3FB5] =	sst s0;
	s0 =	simm.s32 @!p2 $0x0  }
0x16: {  	s3 =	sld [smem:$0x3FDB];
	s0 =	simm.s32 @p2 $0x1  }
0x17: {  	s4 =	simm.s32 $0x1BF5;
	[smem:$0x3FB7] =	sst s0  }
0x18: {  	s0 =	sld [smem:$0x3F9A];
	_ =	swait.ge [sflag:s4], $0x0  }
0x19: {  	s7 =	sld [smem:$0x3F9B]  }
0x1a: {  	s8 =	sadd.s32 $0xFFFFE003, lr  }
0x1b: {  	s9 =	sadd.s32 $0xFFFFFEF7, lr;
	s5 =	simm.s32 $0xFFFFFFFF;
	p2 =	slt.u32 s8, $0xFFFFF086  }
0x1c: {  	p1 =	slt.u32 s9, $0xF7A;
	s5 =	simm.s32 @!p2 $0x0  }
0x1d: {  	s5 =	simm.s32 @p1 $0x1;
	p0 =	seq.s32 s7, s2  }
0x1e: {  	s7 =	smul.u32 @!p0 $0xF7A, s2;
	p2 =	seq.s32 @!p0 s5, $0x0  }
0x1f: {  	s9 =	smul.u32 $0xF7A, s1;
	s8 =	simm.s32 @!p0 $0x1BF5;
	p2 =	por !p2, p0  }
0x20: {  	[sflag:s8] =	ssyncset.s32 @!p0 $0xFFFFF086;
	s6 =	sadd.s32 @!p0 s3, s7;
	s7 =	simm.s32 @!p0 $0x108  }
0x21: {  	s3 =	sadd.s32 s3, s9;
	s6 =	sadd.s32 @!p0 $0x88, s6;
	s7 =	simm.s32 @p2 $0x1082  }
0x22: {  	[simem:s7], [sflag:s8] =	dma.local @!p0 [hbm:s6], $0xF7A  }
0x23: {  	s9 =	sor.u32 $0xD0000000, s2;
	s6 =	simm.s32 $0x108;
	_ =	swait.ge @!p0 [sflag:s8], $0x0  }
0x24: {  	s3 =	sadd.s32 $0x88, s3;
	s6 =	simm.s32 @!p1 $0x1082;
	[sflag:s4] =	ssyncset.s32 $0xFFFFF086  }
0x25: {  	[simem:s6], [sflag:s4] =	dma.local [hbm:s3], $0xF7A  }
0x26: {  	[smem:$0x3F9B] =	sst s1;
	(tag) =	ssettag s2;
	_ =	strace s9  }
0x27: {  	s1 =	sld [smem:$0x3FAB]  }
0x28: {  	s2 =	sld [smem:$0x3FAC]  }
0x29: {  	s4 =	sld [smem:$0x3FAE]  }
0x2a: {  	p0 =	seq.s32 s5, $0x0;
	s5 =	sld [smem:$0x3FAF]  }
0x2b: {  	s6 =	sld [smem:$0x3FB0]  }
0x2c: {  	s7 =	sld [smem:$0x3FB1]  }
0x2d: {  	s3 =	simm.s32 $0x108;
	s8 =	sld [smem:$0x3FB2]  }
0x2e: {  	s3 =	simm.s32 @!p0 $0x1082;
	s9 =	sld [smem:$0x3FB3]  }
0x2f: {  	lr =	sadd.s32 s0, s3;
	s0 =	sld [smem:$0x3FAA]  }
0x30: {  	s3 =	sld [smem:$0x3FAD]  }
0x31: {  	[smem:$0x3FB6] =	sst s10  }
0x32: {  	s10 =	sld [smem:$0x3FB4];
	_ =	sdelay $0x3  }
0x33: {  	p0 =	seq.s32 s10, $0x1;
	s10 =	sld [smem:$0x3FB6];
	_ =	sdelay $0x3  }
0x34: {  	[smem:$0x3FB6] =	sst s10  }
0x35: {  	s10 =	sld [smem:$0x3FB5];
	_ =	sdelay $0x3  }
0x36: {  	p1 =	seq.s32 s10, $0x1;
	s10 =	sld [smem:$0x3FB6];
	_ =	sdelay $0x3  }
0x37: {  	[smem:$0x3FB6] =	sst s10  }
0x38: {  	s10 =	sld [smem:$0x3FB7]  }
0x39: {  	_ = 	snop;
	(pc) =	sbr.ind lr, $3  }
0x3a: {  	_ = 	snop  }
0x3b: {  	_ = 	snop  }
0x3c: {  	p2 =	seq.s32 s10, $0x1;
	s10 =	sld [smem:$0x3FB6]  }
0x3d: {  	_ =	shalt  }
0x3e: {  	_ =	shalt  }
0x3f: {  	_ =	shalt  }
0x40: {  	_ =	shalt  }
0x41: {  	_ =	shalt  }
0x42: {  	_ =	shalt  }
0x43: {  	_ =	shalt  }
0x44: {  	_ =	shalt  }
0x45: {  	_ =	shalt  }
0x46: {  	_ =	shalt  }
0x47: {  	_ =	shalt  }
0x48: {  	_ =	shalt  }
0x49: {  	_ =	shalt  }
0x4a: {  	_ =	shalt  }
0x4b: {  	_ =	shalt  }
0x4c: {  	_ =	shalt  }
0x4d: {  	_ =	shalt  }
0x4e: {  	_ =	shalt  }
0x4f: {  	_ =	shalt  }
0x50: {  	_ =	shalt  }
0x51: {  	_ =	shalt  }
0x52: {  	_ =	shalt  }
0x53: {  	_ =	shalt  }
0x54: {  	_ =	shalt  }
0x55: {  	_ =	shalt  }
0x56: {  	_ =	shalt  }
0x57: {  	_ =	shalt  }
0x58: {  	_ =	shalt  }
0x59: {  	_ =	shalt  }
0x5a: {  	_ =	shalt  }
0x5b: {  	_ =	shalt  }
0x5c: {  	_ =	shalt  }
0x5d: {  	_ =	shalt  }
0x5e: {  	_ =	shalt  }
0x5f: {  	_ =	shalt  }
0x60: {  	_ =	shalt  }
0x61: {  	_ =	shalt  }
0x62: {  	_ =	shalt  }
0x63: {  	_ =	shalt  }
0x64: {  	_ =	shalt  }
0x65: {  	_ =	shalt  }
0x66: {  	_ =	shalt  }
0x67: {  	_ =	shalt  }
0x68: {  	_ =	shalt  }
0x69: {  	_ =	shalt  }
0x6a: {  	_ =	shalt  }
0x6b: {  	_ =	shalt  }
0x6c: {  	_ =	shalt  }
0x6d: {  	_ =	shalt  }
0x6e: {  	_ =	shalt  }
0x6f: {  	_ =	shalt  }
0x70: {  	_ =	shalt  }
0x71: {  	_ =	shalt  }
0x72: {  	_ =	shalt  }
0x73: {  	_ =	shalt  }
0x74: {  	_ =	shalt  }
0x75: {  	_ =	shalt  }
0x76: {  	_ =	shalt  }
0x77: {  	_ =	shalt  }
0x78: {  	_ =	shalt  }
0x79: {  	_ =	shalt  }
0x7a: {  	_ =	shalt  }
0x7b: {  	_ =	shalt  }
0x7c: {  	_ =	shalt  }
0x7d: {  	_ =	shalt  }
0x7e: {  	_ =	shalt  }
0x7f: {  	_ =	shalt  }
0x80: {  	_ =	shalt  }
0x81: {  	_ =	shalt  }
0x82: {  	_ =	shalt  }
0x83: {  	_ =	shalt  }
0x84: {  	_ =	shalt  }
0x85: {  	_ =	shalt  }
0x86: {  	_ =	shalt  }
0x87: {  	_ =	shalt  }
.Lfunc_end0:
.L_simem_size_0:
called_computation.4_lowered:
.L_overlay_start_0:
0x88: {  	s2 =	sld [smem:$0x3FD9]  }
0x89: {  	s3 =	sld [smem:$0x3FFE];
	_ =	sdelay $0x1  }
0x8a: {  	s1 =	srdreg.scid  }
0x8b: {  	s0 =	sand.u32 $0x1, s1  }
0x8c: {  	s17 =	sshll.u32 s0, $0xA;
	s2 =	sadd.s32 s3, s2  }
0x8d: {  	s2 =	sadd.s32 s2, s17  }
0x8e: {  	[smem:$0x3FC2] =	sst s2  }
0x8f: {  	_ = 	snop  }
0x90: {  	s2 =	sld [smem:$0x3FD0];
	(tm) =	ssettm $0x1  }
0x91: {  	s18 =	sld [smem:$0x3FFB];
	_ =	sdelay $0x3  }
0x92: {  	_ =	strace s18  }
0x93: {  	s3 =	sld [smem:$0x3FFC];
	_ =	sdelay $0x3  }
0x94: {  	_ =	strace s3  }
0x95: {  	s3 =	sld [smem:$0x3FFD];
	_ =	sdelay $0x3  }
0x96: {  	_ =	strace s3  }
0x97: {  	_ =	strace $0x8FFFFFFF  }
0x98: {  	s19 =	sld [smem:$0x3FDB];
	_ =	sdelay $0x1  }
0x99: {  	s4 =	simm.s32 $_scs_section_size  }
0x9a: {  	s5 =	simm.s32 $_size__tile_overlayer_lowered;
	s6 =	simm.s32 $_tile_overlayer_lowered  }
0x9b: {  	s22 =	simm.s32 $0x1BFF;
	s21 =	sshll.u32 s6, $0x1;
	s3 =	sadd.s32 s4, s19  }
0x9c: {  	s7 =	simm.s32 $0x0;
	s20 =	sshll.u32 s5, $0x1;
	s5 =	sadd.s32 s21, s3  }
0x9d: {  	[timem:s7], [sflag:s22] =	dma.local [hbm:s5], s20  }
0x9e: {  	_ =	swait.ge [sflag:s22], s20  }
0x9f: {  	s4 =	ssub.s32 $0x0, s20;
	[sflag:s22] =	ssyncset.done $0x0  }
0xa0: {  	[sflag:s22] =	ssyncadd.s32 s4;
	_ =	sdelay $0x1  }
0xa1: {  	s23 =	simm.s32 $0x1B8B  }
0xa2: {  	_ =	swait.ge [sflag:s23], $0x1  }
0xa3: {  	[sflag:s23] =	ssyncset.done $0x0  }
0xa4: {  	s25 =	simm.s32 $0x1B8E;
	s24 =	sld [smem:$0x3FFE];
	[sflag:s23] =	ssyncadd.s32 $0xFFFFFFFF  }
0xa5: {  	s26 =	simm.s32 $execute0_lowered;
	[smem:$0x3FD2] =	sst s25  }
0xa6: {  	s5 =	sshll.u32 s26, $0x1;
	_ =	strace $0x80000052;
	[dreg:$0x1] =	wrdreg $0xFFFFFFFF  }
0xa7: {  	s28 =	simm.s32 $_size_execute0_lowered;
	s3 =	sadd.s32 s3, s5;
	[dreg:$0x0] =	wrdreg $0x0  }
0xa8: {  	s5 =	sshll.u32 s28, $0x1;
	[dreg:$0x2] =	wrdreg s3  }
0xa9: {  	[dreg:$0x3] =	wrdreg s5  }
0xaa: {  	[dreg:$0x4] =	wrdreg $0xC0  }
0xab: {  	_ =	task [dreg:s7], $0x5FFFF  }
0xac: {  	[dreg:$0x1] =	wrdreg $0xFFFFFFFF  }
0xad: {  	[dreg:$0x0] =	wrdreg $0x60  }
0xae: {  	[dreg:$0x2] =	wrdreg s2  }
0xaf: {  	[dreg:$0x3] =	wrdreg s24  }
0xb0: {  	[dreg:$0x4] =	wrdreg $0x79000  }
0xb1: {  	[dreg:$0x5] =	wrdreg $0x9  }
0xb2: {  	_ =	task.clear_ibuf [dreg:s7], $0x6FFFF;
	_ =	strace $0x90000052  }
0xb3: {  	s29 =	simm.s32 $0x9;
	_ =	strace $0x80000054  }
0xb4: {  	_ =	swait.ge [sflag:s29], $0x1  }
0xb5: {  	[sflag:s29] =	ssyncadd.s32 $0xFFFFFFFF  }
0xb6: {  	_ =	strace $0x90000054  }
0xb7: {  	_ =	sfence  }
0xb8: {  	s30 =	sld [smem:$0x0];
	_ =	sdelay $0x2  }
0xb9: {  	s31 =	sshll.u32 s1, $0xD;
	s1 =	sshrl.u32 s1, $0x2  }
0xba: {  	s3 =	sand.u32 $0x4000, s31;
	s1 =	sadd.s32 s1, s30  }
0xbb: {  	s0 =	sor.u32 s3, s0;
	s1 =	sshll.u32 s1, $0x11  }
0xbc: {  	s0 =	sor.u32 s1, s0  }
0xbd: {  	s0 =	sadd.s32 $0x8F2B, s0  }
0xbe: {  	[sflag:s0] =	ssyncadd.remote.s32 $0x1  }
0xbf: {  	_ =	sfence.sel $0xFFFF  }
0xc0: {  	[dreg:$0x0] =	wrdreg $0xFFFFFFFF;
	(pc) =	sbr.abs _section_cstart, $3  }
0xc1: {  	[dreg:$0x1] =	wrdreg $0xFFFFFFFF  }
0xc2: {  	_ =	task.clear_ibuf [dreg:s7], $0x2FFFF;
	_ =	strace $0x9FFFFFFF  }
0xc3: {  	(tm) =	ssettm $0x7FFFFFFF  }
tec
execute0_lowered:
.L_overlay_start_1:
0x0: {  	(tag) =	ssettag $0x1  }
0x1: {  	s1 =	rddreg [dreg:$0x0]  }
0x2: {  	s0 =	srdreg.scid;
	s6 =	rddreg [dreg:$0x1]  }
0x3: {  	s3 =	rddreg [dreg:$0x2];
	s16 =	simm.s32 $0x2900;
	s17 =	simm.s32 $0x3  }
0x4: {  	s18 =	simm.s32 $0x80;
	s19 =	simm.s32 $0x400;
	s20 =	simm.s32 $0x50  }
0x5: {  	s21 =	simm.s32 $0x2780;
	s22 =	simm.s32 $0x2800;
	s23 =	simm.s32 $0x5100  }
0x6: {  	s24 =	simm.s32 $0x1;
	s25 =	simm.s32 $0x2880;
	s5 =	sand.u32 $0x1, s0  }
0x7: {  	s26 =	simm.s32 $0x2;
	s0 =	stileid.u32;
	s9 =	smul.u32 $0x140000, s5  }
0x8: {  	s2 =	sshll.u32 s5, $0x4;
	s8 =	sshll.u32 s0, $0x7;
	s28 =	smul.u32 $0x14000, s0  }
0x9: {  	s10 =	smul.u32 $0x50000, s0;
	s5 =	ssub.s32 $0x2, s5;
	s2 =	sor.u32 s0, s2  }
0xa: {  	s8 =	sand.u32 $0x380, s8;
	s30 =	sshrl.u32 s5, $0x1;
	s4 =	sshrl.u32 s2, $0x3  }
0xb: {  	s2 =	rddreg [dreg:$0x3];
	s29 =	sadd.s32 s28, s9;
	s31 =	sshrl.u32 s10, $0x2  }
0xc: {  	s15 =	ssub.s32 s5, s30;
	s7 =	smul.u32 $0x13C00, s4;
	s4 =	simm.s32 $0x0  }
0xd: {  	s5 =	sadd.s32 s31, s3;
	s15 =	smax.u32 s15, $0x1;
	[smem:$0x7FF] =	sst s4  }
0xe: {  	s9 =	sadd.s32 $0xA000, s5;
	s10 =	sadd.s32 $0xC800, s5;
	s7 =	sor.u32 s8, s7  }
0xf: {  	s11 =	sadd.s32 $0xF000, s5;
	s12 =	sadd.s32 $0x11800, s5;
	s7 =	sshrl.u32 s7, $0x3  }
0x10: {  	_ =	strace $0x80000053;
	s13 =	sadd.s32 s7, s6;
	s7 =	sshrl.u32 s29, $0x3  }
0x11: {  	s8 =	sadd.s32 $0x7800, s5;
	s14 =	sadd.s32 s7, s6;
	s6 =	sadd.s32 $0x2800, s5  }
0x12: {  	v0 =	vimm.f32 $0.0e+00;
	s7 =	sadd.s32 $0x5000, s5;
	s13 =	sadd.s32 $0x34800, s13;
	s14 =	sadd.s32 $0x3E600, s14  }
.LBB2_1:
0x13: {  	s28 =	simm.s32 $0x70;
	s29 =	simm.s32 $0x3C0  }
.LBB2_2:
0x14: {  	p0 =	sne.s32 s29, $0x9FC0;
	[tilespmem:s28+$0x2900] =	vst v0  }
0x15: {  	[tilespmem:s28+$0x2890] =	vst v0  }
0x16: {  	[tilespmem:s28+$0x28A0] =	vst v0  }
.Ltmp0:
0x17: {  	[tilespmem:s28+$0x28B0] =	vst v0;
	(pc) =	sbr.rel @p0 .LBB2_2-.Ltmp0, $4  }
0x18: {  	[tilespmem:s28+$0x28C0] =	vst v0  }
0x19: {  	[tilespmem:s28+$0x28D0] =	vst v0  }
0x1a: {  	[tilespmem:s28+$0x28E0] =	vst v0  }
0x1b: {  	[tilespmem:s28+$0x28F0] =	vst v0;
	s28 =	sshra.s32 s29, $0x2;
	s29 =	sadd.s32 $0x200, s29  }
0x1c: {  	[tilespmem:s28+$0x2900] =	vst v0  }
0x1d: {  	[tilespmem:s28+$0x2890] =	vst v0  }
0x1e: {  	[tilespmem:s28+$0x28A0] =	vst v0  }
0x1f: {  	[tilespmem:s28+$0x28B0] =	vst v0  }
0x20: {  	[tilespmem:s28+$0x28C0] =	vst v0  }
0x21: {  	[tilespmem:s28+$0x28D0] =	vst v0  }
0x22: {  	[tilespmem:s28+$0x28E0] =	vst v0  }
0x23: {  	[tilespmem:s28+$0x28F0] =	vst v0  }
0x24: {  	[spmem:s5] =	stream.linear.scatter [tilespmem:s16], [sflag:$0x3], $0x2800, $0x38;
	[tilespmem:$0x1B900] =	vst v63  }
0x25: {  	_ =	swait.ge [sflag:s17], $0x2800  }
0x26: {  	[sflag:s17] =	ssyncset.done $0x0  }
0x27: {  	[sflag:s17] =	ssyncadd.s32 $0xFFFFD800  }
0x28: {  	[spmem:s6] =	stream.linear.scatter [tilespmem:s16], [sflag:$0x3], $0x2800, $0x38;
	[tilespmem:$0x1B900] =	vst v63  }
0x29: {  	_ =	swait.ge [sflag:s17], $0x2800  }
0x2a: {  	[sflag:s17] =	ssyncset.done $0x0  }
0x2b: {  	[sflag:s17] =	ssyncadd.s32 $0xFFFFD800  }
0x2c: {  	[spmem:s7] =	stream.linear.scatter [tilespmem:s16], [sflag:$0x3], $0x2800, $0x38;
	[tilespmem:$0x1B900] =	vst v63  }
0x2d: {  	_ =	swait.ge [sflag:s17], $0x2800  }
0x2e: {  	[sflag:s17] =	ssyncset.done $0x0  }
0x2f: {  	[sflag:s17] =	ssyncadd.s32 $0xFFFFD800  }
0x30: {  	[spmem:s8] =	stream.linear.scatter [tilespmem:s16], [sflag:$0x3], $0x2800, $0x38;
	[tilespmem:$0x1B900] =	vst v63  }
0x31: {  	_ =	swait.ge [sflag:s17], $0x2800  }
0x32: {  	[sflag:s17] =	ssyncset.done $0x0  }
0x33: {  	[sflag:s17] =	ssyncadd.s32 $0xFFFFD800  }
0x34: {  	[spmem:s9] =	stream.linear.scatter [tilespmem:s16], [sflag:$0x3], $0x2800, $0x38;
	[tilespmem:$0x1B900] =	vst v63  }
0x35: {  	_ =	swait.ge [sflag:s17], $0x2800  }
0x36: {  	[sflag:s17] =	ssyncset.done $0x0  }
0x37: {  	[sflag:s17] =	ssyncadd.s32 $0xFFFFD800  }
0x38: {  	[spmem:s10] =	stream.linear.scatter [tilespmem:s16], [sflag:$0x3], $0x2800, $0x38;
	[tilespmem:$0x1B900] =	vst v63  }
0x39: {  	_ =	swait.ge [sflag:s17], $0x2800  }
0x3a: {  	[sflag:s17] =	ssyncset.done $0x0  }
0x3b: {  	[sflag:s17] =	ssyncadd.s32 $0xFFFFD800  }
0x3c: {  	[spmem:s11] =	stream.linear.scatter [tilespmem:s16], [sflag:$0x3], $0x2800, $0x38;
	[tilespmem:$0x1B900] =	vst v63  }
0x3d: {  	_ =	swait.ge [sflag:s17], $0x2800  }
0x3e: {  	[sflag:s17] =	ssyncset.done $0x0  }
0x3f: {  	[sflag:s17] =	ssyncadd.s32 $0xFFFFD800  }
0x40: {  	[spmem:s12] =	stream.linear.scatter [tilespmem:s16], [sflag:$0x3], $0x2800, $0x38;
	[tilespmem:$0x1B900] =	vst v63  }
0x41: {  	_ =	swait.ge [sflag:s17], $0x2800  }
0x42: {  	[sflag:s17] =	ssyncset.done $0x0  }
0x43: {  	s29 =	simm.s32 $0x0;
	[sflag:s17] =	ssyncadd.s32 $0xFFFFD800  }
0x44: {  	[tilespmem:s29], [sflag:$0x3] =	stream.strided.gather [hbm4b:s13+s18], $0x2780, s19, s18, $0x38;
	[tilespmem:$0x1B900] =	vst v63  }
0x45: {  	_ =	swait.ge [sflag:s17], $0x2780  }
0x46: {  	[sflag:s17] =	ssyncset.done $0x0  }
0x47: {  	[sflag:s17] =	ssyncadd.s32 $0xFFFFD880  }
0x48: {  	[bflag:$0x0] =	sbarrier.arrive $0xFFFF  }
0x49: {  	v1 =	vld [tilespmem:$0x0]  }
0x4a: {  	v2 =	vld [tilespmem:$0x10]  }
0x4b: {  	v3 =	vld [tilespmem:$0x20]  }
0x4c: {  	v4 =	vld [tilespmem:$0x30]  }
0x4d: {  	v5 =	vld [tilespmem:$0x40]  }
0x4e: {  	v1 =	vand.u32 $0xFFFF, v1  }
0x4f: {  	[tilespmem:$0x2780] =	vst v1;
	v1 =	vand.u32 $0xFFFF, v2  }
0x50: {  	[tilespmem:$0x2790] =	vst v1;
	v1 =	vand.u32 $0xFFFF, v3  }
0x51: {  	[tilespmem:$0x27A0] =	vst v1;
	v1 =	vand.u32 $0xFFFF, v4  }
0x52: {  	[tilespmem:$0x27B0] =	vst v1;
	v1 =	vand.u32 $0xFFFF, v5  }
0x53: {  	s28 =	simm.s32 $0x70;
	[tilespmem:$0x27C0] =	vst v1  }
0x54: {  	[tilespmem:s16], [sflag:$0x1] =	stream.indirect.gather [hbm4b:s1+s20], $0x80, s21, s20, $0xb8;
	[tilespmem:$0x1B900] =	vst v63  }
0x55: {  	v1 =	vld [tilespmem:s28+$0xFFFFFFE0];
	_ =	sdelay $0x4  }
0x56: {  	v1 =	vand.u32 $0xFFFF, v1  }
0x57: {  	[tilespmem:$0x2800] =	vst v1  }
0x58: {  	v1 =	vld [tilespmem:s28+$0xFFFFFFF0];
	_ =	sdelay $0x4  }
0x59: {  	v1 =	vand.u32 $0xFFFF, v1  }
0x5a: {  	[tilespmem:$0x2810] =	vst v1  }
0x5b: {  	v1 =	vld [tilespmem:s28+$0x0];
	_ =	sdelay $0x4  }
0x5c: {  	v1 =	vand.u32 $0xFFFF, v1  }
0x5d: {  	s29 =	sand.u32 $0x3FE0, s29;
	[tilespmem:$0x2820] =	vst v1  }
0x5e: {  	v1 =	vld [tilespmem:s29+$0x80];
	_ =	sdelay $0x4  }
0x5f: {  	v1 =	vand.u32 $0xFFFF, v1  }
0x60: {  	[tilespmem:$0x2830] =	vst v1  }
0x61: {  	v1 =	vld [tilespmem:s28+$0x20];
	_ =	sdelay $0x4  }
0x62: {  	v1 =	vand.u32 $0xFFFF, v1  }
0x63: {  	[tilespmem:$0x2840] =	vst v1  }
0x64: {  	[tilespmem:s23], [sflag:$0x2] =	stream.indirect.gather [hbm4b:s1+s20], $0x80, s22, s20, $0xb8;
	[tilespmem:$0x1B900] =	vst v63  }
0x65: {  	_ =	swait.ge [sflag:s24], $0x2800  }
0x66: {  	[sflag:s24] =	ssyncset.done $0x0  }
0x67: {  	[sflag:s24] =	ssyncadd.s32 $0xFFFFD800  }
0x68: {  	v1 =	vld [tilespmem:s28+$0xFFFFFF90];
	_ =	sdelay $0x4  }
0x69: {  	v1 =	vshrl.u32 v1, $0x10  }
0x6a: {  	[tilespmem:$0x2880] =	vst v1  }
0x6b: {  	v1 =	vld [tilespmem:s28+$0xFFFFFFA0];
	_ =	sdelay $0x4  }
0x6c: {  	v1 =	vshrl.u32 v1, $0x10  }
0x6d: {  	[tilespmem:$0x2890] =	vst v1  }
0x6e: {  	v1 =	vld [tilespmem:s28+$0xFFFFFFB0];
	_ =	sdelay $0x4  }
0x6f: {  	v1 =	vshrl.u32 v1, $0x10  }
0x70: {  	[tilespmem:$0x28A0] =	vst v1  }
0x71: {  	v1 =	vld [tilespmem:s28+$0xFFFFFFC0];
	_ =	sdelay $0x4  }
0x72: {  	v1 =	vshrl.u32 v1, $0x10  }
0x73: {  	[tilespmem:$0x28B0] =	vst v1  }
0x74: {  	v1 =	vld [tilespmem:s28+$0xFFFFFFD0];
	_ =	sdelay $0x4  }
0x75: {  	v1 =	vshrl.u32 v1, $0x10  }
0x76: {  	[tilespmem:$0x28C0] =	vst v1  }
0x77: {  	[spmem:s3] =	stream.indirect.scatter.add.f32 [tilespmem:s16], [sflag:$0x3], $0x80, s25, s20, $0xb8;
	[tilespmem:$0x1B900] =	vst v63  }
0x78: {  	_ =	swait.ge [sflag:s17], $0x2800  }
0x79: {  	[sflag:s17] =	ssyncset.done $0x0  }
0x7a: {  	[sflag:s17] =	ssyncadd.s32 $0xFFFFD800  }
0x7b: {  	v1 =	vld [tilespmem:s28+$0x30];
	_ =	sdelay $0x4  }
0x7c: {  	v1 =	vand.u32 $0xFFFF, v1  }
0x7d: {  	[tilespmem:$0x2780] =	vst v1  }
0x7e: {  	v1 =	vld [tilespmem:s28+$0x40];
	_ =	sdelay $0x4  }
0x7f: {  	v1 =	vand.u32 $0xFFFF, v1  }
0x80: {  	[tilespmem:$0x2790] =	vst v1  }
0x81: {  	v1 =	vld [tilespmem:s28+$0x50];
	_ =	sdelay $0x4  }
0x82: {  	v1 =	vand.u32 $0xFFFF, v1  }
0x83: {  	[tilespmem:$0x27A0] =	vst v1  }
0x84: {  	v1 =	vld [tilespmem:s28+$0x60];
	_ =	sdelay $0x4  }
0x85: {  	v1 =	vand.u32 $0xFFFF, v1  }
0x86: {  	[tilespmem:$0x27B0] =	vst v1  }
0x87: {  	v1 =	vld [tilespmem:s28+$0x70];
	_ =	sdelay $0x4  }
0x88: {  	v1 =	vand.u32 $0xFFFF, v1  }
0x89: {  	[tilespmem:$0x27C0] =	vst v1  }
0x8a: {  	[tilespmem:s16], [sflag:$0x1] =	stream.indirect.gather [hbm4b:s1+s20], $0x80, s21, s20, $0xb8;
	[tilespmem:$0x1B900] =	vst v63  }
0x8b: {  	_ =	swait.ge [sflag:s26], $0x2800  }
0x8c: {  	[sflag:s26] =	ssyncset.done $0x0  }
0x8d: {  	[sflag:s26] =	ssyncadd.s32 $0xFFFFD800  }
0x8e: {  	v1 =	vld [tilespmem:s28+$0xFFFFFFE0];
	_ =	sdelay $0x4  }
0x8f: {  	v1 =	vshrl.u32 v1, $0x10  }
0x90: {  	[tilespmem:$0x2880] =	vst v1  }
0x91: {  	v1 =	vld [tilespmem:s28+$0xFFFFFFF0];
	_ =	sdelay $0x4  }
0x92: {  	v1 =	vshrl.u32 v1, $0x10  }
0x93: {  	[tilespmem:$0x2890] =	vst v1  }
0x94: {  	v1 =	vld [tilespmem:s28+$0x0];
	_ =	sdelay $0x4  }
0x95: {  	v1 =	vshrl.u32 v1, $0x10  }
0x96: {  	[tilespmem:$0x28A0] =	vst v1  }
0x97: {  	v1 =	vld [tilespmem:s29+$0x80];
	_ =	sdelay $0x4  }
0x98: {  	v1 =	vshrl.u32 v1, $0x10  }
0x99: {  	[tilespmem:$0x28B0] =	vst v1  }
0x9a: {  	v1 =	vld [tilespmem:s28+$0x20];
	_ =	sdelay $0x4  }
0x9b: {  	v1 =	vshrl.u32 v1, $0x10  }
0x9c: {  	[tilespmem:$0x28C0] =	vst v1  }
0x9d: {  	[spmem:s3] =	stream.indirect.scatter.add.f32 [tilespmem:s23], [sflag:$0x3], $0x80, s25, s20, $0xb8;
	[tilespmem:$0x1B900] =	vst v63  }
0x9e: {  	_ =	swait.ge [sflag:s17], $0x2800  }
0x9f: {  	s29 =	simm.s32 $0xA0;
	[sflag:s17] =	ssyncset.done $0x0  }
.LBB2_4:
0xa0: {  	p0 =	sne.s32 s29, $0x2620;
	[sflag:s17] =	ssyncadd.s32 $0xFFFFD800;
	s28 =	sadd.s32 $0xA0, s28  }
0xa1: {  	s30 =	smov.u32 s29;
	s29 =	sadd.s32 $0xA0, s29;
	v1 =	vld [tilespmem:s28+$0xFFFFFFE0];
	_ =	sdelay $0x4  }
0xa2: {  	v1 =	vand.u32 $0xFFFF, v1  }
0xa3: {  	[tilespmem:$0x2800] =	vst v1  }
0xa4: {  	v1 =	vld [tilespmem:s28+$0xFFFFFFF0];
	_ =	sdelay $0x4  }
0xa5: {  	v1 =	vand.u32 $0xFFFF, v1  }
0xa6: {  	[tilespmem:$0x2810] =	vst v1  }
0xa7: {  	v1 =	vld [tilespmem:s28+$0x0];
	_ =	sdelay $0x4  }
0xa8: {  	v1 =	vand.u32 $0xFFFF, v1  }
0xa9: {  	s30 =	sand.u32 $0x3FE0, s30;
	[tilespmem:$0x2820] =	vst v1  }
0xaa: {  	v1 =	vld [tilespmem:s30+$0x80];
	_ =	sdelay $0x4  }
0xab: {  	v1 =	vand.u32 $0xFFFF, v1  }
0xac: {  	[tilespmem:$0x2830] =	vst v1  }
0xad: {  	v1 =	vld [tilespmem:s28+$0x20];
	_ =	sdelay $0x4  }
0xae: {  	v1 =	vand.u32 $0xFFFF, v1  }
0xaf: {  	[tilespmem:$0x2840] =	vst v1  }
0xb0: {  	[tilespmem:s23], [sflag:$0x2] =	stream.indirect.gather [hbm4b:s1+s20], $0x80, s22, s20, $0xb8;
	[tilespmem:$0x1B900] =	vst v63  }
0xb1: {  	_ =	swait.ge [sflag:s24], $0x2800  }
0xb2: {  	[sflag:s24] =	ssyncset.done $0x0  }
0xb3: {  	[sflag:s24] =	ssyncadd.s32 $0xFFFFD800  }
0xb4: {  	v1 =	vld [tilespmem:s28+$0xFFFFFF90];
	_ =	sdelay $0x4  }
0xb5: {  	v1 =	vshrl.u32 v1, $0x10  }
0xb6: {  	[tilespmem:$0x2880] =	vst v1  }
0xb7: {  	v1 =	vld [tilespmem:s28+$0xFFFFFFA0];
	_ =	sdelay $0x4  }
0xb8: {  	v1 =	vshrl.u32 v1, $0x10  }
0xb9: {  	[tilespmem:$0x2890] =	vst v1  }
0xba: {  	v1 =	vld [tilespmem:s28+$0xFFFFFFB0];
	_ =	sdelay $0x4  }
0xbb: {  	v1 =	vshrl.u32 v1, $0x10  }
0xbc: {  	[tilespmem:$0x28A0] =	vst v1  }
0xbd: {  	v1 =	vld [tilespmem:s28+$0xFFFFFFC0];
	_ =	sdelay $0x4  }
0xbe: {  	v1 =	vshrl.u32 v1, $0x10  }
0xbf: {  	[tilespmem:$0x28B0] =	vst v1  }
0xc0: {  	v1 =	vld [tilespmem:s28+$0xFFFFFFD0];
	_ =	sdelay $0x4  }
0xc1: {  	v1 =	vshrl.u32 v1, $0x10  }
0xc2: {  	[tilespmem:$0x28C0] =	vst v1  }
0xc3: {  	[spmem:s3] =	stream.indirect.scatter.add.f32 [tilespmem:s16], [sflag:$0x3], $0x80, s25, s20, $0xb8;
	[tilespmem:$0x1B900] =	vst v63  }
0xc4: {  	_ =	swait.ge [sflag:s17], $0x2800  }
0xc5: {  	[sflag:s17] =	ssyncset.done $0x0  }
0xc6: {  	[sflag:s17] =	ssyncadd.s32 $0xFFFFD800  }
0xc7: {  	v1 =	vld [tilespmem:s28+$0x30];
	_ =	sdelay $0x4  }
0xc8: {  	v1 =	vand.u32 $0xFFFF, v1  }
0xc9: {  	[tilespmem:$0x2780] =	vst v1  }
0xca: {  	v1 =	vld [tilespmem:s28+$0x40];
	_ =	sdelay $0x4  }
0xcb: {  	v1 =	vand.u32 $0xFFFF, v1  }
0xcc: {  	[tilespmem:$0x2790] =	vst v1  }
0xcd: {  	v1 =	vld [tilespmem:s28+$0x50];
	_ =	sdelay $0x4  }
0xce: {  	v1 =	vand.u32 $0xFFFF, v1  }
0xcf: {  	[tilespmem:$0x27A0] =	vst v1  }
0xd0: {  	v1 =	vld [tilespmem:s28+$0x60];
	_ =	sdelay $0x4  }
0xd1: {  	v1 =	vand.u32 $0xFFFF, v1  }
0xd2: {  	[tilespmem:$0x27B0] =	vst v1  }
0xd3: {  	v1 =	vld [tilespmem:s28+$0x70];
	_ =	sdelay $0x4  }
0xd4: {  	v1 =	vand.u32 $0xFFFF, v1  }
0xd5: {  	[tilespmem:$0x27C0] =	vst v1  }
0xd6: {  	[tilespmem:s16], [sflag:$0x1] =	stream.indirect.gather [hbm4b:s1+s20], $0x80, s21, s20, $0xb8;
	[tilespmem:$0x1B900] =	vst v63  }
0xd7: {  	_ =	swait.ge [sflag:s26], $0x2800  }
0xd8: {  	[sflag:s26] =	ssyncset.done $0x0  }
0xd9: {  	[sflag:s26] =	ssyncadd.s32 $0xFFFFD800  }
0xda: {  	v1 =	vld [tilespmem:s28+$0xFFFFFFE0];
	_ =	sdelay $0x4  }
0xdb: {  	v1 =	vshrl.u32 v1, $0x10  }
0xdc: {  	[tilespmem:$0x2880] =	vst v1  }
0xdd: {  	v1 =	vld [tilespmem:s28+$0xFFFFFFF0];
	_ =	sdelay $0x4  }
0xde: {  	v1 =	vshrl.u32 v1, $0x10  }
0xdf: {  	[tilespmem:$0x2890] =	vst v1  }
0xe0: {  	v1 =	vld [tilespmem:s28+$0x0];
	_ =	sdelay $0x4  }
0xe1: {  	v1 =	vshrl.u32 v1, $0x10  }
0xe2: {  	[tilespmem:$0x28A0] =	vst v1  }
0xe3: {  	v1 =	vld [tilespmem:s30+$0x80];
	_ =	sdelay $0x4  }
0xe4: {  	v1 =	vshrl.u32 v1, $0x10  }
0xe5: {  	[tilespmem:$0x28B0] =	vst v1  }
0xe6: {  	v1 =	vld [tilespmem:s28+$0x20];
	_ =	sdelay $0x4  }
.Ltmp1:
0xe7: {  	v1 =	vshrl.u32 v1, $0x10;
	(pc) =	sbr.rel @p0 .LBB2_4-.Ltmp1, $4  }
0xe8: {  	[tilespmem:$0x28C0] =	vst v1  }
0xe9: {  	[spmem:s3] =	stream.indirect.scatter.add.f32 [tilespmem:s23], [sflag:$0x3], $0x80, s25, s20, $0xb8;
	[tilespmem:$0x1B900] =	vst v63  }
0xea: {  	_ =	swait.ge [sflag:s17], $0x2800  }
0xeb: {  	[sflag:s17] =	ssyncset.done $0x0  }
0xec: {  	[sflag:s17] =	ssyncadd.s32 $0xFFFFD800  }
0xed: {  	_ =	swait.ge [sflag:s24], $0x2800  }
0xee: {  	[sflag:s24] =	ssyncset.done $0x0  }
0xef: {  	[sflag:s24] =	ssyncadd.s32 $0xFFFFD800  }
0xf0: {  	v1 =	vld [tilespmem:$0x26C0]  }
0xf1: {  	v2 =	vld [tilespmem:$0x26D0]  }
0xf2: {  	v3 =	vld [tilespmem:$0x26E0]  }
0xf3: {  	v4 =	vld [tilespmem:$0x26F0]  }
0xf4: {  	v5 =	vld [tilespmem:$0x2700]  }
0xf5: {  	v1 =	vshrl.u32 v1, $0x10  }
0xf6: {  	[tilespmem:$0x2880] =	vst v1;
	v1 =	vshrl.u32 v2, $0x10  }
0xf7: {  	[tilespmem:$0x2890] =	vst v1;
	v1 =	vshrl.u32 v3, $0x10  }
0xf8: {  	[tilespmem:$0x28A0] =	vst v1;
	v1 =	vshrl.u32 v4, $0x10  }
0xf9: {  	[tilespmem:$0x28B0] =	vst v1;
	v1 =	vshrl.u32 v5, $0x10  }
0xfa: {  	[tilespmem:$0x28C0] =	vst v1  }
0xfb: {  	[spmem:s3] =	stream.indirect.scatter.add.f32 [tilespmem:s16], [sflag:$0x3], $0x80, s25, s20, $0xb8;
	[tilespmem:$0x1B900] =	vst v63  }
0xfc: {  	_ =	swait.ge [sflag:s17], $0x2800  }
0xfd: {  	s28 =	sshll.u32 s0, $0x6;
	s4 =	sadd.s32 $0x1, s4;
	[sflag:s17] =	ssyncset.done $0x0  }
0xfe: {  	s29 =	sshrl.u32 s5, $0x3;
	p0 =	sne.s32 s4, s15;
	[sflag:s17] =	ssyncadd.s32 $0xFFFFD800  }
.Ltmp2:
0xff: {  	s28 =	sor.u32 $0x1C03, s28;
	[bflag:$0x0] =	sbarrier.arrive $0xFFFF;
	(pc) =	sbr.rel @p0 .LBB2_1-.Ltmp2, $4  }
0x100: {  	[hbm:s14], [sflag:s28] =	dma.local [spmem:s29], $0x2800  }
0x101: {  	_ =	swait.ge [sflag:s17], $0x2800  }
0x102: {  	[sflag:s17] =	ssyncset.done $0x0  }
0x103: {  	[sflag:s17] =	ssyncadd.s32 $0xFFFFD800  }
0x104: {  	_ =	sfence.sel $0x180000  }
0x105: {  	[bflag:$0x0] =	sbarrier.arrive $0xFFFF  }
0x106: {  	p0 =	sne.s32 s0, $0x0;
	_ =	strace $0x90000053  }
0x107: {  	s0 =	sadd.s32 @!p0 $0x100000, s2;
	[bflag:$0x2] =	sbarrier.arrive $0xFFFF  }
0x108: {  	[sflag:s0] =	ssyncadd.tile.s32 @!p0 $0x1;
	_ =	shalt  }
.Lfunc_end2:
_tile_overlayer_lowered:
.L_overlay_start_2:
0x109: {  	(tag) =	ssettag $0x2  }
0x10a: {  	s0 =	rddreg [dreg:$0x0];
	s2 =	stileid.u32  }
0x10b: {  	s1 =	rddreg [dreg:$0x1];
	p0 =	sne.s32 s2, $0x0  }
0x10c: {  	s3 =	rddreg [dreg:$0x2];
	[bflag:$0x3] =	sbarrier.arrive $0xFFFF;
	s2 =	simm.s32 @!p0 $0x1C03  }
0x10d: {  	[timem:s3], [sflag:s2] =	dma.local @!p0 [hbm:s0], s1  }
0x10e: {  	s0 =	simm.s32 @!p0 $0x3  }
0x10f: {  	_ =	swait.ge @!p0 [sflag:s0], s1  }
0x110: {  	s1 =	ssub.s32 @!p0 $0x0, s1;
	[sflag:s0] =	ssyncset.done @!p0 $0x0  }
0x111: {  	[sflag:s0] =	ssyncadd.s32 @!p0 s1  }
0x112: {  	[bflag:$0x3] =	sbarrier.arrive $0xFFFF  }
0x113: {  	_ =	shalt  }

</sc_bundles>
